<compile_context>
chip_gen: v7x
topology: tpu7x:2x2x1
jax: 0.10.2.dev20260603
libtpu: 0.0.44.dev20260713+nightly
codegen_flags: <defaults>
</compile_context>

<pallas_src>
import functools

import jax
import jax.numpy as jnp
from jax import lax
from jax.experimental import pallas as pl
from jax.experimental.pallas import tpu as pltpu
from jax.experimental.pallas import tpu_sc as plsc

NN = 50000
EE = 1600000
GG = 64
CC = 40

NTILES = 32
EPT = EE // NTILES
GCB = 1000
NCHUNK = 10
ECH = EE // NCHUNK
SCB = 1600

_SC_MESH = plsc.VectorSubcoreMesh(
    core_axis_name="c", subcore_axis_name="s", num_cores=2, num_subcores=16)
_SC_PARAMS = pltpu.CompilerParams(use_tc_tiling_on_sc=False,
                                  needs_layout_passes=False)

F32 = jnp.float32


def _gather_body(tsrc, tdst, src_i, dst_i, out_s, out_d,
                 sidx, didx, srows, drows, tdst_sh, sem1, sem2):
    wid = lax.axis_index("s") * 2 + lax.axis_index("c")
    base = wid * EPT

    @pl.when(lax.axis_index("s") == 0)
    def _():
        pltpu.sync_copy(tdst, tdst_sh)

    plsc.subcore_barrier()

    nch = EPT // GCB

    def _cp(k, b):
        off = base + k * GCB
        pltpu.sync_copy(src_i.at[pl.ds(off, GCB)], sidx.at[b])
        pltpu.sync_copy(dst_i.at[pl.ds(off, GCB)], didx.at[b])
        return (pltpu.make_async_copy(tsrc.at[sidx.at[b]], srows.at[b], sem1),
                pltpu.make_async_copy(tdst_sh.at[didx.at[b]], drows.at[b],
                                      sem2))

    def _start(k, b):
        c1, c2 = _cp(k, b)
        c1.start()
        c2.start()

    _start(0, 0)

    def step(k2, carry):
        for b in (0, 1):
            k = 2 * k2 + b
            c1 = pltpu.make_async_copy(tsrc.at[sidx.at[b]], srows.at[b], sem1)
            c2 = pltpu.make_async_copy(tdst_sh.at[didx.at[b]], drows.at[b],
                                       sem2)
            c1.wait()
            c2.wait()

            @pl.when(k + 1 < nch)
            def _():
                _start(k + 1, 1 - b)

            off = base + k * GCB
            pltpu.sync_copy(srows.at[b], out_s.at[pl.ds(off, GCB)])
            pltpu.sync_copy(drows.at[b], out_d.at[pl.ds(off, GCB)])
        return carry

    lax.fori_loop(0, nch // 2, step, 0)


_gather_call = pl.kernel(
    _gather_body,
    out_type=(
        jax.ShapeDtypeStruct((EE, 8), F32),
        jax.ShapeDtypeStruct((EE, 8), F32),
    ),
    mesh=_SC_MESH,
    compiler_params=_SC_PARAMS,
    scratch_types=[
        pltpu.VMEM((2, GCB), jnp.int32),
        pltpu.VMEM((2, GCB), jnp.int32),
        pltpu.VMEM((2, GCB, 8), F32),
        pltpu.VMEM((2, GCB, 8), F32),
        pltpu.VMEM_SHARED((NN, 8), F32),
        pltpu.SemaphoreType.DMA,
        pltpu.SemaphoreType.DMA,
    ],
)


def _scatter_body(dst_i, msg2, out, didx, mvals, agg):
    wid = lax.axis_index("s") * 2 + lax.axis_index("c")

    neg = jnp.full((16,), -jnp.inf, F32)

    def init_step(i, carry):
        agg[pl.ds(i * 16, 16)] = neg
        return carry

    lax.fori_loop(0, NN // 16, init_step, 0)

    @pl.when(wid < 3 * NCHUNK)
    def _():
        ch = wid // NCHUNK
        chunk = wid % NCHUNK

        def outer(k, carry):
            off = chunk * ECH + k * SCB
            pltpu.sync_copy(dst_i.at[pl.ds(off, SCB)], didx)
            pltpu.sync_copy(msg2.at[pl.ds(off // 16, SCB // 16), :], mvals)

            def inner(g, c2):
                d16 = didx[pl.ds(g * 16, 16)]
                m16 = mvals[g, pl.ds(ch * 16, 16)]
                cnt, _ = plsc.scan_count(d16)
                rmin = lax.reduce_min(cnt, (0,))
                rmax = lax.reduce_max(cnt, (0,))

                def rbody(r, c3):
                    sel = cnt == r
                    cur = plsc.load_gather(agg, [d16])
                    newv = jnp.maximum(cur, m16)
                    plsc.store_scatter(agg, [d16], newv, mask=sel)
                    return c3

                lax.fori_loop(rmin, rmax + 1, rbody, 0)
                return c2

            lax.fori_loop(0, SCB // 16, inner, 0)
            return carry

        lax.fori_loop(0, ECH // SCB, outer, 0)

    pltpu.sync_copy(agg, out.at[wid])


_scatter_call = pl.kernel(
    _scatter_body,
    out_type=jax.ShapeDtypeStruct((NTILES, NN), F32),
    mesh=_SC_MESH,
    compiler_params=_SC_PARAMS,
    scratch_types=[
        pltpu.VMEM((SCB,), jnp.int32),
        pltpu.VMEM((SCB // 16, 128), F32),
        pltpu.VMEM((NN,), F32),
    ],
)


def _dot_nt(a, b):
    return lax.dot_general(a, b, (((1,), (1,)), ((), ())),
                           preferred_element_type=F32)


def _node_h_body(x_ref, w1, b1, w2, b2, o_ref):
    xb = x_ref[...]
    hid = jnp.maximum(_dot_nt(xb, w1[...]) + b1[...], 0.0)
    o_ref[...] = _dot_nt(hid, w2[...]) + b2[...]


BN_A = 8192


def _node_h(x, w1, b1, w2, b2):
    grid = (NN + BN_A - 1) // BN_A
    return pl.pallas_call(
        _node_h_body,
        grid=(grid,),
        in_specs=[
            pl.BlockSpec((BN_A, 3), lambda i: (i, 0)),
            pl.BlockSpec((64, 3), lambda i: (0, 0)),
            pl.BlockSpec((1, 64), lambda i: (0, 0)),
            pl.BlockSpec((3, 64), lambda i: (0, 0)),
            pl.BlockSpec((1, 3), lambda i: (0, 0)),
        ],
        out_specs=pl.BlockSpec((BN_A, 3), lambda i: (i, 0)),
        out_shape=jax.ShapeDtypeStruct((NN, 3), F32),
    )(x, w1, b1, w2, b2)


BR = 256
ER = EE // 16


def _edge_mlp_body(s_ref, d_ref, w1, b1, w2, b2, o_ref):
    feat = s_ref[...] - d_ref[...]
    hid = lax.dot_general(feat, w1[...], (((1,), (0,)), ((), ())),
                          preferred_element_type=F32)
    hid = jnp.maximum(hid + b1[...], 0.0)
    msg = lax.dot_general(hid, w2[...], (((1,), (0,)), ((), ())),
                          preferred_element_type=F32)
    o_ref[...] = msg + b2[...]


def _edge_mlp(srows2, drows2, w1bd, b1t, w2pl, b2pl):
    grid = (ER + BR - 1) // BR
    return pl.pallas_call(
        _edge_mlp_body,
        grid=(grid,),
        in_specs=[
            pl.BlockSpec((BR, 128), lambda i: (i, 0)),
            pl.BlockSpec((BR, 128), lambda i: (i, 0)),
            pl.BlockSpec((128, 1024), lambda i: (0, 0)),
            pl.BlockSpec((1, 1024), lambda i: (0, 0)),
            pl.BlockSpec((1024, 128), lambda i: (0, 0)),
            pl.BlockSpec((1, 128), lambda i: (0, 0)),
        ],
        out_specs=pl.BlockSpec((BR, 128), lambda i: (i, 0)),
        out_shape=jax.ShapeDtypeStruct((ER, 128), F32),
    )(srows2, drows2, w1bd, b1t, w2pl, b2pl)


def _merge_mlp_body(p_ref, wg1, bg1, wg2, bg2, wh1, bh1, wh2, bh2, o_ref,
                    *, do_relu, do_h):
    p = p_ref[...]
    a0 = jnp.max(p[0:10], axis=0)
    a1 = jnp.max(p[10:20], axis=0)
    a2 = jnp.max(p[20:30], axis=0)
    agg_t = jnp.concatenate(
        [a0.reshape(1, -1), a1.reshape(1, -1), a2.reshape(1, -1)], axis=0)
    agg_t = jnp.where(jnp.isfinite(agg_t), agg_t, 0.0)
    eye3 = jnp.eye(3, dtype=F32)
    agg = lax.dot_general(agg_t, eye3, (((0,), (0,)), ((), ())),
                          preferred_element_type=F32)
    hid = jnp.maximum(_dot_nt(agg, wg1[...]) + bg1[...], 0.0)
    g = _dot_nt(hid, wg2[...]) + bg2[...]
    if do_relu:
        g = jnp.maximum(g, 0.0)
    if do_h:
        hid2 = jnp.maximum(_dot_nt(g, wh1[...]) + bh1[...], 0.0)
        g = _dot_nt(hid2, wh2[...]) + bh2[...]
    o_ref[...] = g


BN_B = 2048


def _merge_mlp(partial, wg1, bg1, wg2, bg2, wh1, bh1, wh2, bh2,
               do_relu, do_h):
    grid = (NN + BN_B - 1) // BN_B
    body = functools.partial(_merge_mlp_body, do_relu=do_relu, do_h=do_h)
    return pl.pallas_call(
        body,
        grid=(grid,),
        in_specs=[
            pl.BlockSpec((NTILES, BN_B), lambda i: (0, i)),
            pl.BlockSpec((64, 3), lambda i: (0, 0)),
            pl.BlockSpec((1, 64), lambda i: (0, 0)),
            pl.BlockSpec((3, 64), lambda i: (0, 0)),
            pl.BlockSpec((1, 3), lambda i: (0, 0)),
            pl.BlockSpec((64, 3), lambda i: (0, 0)),
            pl.BlockSpec((1, 64), lambda i: (0, 0)),
            pl.BlockSpec((3, 64), lambda i: (0, 0)),
            pl.BlockSpec((1, 3), lambda i: (0, 0)),
        ],
        out_specs=pl.BlockSpec((BN_B, 3), lambda i: (i, 0)),
        out_shape=jax.ShapeDtypeStruct((NN, 3), F32),
    )(partial, wg1, bg1, wg2, bg2, wh1, bh1, wh2, bh2)


BN_P = 2000
NBLK_P = NN // BN_P


def _pool_body(h_ref, b_ref, wl, bl, o_ref, acc):
    i = pl.program_id(0)

    @pl.when(i == 0)
    def _():
        acc[...] = jnp.zeros_like(acc)

    h = h_ref[...]
    bt = b_ref[0, 0, :]
    iota = lax.broadcasted_iota(jnp.int32, (GG, BN_P), 0)
    oneh = (iota == bt[None, :]).astype(F32)
    sums = lax.dot_general(oneh, h, (((1,), (0,)), ((), ())),
                           preferred_element_type=F32)
    cnts = jnp.sum(oneh, axis=1).reshape(GG, 1)
    acc[:, 0:3] += sums
    acc[:, 3:4] += cnts

    @pl.when(i == NBLK_P - 1)
    def _():
        pooled = acc[:, 0:3] / jnp.maximum(acc[:, 3:4], 1.0)
        logits = _dot_nt(pooled, wl[...]) + bl[...]
        m = jnp.max(logits, axis=1, keepdims=True)
        z = logits - m
        lse = jnp.log(jnp.sum(jnp.exp(z), axis=1, keepdims=True))
        o_ref[...] = z - lse


def _pool(h_fin, batch3, wl, bl):
    return pl.pallas_call(
        _pool_body,
        grid=(NBLK_P,),
        in_specs=[
            pl.BlockSpec((BN_P, 3), lambda i: (i, 0)),
            pl.BlockSpec((1, 1, BN_P), lambda i: (i, 0, 0)),
            pl.BlockSpec((CC, 3), lambda i: (0, 0)),
            pl.BlockSpec((1, CC), lambda i: (0, 0)),
        ],
        out_specs=pl.BlockSpec((GG, CC), lambda i: (0, 0)),
        out_shape=jax.ShapeDtypeStruct((GG, CC), F32),
        scratch_shapes=[pltpu.VMEM((GG, 4), F32)],
    )(h_fin, batch3, wl, bl)


def _r1(b):
    return b.reshape(1, -1)


def kernel(x, params, edge_index, batch):
    src = edge_index[0]
    dst = edge_index[1]
    pos = x

    zeros3 = jnp.zeros((NN, 3), F32)
    zeros2 = jnp.zeros((NN, 2), F32)
    tdst = jnp.concatenate([zeros3, pos, zeros2], axis=1)

    p1 = params["conv1"]
    h_all = _node_h(x, p1["h"][0]["W"], _r1(p1["h"][0]["b"]),
                    p1["h"][1]["W"], _r1(p1["h"][1]["b"]))

    h_fin = None
    for ci in range(3):
        p = params["conv%d" % (ci + 1)]
        tsrc = jnp.concatenate([h_all, pos, zeros2], axis=1)
        srows, drows = _gather_call(tsrc, tdst, src, dst)
        w1 = p["f"][0]["W"]
        w1p = jnp.concatenate([w1, jnp.zeros((64, 2), F32)], axis=1)
        w1bd = jnp.kron(jnp.eye(16, dtype=F32), w1p.T)
        b1t = jnp.tile(_r1(p["f"][0]["b"]), (1, 16))
        w2t = p["f"][1]["W"].T
        w2pl = jnp.einsum("jk,hc->jhck", jnp.eye(16, dtype=F32),
                          w2t).reshape(1024, 48)
        w2pl = jnp.concatenate([w2pl, jnp.zeros((1024, 80), F32)], axis=1)
        b2pl = jnp.concatenate(
            [jnp.repeat(p["f"][1]["b"], 16), jnp.zeros((80,), F32)])[None, :]
        msg2 = _edge_mlp(srows.reshape(ER, 128), drows.reshape(ER, 128),
                         w1bd, b1t, w2pl, b2pl)
        partial = _scatter_call(dst, msg2)
        if ci < 2:
            pn = params["conv%d" % (ci + 2)]
            h_all = _merge_mlp(
                partial,
                p["g"][0]["W"], _r1(p["g"][0]["b"]),
                p["g"][1]["W"], _r1(p["g"][1]["b"]),
                pn["h"][0]["W"], _r1(pn["h"][0]["b"]),
                pn["h"][1]["W"], _r1(pn["h"][1]["b"]),
                do_relu=True, do_h=True)
        else:
            zb64 = jnp.zeros((1, 64), F32)
            zb3 = jnp.zeros((1, 3), F32)
            zw1 = jnp.zeros((64, 3), F32)
            zw2 = jnp.zeros((3, 64), F32)
            h_fin = _merge_mlp(
                partial,
                p["g"][0]["W"], _r1(p["g"][0]["b"]),
                p["g"][1]["W"], _r1(p["g"][1]["b"]),
                zw1, zb64, zw2, zb3,
                do_relu=False, do_h=False)

    batch3 = batch.reshape(NBLK_P, 1, BN_P)
    return _pool(h_fin, batch3, params["linear"]["W"],
                 _r1(params["linear"]["b"]))

# --- scband reference (transcript-rebuilt; emitter-appended) ---
"""Pipeline reference for scband-point-net-1666447311119 (READ-ONLY COPY).

The authoritative reference and input builder live on the scoring server;
editing this copy changes nothing except your own understanding.
"""

import jax, jax.numpy as jnp
import numpy as np

N = 50000
E = 1600000
D = 3
C = 40
G = 64


def _init_linear(key, din, dout):
    k1, k2 = jax.random.split(key)
    lim = 1.0 / np.sqrt(din)
    W = jax.random.uniform(k1, (dout, din), minval=-lim, maxval=lim, dtype=jnp.float32)
    b = jax.random.uniform(k2, (dout,), minval=-lim, maxval=lim, dtype=jnp.float32)
    return {"W": W, "b": b}


def _init_mlp(key, dims):
    layers = []
    for i in range(len(dims) - 1):
        key, sub = jax.random.split(key)
        layers.append(_init_linear(sub, dims[i], dims[i + 1]))
    return layers


def _mlp(layers, x):
    n = len(layers)
    for i, l in enumerate(layers):
        x = x @ l["W"].T + l["b"]
        if i < n - 1:
            x = jax.nn.relu(x)
    return x


def setup_inputs(seed: int = 0):
    key = jax.random.key(seed)
    ks = jax.random.split(key, 14)
    x = jax.random.normal(ks[0], (N, D), dtype=jnp.float32)
    edge_index = jax.random.randint(ks[1], (2, E), 0, N, dtype=jnp.int32)
    batch = jnp.sort(jax.random.randint(ks[2], (N,), 0, G, dtype=jnp.int32))
    params = {}
    for ci in range(3):
        params["conv%d" % (ci + 1)] = {
            "h": _init_mlp(ks[3 + ci * 3], [3, 64, 3]),
            "f": _init_mlp(ks[4 + ci * 3], [6, 64, 3]),
            "g": _init_mlp(ks[5 + ci * 3], [3, 64, 3]),
        }
    params["linear"] = _init_linear(ks[12], D, C)
    return {"x": x, "params": params, "edge_index": edge_index, "batch": batch}


def _point_net_conv(p, x, pos, src, dst):
    # message: mlp_f(concat(mlp_h(x_j), pos_j - pos_i)), aggr='max', then mlp_g
    h = _mlp(p["h"], x[src])
    rel = pos[src] - pos[dst]
    msg = _mlp(p["f"], jnp.concatenate([h, rel], axis=-1))
    agg = jax.ops.segment_max(msg, dst, num_segments=N)
    agg = jnp.where(jnp.isfinite(agg), agg, 0.0)
    return _mlp(p["g"], agg)


def reference(x, params, edge_index, batch):
    src = edge_index[0]
    dst = edge_index[1]
    pos = x
    h = jax.nn.relu(_point_net_conv(params["conv1"], x, pos, src, dst))
    # dropout is identity in eval mode
    h = jax.nn.relu(_point_net_conv(params["conv2"], h, pos, src, dst))
    h = _point_net_conv(params["conv3"], h, pos, src, dst)
    ones = jnp.ones((N,), dtype=jnp.float32)
    counts = jax.ops.segment_sum(ones, batch, num_segments=G)
    sums = jax.ops.segment_sum(h, batch, num_segments=G)
    pooled = sums / jnp.maximum(counts, 1.0)[:, None]
    logits = pooled @ params["linear"]["W"].T + params["linear"]["b"]
    return jax.nn.log_softmax(logits, axis=1)

if __name__ == "__main__":
    import jax
    _d = setup_inputs()
    print(jax.jit(kernel)(*tuple(_d.values())))

</pallas_src>

<mosaic_0001>
#map = affine_map<(d0, d1) -> (0, 0)>
#map1 = affine_map<(d0, d1) -> (0)>
module attributes {stable_mosaic.version = 14 : i64} {
  func.func @_gather_body(%arg0: i32, %arg1: i32, %arg2: memref<50000x8xf32, #tpu.memory_space<hbm>>, %arg3: memref<50000x8xf32, #tpu.memory_space<hbm>>, %arg4: memref<1600000xi32, #tpu.memory_space<hbm>>, %arg5: memref<1600000xi32, #tpu.memory_space<hbm>>, %arg6: memref<1600000x8xf32, #tpu.memory_space<hbm>>, %arg7: memref<1600000x8xf32, #tpu.memory_space<hbm>>, %arg8: memref<2x1000xi32, #tpu.memory_space<vmem>>, %arg9: memref<2x1000xi32, #tpu.memory_space<vmem>>, %arg10: memref<2x1000x8xf32, #tpu.memory_space<vmem>>, %arg11: memref<2x1000x8xf32, #tpu.memory_space<vmem>>, %arg12: memref<50000x8xf32, #tpu.memory_space<vmem_shared>>, %arg13: memref<!tpu.dma_semaphore, #tpu.memory_space<semaphore_mem>>, %arg14: memref<!tpu.dma_semaphore, #tpu.memory_space<semaphore_mem>>) attributes {dimension_semantics = [#tpu.dimension_semantics<core_parallel>, #tpu.dimension_semantics<subcore_parallel>], iteration_bounds = array<i64: 2, 16>, scalar_prefetch = 0 : i64, scratch_operands = 7 : i64, tpu.core_type = #tpu.core_type<sc_vector_subcore>, window_params = [{transform_indices = #map}, {transform_indices = #map}, {transform_indices = #map1}, {transform_indices = #map1}, {transform_indices = #map}, {transform_indices = #map}]} {
    %mul3A = arith.constant 2 : i32
    %mul3A_0 = arith.muli %arg1, %mul3A : i32
    %add3A = arith.addi %mul3A_0, %arg0 : i32
    %mul3A_1 = arith.constant 50000 : i32
    %mul3A_2 = arith.muli %add3A, %mul3A_1 : i32
    %eq3A = arith.constant 0 : i32
    %eq3A_3 = arith.cmpi eq, %arg1, %eq3A : i32
    %convert_element_type3A = arith.extui %eq3A_3 : i1 to i32
    %cond3A = arith.constant 0 : i32
    %cond3A_4 = arith.cmpi ne, %convert_element_type3A, %cond3A : i32
    scf.if %cond3A_4 {
      "tpu.region"() ({
        %run_scoped3A_36 = tpu.sem_alloc : memref<!tpu.dma_semaphore, #tpu.memory_space<semaphore_mem>>
        tpu.enqueue_dma source(%arg3 : memref<50000x8xf32, #tpu.memory_space<hbm>>) target(%arg12 : memref<50000x8xf32, #tpu.memory_space<vmem_shared>>) target_semaphore(%run_scoped3A_36 : memref<!tpu.dma_semaphore, #tpu.memory_space<semaphore_mem>>)
        tpu.wait_dma2 semaphore(%run_scoped3A_36 : memref<!tpu.dma_semaphore, #tpu.memory_space<semaphore_mem>>) src(%arg3 : memref<50000x8xf32, #tpu.memory_space<hbm>>) dst(%arg12 : memref<50000x8xf32, #tpu.memory_space<vmem_shared>>)
        tpu.yield
      }) : () -> ()
    } else {
    }
    %barrier3A = arith.constant 0 : index
    tpu.barrier barrier_id(%barrier3A)
    %add3A_5 = arith.constant 0 : i32
    %add3A_6 = arith.addi %mul3A_2, %add3A_5 : i32
    %run_scoped3A = arith.constant 0 : i32
    "tpu.region"() ({
      %run_scoped3A_36 = tpu.sem_alloc : memref<!tpu.dma_semaphore, #tpu.memory_space<semaphore_mem>>
      %dma_start3A_37 = arith.constant 0 : i32
      %dma_start3A_38 = tpu.memref_slice %arg8[%run_scoped3A, %dma_start3A_37] : memref<2x1000xi32, #tpu.memory_space<vmem>> -> memref<1x1000xi32, #tpu.memory_space<vmem>>
      %dma_start3A_39 = tpu.memref_squeeze %dma_start3A_38 : memref<1x1000xi32, #tpu.memory_space<vmem>> -> memref<1000xi32, #tpu.memory_space<vmem>>
      %dma_start3A_40 = tpu.memref_slice %arg4[%add3A_6] : memref<1600000xi32, #tpu.memory_space<hbm>> -> memref<1000xi32, #tpu.memory_space<hbm>>
      %dma_start3A_41 = arith.constant 0 : i32
      %dma_start3A_42 = tpu.memref_slice %arg8[%run_scoped3A, %dma_start3A_41] : memref<2x1000xi32, #tpu.memory_space<vmem>> -> memref<1x1000xi32, #tpu.memory_space<vmem>>
      %dma_start3A_43 = tpu.memref_squeeze %dma_start3A_42 : memref<1x1000xi32, #tpu.memory_space<vmem>> -> memref<1000xi32, #tpu.memory_space<vmem>>
      %dma_start3A_44 = tpu.memref_slice %arg4[%add3A_6] : memref<1600000xi32, #tpu.memory_space<hbm>> -> memref<1000xi32, #tpu.memory_space<hbm>>
      tpu.enqueue_dma source(%dma_start3A_44 : memref<1000xi32, #tpu.memory_space<hbm>>) target(%dma_start3A_43 : memref<1000xi32, #tpu.memory_space<vmem>>) target_semaphore(%run_scoped3A_36 : memref<!tpu.dma_semaphore, #tpu.memory_space<semaphore_mem>>)
      %dma_wait3A = arith.constant 0 : i32
      %dma_wait3A_45 = tpu.memref_slice %arg8[%run_scoped3A, %dma_wait3A] : memref<2x1000xi32, #tpu.memory_space<vmem>> -> memref<1x1000xi32, #tpu.memory_space<vmem>>
      %dma_wait3A_46 = tpu.memref_squeeze %dma_wait3A_45 : memref<1x1000xi32, #tpu.memory_space<vmem>> -> memref<1000xi32, #tpu.memory_space<vmem>>
      %dma_wait3A_47 = tpu.memref_slice %arg4[%add3A_6] : memref<1600000xi32, #tpu.memory_space<hbm>> -> memref<1000xi32, #tpu.memory_space<hbm>>
      %dma_wait3A_48 = arith.constant 0 : i32
      %dma_wait3A_49 = tpu.memref_slice %arg8[%run_scoped3A, %dma_wait3A_48] : memref<2x1000xi32, #tpu.memory_space<vmem>> -> memref<1x1000xi32, #tpu.memory_space<vmem>>
      %dma_wait3A_50 = tpu.memref_squeeze %dma_wait3A_49 : memref<1x1000xi32, #tpu.memory_space<vmem>> -> memref<1000xi32, #tpu.memory_space<vmem>>
      %dma_wait3A_51 = tpu.memref_slice %arg4[%add3A_6] : memref<1600000xi32, #tpu.memory_space<hbm>> -> memref<1000xi32, #tpu.memory_space<hbm>>
      tpu.wait_dma2 semaphore(%run_scoped3A_36 : memref<!tpu.dma_semaphore, #tpu.memory_space<semaphore_mem>>) src(%dma_wait3A_51 : memref<1000xi32, #tpu.memory_space<hbm>>) dst(%dma_wait3A_50 : memref<1000xi32, #tpu.memory_space<vmem>>)
      tpu.yield
    }) : () -> ()
    %run_scoped3A_7 = arith.constant 0 : i32
    "tpu.region"() ({
      %run_scoped3A_36 = tpu.sem_alloc : memref<!tpu.dma_semaphore, #tpu.memory_space<semaphore_mem>>
      %dma_start3A_37 = arith.constant 0 : i32
      %dma_start3A_38 = tpu.memref_slice %arg9[%run_scoped3A_7, %dma_start3A_37] : memref<2x1000xi32, #tpu.memory_space<vmem>> -> memref<1x1000xi32, #tpu.memory_space<vmem>>
      %dma_start3A_39 = tpu.memref_squeeze %dma_start3A_38 : memref<1x1000xi32, #tpu.memory_space<vmem>> -> memref<1000xi32, #tpu.memory_space<vmem>>
      %dma_start3A_40 = tpu.memref_slice %arg5[%add3A_6] : memref<1600000xi32, #tpu.memory_space<hbm>> -> memref<1000xi32, #tpu.memory_space<hbm>>
      %dma_start3A_41 = arith.constant 0 : i32
      %dma_start3A_42 = tpu.memref_slice %arg9[%run_scoped3A_7, %dma_start3A_41] : memref<2x1000xi32, #tpu.memory_space<vmem>> -> memref<1x1000xi32, #tpu.memory_space<vmem>>
      %dma_start3A_43 = tpu.memref_squeeze %dma_start3A_42 : memref<1x1000xi32, #tpu.memory_space<vmem>> -> memref<1000xi32, #tpu.memory_space<vmem>>
      %dma_start3A_44 = tpu.memref_slice %arg5[%add3A_6] : memref<1600000xi32, #tpu.memory_space<hbm>> -> memref<1000xi32, #tpu.memory_space<hbm>>
      tpu.enqueue_dma source(%dma_start3A_44 : memref<1000xi32, #tpu.memory_space<hbm>>) target(%dma_start3A_43 : memref<1000xi32, #tpu.memory_space<vmem>>) target_semaphore(%run_scoped3A_36 : memref<!tpu.dma_semaphore, #tpu.memory_space<semaphore_mem>>)
      %dma_wait3A = arith.constant 0 : i32
      %dma_wait3A_45 = tpu.memref_slice %arg9[%run_scoped3A_7, %dma_wait3A] : memref<2x1000xi32, #tpu.memory_space<vmem>> -> memref<1x1000xi32, #tpu.memory_space<vmem>>
      %dma_wait3A_46 = tpu.memref_squeeze %dma_wait3A_45 : memref<1x1000xi32, #tpu.memory_space<vmem>> -> memref<1000xi32, #tpu.memory_space<vmem>>
      %dma_wait3A_47 = tpu.memref_slice %arg5[%add3A_6] : memref<1600000xi32, #tpu.memory_space<hbm>> -> memref<1000xi32, #tpu.memory_space<hbm>>
      %dma_wait3A_48 = arith.constant 0 : i32
      %dma_wait3A_49 = tpu.memref_slice %arg9[%run_scoped3A_7, %dma_wait3A_48] : memref<2x1000xi32, #tpu.memory_space<vmem>> -> memref<1x1000xi32, #tpu.memory_space<vmem>>
      %dma_wait3A_50 = tpu.memref_squeeze %dma_wait3A_49 : memref<1x1000xi32, #tpu.memory_space<vmem>> -> memref<1000xi32, #tpu.memory_space<vmem>>
      %dma_wait3A_51 = tpu.memref_slice %arg5[%add3A_6] : memref<1600000xi32, #tpu.memory_space<hbm>> -> memref<1000xi32, #tpu.memory_space<hbm>>
      tpu.wait_dma2 semaphore(%run_scoped3A_36 : memref<!tpu.dma_semaphore, #tpu.memory_space<semaphore_mem>>) src(%dma_wait3A_51 : memref<1000xi32, #tpu.memory_space<hbm>>) dst(%dma_wait3A_50 : memref<1000xi32, #tpu.memory_space<vmem>>)
      tpu.yield
    }) : () -> ()
    %dma_start3A = arith.constant 0 : i32
    %dma_start3A_8 = arith.constant 0 : i32
    %dma_start3A_9 = arith.constant 0 : i32
    %dma_start3A_10 = arith.constant 0 : i32
    %dma_start3A_11 = tpu.memref_slice %arg10[%dma_start3A_8, %dma_start3A_9, %dma_start3A_10] : memref<2x1000x8xf32, #tpu.memory_space<vmem>> -> memref<1x1000x8xf32, #tpu.memory_space<vmem>>
    %dma_start3A_12 = tpu.memref_squeeze %dma_start3A_11 : memref<1x1000x8xf32, #tpu.memory_space<vmem>> -> memref<1000x8xf32, #tpu.memory_space<vmem>>
    %dma_start3A_13 = arith.constant 0 : i32
    %dma_start3A_14 = tpu.memref_slice %arg8[%dma_start3A, %dma_start3A_13] : memref<2x1000xi32, #tpu.memory_space<vmem>> -> memref<1x1000xi32, #tpu.memory_space<vmem>>
    %dma_start3A_15 = tpu.memref_squeeze %dma_start3A_14 : memref<1x1000xi32, #tpu.memory_space<vmem>> -> memref<1000xi32, #tpu.memory_space<vmem>>
    %dma_start3A_16 = arith.constant 0 : i32
    %dma_start3A_17 = arith.constant 0 : i32
    %dma_start3A_18 = tpu.memref_slice %arg2[%dma_start3A_16, %dma_start3A_17] : memref<50000x8xf32, #tpu.memory_space<hbm>> -> memref<50000x8xf32, #tpu.memory_space<hbm>>
    tpu.enqueue_indirect_dma source(%dma_start3A_18 : memref<50000x8xf32, #tpu.memory_space<hbm>>) target(%dma_start3A_12 : memref<1000x8xf32, #tpu.memory_space<vmem>>) offsets(%dma_start3A_15 : memref<1000xi32, #tpu.memory_space<vmem>>) semaphore(%arg13 : memref<!tpu.dma_semaphore, #tpu.memory_space<semaphore_mem>>)
    %dma_start3A_19 = arith.constant 0 : i32
    %dma_start3A_20 = arith.constant 0 : i32
    %dma_start3A_21 = arith.constant 0 : i32
    %dma_start3A_22 = arith.constant 0 : i32
    %dma_start3A_23 = tpu.memref_slice %arg11[%dma_start3A_20, %dma_start3A_21, %dma_start3A_22] : memref<2x1000x8xf32, #tpu.memory_space<vmem>> -> memref<1x1000x8xf32, #tpu.memory_space<vmem>>
    %dma_start3A_24 = tpu.memref_squeeze %dma_start3A_23 : memref<1x1000x8xf32, #tpu.memory_space<vmem>> -> memref<1000x8xf32, #tpu.memory_space<vmem>>
    %dma_start3A_25 = arith.constant 0 : i32
    %dma_start3A_26 = tpu.memref_slice %arg9[%dma_start3A_19, %dma_start3A_25] : memref<2x1000xi32, #tpu.memory_space<vmem>> -> memref<1x1000xi32, #tpu.memory_space<vmem>>
    %dma_start3A_27 = tpu.memref_squeeze %dma_start3A_26 : memref<1x1000xi32, #tpu.memory_space<vmem>> -> memref<1000xi32, #tpu.memory_space<vmem>>
    %dma_start3A_28 = arith.constant 0 : i32
    %dma_start3A_29 = arith.constant 0 : i32
    %dma_start3A_30 = tpu.memref_slice %arg12[%dma_start3A_28, %dma_start3A_29] : memref<50000x8xf32, #tpu.memory_space<vmem_shared>> -> memref<50000x8xf32, #tpu.memory_space<vmem_shared>>
    tpu.enqueue_indirect_dma source(%dma_start3A_30 : memref<50000x8xf32, #tpu.memory_space<vmem_shared>>) target(%dma_start3A_24 : memref<1000x8xf32, #tpu.memory_space<vmem>>) offsets(%dma_start3A_27 : memref<1000xi32, #tpu.memory_space<vmem>>) semaphore(%arg14 : memref<!tpu.dma_semaphore, #tpu.memory_space<semaphore_mem>>)
    %scan3A = arith.constant 0 : i32
    %scan3A_31 = arith.constant 0 : i32
    %scan3A_32 = arith.constant 25 : i32
    %scan3A_33 = arith.addi %scan3A_31, %scan3A_32 : i32
    %scan3A_34 = arith.constant 1 : i32
    scf.for %scan3A_36 = %scan3A_31 to %scan3A_33 step %scan3A_34  : i32 {
      %mul3A_37 = arith.constant 2 : i32
      %mul3A_38 = arith.muli %mul3A_37, %scan3A_36 : i32
      %add3A_39 = arith.constant 0 : i32
      %add3A_40 = arith.addi %mul3A_38, %add3A_39 : i32
      %dma_wait3A = arith.constant 0 : i32
      %dma_wait3A_41 = arith.constant 0 : i32
      %dma_wait3A_42 = arith.constant 0 : i32
      %dma_wait3A_43 = arith.constant 0 : i32
      %dma_wait3A_44 = tpu.memref_slice %arg10[%dma_wait3A_41, %dma_wait3A_42, %dma_wait3A_43] : memref<2x1000x8xf32, #tpu.memory_space<vmem>> -> memref<1x1000x8xf32, #tpu.memory_space<vmem>>
      %dma_wait3A_45 = tpu.memref_squeeze %dma_wait3A_44 : memref<1x1000x8xf32, #tpu.memory_space<vmem>> -> memref<1000x8xf32, #tpu.memory_space<vmem>>
      %dma_wait3A_46 = arith.constant 0 : i32
      %dma_wait3A_47 = tpu.memref_slice %arg8[%dma_wait3A, %dma_wait3A_46] : memref<2x1000xi32, #tpu.memory_space<vmem>> -> memref<1x1000xi32, #tpu.memory_space<vmem>>
      %dma_wait3A_48 = tpu.memref_squeeze %dma_wait3A_47 : memref<1x1000xi32, #tpu.memory_space<vmem>> -> memref<1000xi32, #tpu.memory_space<vmem>>
      %dma_wait3A_49 = arith.constant 0 : i32
      %dma_wait3A_50 = arith.constant 0 : i32
      %dma_wait3A_51 = tpu.memref_slice %arg2[%dma_wait3A_49, %dma_wait3A_50] : memref<50000x8xf32, #tpu.memory_space<hbm>> -> memref<50000x8xf32, #tpu.memory_space<hbm>>
      tpu.wait_indirect_dma semaphore(%arg13 : memref<!tpu.dma_semaphore, #tpu.memory_space<semaphore_mem>>) src(%dma_wait3A_51 : memref<50000x8xf32, #tpu.memory_space<hbm>>) dst(%dma_wait3A_45 : memref<1000x8xf32, #tpu.memory_space<vmem>>)
      %dma_wait3A_52 = arith.constant 0 : i32
      %dma_wait3A_53 = arith.constant 0 : i32
      %dma_wait3A_54 = arith.constant 0 : i32
      %dma_wait3A_55 = arith.constant 0 : i32
      %dma_wait3A_56 = tpu.memref_slice %arg11[%dma_wait3A_53, %dma_wait3A_54, %dma_wait3A_55] : memref<2x1000x8xf32, #tpu.memory_space<vmem>> -> memref<1x1000x8xf32, #tpu.memory_space<vmem>>
      %dma_wait3A_57 = tpu.memref_squeeze %dma_wait3A_56 : memref<1x1000x8xf32, #tpu.memory_space<vmem>> -> memref<1000x8xf32, #tpu.memory_space<vmem>>
      %dma_wait3A_58 = arith.constant 0 : i32
      %dma_wait3A_59 = tpu.memref_slice %arg9[%dma_wait3A_52, %dma_wait3A_58] : memref<2x1000xi32, #tpu.memory_space<vmem>> -> memref<1x1000xi32, #tpu.memory_space<vmem>>
      %dma_wait3A_60 = tpu.memref_squeeze %dma_wait3A_59 : memref<1x1000xi32, #tpu.memory_space<vmem>> -> memref<1000xi32, #tpu.memory_space<vmem>>
      %dma_wait3A_61 = arith.constant 0 : i32
      %dma_wait3A_62 = arith.constant 0 : i32
      %dma_wait3A_63 = tpu.memref_slice %arg12[%dma_wait3A_61, %dma_wait3A_62] : memref<50000x8xf32, #tpu.memory_space<vmem_shared>> -> memref<50000x8xf32, #tpu.memory_space<vmem_shared>>
      tpu.wait_indirect_dma semaphore(%arg14 : memref<!tpu.dma_semaphore, #tpu.memory_space<semaphore_mem>>) src(%dma_wait3A_63 : memref<50000x8xf32, #tpu.memory_space<vmem_shared>>) dst(%dma_wait3A_57 : memref<1000x8xf32, #tpu.memory_space<vmem>>)
      %add3A_64 = arith.constant 1 : i32
      %add3A_65 = arith.addi %add3A_40, %add3A_64 : i32
      %lt3A = arith.constant 50 : i32
      %lt3A_66 = arith.cmpi slt, %add3A_65, %lt3A : i32
      %convert_element_type3A_67 = arith.extui %lt3A_66 : i1 to i32
      %cond3A_68 = arith.constant 0 : i32
      %cond3A_69 = arith.cmpi ne, %convert_element_type3A_67, %cond3A_68 : i32
      scf.if %cond3A_69 {
        %add3A_115 = arith.constant 1 : i32
        %add3A_116 = arith.addi %add3A_40, %add3A_115 : i32
        %mul3A_117 = arith.constant 1000 : i32
        %mul3A_118 = arith.muli %add3A_116, %mul3A_117 : i32
        %add3A_119 = arith.addi %mul3A_2, %mul3A_118 : i32
        %run_scoped3A_120 = arith.constant 1 : i32
        "tpu.region"() ({
          %run_scoped3A_146 = tpu.sem_alloc : memref<!tpu.dma_semaphore, #tpu.memory_space<semaphore_mem>>
          %dma_start3A_147 = arith.constant 0 : i32
          %dma_start3A_148 = tpu.memref_slice %arg8[%run_scoped3A_120, %dma_start3A_147] : memref<2x1000xi32, #tpu.memory_space<vmem>> -> memref<1x1000xi32, #tpu.memory_space<vmem>>
          %dma_start3A_149 = tpu.memref_squeeze %dma_start3A_148 : memref<1x1000xi32, #tpu.memory_space<vmem>> -> memref<1000xi32, #tpu.memory_space<vmem>>
          %dma_start3A_150 = tpu.memref_slice %arg4[%add3A_119] : memref<1600000xi32, #tpu.memory_space<hbm>> -> memref<1000xi32, #tpu.memory_space<hbm>>
          %dma_start3A_151 = arith.constant 0 : i32
          %dma_start3A_152 = tpu.memref_slice %arg8[%run_scoped3A_120, %dma_start3A_151] : memref<2x1000xi32, #tpu.memory_space<vmem>> -> memref<1x1000xi32, #tpu.memory_space<vmem>>
          %dma_start3A_153 = tpu.memref_squeeze %dma_start3A_152 : memref<1x1000xi32, #tpu.memory_space<vmem>> -> memref<1000xi32, #tpu.memory_space<vmem>>
          %dma_start3A_154 = tpu.memref_slice %arg4[%add3A_119] : memref<1600000xi32, #tpu.memory_space<hbm>> -> memref<1000xi32, #tpu.memory_space<hbm>>
          tpu.enqueue_dma source(%dma_start3A_154 : memref<1000xi32, #tpu.memory_space<hbm>>) target(%dma_start3A_153 : memref<1000xi32, #tpu.memory_space<vmem>>) target_semaphore(%run_scoped3A_146 : memref<!tpu.dma_semaphore, #tpu.memory_space<semaphore_mem>>)
          %dma_wait3A_155 = arith.constant 0 : i32
          %dma_wait3A_156 = tpu.memref_slice %arg8[%run_scoped3A_120, %dma_wait3A_155] : memref<2x1000xi32, #tpu.memory_space<vmem>> -> memref<1x1000xi32, #tpu.memory_space<vmem>>
          %dma_wait3A_157 = tpu.memref_squeeze %dma_wait3A_156 : memref<1x1000xi32, #tpu.memory_space<vmem>> -> memref<1000xi32, #tpu.memory_space<vmem>>
          %dma_wait3A_158 = tpu.memref_slice %arg4[%add3A_119] : memref<1600000xi32, #tpu.memory_space<hbm>> -> memref<1000xi32, #tpu.memory_space<hbm>>
          %dma_wait3A_159 = arith.constant 0 : i32
          %dma_wait3A_160 = tpu.memref_slice %arg8[%run_scoped3A_120, %dma_wait3A_159] : memref<2x1000xi32, #tpu.memory_space<vmem>> -> memref<1x1000xi32, #tpu.memory_space<vmem>>
          %dma_wait3A_161 = tpu.memref_squeeze %dma_wait3A_160 : memref<1x1000xi32, #tpu.memory_space<vmem>> -> memref<1000xi32, #tpu.memory_space<vmem>>
          %dma_wait3A_162 = tpu.memref_slice %arg4[%add3A_119] : memref<1600000xi32, #tpu.memory_space<hbm>> -> memref<1000xi32, #tpu.memory_space<hbm>>
          tpu.wait_dma2 semaphore(%run_scoped3A_146 : memref<!tpu.dma_semaphore, #tpu.memory_space<semaphore_mem>>) src(%dma_wait3A_162 : memref<1000xi32, #tpu.memory_space<hbm>>) dst(%dma_wait3A_161 : memref<1000xi32, #tpu.memory_space<vmem>>)
          tpu.yield
        }) : () -> ()
        %run_scoped3A_121 = arith.constant 1 : i32
        "tpu.region"() ({
          %run_scoped3A_146 = tpu.sem_alloc : memref<!tpu.dma_semaphore, #tpu.memory_space<semaphore_mem>>
          %dma_start3A_147 = arith.constant 0 : i32
          %dma_start3A_148 = tpu.memref_slice %arg9[%run_scoped3A_121, %dma_start3A_147] : memref<2x1000xi32, #tpu.memory_space<vmem>> -> memref<1x1000xi32, #tpu.memory_space<vmem>>
          %dma_start3A_149 = tpu.memref_squeeze %dma_start3A_148 : memref<1x1000xi32, #tpu.memory_space<vmem>> -> memref<1000xi32, #tpu.memory_space<vmem>>
          %dma_start3A_150 = tpu.memref_slice %arg5[%add3A_119] : memref<1600000xi32, #tpu.memory_space<hbm>> -> memref<1000xi32, #tpu.memory_space<hbm>>
          %dma_start3A_151 = arith.constant 0 : i32
          %dma_start3A_152 = tpu.memref_slice %arg9[%run_scoped3A_121, %dma_start3A_151] : memref<2x1000xi32, #tpu.memory_space<vmem>> -> memref<1x1000xi32, #tpu.memory_space<vmem>>
          %dma_start3A_153 = tpu.memref_squeeze %dma_start3A_152 : memref<1x1000xi32, #tpu.memory_space<vmem>> -> memref<1000xi32, #tpu.memory_space<vmem>>
          %dma_start3A_154 = tpu.memref_slice %arg5[%add3A_119] : memref<1600000xi32, #tpu.memory_space<hbm>> -> memref<1000xi32, #tpu.memory_space<hbm>>
          tpu.enqueue_dma source(%dma_start3A_154 : memref<1000xi32, #tpu.memory_space<hbm>>) target(%dma_start3A_153 : memref<1000xi32, #tpu.memory_space<vmem>>) target_semaphore(%run_scoped3A_146 : memref<!tpu.dma_semaphore, #tpu.memory_space<semaphore_mem>>)
          %dma_wait3A_155 = arith.constant 0 : i32
          %dma_wait3A_156 = tpu.memref_slice %arg9[%run_scoped3A_121, %dma_wait3A_155] : memref<2x1000xi32, #tpu.memory_space<vmem>> -> memref<1x1000xi32, #tpu.memory_space<vmem>>
          %dma_wait3A_157 = tpu.memref_squeeze %dma_wait3A_156 : memref<1x1000xi32, #tpu.memory_space<vmem>> -> memref<1000xi32, #tpu.memory_space<vmem>>
          %dma_wait3A_158 = tpu.memref_slice %arg5[%add3A_119] : memref<1600000xi32, #tpu.memory_space<hbm>> -> memref<1000xi32, #tpu.memory_space<hbm>>
          %dma_wait3A_159 = arith.constant 0 : i32
          %dma_wait3A_160 = tpu.memref_slice %arg9[%run_scoped3A_121, %dma_wait3A_159] : memref<2x1000xi32, #tpu.memory_space<vmem>> -> memref<1x1000xi32, #tpu.memory_space<vmem>>
          %dma_wait3A_161 = tpu.memref_squeeze %dma_wait3A_160 : memref<1x1000xi32, #tpu.memory_space<vmem>> -> memref<1000xi32, #tpu.memory_space<vmem>>
          %dma_wait3A_162 = tpu.memref_slice %arg5[%add3A_119] : memref<1600000xi32, #tpu.memory_space<hbm>> -> memref<1000xi32, #tpu.memory_space<hbm>>
          tpu.wait_dma2 semaphore(%run_scoped3A_146 : memref<!tpu.dma_semaphore, #tpu.memory_space<semaphore_mem>>) src(%dma_wait3A_162 : memref<1000xi32, #tpu.memory_space<hbm>>) dst(%dma_wait3A_161 : memref<1000xi32, #tpu.memory_space<vmem>>)
          tpu.yield
        }) : () -> ()
        %dma_start3A_122 = arith.constant 1 : i32
        %dma_start3A_123 = arith.constant 1 : i32
        %dma_start3A_124 = arith.constant 0 : i32
        %dma_start3A_125 = arith.constant 0 : i32
        %dma_start3A_126 = tpu.memref_slice %arg10[%dma_start3A_123, %dma_start3A_124, %dma_start3A_125] : memref<2x1000x8xf32, #tpu.memory_space<vmem>> -> memref<1x1000x8xf32, #tpu.memory_space<vmem>>
        %dma_start3A_127 = tpu.memref_squeeze %dma_start3A_126 : memref<1x1000x8xf32, #tpu.memory_space<vmem>> -> memref<1000x8xf32, #tpu.memory_space<vmem>>
        %dma_start3A_128 = arith.constant 0 : i32
        %dma_start3A_129 = tpu.memref_slice %arg8[%dma_start3A_122, %dma_start3A_128] : memref<2x1000xi32, #tpu.memory_space<vmem>> -> memref<1x1000xi32, #tpu.memory_space<vmem>>
        %dma_start3A_130 = tpu.memref_squeeze %dma_start3A_129 : memref<1x1000xi32, #tpu.memory_space<vmem>> -> memref<1000xi32, #tpu.memory_space<vmem>>
        %dma_start3A_131 = arith.constant 0 : i32
        %dma_start3A_132 = arith.constant 0 : i32
        %dma_start3A_133 = tpu.memref_slice %arg2[%dma_start3A_131, %dma_start3A_132] : memref<50000x8xf32, #tpu.memory_space<hbm>> -> memref<50000x8xf32, #tpu.memory_space<hbm>>
        tpu.enqueue_indirect_dma source(%dma_start3A_133 : memref<50000x8xf32, #tpu.memory_space<hbm>>) target(%dma_start3A_127 : memref<1000x8xf32, #tpu.memory_space<vmem>>) offsets(%dma_start3A_130 : memref<1000xi32, #tpu.memory_space<vmem>>) semaphore(%arg13 : memref<!tpu.dma_semaphore, #tpu.memory_space<semaphore_mem>>)
        %dma_start3A_134 = arith.constant 1 : i32
        %dma_start3A_135 = arith.constant 1 : i32
        %dma_start3A_136 = arith.constant 0 : i32
        %dma_start3A_137 = arith.constant 0 : i32
        %dma_start3A_138 = tpu.memref_slice %arg11[%dma_start3A_135, %dma_start3A_136, %dma_start3A_137] : memref<2x1000x8xf32, #tpu.memory_space<vmem>> -> memref<1x1000x8xf32, #tpu.memory_space<vmem>>
        %dma_start3A_139 = tpu.memref_squeeze %dma_start3A_138 : memref<1x1000x8xf32, #tpu.memory_space<vmem>> -> memref<1000x8xf32, #tpu.memory_space<vmem>>
        %dma_start3A_140 = arith.constant 0 : i32
        %dma_start3A_141 = tpu.memref_slice %arg9[%dma_start3A_134, %dma_start3A_140] : memref<2x1000xi32, #tpu.memory_space<vmem>> -> memref<1x1000xi32, #tpu.memory_space<vmem>>
        %dma_start3A_142 = tpu.memref_squeeze %dma_start3A_141 : memref<1x1000xi32, #tpu.memory_space<vmem>> -> memref<1000xi32, #tpu.memory_space<vmem>>
        %dma_start3A_143 = arith.constant 0 : i32
        %dma_start3A_144 = arith.constant 0 : i32
        %dma_start3A_145 = tpu.memref_slice %arg12[%dma_start3A_143, %dma_start3A_144] : memref<50000x8xf32, #tpu.memory_space<vmem_shared>> -> memref<50000x8xf32, #tpu.memory_space<vmem_shared>>
        tpu.enqueue_indirect_dma source(%dma_start3A_145 : memref<50000x8xf32, #tpu.memory_space<vmem_shared>>) target(%dma_start3A_139 : memref<1000x8xf32, #tpu.memory_space<vmem>>) offsets(%dma_start3A_142 : memref<1000xi32, #tpu.memory_space<vmem>>) semaphore(%arg14 : memref<!tpu.dma_semaphore, #tpu.memory_space<semaphore_mem>>)
      } else {
      }
      %mul3A_70 = arith.constant 1000 : i32
      %mul3A_71 = arith.muli %add3A_40, %mul3A_70 : i32
      %add3A_72 = arith.addi %mul3A_2, %mul3A_71 : i32
      %run_scoped3A_73 = arith.constant 0 : i32
      "tpu.region"() ({
        %run_scoped3A_115 = tpu.sem_alloc : memref<!tpu.dma_semaphore, #tpu.memory_space<semaphore_mem>>
        %dma_start3A_116 = arith.constant 0 : i32
        %dma_start3A_117 = arith.constant 0 : i32
        %dma_start3A_118 = tpu.memref_slice %arg10[%run_scoped3A_73, %dma_start3A_116, %dma_start3A_117] : memref<2x1000x8xf32, #tpu.memory_space<vmem>> -> memref<1x1000x8xf32, #tpu.memory_space<vmem>>
        %dma_start3A_119 = tpu.memref_squeeze %dma_start3A_118 : memref<1x1000x8xf32, #tpu.memory_space<vmem>> -> memref<1000x8xf32, #tpu.memory_space<vmem>>
        %dma_start3A_120 = arith.constant 0 : i32
        %dma_start3A_121 = tpu.memref_slice %arg6[%add3A_72, %dma_start3A_120] : memref<1600000x8xf32, #tpu.memory_space<hbm>> -> memref<1000x8xf32, #tpu.memory_space<hbm>>
        %dma_start3A_122 = arith.constant 0 : i32
        %dma_start3A_123 = tpu.memref_slice %arg6[%add3A_72, %dma_start3A_122] : memref<1600000x8xf32, #tpu.memory_space<hbm>> -> memref<1000x8xf32, #tpu.memory_space<hbm>>
        %dma_start3A_124 = arith.constant 0 : i32
        %dma_start3A_125 = arith.constant 0 : i32
        %dma_start3A_126 = tpu.memref_slice %arg10[%run_scoped3A_73, %dma_start3A_124, %dma_start3A_125] : memref<2x1000x8xf32, #tpu.memory_space<vmem>> -> memref<1x1000x8xf32, #tpu.memory_space<vmem>>
        %dma_start3A_127 = tpu.memref_squeeze %dma_start3A_126 : memref<1x1000x8xf32, #tpu.memory_space<vmem>> -> memref<1000x8xf32, #tpu.memory_space<vmem>>
        tpu.enqueue_dma source(%dma_start3A_127 : memref<1000x8xf32, #tpu.memory_space<vmem>>) target(%dma_start3A_123 : memref<1000x8xf32, #tpu.memory_space<hbm>>) target_semaphore(%run_scoped3A_115 : memref<!tpu.dma_semaphore, #tpu.memory_space<semaphore_mem>>)
        %dma_wait3A_128 = arith.constant 0 : i32
        %dma_wait3A_129 = arith.constant 0 : i32
        %dma_wait3A_130 = tpu.memref_slice %arg10[%run_scoped3A_73, %dma_wait3A_128, %dma_wait3A_129] : memref<2x1000x8xf32, #tpu.memory_space<vmem>> -> memref<1x1000x8xf32, #tpu.memory_space<vmem>>
        %dma_wait3A_131 = tpu.memref_squeeze %dma_wait3A_130 : memref<1x1000x8xf32, #tpu.memory_space<vmem>> -> memref<1000x8xf32, #tpu.memory_space<vmem>>
        %dma_wait3A_132 = arith.constant 0 : i32
        %dma_wait3A_133 = tpu.memref_slice %arg6[%add3A_72, %dma_wait3A_132] : memref<1600000x8xf32, #tpu.memory_space<hbm>> -> memref<1000x8xf32, #tpu.memory_space<hbm>>
        %dma_wait3A_134 = arith.constant 0 : i32
        %dma_wait3A_135 = tpu.memref_slice %arg6[%add3A_72, %dma_wait3A_134] : memref<1600000x8xf32, #tpu.memory_space<hbm>> -> memref<1000x8xf32, #tpu.memory_space<hbm>>
        %dma_wait3A_136 = arith.constant 0 : i32
        %dma_wait3A_137 = arith.constant 0 : i32
        %dma_wait3A_138 = tpu.memref_slice %arg10[%run_scoped3A_73, %dma_wait3A_136, %dma_wait3A_137] : memref<2x1000x8xf32, #tpu.memory_space<vmem>> -> memref<1x1000x8xf32, #tpu.memory_space<vmem>>
        %dma_wait3A_139 = tpu.memref_squeeze %dma_wait3A_138 : memref<1x1000x8xf32, #tpu.memory_space<vmem>> -> memref<1000x8xf32, #tpu.memory_space<vmem>>
        tpu.wait_dma2 semaphore(%run_scoped3A_115 : memref<!tpu.dma_semaphore, #tpu.memory_space<semaphore_mem>>) src(%dma_wait3A_139 : memref<1000x8xf32, #tpu.memory_space<vmem>>) dst(%dma_wait3A_135 : memref<1000x8xf32, #tpu.memory_space<hbm>>)
        tpu.yield
      }) : () -> ()
      %run_scoped3A_74 = arith.constant 0 : i32
      "tpu.region"() ({
        %run_scoped3A_115 = tpu.sem_alloc : memref<!tpu.dma_semaphore, #tpu.memory_space<semaphore_mem>>
        %dma_start3A_116 = arith.constant 0 : i32
        %dma_start3A_117 = arith.constant 0 : i32
        %dma_start3A_118 = tpu.memref_slice %arg11[%run_scoped3A_74, %dma_start3A_116, %dma_start3A_117] : memref<2x1000x8xf32, #tpu.memory_space<vmem>> -> memref<1x1000x8xf32, #tpu.memory_space<vmem>>
        %dma_start3A_119 = tpu.memref_squeeze %dma_start3A_118 : memref<1x1000x8xf32, #tpu.memory_space<vmem>> -> memref<1000x8xf32, #tpu.memory_space<vmem>>
        %dma_start3A_120 = arith.constant 0 : i32
        %dma_start3A_121 = tpu.memref_slice %arg7[%add3A_72, %dma_start3A_120] : memref<1600000x8xf32, #tpu.memory_space<hbm>> -> memref<1000x8xf32, #tpu.memory_space<hbm>>
        %dma_start3A_122 = arith.constant 0 : i32
        %dma_start3A_123 = tpu.memref_slice %arg7[%add3A_72, %dma_start3A_122] : memref<1600000x8xf32, #tpu.memory_space<hbm>> -> memref<1000x8xf32, #tpu.memory_space<hbm>>
        %dma_start3A_124 = arith.constant 0 : i32
        %dma_start3A_125 = arith.constant 0 : i32
        %dma_start3A_126 = tpu.memref_slice %arg11[%run_scoped3A_74, %dma_start3A_124, %dma_start3A_125] : memref<2x1000x8xf32, #tpu.memory_space<vmem>> -> memref<1x1000x8xf32, #tpu.memory_space<vmem>>
        %dma_start3A_127 = tpu.memref_squeeze %dma_start3A_126 : memref<1x1000x8xf32, #tpu.memory_space<vmem>> -> memref<1000x8xf32, #tpu.memory_space<vmem>>
        tpu.enqueue_dma source(%dma_start3A_127 : memref<1000x8xf32, #tpu.memory_space<vmem>>) target(%dma_start3A_123 : memref<1000x8xf32, #tpu.memory_space<hbm>>) target_semaphore(%run_scoped3A_115 : memref<!tpu.dma_semaphore, #tpu.memory_space<semaphore_mem>>)
        %dma_wait3A_128 = arith.constant 0 : i32
        %dma_wait3A_129 = arith.constant 0 : i32
        %dma_wait3A_130 = tpu.memref_slice %arg11[%run_scoped3A_74, %dma_wait3A_128, %dma_wait3A_129] : memref<2x1000x8xf32, #tpu.memory_space<vmem>> -> memref<1x1000x8xf32, #tpu.memory_space<vmem>>
        %dma_wait3A_131 = tpu.memref_squeeze %dma_wait3A_130 : memref<1x1000x8xf32, #tpu.memory_space<vmem>> -> memref<1000x8xf32, #tpu.memory_space<vmem>>
        %dma_wait3A_132 = arith.constant 0 : i32
        %dma_wait3A_133 = tpu.memref_slice %arg7[%add3A_72, %dma_wait3A_132] : memref<1600000x8xf32, #tpu.memory_space<hbm>> -> memref<1000x8xf32, #tpu.memory_space<hbm>>
        %dma_wait3A_134 = arith.constant 0 : i32
        %dma_wait3A_135 = tpu.memref_slice %arg7[%add3A_72, %dma_wait3A_134] : memref<1600000x8xf32, #tpu.memory_space<hbm>> -> memref<1000x8xf32, #tpu.memory_space<hbm>>
        %dma_wait3A_136 = arith.constant 0 : i32
        %dma_wait3A_137 = arith.constant 0 : i32
        %dma_wait3A_138 = tpu.memref_slice %arg11[%run_scoped3A_74, %dma_wait3A_136, %dma_wait3A_137] : memref<2x1000x8xf32, #tpu.memory_space<vmem>> -> memref<1x1000x8xf32, #tpu.memory_space<vmem>>
        %dma_wait3A_139 = tpu.memref_squeeze %dma_wait3A_138 : memref<1x1000x8xf32, #tpu.memory_space<vmem>> -> memref<1000x8xf32, #tpu.memory_space<vmem>>
        tpu.wait_dma2 semaphore(%run_scoped3A_115 : memref<!tpu.dma_semaphore, #tpu.memory_space<semaphore_mem>>) src(%dma_wait3A_139 : memref<1000x8xf32, #tpu.memory_space<vmem>>) dst(%dma_wait3A_135 : memref<1000x8xf32, #tpu.memory_space<hbm>>)
        tpu.yield
      }) : () -> ()
      %mul3A_75 = arith.constant 2 : i32
      %mul3A_76 = arith.muli %mul3A_75, %scan3A_36 : i32
      %add3A_77 = arith.constant 1 : i32
      %add3A_78 = arith.addi %mul3A_76, %add3A_77 : i32
      %dma_wait3A_79 = arith.constant 1 : i32
      %dma_wait3A_80 = arith.constant 1 : i32
      %dma_wait3A_81 = arith.constant 0 : i32
      %dma_wait3A_82 = arith.constant 0 : i32
      %dma_wait3A_83 = tpu.memref_slice %arg10[%dma_wait3A_80, %dma_wait3A_81, %dma_wait3A_82] : memref<2x1000x8xf32, #tpu.memory_space<vmem>> -> memref<1x1000x8xf32, #tpu.memory_space<vmem>>
      %dma_wait3A_84 = tpu.memref_squeeze %dma_wait3A_83 : memref<1x1000x8xf32, #tpu.memory_space<vmem>> -> memref<1000x8xf32, #tpu.memory_space<vmem>>
      %dma_wait3A_85 = arith.constant 0 : i32
      %dma_wait3A_86 = tpu.memref_slice %arg8[%dma_wait3A_79, %dma_wait3A_85] : memref<2x1000xi32, #tpu.memory_space<vmem>> -> memref<1x1000xi32, #tpu.memory_space<vmem>>
      %dma_wait3A_87 = tpu.memref_squeeze %dma_wait3A_86 : memref<1x1000xi32, #tpu.memory_space<vmem>> -> memref<1000xi32, #tpu.memory_space<vmem>>
      %dma_wait3A_88 = arith.constant 0 : i32
      %dma_wait3A_89 = arith.constant 0 : i32
      %dma_wait3A_90 = tpu.memref_slice %arg2[%dma_wait3A_88, %dma_wait3A_89] : memref<50000x8xf32, #tpu.memory_space<hbm>> -> memref<50000x8xf32, #tpu.memory_space<hbm>>
      tpu.wait_indirect_dma semaphore(%arg13 : memref<!tpu.dma_semaphore, #tpu.memory_space<semaphore_mem>>) src(%dma_wait3A_90 : memref<50000x8xf32, #tpu.memory_space<hbm>>) dst(%dma_wait3A_84 : memref<1000x8xf32, #tpu.memory_space<vmem>>)
      %dma_wait3A_91 = arith.constant 1 : i32
      %dma_wait3A_92 = arith.constant 1 : i32
      %dma_wait3A_93 = arith.constant 0 : i32
      %dma_wait3A_94 = arith.constant 0 : i32
      %dma_wait3A_95 = tpu.memref_slice %arg11[%dma_wait3A_92, %dma_wait3A_93, %dma_wait3A_94] : memref<2x1000x8xf32, #tpu.memory_space<vmem>> -> memref<1x1000x8xf32, #tpu.memory_space<vmem>>
      %dma_wait3A_96 = tpu.memref_squeeze %dma_wait3A_95 : memref<1x1000x8xf32, #tpu.memory_space<vmem>> -> memref<1000x8xf32, #tpu.memory_space<vmem>>
      %dma_wait3A_97 = arith.constant 0 : i32
      %dma_wait3A_98 = tpu.memref_slice %arg9[%dma_wait3A_91, %dma_wait3A_97] : memref<2x1000xi32, #tpu.memory_space<vmem>> -> memref<1x1000xi32, #tpu.memory_space<vmem>>
      %dma_wait3A_99 = tpu.memref_squeeze %dma_wait3A_98 : memref<1x1000xi32, #tpu.memory_space<vmem>> -> memref<1000xi32, #tpu.memory_space<vmem>>
      %dma_wait3A_100 = arith.constant 0 : i32
      %dma_wait3A_101 = arith.constant 0 : i32
      %dma_wait3A_102 = tpu.memref_slice %arg12[%dma_wait3A_100, %dma_wait3A_101] : memref<50000x8xf32, #tpu.memory_space<vmem_shared>> -> memref<50000x8xf32, #tpu.memory_space<vmem_shared>>
      tpu.wait_indirect_dma semaphore(%arg14 : memref<!tpu.dma_semaphore, #tpu.memory_space<semaphore_mem>>) src(%dma_wait3A_102 : memref<50000x8xf32, #tpu.memory_space<vmem_shared>>) dst(%dma_wait3A_96 : memref<1000x8xf32, #tpu.memory_space<vmem>>)
      %add3A_103 = arith.constant 1 : i32
      %add3A_104 = arith.addi %add3A_78, %add3A_103 : i32
      %lt3A_105 = arith.constant 50 : i32
      %lt3A_106 = arith.cmpi slt, %add3A_104, %lt3A_105 : i32
      %convert_element_type3A_107 = arith.extui %lt3A_106 : i1 to i32
      %cond3A_108 = arith.constant 0 : i32
      %cond3A_109 = arith.cmpi ne, %convert_element_type3A_107, %cond3A_108 : i32
      scf.if %cond3A_109 {
        %add3A_115 = arith.constant 1 : i32
        %add3A_116 = arith.addi %add3A_78, %add3A_115 : i32
        %mul3A_117 = arith.constant 1000 : i32
        %mul3A_118 = arith.muli %add3A_116, %mul3A_117 : i32
        %add3A_119 = arith.addi %mul3A_2, %mul3A_118 : i32
        %run_scoped3A_120 = arith.constant 0 : i32
        "tpu.region"() ({
          %run_scoped3A_146 = tpu.sem_alloc : memref<!tpu.dma_semaphore, #tpu.memory_space<semaphore_mem>>
          %dma_start3A_147 = arith.constant 0 : i32
          %dma_start3A_148 = tpu.memref_slice %arg8[%run_scoped3A_120, %dma_start3A_147] : memref<2x1000xi32, #tpu.memory_space<vmem>> -> memref<1x1000xi32, #tpu.memory_space<vmem>>
          %dma_start3A_149 = tpu.memref_squeeze %dma_start3A_148 : memref<1x1000xi32, #tpu.memory_space<vmem>> -> memref<1000xi32, #tpu.memory_space<vmem>>
          %dma_start3A_150 = tpu.memref_slice %arg4[%add3A_119] : memref<1600000xi32, #tpu.memory_space<hbm>> -> memref<1000xi32, #tpu.memory_space<hbm>>
          %dma_start3A_151 = arith.constant 0 : i32
          %dma_start3A_152 = tpu.memref_slice %arg8[%run_scoped3A_120, %dma_start3A_151] : memref<2x1000xi32, #tpu.memory_space<vmem>> -> memref<1x1000xi32, #tpu.memory_space<vmem>>
          %dma_start3A_153 = tpu.memref_squeeze %dma_start3A_152 : memref<1x1000xi32, #tpu.memory_space<vmem>> -> memref<1000xi32, #tpu.memory_space<vmem>>
          %dma_start3A_154 = tpu.memref_slice %arg4[%add3A_119] : memref<1600000xi32, #tpu.memory_space<hbm>> -> memref<1000xi32, #tpu.memory_space<hbm>>
          tpu.enqueue_dma source(%dma_start3A_154 : memref<1000xi32, #tpu.memory_space<hbm>>) target(%dma_start3A_153 : memref<1000xi32, #tpu.memory_space<vmem>>) target_semaphore(%run_scoped3A_146 : memref<!tpu.dma_semaphore, #tpu.memory_space<semaphore_mem>>)
          %dma_wait3A_155 = arith.constant 0 : i32
          %dma_wait3A_156 = tpu.memref_slice %arg8[%run_scoped3A_120, %dma_wait3A_155] : memref<2x1000xi32, #tpu.memory_space<vmem>> -> memref<1x1000xi32, #tpu.memory_space<vmem>>
          %dma_wait3A_157 = tpu.memref_squeeze %dma_wait3A_156 : memref<1x1000xi32, #tpu.memory_space<vmem>> -> memref<1000xi32, #tpu.memory_space<vmem>>
          %dma_wait3A_158 = tpu.memref_slice %arg4[%add3A_119] : memref<1600000xi32, #tpu.memory_space<hbm>> -> memref<1000xi32, #tpu.memory_space<hbm>>
          %dma_wait3A_159 = arith.constant 0 : i32
          %dma_wait3A_160 = tpu.memref_slice %arg8[%run_scoped3A_120, %dma_wait3A_159] : memref<2x1000xi32, #tpu.memory_space<vmem>> -> memref<1x1000xi32, #tpu.memory_space<vmem>>
          %dma_wait3A_161 = tpu.memref_squeeze %dma_wait3A_160 : memref<1x1000xi32, #tpu.memory_space<vmem>> -> memref<1000xi32, #tpu.memory_space<vmem>>
          %dma_wait3A_162 = tpu.memref_slice %arg4[%add3A_119] : memref<1600000xi32, #tpu.memory_space<hbm>> -> memref<1000xi32, #tpu.memory_space<hbm>>
          tpu.wait_dma2 semaphore(%run_scoped3A_146 : memref<!tpu.dma_semaphore, #tpu.memory_space<semaphore_mem>>) src(%dma_wait3A_162 : memref<1000xi32, #tpu.memory_space<hbm>>) dst(%dma_wait3A_161 : memref<1000xi32, #tpu.memory_space<vmem>>)
          tpu.yield
        }) : () -> ()
        %run_scoped3A_121 = arith.constant 0 : i32
        "tpu.region"() ({
          %run_scoped3A_146 = tpu.sem_alloc : memref<!tpu.dma_semaphore, #tpu.memory_space<semaphore_mem>>
          %dma_start3A_147 = arith.constant 0 : i32
          %dma_start3A_148 = tpu.memref_slice %arg9[%run_scoped3A_121, %dma_start3A_147] : memref<2x1000xi32, #tpu.memory_space<vmem>> -> memref<1x1000xi32, #tpu.memory_space<vmem>>
          %dma_start3A_149 = tpu.memref_squeeze %dma_start3A_148 : memref<1x1000xi32, #tpu.memory_space<vmem>> -> memref<1000xi32, #tpu.memory_space<vmem>>
          %dma_start3A_150 = tpu.memref_slice %arg5[%add3A_119] : memref<1600000xi32, #tpu.memory_space<hbm>> -> memref<1000xi32, #tpu.memory_space<hbm>>
          %dma_start3A_151 = arith.constant 0 : i32
          %dma_start3A_152 = tpu.memref_slice %arg9[%run_scoped3A_121, %dma_start3A_151] : memref<2x1000xi32, #tpu.memory_space<vmem>> -> memref<1x1000xi32, #tpu.memory_space<vmem>>
          %dma_start3A_153 = tpu.memref_squeeze %dma_start3A_152 : memref<1x1000xi32, #tpu.memory_space<vmem>> -> memref<1000xi32, #tpu.memory_space<vmem>>
          %dma_start3A_154 = tpu.memref_slice %arg5[%add3A_119] : memref<1600000xi32, #tpu.memory_space<hbm>> -> memref<1000xi32, #tpu.memory_space<hbm>>
          tpu.enqueue_dma source(%dma_start3A_154 : memref<1000xi32, #tpu.memory_space<hbm>>) target(%dma_start3A_153 : memref<1000xi32, #tpu.memory_space<vmem>>) target_semaphore(%run_scoped3A_146 : memref<!tpu.dma_semaphore, #tpu.memory_space<semaphore_mem>>)
          %dma_wait3A_155 = arith.constant 0 : i32
          %dma_wait3A_156 = tpu.memref_slice %arg9[%run_scoped3A_121, %dma_wait3A_155] : memref<2x1000xi32, #tpu.memory_space<vmem>> -> memref<1x1000xi32, #tpu.memory_space<vmem>>
          %dma_wait3A_157 = tpu.memref_squeeze %dma_wait3A_156 : memref<1x1000xi32, #tpu.memory_space<vmem>> -> memref<1000xi32, #tpu.memory_space<vmem>>
          %dma_wait3A_158 = tpu.memref_slice %arg5[%add3A_119] : memref<1600000xi32, #tpu.memory_space<hbm>> -> memref<1000xi32, #tpu.memory_space<hbm>>
          %dma_wait3A_159 = arith.constant 0 : i32
          %dma_wait3A_160 = tpu.memref_slice %arg9[%run_scoped3A_121, %dma_wait3A_159] : memref<2x1000xi32, #tpu.memory_space<vmem>> -> memref<1x1000xi32, #tpu.memory_space<vmem>>
          %dma_wait3A_161 = tpu.memref_squeeze %dma_wait3A_160 : memref<1x1000xi32, #tpu.memory_space<vmem>> -> memref<1000xi32, #tpu.memory_space<vmem>>
          %dma_wait3A_162 = tpu.memref_slice %arg5[%add3A_119] : memref<1600000xi32, #tpu.memory_space<hbm>> -> memref<1000xi32, #tpu.memory_space<hbm>>
          tpu.wait_dma2 semaphore(%run_scoped3A_146 : memref<!tpu.dma_semaphore, #tpu.memory_space<semaphore_mem>>) src(%dma_wait3A_162 : memref<1000xi32, #tpu.memory_space<hbm>>) dst(%dma_wait3A_161 : memref<1000xi32, #tpu.memory_space<vmem>>)
          tpu.yield
        }) : () -> ()
        %dma_start3A_122 = arith.constant 0 : i32
        %dma_start3A_123 = arith.constant 0 : i32
        %dma_start3A_124 = arith.constant 0 : i32
        %dma_start3A_125 = arith.constant 0 : i32
        %dma_start3A_126 = tpu.memref_slice %arg10[%dma_start3A_123, %dma_start3A_124, %dma_start3A_125] : memref<2x1000x8xf32, #tpu.memory_space<vmem>> -> memref<1x1000x8xf32, #tpu.memory_space<vmem>>
        %dma_start3A_127 = tpu.memref_squeeze %dma_start3A_126 : memref<1x1000x8xf32, #tpu.memory_space<vmem>> -> memref<1000x8xf32, #tpu.memory_space<vmem>>
        %dma_start3A_128 = arith.constant 0 : i32
        %dma_start3A_129 = tpu.memref_slice %arg8[%dma_start3A_122, %dma_start3A_128] : memref<2x1000xi32, #tpu.memory_space<vmem>> -> memref<1x1000xi32, #tpu.memory_space<vmem>>
        %dma_start3A_130 = tpu.memref_squeeze %dma_start3A_129 : memref<1x1000xi32, #tpu.memory_space<vmem>> -> memref<1000xi32, #tpu.memory_space<vmem>>
        %dma_start3A_131 = arith.constant 0 : i32
        %dma_start3A_132 = arith.constant 0 : i32
        %dma_start3A_133 = tpu.memref_slice %arg2[%dma_start3A_131, %dma_start3A_132] : memref<50000x8xf32, #tpu.memory_space<hbm>> -> memref<50000x8xf32, #tpu.memory_space<hbm>>
        tpu.enqueue_indirect_dma source(%dma_start3A_133 : memref<50000x8xf32, #tpu.memory_space<hbm>>) target(%dma_start3A_127 : memref<1000x8xf32, #tpu.memory_space<vmem>>) offsets(%dma_start3A_130 : memref<1000xi32, #tpu.memory_space<vmem>>) semaphore(%arg13 : memref<!tpu.dma_semaphore, #tpu.memory_space<semaphore_mem>>)
        %dma_start3A_134 = arith.constant 0 : i32
        %dma_start3A_135 = arith.constant 0 : i32
        %dma_start3A_136 = arith.constant 0 : i32
        %dma_start3A_137 = arith.constant 0 : i32
        %dma_start3A_138 = tpu.memref_slice %arg11[%dma_start3A_135, %dma_start3A_136, %dma_start3A_137] : memref<2x1000x8xf32, #tpu.memory_space<vmem>> -> memref<1x1000x8xf32, #tpu.memory_space<vmem>>
        %dma_start3A_139 = tpu.memref_squeeze %dma_start3A_138 : memref<1x1000x8xf32, #tpu.memory_space<vmem>> -> memref<1000x8xf32, #tpu.memory_space<vmem>>
        %dma_start3A_140 = arith.constant 0 : i32
        %dma_start3A_141 = tpu.memref_slice %arg9[%dma_start3A_134, %dma_start3A_140] : memref<2x1000xi32, #tpu.memory_space<vmem>> -> memref<1x1000xi32, #tpu.memory_space<vmem>>
        %dma_start3A_142 = tpu.memref_squeeze %dma_start3A_141 : memref<1x1000xi32, #tpu.memory_space<vmem>> -> memref<1000xi32, #tpu.memory_space<vmem>>
        %dma_start3A_143 = arith.constant 0 : i32
        %dma_start3A_144 = arith.constant 0 : i32
        %dma_start3A_145 = tpu.memref_slice %arg12[%dma_start3A_143, %dma_start3A_144] : memref<50000x8xf32, #tpu.memory_space<vmem_shared>> -> memref<50000x8xf32, #tpu.memory_space<vmem_shared>>
        tpu.enqueue_indirect_dma source(%dma_start3A_145 : memref<50000x8xf32, #tpu.memory_space<vmem_shared>>) target(%dma_start3A_139 : memref<1000x8xf32, #tpu.memory_space<vmem>>) offsets(%dma_start3A_142 : memref<1000xi32, #tpu.memory_space<vmem>>) semaphore(%arg14 : memref<!tpu.dma_semaphore, #tpu.memory_space<semaphore_mem>>)
      } else {
      }
      %mul3A_110 = arith.constant 1000 : i32
      %mul3A_111 = arith.muli %add3A_78, %mul3A_110 : i32
      %add3A_112 = arith.addi %mul3A_2, %mul3A_111 : i32
      %run_scoped3A_113 = arith.constant 1 : i32
      "tpu.region"() ({
        %run_scoped3A_115 = tpu.sem_alloc : memref<!tpu.dma_semaphore, #tpu.memory_space<semaphore_mem>>
        %dma_start3A_116 = arith.constant 0 : i32
        %dma_start3A_117 = arith.constant 0 : i32
        %dma_start3A_118 = tpu.memref_slice %arg10[%run_scoped3A_113, %dma_start3A_116, %dma_start3A_117] : memref<2x1000x8xf32, #tpu.memory_space<vmem>> -> memref<1x1000x8xf32, #tpu.memory_space<vmem>>
        %dma_start3A_119 = tpu.memref_squeeze %dma_start3A_118 : memref<1x1000x8xf32, #tpu.memory_space<vmem>> -> memref<1000x8xf32, #tpu.memory_space<vmem>>
        %dma_start3A_120 = arith.constant 0 : i32
        %dma_start3A_121 = tpu.memref_slice %arg6[%add3A_112, %dma_start3A_120] : memref<1600000x8xf32, #tpu.memory_space<hbm>> -> memref<1000x8xf32, #tpu.memory_space<hbm>>
        %dma_start3A_122 = arith.constant 0 : i32
        %dma_start3A_123 = tpu.memref_slice %arg6[%add3A_112, %dma_start3A_122] : memref<1600000x8xf32, #tpu.memory_space<hbm>> -> memref<1000x8xf32, #tpu.memory_space<hbm>>
        %dma_start3A_124 = arith.constant 0 : i32
        %dma_start3A_125 = arith.constant 0 : i32
        %dma_start3A_126 = tpu.memref_slice %arg10[%run_scoped3A_113, %dma_start3A_124, %dma_start3A_125] : memref<2x1000x8xf32, #tpu.memory_space<vmem>> -> memref<1x1000x8xf32, #tpu.memory_space<vmem>>
        %dma_start3A_127 = tpu.memref_squeeze %dma_start3A_126 : memref<1x1000x8xf32, #tpu.memory_space<vmem>> -> memref<1000x8xf32, #tpu.memory_space<vmem>>
        tpu.enqueue_dma source(%dma_start3A_127 : memref<1000x8xf32, #tpu.memory_space<vmem>>) target(%dma_start3A_123 : memref<1000x8xf32, #tpu.memory_space<hbm>>) target_semaphore(%run_scoped3A_115 : memref<!tpu.dma_semaphore, #tpu.memory_space<semaphore_mem>>)
        %dma_wait3A_128 = arith.constant 0 : i32
        %dma_wait3A_129 = arith.constant 0 : i32
        %dma_wait3A_130 = tpu.memref_slice %arg10[%run_scoped3A_113, %dma_wait3A_128, %dma_wait3A_129] : memref<2x1000x8xf32, #tpu.memory_space<vmem>> -> memref<1x1000x8xf32, #tpu.memory_space<vmem>>
        %dma_wait3A_131 = tpu.memref_squeeze %dma_wait3A_130 : memref<1x1000x8xf32, #tpu.memory_space<vmem>> -> memref<1000x8xf32, #tpu.memory_space<vmem>>
        %dma_wait3A_132 = arith.constant 0 : i32
        %dma_wait3A_133 = tpu.memref_slice %arg6[%add3A_112, %dma_wait3A_132] : memref<1600000x8xf32, #tpu.memory_space<hbm>> -> memref<1000x8xf32, #tpu.memory_space<hbm>>
        %dma_wait3A_134 = arith.constant 0 : i32
        %dma_wait3A_135 = tpu.memref_slice %arg6[%add3A_112, %dma_wait3A_134] : memref<1600000x8xf32, #tpu.memory_space<hbm>> -> memref<1000x8xf32, #tpu.memory_space<hbm>>
        %dma_wait3A_136 = arith.constant 0 : i32
        %dma_wait3A_137 = arith.constant 0 : i32
        %dma_wait3A_138 = tpu.memref_slice %arg10[%run_scoped3A_113, %dma_wait3A_136, %dma_wait3A_137] : memref<2x1000x8xf32, #tpu.memory_space<vmem>> -> memref<1x1000x8xf32, #tpu.memory_space<vmem>>
        %dma_wait3A_139 = tpu.memref_squeeze %dma_wait3A_138 : memref<1x1000x8xf32, #tpu.memory_space<vmem>> -> memref<1000x8xf32, #tpu.memory_space<vmem>>
        tpu.wait_dma2 semaphore(%run_scoped3A_115 : memref<!tpu.dma_semaphore, #tpu.memory_space<semaphore_mem>>) src(%dma_wait3A_139 : memref<1000x8xf32, #tpu.memory_space<vmem>>) dst(%dma_wait3A_135 : memref<1000x8xf32, #tpu.memory_space<hbm>>)
        tpu.yield
      }) : () -> ()
      %run_scoped3A_114 = arith.constant 1 : i32
      "tpu.region"() ({
        %run_scoped3A_115 = tpu.sem_alloc : memref<!tpu.dma_semaphore, #tpu.memory_space<semaphore_mem>>
        %dma_start3A_116 = arith.constant 0 : i32
        %dma_start3A_117 = arith.constant 0 : i32
        %dma_start3A_118 = tpu.memref_slice %arg11[%run_scoped3A_114, %dma_start3A_116, %dma_start3A_117] : memref<2x1000x8xf32, #tpu.memory_space<vmem>> -> memref<1x1000x8xf32, #tpu.memory_space<vmem>>
        %dma_start3A_119 = tpu.memref_squeeze %dma_start3A_118 : memref<1x1000x8xf32, #tpu.memory_space<vmem>> -> memref<1000x8xf32, #tpu.memory_space<vmem>>
        %dma_start3A_120 = arith.constant 0 : i32
        %dma_start3A_121 = tpu.memref_slice %arg7[%add3A_112, %dma_start3A_120] : memref<1600000x8xf32, #tpu.memory_space<hbm>> -> memref<1000x8xf32, #tpu.memory_space<hbm>>
        %dma_start3A_122 = arith.constant 0 : i32
        %dma_start3A_123 = tpu.memref_slice %arg7[%add3A_112, %dma_start3A_122] : memref<1600000x8xf32, #tpu.memory_space<hbm>> -> memref<1000x8xf32, #tpu.memory_space<hbm>>
        %dma_start3A_124 = arith.constant 0 : i32
        %dma_start3A_125 = arith.constant 0 : i32
        %dma_start3A_126 = tpu.memref_slice %arg11[%run_scoped3A_114, %dma_start3A_124, %dma_start3A_125] : memref<2x1000x8xf32, #tpu.memory_space<vmem>> -> memref<1x1000x8xf32, #tpu.memory_space<vmem>>
        %dma_start3A_127 = tpu.memref_squeeze %dma_start3A_126 : memref<1x1000x8xf32, #tpu.memory_space<vmem>> -> memref<1000x8xf32, #tpu.memory_space<vmem>>
        tpu.enqueue_dma source(%dma_start3A_127 : memref<1000x8xf32, #tpu.memory_space<vmem>>) target(%dma_start3A_123 : memref<1000x8xf32, #tpu.memory_space<hbm>>) target_semaphore(%run_scoped3A_115 : memref<!tpu.dma_semaphore, #tpu.memory_space<semaphore_mem>>)
        %dma_wait3A_128 = arith.constant 0 : i32
        %dma_wait3A_129 = arith.constant 0 : i32
        %dma_wait3A_130 = tpu.memref_slice %arg11[%run_scoped3A_114, %dma_wait3A_128, %dma_wait3A_129] : memref<2x1000x8xf32, #tpu.memory_space<vmem>> -> memref<1x1000x8xf32, #tpu.memory_space<vmem>>
        %dma_wait3A_131 = tpu.memref_squeeze %dma_wait3A_130 : memref<1x1000x8xf32, #tpu.memory_space<vmem>> -> memref<1000x8xf32, #tpu.memory_space<vmem>>
        %dma_wait3A_132 = arith.constant 0 : i32
        %dma_wait3A_133 = tpu.memref_slice %arg7[%add3A_112, %dma_wait3A_132] : memref<1600000x8xf32, #tpu.memory_space<hbm>> -> memref<1000x8xf32, #tpu.memory_space<hbm>>
        %dma_wait3A_134 = arith.constant 0 : i32
        %dma_wait3A_135 = tpu.memref_slice %arg7[%add3A_112, %dma_wait3A_134] : memref<1600000x8xf32, #tpu.memory_space<hbm>> -> memref<1000x8xf32, #tpu.memory_space<hbm>>
        %dma_wait3A_136 = arith.constant 0 : i32
        %dma_wait3A_137 = arith.constant 0 : i32
        %dma_wait3A_138 = tpu.memref_slice %arg11[%run_scoped3A_114, %dma_wait3A_136, %dma_wait3A_137] : memref<2x1000x8xf32, #tpu.memory_space<vmem>> -> memref<1x1000x8xf32, #tpu.memory_space<vmem>>
        %dma_wait3A_139 = tpu.memref_squeeze %dma_wait3A_138 : memref<1x1000x8xf32, #tpu.memory_space<vmem>> -> memref<1000x8xf32, #tpu.memory_space<vmem>>
        tpu.wait_dma2 semaphore(%run_scoped3A_115 : memref<!tpu.dma_semaphore, #tpu.memory_space<semaphore_mem>>) src(%dma_wait3A_139 : memref<1000x8xf32, #tpu.memory_space<vmem>>) dst(%dma_wait3A_135 : memref<1000x8xf32, #tpu.memory_space<hbm>>)
        tpu.yield
      }) : () -> ()
    }
    %scan3A_35 = arith.constant 25 : i32
    return
  }
}

#map = affine_map<(d0, d1) -> (0)>
#map1 = affine_map<(d0, d1) -> (0, 0)>
module attributes {stable_mosaic.version = 14 : i64} {
  func.func @_scatter_body(%arg0: i32, %arg1: i32, %arg2: memref<1600000xi32, #tpu.memory_space<hbm>>, %arg3: memref<100000x128xf32, #tpu.memory_space<hbm>>, %arg4: memref<32x50000xf32, #tpu.memory_space<hbm>>, %arg5: memref<1600xi32, #tpu.memory_space<vmem>>, %arg6: memref<100x128xf32, #tpu.memory_space<vmem>>, %arg7: memref<50000xf32, #tpu.memory_space<vmem>>) attributes {dimension_semantics = [#tpu.dimension_semantics<core_parallel>, #tpu.dimension_semantics<subcore_parallel>], iteration_bounds = array<i64: 2, 16>, scalar_prefetch = 0 : i64, scratch_operands = 3 : i64, tpu.core_type = #tpu.core_type<sc_vector_subcore>, window_params = [{transform_indices = #map}, {transform_indices = #map1}, {transform_indices = #map1}]} {
    %mul3A = arith.constant 2 : i32
    %mul3A_0 = arith.muli %arg1, %mul3A : i32
    %add3A = arith.addi %mul3A_0, %arg0 : i32
    %broadcast_in_dim3A = arith.constant 0xFF800000 : f32
    %broadcast_in_dim3A_1 = vector.broadcast %broadcast_in_dim3A : f32 to vector<16xf32>
    %scan3A = arith.constant 0 : i32
    %scan3A_2 = arith.constant 0 : i32
    %scan3A_3 = arith.constant 3125 : i32
    %scan3A_4 = arith.addi %scan3A_2, %scan3A_3 : i32
    %scan3A_5 = arith.constant 1 : i32
    scf.for %scan3A_9 = %scan3A_2 to %scan3A_4 step %scan3A_5  : i32 {
      %mul3A_10 = arith.constant 16 : i32
      %mul3A_11 = arith.muli %scan3A_9, %mul3A_10 : i32
      %swap3A = arith.index_cast %mul3A_11 : i32 to index
      %swap3A_12 = tpu.vector_load %arg7[%swap3A] {strides = array<i32>} : memref<50000xf32, #tpu.memory_space<vmem>>, vector<16xf32>,
      tpu.vector_store %arg7[%swap3A], %broadcast_in_dim3A_1 {strides = array<i32>} : memref<50000xf32, #tpu.memory_space<vmem>>, vector<16xf32>,
    }
    %scan3A_6 = arith.constant 3125 : i32
    %lt3A = arith.constant 30 : i32
    %lt3A_7 = arith.cmpi slt, %add3A, %lt3A : i32
    %convert_element_type3A = arith.extui %lt3A_7 : i1 to i32
    %cond3A = arith.constant 0 : i32
    %cond3A_8 = arith.cmpi ne, %convert_element_type3A, %cond3A : i32
    scf.if %cond3A_8 {
      %jit3A = arith.constant 10 : i32
      %div3A = arith.divsi %add3A, %jit3A : i32
      %sign3A = arith.constant 0 : i32
      %sign3A_9 = arith.cmpi sgt, %add3A, %sign3A : i32
      %sign3A_10 = arith.extui %sign3A_9 : i1 to i32
      %sign3A_11 = arith.constant 0 : i32
      %sign3A_12 = arith.cmpi slt, %add3A, %sign3A_11 : i32
      %sign3A_13 = arith.extui %sign3A_12 : i1 to i32
      %sign3A_14 = arith.subi %sign3A_10, %sign3A_13 : i32
      %sign3A_15 = arith.constant 0 : i32
      %sign3A_16 = arith.cmpi sgt, %jit3A, %sign3A_15 : i32
      %sign3A_17 = arith.extui %sign3A_16 : i1 to i32
      %sign3A_18 = arith.constant 0 : i32
      %sign3A_19 = arith.cmpi slt, %jit3A, %sign3A_18 : i32
      %sign3A_20 = arith.extui %sign3A_19 : i1 to i32
      %sign3A_21 = arith.subi %sign3A_17, %sign3A_20 : i32
      %ne3A = arith.cmpi ne, %sign3A_14, %sign3A_21 : i32
      %rem3A = arith.remsi %add3A, %jit3A : i32
      %ne3A_22 = arith.constant 0 : i32
      %ne3A_23 = arith.cmpi ne, %rem3A, %ne3A_22 : i32
      %and3A = arith.andi %ne3A, %ne3A_23 : i1
      %sub3A = arith.constant 1 : i32
      %sub3A_24 = arith.subi %div3A, %sub3A : i32
      %select_n3A = arith.select %and3A, %sub3A_24, %div3A : i32
      %jit3A_25 = arith.constant 10 : i32
      %eq3A = arith.constant 0 : i32
      %eq3A_26 = arith.cmpi eq, %jit3A_25, %eq3A : i32
      %jit3A_27 = arith.constant 1 : i32
      %select_n3A_28 = arith.select %eq3A_26, %jit3A_27, %jit3A_25 : i32
      %rem3A_29 = arith.remsi %add3A, %select_n3A_28 : i32
      %ne3A_30 = arith.constant 0 : i32
      %ne3A_31 = arith.cmpi ne, %rem3A_29, %ne3A_30 : i32
      %lt3A_32 = arith.constant 0 : i32
      %lt3A_33 = arith.cmpi slt, %rem3A_29, %lt3A_32 : i32
      %lt3A_34 = arith.constant 0 : i32
      %lt3A_35 = arith.cmpi slt, %select_n3A_28, %lt3A_34 : i32
      %ne3A_36 = arith.xori %lt3A_33, %lt3A_35 : i1
      %and3A_37 = arith.andi %ne3A_36, %ne3A_31 : i1
      %add3A_38 = arith.addi %rem3A_29, %select_n3A_28 : i32
      %select_n3A_39 = arith.select %and3A_37, %add3A_38, %rem3A_29 : i32
      %scan3A_40 = arith.constant 0 : i32
      %scan3A_41 = arith.constant 0 : i32
      %scan3A_42 = arith.constant 100 : i32
      %scan3A_43 = arith.addi %scan3A_41, %scan3A_42 : i32
      %scan3A_44 = arith.constant 1 : i32
      scf.for %scan3A_46 = %scan3A_41 to %scan3A_43 step %scan3A_44  : i32 {
        %mul3A_47 = arith.constant 160000 : i32
        %mul3A_48 = arith.muli %select_n3A_39, %mul3A_47 : i32
        %mul3A_49 = arith.constant 1600 : i32
        %mul3A_50 = arith.muli %scan3A_46, %mul3A_49 : i32
        %add3A_51 = arith.addi %mul3A_48, %mul3A_50 : i32
        "tpu.region"() ({
          %run_scoped3A = tpu.sem_alloc : memref<!tpu.dma_semaphore, #tpu.memory_space<semaphore_mem>>
          %dma_start3A = tpu.memref_slice %arg2[%add3A_51] : memref<1600000xi32, #tpu.memory_space<hbm>> -> memref<1600xi32, #tpu.memory_space<hbm>>
          %dma_start3A_82 = tpu.memref_slice %arg2[%add3A_51] : memref<1600000xi32, #tpu.memory_space<hbm>> -> memref<1600xi32, #tpu.memory_space<hbm>>
          tpu.enqueue_dma source(%dma_start3A_82 : memref<1600xi32, #tpu.memory_space<hbm>>) target(%arg5 : memref<1600xi32, #tpu.memory_space<vmem>>) target_semaphore(%run_scoped3A : memref<!tpu.dma_semaphore, #tpu.memory_space<semaphore_mem>>)
          %dma_wait3A = tpu.memref_slice %arg2[%add3A_51] : memref<1600000xi32, #tpu.memory_space<hbm>> -> memref<1600xi32, #tpu.memory_space<hbm>>
          %dma_wait3A_83 = tpu.memref_slice %arg2[%add3A_51] : memref<1600000xi32, #tpu.memory_space<hbm>> -> memref<1600xi32, #tpu.memory_space<hbm>>
          tpu.wait_dma2 semaphore(%run_scoped3A : memref<!tpu.dma_semaphore, #tpu.memory_space<semaphore_mem>>) src(%dma_wait3A_83 : memref<1600xi32, #tpu.memory_space<hbm>>) dst(%arg5 : memref<1600xi32, #tpu.memory_space<vmem>>)
          tpu.yield
        }) : () -> ()
        %jit3A_52 = arith.constant 16 : i32
        %div3A_53 = arith.divsi %add3A_51, %jit3A_52 : i32
        %sign3A_54 = arith.constant 0 : i32
        %sign3A_55 = arith.cmpi sgt, %add3A_51, %sign3A_54 : i32
        %sign3A_56 = arith.extui %sign3A_55 : i1 to i32
        %sign3A_57 = arith.constant 0 : i32
        %sign3A_58 = arith.cmpi slt, %add3A_51, %sign3A_57 : i32
        %sign3A_59 = arith.extui %sign3A_58 : i1 to i32
        %sign3A_60 = arith.subi %sign3A_56, %sign3A_59 : i32
        %sign3A_61 = arith.constant 0 : i32
        %sign3A_62 = arith.cmpi sgt, %jit3A_52, %sign3A_61 : i32
        %sign3A_63 = arith.extui %sign3A_62 : i1 to i32
        %sign3A_64 = arith.constant 0 : i32
        %sign3A_65 = arith.cmpi slt, %jit3A_52, %sign3A_64 : i32
        %sign3A_66 = arith.extui %sign3A_65 : i1 to i32
        %sign3A_67 = arith.subi %sign3A_63, %sign3A_66 : i32
        %ne3A_68 = arith.cmpi ne, %sign3A_60, %sign3A_67 : i32
        %rem3A_69 = arith.remsi %add3A_51, %jit3A_52 : i32
        %ne3A_70 = arith.constant 0 : i32
        %ne3A_71 = arith.cmpi ne, %rem3A_69, %ne3A_70 : i32
        %and3A_72 = arith.andi %ne3A_68, %ne3A_71 : i1
        %sub3A_73 = arith.constant 1 : i32
        %sub3A_74 = arith.subi %div3A_53, %sub3A_73 : i32
        %select_n3A_75 = arith.select %and3A_72, %sub3A_74, %div3A_53 : i32
        "tpu.region"() ({
          %run_scoped3A = tpu.sem_alloc : memref<!tpu.dma_semaphore, #tpu.memory_space<semaphore_mem>>
          %dma_start3A = arith.constant 0 : i32
          %dma_start3A_82 = tpu.memref_slice %arg3[%select_n3A_75, %dma_start3A] : memref<100000x128xf32, #tpu.memory_space<hbm>> -> memref<100x128xf32, #tpu.memory_space<hbm>>
          %dma_start3A_83 = arith.constant 0 : i32
          %dma_start3A_84 = tpu.memref_slice %arg3[%select_n3A_75, %dma_start3A_83] : memref<100000x128xf32, #tpu.memory_space<hbm>> -> memref<100x128xf32, #tpu.memory_space<hbm>>
          tpu.enqueue_dma source(%dma_start3A_84 : memref<100x128xf32, #tpu.memory_space<hbm>>) target(%arg6 : memref<100x128xf32, #tpu.memory_space<vmem>>) target_semaphore(%run_scoped3A : memref<!tpu.dma_semaphore, #tpu.memory_space<semaphore_mem>>)
          %dma_wait3A = arith.constant 0 : i32
          %dma_wait3A_85 = tpu.memref_slice %arg3[%select_n3A_75, %dma_wait3A] : memref<100000x128xf32, #tpu.memory_space<hbm>> -> memref<100x128xf32, #tpu.memory_space<hbm>>
          %dma_wait3A_86 = arith.constant 0 : i32
          %dma_wait3A_87 = tpu.memref_slice %arg3[%select_n3A_75, %dma_wait3A_86] : memref<100000x128xf32, #tpu.memory_space<hbm>> -> memref<100x128xf32, #tpu.memory_space<hbm>>
          tpu.wait_dma2 semaphore(%run_scoped3A : memref<!tpu.dma_semaphore, #tpu.memory_space<semaphore_mem>>) src(%dma_wait3A_87 : memref<100x128xf32, #tpu.memory_space<hbm>>) dst(%arg6 : memref<100x128xf32, #tpu.memory_space<vmem>>)
          tpu.yield
        }) : () -> ()
        %scan3A_76 = arith.constant 0 : i32
        %scan3A_77 = arith.constant 0 : i32
        %scan3A_78 = arith.constant 100 : i32
        %scan3A_79 = arith.addi %scan3A_77, %scan3A_78 : i32
        %scan3A_80 = arith.constant 1 : i32
        scf.for %scan3A_82 = %scan3A_77 to %scan3A_79 step %scan3A_80  : i32 {
          %mul3A_83 = arith.constant 16 : i32
          %mul3A_84 = arith.muli %scan3A_82, %mul3A_83 : i32
          %get3A = arith.index_cast %mul3A_84 : i32 to index
          %get3A_85 = tpu.vector_load %arg5[%get3A] {strides = array<i32>} : memref<1600xi32, #tpu.memory_space<vmem>>, vector<16xi32>,
          %mul3A_86 = arith.constant 16 : i32
          %mul3A_87 = arith.muli %select_n3A, %mul3A_86 : i32
          %get3A_88 = arith.index_cast %scan3A_82 : i32 to index
          %get3A_89 = arith.index_cast %mul3A_87 : i32 to index
          %get3A_90 = tpu.vector_load %arg6[%get3A_88, %get3A_89] {strides = array<i32>} : memref<100x128xf32, #tpu.memory_space<vmem>>, vector<16xf32>,
          %broadcast_in_dim3A_91 = arith.constant true
          %broadcast_in_dim3A_92 = vector.broadcast %broadcast_in_dim3A_91 : i1 to vector<16xi1>
          %unique3A, %unique3A_93 = tpu.scan_count mask(%broadcast_in_dim3A_92 : vector<16xi1>) value(%get3A_85 : vector<16xi32>) : vector<16xi1>, vector<16xi32>
          %reduce_min3A = arith.constant true
          %reduce_min3A_94 = vector.broadcast %reduce_min3A : i1 to vector<16xi1>
          %reduce_min3A_95 = arith.constant -2147483648 : i32
          %reduce_min3A_96 = vector.broadcast %reduce_min3A_95 : i32 to vector<16xi32>
          %reduce_min3A_97 = arith.xori %unique3A_93, %reduce_min3A_96 : vector<16xi32>
          %reduce_min3A_98 = tpu.scan <min>, %reduce_min3A_97 masked %reduce_min3A_94 : vector<16xi32>, vector<16xi1> -> vector<16xi32>
          %reduce_min3A_99 = arith.xori %reduce_min3A_98, %reduce_min3A_96 : vector<16xi32>
          %reduce_min3A_100 = vector.extract %reduce_min3A_99[15] : i32 from vector<16xi32>
          %reduce_max3A = arith.constant true
          %reduce_max3A_101 = vector.broadcast %reduce_max3A : i1 to vector<16xi1>
          %reduce_max3A_102 = arith.constant -2147483648 : i32
          %reduce_max3A_103 = vector.broadcast %reduce_max3A_102 : i32 to vector<16xi32>
          %reduce_max3A_104 = arith.xori %unique3A_93, %reduce_max3A_103 : vector<16xi32>
          %reduce_max3A_105 = tpu.scan <max>, %reduce_max3A_104 masked %reduce_max3A_101 : vector<16xi32>, vector<16xi1> -> vector<16xi32>
          %reduce_max3A_106 = arith.xori %reduce_max3A_105, %reduce_max3A_103 : vector<16xi32>
          %reduce_max3A_107 = vector.extract %reduce_max3A_106[15] : i32 from vector<16xi32>
          %add3A_108 = arith.constant 1 : i32
          %add3A_109 = arith.addi %reduce_max3A_107, %add3A_108 : i32
          %while3A = arith.constant 0 : i32
          %while3A_110 = arith.subi %add3A_109, %reduce_min3A_100 : i32
          %while3A_111 = arith.addi %reduce_min3A_100, %while3A_110 : i32
          %while3A_112 = arith.constant 1 : i32
          %while3A_113 = arith.divsi %while3A_110, %while3A_112 : i32
          %while3A_114 = arith.muli %while3A_113, %while3A_112 : i32
          %while3A_115 = arith.addi %reduce_min3A_100, %while3A_114 : i32
          %while3A_116 = arith.constant 1 : i32
          scf.for %while3A_118 = %reduce_min3A_100 to %while3A_115 step %while3A_116  : i32 {
            %eq3A_119 = vector.broadcast %while3A_118 : i32 to vector<16xi32>
            %eq3A_120 = arith.cmpi eq, %unique3A_93, %eq3A_119 : vector<16xi32>
            %gather3A = tpu.vector_load_idx %arg7[%get3A_85] : memref<50000xf32, #tpu.memory_space<vmem>>[vector<16xi32>], vector<16xf32>,
            %max3A = arith.maximumf %gather3A, %get3A_90 : vector<16xf32>
            tpu.vector_store_idx %arg7[%get3A_85], %max3A masked %eq3A_120 : memref<50000xf32, #tpu.memory_space<vmem>>[vector<16xi32>], vector<16xf32>, vector<16xi1>
          }
          %while3A_117 = arith.constant 1 : i32
          scf.for %while3A_118 = %while3A_115 to %while3A_111 step %while3A_117  : i32 {
            %eq3A_119 = vector.broadcast %while3A_118 : i32 to vector<16xi32>
            %eq3A_120 = arith.cmpi eq, %unique3A_93, %eq3A_119 : vector<16xi32>
            %gather3A = tpu.vector_load_idx %arg7[%get3A_85] : memref<50000xf32, #tpu.memory_space<vmem>>[vector<16xi32>], vector<16xf32>,
            %max3A = arith.maximumf %gather3A, %get3A_90 : vector<16xf32>
            tpu.vector_store_idx %arg7[%get3A_85], %max3A masked %eq3A_120 : memref<50000xf32, #tpu.memory_space<vmem>>[vector<16xi32>], vector<16xf32>, vector<16xi1>
          }
        }
        %scan3A_81 = arith.constant 100 : i32
      }
      %scan3A_45 = arith.constant 100 : i32
    } else {
    }
    "tpu.region"() ({
      %run_scoped3A = tpu.sem_alloc : memref<!tpu.dma_semaphore, #tpu.memory_space<semaphore_mem>>
      %dma_start3A = arith.constant 0 : i32
      %dma_start3A_9 = tpu.memref_slice %arg4[%add3A, %dma_start3A] : memref<32x50000xf32, #tpu.memory_space<hbm>> -> memref<1x50000xf32, #tpu.memory_space<hbm>>
      %dma_start3A_10 = tpu.memref_squeeze %dma_start3A_9 : memref<1x50000xf32, #tpu.memory_space<hbm>> -> memref<50000xf32, #tpu.memory_space<hbm>>
      %dma_start3A_11 = arith.constant 0 : i32
      %dma_start3A_12 = tpu.memref_slice %arg4[%add3A, %dma_start3A_11] : memref<32x50000xf32, #tpu.memory_space<hbm>> -> memref<1x50000xf32, #tpu.memory_space<hbm>>
      %dma_start3A_13 = tpu.memref_squeeze %dma_start3A_12 : memref<1x50000xf32, #tpu.memory_space<hbm>> -> memref<50000xf32, #tpu.memory_space<hbm>>
      tpu.enqueue_dma source(%arg7 : memref<50000xf32, #tpu.memory_space<vmem>>) target(%dma_start3A_13 : memref<50000xf32, #tpu.memory_space<hbm>>) target_semaphore(%run_scoped3A : memref<!tpu.dma_semaphore, #tpu.memory_space<semaphore_mem>>)
      %dma_wait3A = arith.constant 0 : i32
      %dma_wait3A_14 = tpu.memref_slice %arg4[%add3A, %dma_wait3A] : memref<32x50000xf32, #tpu.memory_space<hbm>> -> memref<1x50000xf32, #tpu.memory_space<hbm>>
      %dma_wait3A_15 = tpu.memref_squeeze %dma_wait3A_14 : memref<1x50000xf32, #tpu.memory_space<hbm>> -> memref<50000xf32, #tpu.memory_space<hbm>>
      %dma_wait3A_16 = arith.constant 0 : i32
      %dma_wait3A_17 = tpu.memref_slice %arg4[%add3A, %dma_wait3A_16] : memref<32x50000xf32, #tpu.memory_space<hbm>> -> memref<1x50000xf32, #tpu.memory_space<hbm>>
      %dma_wait3A_18 = tpu.memref_squeeze %dma_wait3A_17 : memref<1x50000xf32, #tpu.memory_space<hbm>> -> memref<50000xf32, #tpu.memory_space<hbm>>
      tpu.wait_dma2 semaphore(%run_scoped3A : memref<!tpu.dma_semaphore, #tpu.memory_space<semaphore_mem>>) src(%arg7 : memref<50000xf32, #tpu.memory_space<vmem>>) dst(%dma_wait3A_18 : memref<50000xf32, #tpu.memory_space<hbm>>)
      tpu.yield
    }) : () -> ()
    return
  }
}

#map = affine_map<(d0, d1) -> (0, 0)>
#map1 = affine_map<(d0, d1) -> (0)>
module attributes {stable_mosaic.version = 14 : i64} {
  func.func @_gather_body(%arg0: i32, %arg1: i32, %arg2: memref<50000x8xf32, #tpu.memory_space<hbm>>, %arg3: memref<50000x8xf32, #tpu.memory_space<hbm>>, %arg4: memref<1600000xi32, #tpu.memory_space<hbm>>, %arg5: memref<1600000xi32, #tpu.memory_space<hbm>>, %arg6: memref<1600000x8xf32, #tpu.memory_space<hbm>>, %arg7: memref<1600000x8xf32, #tpu.memory_space<hbm>>, %arg8: memref<2x1000xi32, #tpu.memory_space<vmem>>, %arg9: memref<2x1000xi32, #tpu.memory_space<vmem>>, %arg10: memref<2x1000x8xf32, #tpu.memory_space<vmem>>, %arg11: memref<2x1000x8xf32, #tpu.memory_space<vmem>>, %arg12: memref<50000x8xf32, #tpu.memory_space<vmem_shared>>, %arg13: memref<!tpu.dma_semaphore, #tpu.memory_space<semaphore_mem>>, %arg14: memref<!tpu.dma_semaphore, #tpu.memory_space<semaphore_mem>>) attributes {dimension_semantics = [#tpu.dimension_semantics<core_parallel>, #tpu.dimension_semantics<subcore_parallel>], iteration_bounds = array<i64: 2, 16>, scalar_prefetch = 0 : i64, scratch_operands = 7 : i64, tpu.core_type = #tpu.core_type<sc_vector_subcore>, window_params = [{transform_indices = #map}, {transform_indices = #map}, {transform_indices = #map1}, {transform_indices = #map1}, {transform_indices = #map}, {transform_indices = #map}]} {
    %mul3A = arith.constant 2 : i32
    %mul3A_0 = arith.muli %arg1, %mul3A : i32
    %add3A = arith.addi %mul3A_0, %arg0 : i32
    %mul3A_1 = arith.constant 50000 : i32
    %mul3A_2 = arith.muli %add3A, %mul3A_1 : i32
    %eq3A = arith.constant 0 : i32
    %eq3A_3 = arith.cmpi eq, %arg1, %eq3A : i32
    %convert_element_type3A = arith.extui %eq3A_3 : i1 to i32
    %cond3A = arith.constant 0 : i32
    %cond3A_4 = arith.cmpi ne, %convert_element_type3A, %cond3A : i32
    scf.if %cond3A_4 {
      "tpu.region"() ({
        %run_scoped3A_36 = tpu.sem_alloc : memref<!tpu.dma_semaphore, #tpu.memory_space<semaphore_mem>>
        tpu.enqueue_dma source(%arg3 : memref<50000x8xf32, #tpu.memory_space<hbm>>) target(%arg12 : memref<50000x8xf32, #tpu.memory_space<vmem_shared>>) target_semaphore(%run_scoped3A_36 : memref<!tpu.dma_semaphore, #tpu.memory_space<semaphore_mem>>)
        tpu.wait_dma2 semaphore(%run_scoped3A_36 : memref<!tpu.dma_semaphore, #tpu.memory_space<semaphore_mem>>) src(%arg3 : memref<50000x8xf32, #tpu.memory_space<hbm>>) dst(%arg12 : memref<50000x8xf32, #tpu.memory_space<vmem_shared>>)
        tpu.yield
      }) : () -> ()
    } else {
    }
    %barrier3A = arith.constant 0 : index
    tpu.barrier barrier_id(%barrier3A)
    %add3A_5 = arith.constant 0 : i32
    %add3A_6 = arith.addi %mul3A_2, %add3A_5 : i32
    %run_scoped3A = arith.constant 0 : i32
    "tpu.region"() ({
      %run_scoped3A_36 = tpu.sem_alloc : memref<!tpu.dma_semaphore, #tpu.memory_space<semaphore_mem>>
      %dma_start3A_37 = arith.constant 0 : i32
      %dma_start3A_38 = tpu.memref_slice %arg8[%run_scoped3A, %dma_start3A_37] : memref<2x1000xi32, #tpu.memory_space<vmem>> -> memref<1x1000xi32, #tpu.memory_space<vmem>>
      %dma_start3A_39 = tpu.memref_squeeze %dma_start3A_38 : memref<1x1000xi32, #tpu.memory_space<vmem>> -> memref<1000xi32, #tpu.memory_space<vmem>>
      %dma_start3A_40 = tpu.memref_slice %arg4[%add3A_6] : memref<1600000xi32, #tpu.memory_space<hbm>> -> memref<1000xi32, #tpu.memory_space<hbm>>
      %dma_start3A_41 = arith.constant 0 : i32
      %dma_start3A_42 = tpu.memref_slice %arg8[%run_scoped3A, %dma_start3A_41] : memref<2x1000xi32, #tpu.memory_space<vmem>> -> memref<1x1000xi32, #tpu.memory_space<vmem>>
      %dma_start3A_43 = tpu.memref_squeeze %dma_start3A_42 : memref<1x1000xi32, #tpu.memory_space<vmem>> -> memref<1000xi32, #tpu.memory_space<vmem>>
      %dma_start3A_44 = tpu.memref_slice %arg4[%add3A_6] : memref<1600000xi32, #tpu.memory_space<hbm>> -> memref<1000xi32, #tpu.memory_space<hbm>>
      tpu.enqueue_dma source(%dma_start3A_44 : memref<1000xi32, #tpu.memory_space<hbm>>) target(%dma_start3A_43 : memref<1000xi32, #tpu.memory_space<vmem>>) target_semaphore(%run_scoped3A_36 : memref<!tpu.dma_semaphore, #tpu.memory_space<semaphore_mem>>)
      %dma_wait3A = arith.constant 0 : i32
      %dma_wait3A_45 = tpu.memref_slice %arg8[%run_scoped3A, %dma_wait3A] : memref<2x1000xi32, #tpu.memory_space<vmem>> -> memref<1x1000xi32, #tpu.memory_space<vmem>>
      %dma_wait3A_46 = tpu.memref_squeeze %dma_wait3A_45 : memref<1x1000xi32, #tpu.memory_space<vmem>> -> memref<1000xi32, #tpu.memory_space<vmem>>
      %dma_wait3A_47 = tpu.memref_slice %arg4[%add3A_6] : memref<1600000xi32, #tpu.memory_space<hbm>> -> memref<1000xi32, #tpu.memory_space<hbm>>
      %dma_wait3A_48 = arith.constant 0 : i32
      %dma_wait3A_49 = tpu.memref_slice %arg8[%run_scoped3A, %dma_wait3A_48] : memref<2x1000xi32, #tpu.memory_space<vmem>> -> memref<1x1000xi32, #tpu.memory_space<vmem>>
      %dma_wait3A_50 = tpu.memref_squeeze %dma_wait3A_49 : memref<1x1000xi32, #tpu.memory_space<vmem>> -> memref<1000xi32, #tpu.memory_space<vmem>>
      %dma_wait3A_51 = tpu.memref_slice %arg4[%add3A_6] : memref<1600000xi32, #tpu.memory_space<hbm>> -> memref<1000xi32, #tpu.memory_space<hbm>>
      tpu.wait_dma2 semaphore(%run_scoped3A_36 : memref<!tpu.dma_semaphore, #tpu.memory_space<semaphore_mem>>) src(%dma_wait3A_51 : memref<1000xi32, #tpu.memory_space<hbm>>) dst(%dma_wait3A_50 : memref<1000xi32, #tpu.memory_space<vmem>>)
      tpu.yield
    }) : () -> ()
    %run_scoped3A_7 = arith.constant 0 : i32
    "tpu.region"() ({
      %run_scoped3A_36 = tpu.sem_alloc : memref<!tpu.dma_semaphore, #tpu.memory_space<semaphore_mem>>
      %dma_start3A_37 = arith.constant 0 : i32
      %dma_start3A_38 = tpu.memref_slice %arg9[%run_scoped3A_7, %dma_start3A_37] : memref<2x1000xi32, #tpu.memory_space<vmem>> -> memref<1x1000xi32, #tpu.memory_space<vmem>>
      %dma_start3A_39 = tpu.memref_squeeze %dma_start3A_38 : memref<1x1000xi32, #tpu.memory_space<vmem>> -> memref<1000xi32, #tpu.memory_space<vmem>>
      %dma_start3A_40 = tpu.memref_slice %arg5[%add3A_6] : memref<1600000xi32, #tpu.memory_space<hbm>> -> memref<1000xi32, #tpu.memory_space<hbm>>
      %dma_start3A_41 = arith.constant 0 : i32
      %dma_start3A_42 = tpu.memref_slice %arg9[%run_scoped3A_7, %dma_start3A_41] : memref<2x1000xi32, #tpu.memory_space<vmem>> -> memref<1x1000xi32, #tpu.memory_space<vmem>>
      %dma_start3A_43 = tpu.memref_squeeze %dma_start3A_42 : memref<1x1000xi32, #tpu.memory_space<vmem>> -> memref<1000xi32, #tpu.memory_space<vmem>>
      %dma_start3A_44 = tpu.memref_slice %arg5[%add3A_6] : memref<1600000xi32, #tpu.memory_space<hbm>> -> memref<1000xi32, #tpu.memory_space<hbm>>
      tpu.enqueue_dma source(%dma_start3A_44 : memref<1000xi32, #tpu.memory_space<hbm>>) target(%dma_start3A_43 : memref<1000xi32, #tpu.memory_space<vmem>>) target_semaphore(%run_scoped3A_36 : memref<!tpu.dma_semaphore, #tpu.memory_space<semaphore_mem>>)
      %dma_wait3A = arith.constant 0 : i32
      %dma_wait3A_45 = tpu.memref_slice %arg9[%run_scoped3A_7, %dma_wait3A] : memref<2x1000xi32, #tpu.memory_space<vmem>> -> memref<1x1000xi32, #tpu.memory_space<vmem>>
      %dma_wait3A_46 = tpu.memref_squeeze %dma_wait3A_45 : memref<1x1000xi32, #tpu.memory_space<vmem>> -> memref<1000xi32, #tpu.memory_space<vmem>>
      %dma_wait3A_47 = tpu.memref_slice %arg5[%add3A_6] : memref<1600000xi32, #tpu.memory_space<hbm>> -> memref<1000xi32, #tpu.memory_space<hbm>>
      %dma_wait3A_48 = arith.constant 0 : i32
      %dma_wait3A_49 = tpu.memref_slice %arg9[%run_scoped3A_7, %dma_wait3A_48] : memref<2x1000xi32, #tpu.memory_space<vmem>> -> memref<1x1000xi32, #tpu.memory_space<vmem>>
      %dma_wait3A_50 = tpu.memref_squeeze %dma_wait3A_49 : memref<1x1000xi32, #tpu.memory_space<vmem>> -> memref<1000xi32, #tpu.memory_space<vmem>>
      %dma_wait3A_51 = tpu.memref_slice %arg5[%add3A_6] : memref<1600000xi32, #tpu.memory_space<hbm>> -> memref<1000xi32, #tpu.memory_space<hbm>>
      tpu.wait_dma2 semaphore(%run_scoped3A_36 : memref<!tpu.dma_semaphore, #tpu.memory_space<semaphore_mem>>) src(%dma_wait3A_51 : memref<1000xi32, #tpu.memory_space<hbm>>) dst(%dma_wait3A_50 : memref<1000xi32, #tpu.memory_space<vmem>>)
      tpu.yield
    }) : () -> ()
    %dma_start3A = arith.constant 0 : i32
    %dma_start3A_8 = arith.constant 0 : i32
    %dma_start3A_9 = arith.constant 0 : i32
    %dma_start3A_10 = arith.constant 0 : i32
    %dma_start3A_11 = tpu.memref_slice %arg10[%dma_start3A_8, %dma_start3A_9, %dma_start3A_10] : memref<2x1000x8xf32, #tpu.memory_space<vmem>> -> memref<1x1000x8xf32, #tpu.memory_space<vmem>>
    %dma_start3A_12 = tpu.memref_squeeze %dma_start3A_11 : memref<1x1000x8xf32, #tpu.memory_space<vmem>> -> memref<1000x8xf32, #tpu.memory_space<vmem>>
    %dma_start3A_13 = arith.constant 0 : i32
    %dma_start3A_14 = tpu.memref_slice %arg8[%dma_start3A, %dma_start3A_13] : memref<2x1000xi32, #tpu.memory_space<vmem>> -> memref<1x1000xi32, #tpu.memory_space<vmem>>
    %dma_start3A_15 = tpu.memref_squeeze %dma_start3A_14 : memref<1x1000xi32, #tpu.memory_space<vmem>> -> memref<1000xi32, #tpu.memory_space<vmem>>
    %dma_start3A_16 = arith.constant 0 : i32
    %dma_start3A_17 = arith.constant 0 : i32
    %dma_start3A_18 = tpu.memref_slice %arg2[%dma_start3A_16, %dma_start3A_17] : memref<50000x8xf32, #tpu.memory_space<hbm>> -> memref<50000x8xf32, #tpu.memory_space<hbm>>
    tpu.enqueue_indirect_dma source(%dma_start3A_18 : memref<50000x8xf32, #tpu.memory_space<hbm>>) target(%dma_start3A_12 : memref<1000x8xf32, #tpu.memory_space<vmem>>) offsets(%dma_start3A_15 : memref<1000xi32, #tpu.memory_space<vmem>>) semaphore(%arg13 : memref<!tpu.dma_semaphore, #tpu.memory_space<semaphore_mem>>)
    %dma_start3A_19 = arith.constant 0 : i32
    %dma_start3A_20 = arith.constant 0 : i32
    %dma_start3A_21 = arith.constant 0 : i32
    %dma_start3A_22 = arith.constant 0 : i32
    %dma_start3A_23 = tpu.memref_slice %arg11[%dma_start3A_20, %dma_start3A_21, %dma_start3A_22] : memref<2x1000x8xf32, #tpu.memory_space<vmem>> -> memref<1x1000x8xf32, #tpu.memory_space<vmem>>
    %dma_start3A_24 = tpu.memref_squeeze %dma_start3A_23 : memref<1x1000x8xf32, #tpu.memory_space<vmem>> -> memref<1000x8xf32, #tpu.memory_space<vmem>>
    %dma_start3A_25 = arith.constant 0 : i32
    %dma_start3A_26 = tpu.memref_slice %arg9[%dma_start3A_19, %dma_start3A_25] : memref<2x1000xi32, #tpu.memory_space<vmem>> -> memref<1x1000xi32, #tpu.memory_space<vmem>>
    %dma_start3A_27 = tpu.memref_squeeze %dma_start3A_26 : memref<1x1000xi32, #tpu.memory_space<vmem>> -> memref<1000xi32, #tpu.memory_space<vmem>>
    %dma_start3A_28 = arith.constant 0 : i32
    %dma_start3A_29 = arith.constant 0 : i32
    %dma_start3A_30 = tpu.memref_slice %arg12[%dma_start3A_28, %dma_start3A_29] : memref<50000x8xf32, #tpu.memory_space<vmem_shared>> -> memref<50000x8xf32, #tpu.memory_space<vmem_shared>>
    tpu.enqueue_indirect_dma source(%dma_start3A_30 : memref<50000x8xf32, #tpu.memory_space<vmem_shared>>) target(%dma_start3A_24 : memref<1000x8xf32, #tpu.memory_space<vmem>>) offsets(%dma_start3A_27 : memref<1000xi32, #tpu.memory_space<vmem>>) semaphore(%arg14 : memref<!tpu.dma_semaphore, #tpu.memory_space<semaphore_mem>>)
    %scan3A = arith.constant 0 : i32
    %scan3A_31 = arith.constant 0 : i32
    %scan3A_32 = arith.constant 25 : i32
    %scan3A_33 = arith.addi %scan3A_31, %scan3A_32 : i32
    %scan3A_34 = arith.constant 1 : i32
    scf.for %scan3A_36 = %scan3A_31 to %scan3A_33 step %scan3A_34  : i32 {
      %mul3A_37 = arith.constant 2 : i32
      %mul3A_38 = arith.muli %mul3A_37, %scan3A_36 : i32
      %add3A_39 = arith.constant 0 : i32
      %add3A_40 = arith.addi %mul3A_38, %add3A_39 : i32
      %dma_wait3A = arith.constant 0 : i32
      %dma_wait3A_41 = arith.constant 0 : i32
      %dma_wait3A_42 = arith.constant 0 : i32
      %dma_wait3A_43 = arith.constant 0 : i32
      %dma_wait3A_44 = tpu.memref_slice %arg10[%dma_wait3A_41, %dma_wait3A_42, %dma_wait3A_43] : memref<2x1000x8xf32, #tpu.memory_space<vmem>> -> memref<1x1000x8xf32, #tpu.memory_space<vmem>>
      %dma_wait3A_45 = tpu.memref_squeeze %dma_wait3A_44 : memref<1x1000x8xf32, #tpu.memory_space<vmem>> -> memref<1000x8xf32, #tpu.memory_space<vmem>>
      %dma_wait3A_46 = arith.constant 0 : i32
      %dma_wait3A_47 = tpu.memref_slice %arg8[%dma_wait3A, %dma_wait3A_46] : memref<2x1000xi32, #tpu.memory_space<vmem>> -> memref<1x1000xi32, #tpu.memory_space<vmem>>
      %dma_wait3A_48 = tpu.memref_squeeze %dma_wait3A_47 : memref<1x1000xi32, #tpu.memory_space<vmem>> -> memref<1000xi32, #tpu.memory_space<vmem>>
      %dma_wait3A_49 = arith.constant 0 : i32
      %dma_wait3A_50 = arith.constant 0 : i32
      %dma_wait3A_51 = tpu.memref_slice %arg2[%dma_wait3A_49, %dma_wait3A_50] : memref<50000x8xf32, #tpu.memory_space<hbm>> -> memref<50000x8xf32, #tpu.memory_space<hbm>>
      tpu.wait_indirect_dma semaphore(%arg13 : memref<!tpu.dma_semaphore, #tpu.memory_space<semaphore_mem>>) src(%dma_wait3A_51 : memref<50000x8xf32, #tpu.memory_space<hbm>>) dst(%dma_wait3A_45 : memref<1000x8xf32, #tpu.memory_space<vmem>>)
      %dma_wait3A_52 = arith.constant 0 : i32
      %dma_wait3A_53 = arith.constant 0 : i32
      %dma_wait3A_54 = arith.constant 0 : i32
      %dma_wait3A_55 = arith.constant 0 : i32
      %dma_wait3A_56 = tpu.memref_slice %arg11[%dma_wait3A_53, %dma_wait3A_54, %dma_wait3A_55] : memref<2x1000x8xf32, #tpu.memory_space<vmem>> -> memref<1x1000x8xf32, #tpu.memory_space<vmem>>
      %dma_wait3A_57 = tpu.memref_squeeze %dma_wait3A_56 : memref<1x1000x8xf32, #tpu.memory_space<vmem>> -> memref<1000x8xf32, #tpu.memory_space<vmem>>
      %dma_wait3A_58 = arith.constant 0 : i32
      %dma_wait3A_59 = tpu.memref_slice %arg9[%dma_wait3A_52, %dma_wait3A_58] : memref<2x1000xi32, #tpu.memory_space<vmem>> -> memref<1x1000xi32, #tpu.memory_space<vmem>>
      %dma_wait3A_60 = tpu.memref_squeeze %dma_wait3A_59 : memref<1x1000xi32, #tpu.memory_space<vmem>> -> memref<1000xi32, #tpu.memory_space<vmem>>
      %dma_wait3A_61 = arith.constant 0 : i32
      %dma_wait3A_62 = arith.constant 0 : i32
      %dma_wait3A_63 = tpu.memref_slice %arg12[%dma_wait3A_61, %dma_wait3A_62] : memref<50000x8xf32, #tpu.memory_space<vmem_shared>> -> memref<50000x8xf32, #tpu.memory_space<vmem_shared>>
      tpu.wait_indirect_dma semaphore(%arg14 : memref<!tpu.dma_semaphore, #tpu.memory_space<semaphore_mem>>) src(%dma_wait3A_63 : memref<50000x8xf32, #tpu.memory_space<vmem_shared>>) dst(%dma_wait3A_57 : memref<1000x8xf32, #tpu.memory_space<vmem>>)
      %add3A_64 = arith.constant 1 : i32
      %add3A_65 = arith.addi %add3A_40, %add3A_64 : i32
      %lt3A = arith.constant 50 : i32
      %lt3A_66 = arith.cmpi slt, %add3A_65, %lt3A : i32
      %convert_element_type3A_67 = arith.extui %lt3A_66 : i1 to i32
      %cond3A_68 = arith.constant 0 : i32
      %cond3A_69 = arith.cmpi ne, %convert_element_type3A_67, %cond3A_68 : i32
      scf.if %cond3A_69 {
        %add3A_115 = arith.constant 1 : i32
        %add3A_116 = arith.addi %add3A_40, %add3A_115 : i32
        %mul3A_117 = arith.constant 1000 : i32
        %mul3A_118 = arith.muli %add3A_116, %mul3A_117 : i32
        %add3A_119 = arith.addi %mul3A_2, %mul3A_118 : i32
        %run_scoped3A_120 = arith.constant 1 : i32
        "tpu.region"() ({
          %run_scoped3A_146 = tpu.sem_alloc : memref<!tpu.dma_semaphore, #tpu.memory_space<semaphore_mem>>
          %dma_start3A_147 = arith.constant 0 : i32
          %dma_start3A_148 = tpu.memref_slice %arg8[%run_scoped3A_120, %dma_start3A_147] : memref<2x1000xi32, #tpu.memory_space<vmem>> -> memref<1x1000xi32, #tpu.memory_space<vmem>>
          %dma_start3A_149 = tpu.memref_squeeze %dma_start3A_148 : memref<1x1000xi32, #tpu.memory_space<vmem>> -> memref<1000xi32, #tpu.memory_space<vmem>>
          %dma_start3A_150 = tpu.memref_slice %arg4[%add3A_119] : memref<1600000xi32, #tpu.memory_space<hbm>> -> memref<1000xi32, #tpu.memory_space<hbm>>
          %dma_start3A_151 = arith.constant 0 : i32
          %dma_start3A_152 = tpu.memref_slice %arg8[%run_scoped3A_120, %dma_start3A_151] : memref<2x1000xi32, #tpu.memory_space<vmem>> -> memref<1x1000xi32, #tpu.memory_space<vmem>>
          %dma_start3A_153 = tpu.memref_squeeze %dma_start3A_152 : memref<1x1000xi32, #tpu.memory_space<vmem>> -> memref<1000xi32, #tpu.memory_space<vmem>>
          %dma_start3A_154 = tpu.memref_slice %arg4[%add3A_119] : memref<1600000xi32, #tpu.memory_space<hbm>> -> memref<1000xi32, #tpu.memory_space<hbm>>
          tpu.enqueue_dma source(%dma_start3A_154 : memref<1000xi32, #tpu.memory_space<hbm>>) target(%dma_start3A_153 : memref<1000xi32, #tpu.memory_space<vmem>>) target_semaphore(%run_scoped3A_146 : memref<!tpu.dma_semaphore, #tpu.memory_space<semaphore_mem>>)
          %dma_wait3A_155 = arith.constant 0 : i32
          %dma_wait3A_156 = tpu.memref_slice %arg8[%run_scoped3A_120, %dma_wait3A_155] : memref<2x1000xi32, #tpu.memory_space<vmem>> -> memref<1x1000xi32, #tpu.memory_space<vmem>>
          %dma_wait3A_157 = tpu.memref_squeeze %dma_wait3A_156 : memref<1x1000xi32, #tpu.memory_space<vmem>> -> memref<1000xi32, #tpu.memory_space<vmem>>
          %dma_wait3A_158 = tpu.memref_slice %arg4[%add3A_119] : memref<1600000xi32, #tpu.memory_space<hbm>> -> memref<1000xi32, #tpu.memory_space<hbm>>
          %dma_wait3A_159 = arith.constant 0 : i32
          %dma_wait3A_160 = tpu.memref_slice %arg8[%run_scoped3A_120, %dma_wait3A_159] : memref<2x1000xi32, #tpu.memory_space<vmem>> -> memref<1x1000xi32, #tpu.memory_space<vmem>>
          %dma_wait3A_161 = tpu.memref_squeeze %dma_wait3A_160 : memref<1x1000xi32, #tpu.memory_space<vmem>> -> memref<1000xi32, #tpu.memory_space<vmem>>
          %dma_wait3A_162 = tpu.memref_slice %arg4[%add3A_119] : memref<1600000xi32, #tpu.memory_space<hbm>> -> memref<1000xi32, #tpu.memory_space<hbm>>
          tpu.wait_dma2 semaphore(%run_scoped3A_146 : memref<!tpu.dma_semaphore, #tpu.memory_space<semaphore_mem>>) src(%dma_wait3A_162 : memref<1000xi32, #tpu.memory_space<hbm>>) dst(%dma_wait3A_161 : memref<1000xi32, #tpu.memory_space<vmem>>)
          tpu.yield
        }) : () -> ()
        %run_scoped3A_121 = arith.constant 1 : i32
        "tpu.region"() ({
          %run_scoped3A_146 = tpu.sem_alloc : memref<!tpu.dma_semaphore, #tpu.memory_space<semaphore_mem>>
          %dma_start3A_147 = arith.constant 0 : i32
          %dma_start3A_148 = tpu.memref_slice %arg9[%run_scoped3A_121, %dma_start3A_147] : memref<2x1000xi32, #tpu.memory_space<vmem>> -> memref<1x1000xi32, #tpu.memory_space<vmem>>
          %dma_start3A_149 = tpu.memref_squeeze %dma_start3A_148 : memref<1x1000xi32, #tpu.memory_space<vmem>> -> memref<1000xi32, #tpu.memory_space<vmem>>
          %dma_start3A_150 = tpu.memref_slice %arg5[%add3A_119] : memref<1600000xi32, #tpu.memory_space<hbm>> -> memref<1000xi32, #tpu.memory_space<hbm>>
          %dma_start3A_151 = arith.constant 0 : i32
          %dma_start3A_152 = tpu.memref_slice %arg9[%run_scoped3A_121, %dma_start3A_151] : memref<2x1000xi32, #tpu.memory_space<vmem>> -> memref<1x1000xi32, #tpu.memory_space<vmem>>
          %dma_start3A_153 = tpu.memref_squeeze %dma_start3A_152 : memref<1x1000xi32, #tpu.memory_space<vmem>> -> memref<1000xi32, #tpu.memory_space<vmem>>
          %dma_start3A_154 = tpu.memref_slice %arg5[%add3A_119] : memref<1600000xi32, #tpu.memory_space<hbm>> -> memref<1000xi32, #tpu.memory_space<hbm>>
          tpu.enqueue_dma source(%dma_start3A_154 : memref<1000xi32, #tpu.memory_space<hbm>>) target(%dma_start3A_153 : memref<1000xi32, #tpu.memory_space<vmem>>) target_semaphore(%run_scoped3A_146 : memref<!tpu.dma_semaphore, #tpu.memory_space<semaphore_mem>>)
          %dma_wait3A_155 = arith.constant 0 : i32
          %dma_wait3A_156 = tpu.memref_slice %arg9[%run_scoped3A_121, %dma_wait3A_155] : memref<2x1000xi32, #tpu.memory_space<vmem>> -> memref<1x1000xi32, #tpu.memory_space<vmem>>
          %dma_wait3A_157 = tpu.memref_squeeze %dma_wait3A_156 : memref<1x1000xi32, #tpu.memory_space<vmem>> -> memref<1000xi32, #tpu.memory_space<vmem>>
          %dma_wait3A_158 = tpu.memref_slice %arg5[%add3A_119] : memref<1600000xi32, #tpu.memory_space<hbm>> -> memref<1000xi32, #tpu.memory_space<hbm>>
          %dma_wait3A_159 = arith.constant 0 : i32
          %dma_wait3A_160 = tpu.memref_slice %arg9[%run_scoped3A_121, %dma_wait3A_159] : memref<2x1000xi32, #tpu.memory_space<vmem>> -> memref<1x1000xi32, #tpu.memory_space<vmem>>
          %dma_wait3A_161 = tpu.memref_squeeze %dma_wait3A_160 : memref<1x1000xi32, #tpu.memory_space<vmem>> -> memref<1000xi32, #tpu.memory_space<vmem>>
          %dma_wait3A_162 = tpu.memref_slice %arg5[%add3A_119] : memref<1600000xi32, #tpu.memory_space<hbm>> -> memref<1000xi32, #tpu.memory_space<hbm>>
          tpu.wait_dma2 semaphore(%run_scoped3A_146 : memref<!tpu.dma_semaphore, #tpu.memory_space<semaphore_mem>>) src(%dma_wait3A_162 : memref<1000xi32, #tpu.memory_space<hbm>>) dst(%dma_wait3A_161 : memref<1000xi32, #tpu.memory_space<vmem>>)
          tpu.yield
        }) : () -> ()
        %dma_start3A_122 = arith.constant 1 : i32
        %dma_start3A_123 = arith.constant 1 : i32
        %dma_start3A_124 = arith.constant 0 : i32
        %dma_start3A_125 = arith.constant 0 : i32
        %dma_start3A_126 = tpu.memref_slice %arg10[%dma_start3A_123, %dma_start3A_124, %dma_start3A_125] : memref<2x1000x8xf32, #tpu.memory_space<vmem>> -> memref<1x1000x8xf32, #tpu.memory_space<vmem>>
        %dma_start3A_127 = tpu.memref_squeeze %dma_start3A_126 : memref<1x1000x8xf32, #tpu.memory_space<vmem>> -> memref<1000x8xf32, #tpu.memory_space<vmem>>
        %dma_start3A_128 = arith.constant 0 : i32
        %dma_start3A_129 = tpu.memref_slice %arg8[%dma_start3A_122, %dma_start3A_128] : memref<2x1000xi32, #tpu.memory_space<vmem>> -> memref<1x1000xi32, #tpu.memory_space<vmem>>
        %dma_start3A_130 = tpu.memref_squeeze %dma_start3A_129 : memref<1x1000xi32, #tpu.memory_space<vmem>> -> memref<1000xi32, #tpu.memory_space<vmem>>
        %dma_start3A_131 = arith.constant 0 : i32
        %dma_start3A_132 = arith.constant 0 : i32
        %dma_start3A_133 = tpu.memref_slice %arg2[%dma_start3A_131, %dma_start3A_132] : memref<50000x8xf32, #tpu.memory_space<hbm>> -> memref<50000x8xf32, #tpu.memory_space<hbm>>
        tpu.enqueue_indirect_dma source(%dma_start3A_133 : memref<50000x8xf32, #tpu.memory_space<hbm>>) target(%dma_start3A_127 : memref<1000x8xf32, #tpu.memory_space<vmem>>) offsets(%dma_start3A_130 : memref<1000xi32, #tpu.memory_space<vmem>>) semaphore(%arg13 : memref<!tpu.dma_semaphore, #tpu.memory_space<semaphore_mem>>)
        %dma_start3A_134 = arith.constant 1 : i32
        %dma_start3A_135 = arith.constant 1 : i32
        %dma_start3A_136 = arith.constant 0 : i32
        %dma_start3A_137 = arith.constant 0 : i32
        %dma_start3A_138 = tpu.memref_slice %arg11[%dma_start3A_135, %dma_start3A_136, %dma_start3A_137] : memref<2x1000x8xf32, #tpu.memory_space<vmem>> -> memref<1x1000x8xf32, #tpu.memory_space<vmem>>
        %dma_start3A_139 = tpu.memref_squeeze %dma_start3A_138 : memref<1x1000x8xf32, #tpu.memory_space<vmem>> -> memref<1000x8xf32, #tpu.memory_space<vmem>>
        %dma_start3A_140 = arith.constant 0 : i32
        %dma_start3A_141 = tpu.memref_slice %arg9[%dma_start3A_134, %dma_start3A_140] : memref<2x1000xi32, #tpu.memory_space<vmem>> -> memref<1x1000xi32, #tpu.memory_space<vmem>>
        %dma_start3A_142 = tpu.memref_squeeze %dma_start3A_141 : memref<1x1000xi32, #tpu.memory_space<vmem>> -> memref<1000xi32, #tpu.memory_space<vmem>>
        %dma_start3A_143 = arith.constant 0 : i32
        %dma_start3A_144 = arith.constant 0 : i32
        %dma_start3A_145 = tpu.memref_slice %arg12[%dma_start3A_143, %dma_start3A_144] : memref<50000x8xf32, #tpu.memory_space<vmem_shared>> -> memref<50000x8xf32, #tpu.memory_space<vmem_shared>>
        tpu.enqueue_indirect_dma source(%dma_start3A_145 : memref<50000x8xf32, #tpu.memory_space<vmem_shared>>) target(%dma_start3A_139 : memref<1000x8xf32, #tpu.memory_space<vmem>>) offsets(%dma_start3A_142 : memref<1000xi32, #tpu.memory_space<vmem>>) semaphore(%arg14 : memref<!tpu.dma_semaphore, #tpu.memory_space<semaphore_mem>>)
      } else {
      }
      %mul3A_70 = arith.constant 1000 : i32
      %mul3A_71 = arith.muli %add3A_40, %mul3A_70 : i32
      %add3A_72 = arith.addi %mul3A_2, %mul3A_71 : i32
      %run_scoped3A_73 = arith.constant 0 : i32
      "tpu.region"() ({
        %run_scoped3A_115 = tpu.sem_alloc : memref<!tpu.dma_semaphore, #tpu.memory_space<semaphore_mem>>
        %dma_start3A_116 = arith.constant 0 : i32
        %dma_start3A_117 = arith.constant 0 : i32
        %dma_start3A_118 = tpu.memref_slice %arg10[%run_scoped3A_73, %dma_start3A_116, %dma_start3A_117] : memref<2x1000x8xf32, #tpu.memory_space<vmem>> -> memref<1x1000x8xf32, #tpu.memory_space<vmem>>
        %dma_start3A_119 = tpu.memref_squeeze %dma_start3A_118 : memref<1x1000x8xf32, #tpu.memory_space<vmem>> -> memref<1000x8xf32, #tpu.memory_space<vmem>>
        %dma_start3A_120 = arith.constant 0 : i32
        %dma_start3A_121 = tpu.memref_slice %arg6[%add3A_72, %dma_start3A_120] : memref<1600000x8xf32, #tpu.memory_space<hbm>> -> memref<1000x8xf32, #tpu.memory_space<hbm>>
        %dma_start3A_122 = arith.constant 0 : i32
        %dma_start3A_123 = tpu.memref_slice %arg6[%add3A_72, %dma_start3A_122] : memref<1600000x8xf32, #tpu.memory_space<hbm>> -> memref<1000x8xf32, #tpu.memory_space<hbm>>
        %dma_start3A_124 = arith.constant 0 : i32
        %dma_start3A_125 = arith.constant 0 : i32
        %dma_start3A_126 = tpu.memref_slice %arg10[%run_scoped3A_73, %dma_start3A_124, %dma_start3A_125] : memref<2x1000x8xf32, #tpu.memory_space<vmem>> -> memref<1x1000x8xf32, #tpu.memory_space<vmem>>
        %dma_start3A_127 = tpu.memref_squeeze %dma_start3A_126 : memref<1x1000x8xf32, #tpu.memory_space<vmem>> -> memref<1000x8xf32, #tpu.memory_space<vmem>>
        tpu.enqueue_dma source(%dma_start3A_127 : memref<1000x8xf32, #tpu.memory_space<vmem>>) target(%dma_start3A_123 : memref<1000x8xf32, #tpu.memory_space<hbm>>) target_semaphore(%run_scoped3A_115 : memref<!tpu.dma_semaphore, #tpu.memory_space<semaphore_mem>>)
        %dma_wait3A_128 = arith.constant 0 : i32
        %dma_wait3A_129 = arith.constant 0 : i32
        %dma_wait3A_130 = tpu.memref_slice %arg10[%run_scoped3A_73, %dma_wait3A_128, %dma_wait3A_129] : memref<2x1000x8xf32, #tpu.memory_space<vmem>> -> memref<1x1000x8xf32, #tpu.memory_space<vmem>>
        %dma_wait3A_131 = tpu.memref_squeeze %dma_wait3A_130 : memref<1x1000x8xf32, #tpu.memory_space<vmem>> -> memref<1000x8xf32, #tpu.memory_space<vmem>>
        %dma_wait3A_132 = arith.constant 0 : i32
        %dma_wait3A_133 = tpu.memref_slice %arg6[%add3A_72, %dma_wait3A_132] : memref<1600000x8xf32, #tpu.memory_space<hbm>> -> memref<1000x8xf32, #tpu.memory_space<hbm>>
        %dma_wait3A_134 = arith.constant 0 : i32
        %dma_wait3A_135 = tpu.memref_slice %arg6[%add3A_72, %dma_wait3A_134] : memref<1600000x8xf32, #tpu.memory_space<hbm>> -> memref<1000x8xf32, #tpu.memory_space<hbm>>
        %dma_wait3A_136 = arith.constant 0 : i32
        %dma_wait3A_137 = arith.constant 0 : i32
        %dma_wait3A_138 = tpu.memref_slice %arg10[%run_scoped3A_73, %dma_wait3A_136, %dma_wait3A_137] : memref<2x1000x8xf32, #tpu.memory_space<vmem>> -> memref<1x1000x8xf32, #tpu.memory_space<vmem>>
        %dma_wait3A_139 = tpu.memref_squeeze %dma_wait3A_138 : memref<1x1000x8xf32, #tpu.memory_space<vmem>> -> memref<1000x8xf32, #tpu.memory_space<vmem>>
        tpu.wait_dma2 semaphore(%run_scoped3A_115 : memref<!tpu.dma_semaphore, #tpu.memory_space<semaphore_mem>>) src(%dma_wait3A_139 : memref<1000x8xf32, #tpu.memory_space<vmem>>) dst(%dma_wait3A_135 : memref<1000x8xf32, #tpu.memory_space<hbm>>)
        tpu.yield
      }) : () -> ()
      %run_scoped3A_74 = arith.constant 0 : i32
      "tpu.region"() ({
        %run_scoped3A_115 = tpu.sem_alloc : memref<!tpu.dma_semaphore, #tpu.memory_space<semaphore_mem>>
        %dma_start3A_116 = arith.constant 0 : i32
        %dma_start3A_117 = arith.constant 0 : i32
        %dma_start3A_118 = tpu.memref_slice %arg11[%run_scoped3A_74, %dma_start3A_116, %dma_start3A_117] : memref<2x1000x8xf32, #tpu.memory_space<vmem>> -> memref<1x1000x8xf32, #tpu.memory_space<vmem>>
        %dma_start3A_119 = tpu.memref_squeeze %dma_start3A_118 : memref<1x1000x8xf32, #tpu.memory_space<vmem>> -> memref<1000x8xf32, #tpu.memory_space<vmem>>
        %dma_start3A_120 = arith.constant 0 : i32
        %dma_start3A_121 = tpu.memref_slice %arg7[%add3A_72, %dma_start3A_120] : memref<1600000x8xf32, #tpu.memory_space<hbm>> -> memref<1000x8xf32, #tpu.memory_space<hbm>>
        %dma_start3A_122 = arith.constant 0 : i32
        %dma_start3A_123 = tpu.memref_slice %arg7[%add3A_72, %dma_start3A_122] : memref<1600000x8xf32, #tpu.memory_space<hbm>> -> memref<1000x8xf32, #tpu.memory_space<hbm>>
        %dma_start3A_124 = arith.constant 0 : i32
        %dma_start3A_125 = arith.constant 0 : i32
        %dma_start3A_126 = tpu.memref_slice %arg11[%run_scoped3A_74, %dma_start3A_124, %dma_start3A_125] : memref<2x1000x8xf32, #tpu.memory_space<vmem>> -> memref<1x1000x8xf32, #tpu.memory_space<vmem>>
        %dma_start3A_127 = tpu.memref_squeeze %dma_start3A_126 : memref<1x1000x8xf32, #tpu.memory_space<vmem>> -> memref<1000x8xf32, #tpu.memory_space<vmem>>
        tpu.enqueue_dma source(%dma_start3A_127 : memref<1000x8xf32, #tpu.memory_space<vmem>>) target(%dma_start3A_123 : memref<1000x8xf32, #tpu.memory_space<hbm>>) target_semaphore(%run_scoped3A_115 : memref<!tpu.dma_semaphore, #tpu.memory_space<semaphore_mem>>)
        %dma_wait3A_128 = arith.constant 0 : i32
        %dma_wait3A_129 = arith.constant 0 : i32
        %dma_wait3A_130 = tpu.memref_slice %arg11[%run_scoped3A_74, %dma_wait3A_128, %dma_wait3A_129] : memref<2x1000x8xf32, #tpu.memory_space<vmem>> -> memref<1x1000x8xf32, #tpu.memory_space<vmem>>
        %dma_wait3A_131 = tpu.memref_squeeze %dma_wait3A_130 : memref<1x1000x8xf32, #tpu.memory_space<vmem>> -> memref<1000x8xf32, #tpu.memory_space<vmem>>
        %dma_wait3A_132 = arith.constant 0 : i32
        %dma_wait3A_133 = tpu.memref_slice %arg7[%add3A_72, %dma_wait3A_132] : memref<1600000x8xf32, #tpu.memory_space<hbm>> -> memref<1000x8xf32, #tpu.memory_space<hbm>>
        %dma_wait3A_134 = arith.constant 0 : i32
        %dma_wait3A_135 = tpu.memref_slice %arg7[%add3A_72, %dma_wait3A_134] : memref<1600000x8xf32, #tpu.memory_space<hbm>> -> memref<1000x8xf32, #tpu.memory_space<hbm>>
        %dma_wait3A_136 = arith.constant 0 : i32
        %dma_wait3A_137 = arith.constant 0 : i32
        %dma_wait3A_138 = tpu.memref_slice %arg11[%run_scoped3A_74, %dma_wait3A_136, %dma_wait3A_137] : memref<2x1000x8xf32, #tpu.memory_space<vmem>> -> memref<1x1000x8xf32, #tpu.memory_space<vmem>>
        %dma_wait3A_139 = tpu.memref_squeeze %dma_wait3A_138 : memref<1x1000x8xf32, #tpu.memory_space<vmem>> -> memref<1000x8xf32, #tpu.memory_space<vmem>>
        tpu.wait_dma2 semaphore(%run_scoped3A_115 : memref<!tpu.dma_semaphore, #tpu.memory_space<semaphore_mem>>) src(%dma_wait3A_139 : memref<1000x8xf32, #tpu.memory_space<vmem>>) dst(%dma_wait3A_135 : memref<1000x8xf32, #tpu.memory_space<hbm>>)
        tpu.yield
      }) : () -> ()
      %mul3A_75 = arith.constant 2 : i32
      %mul3A_76 = arith.muli %mul3A_75, %scan3A_36 : i32
      %add3A_77 = arith.constant 1 : i32
      %add3A_78 = arith.addi %mul3A_76, %add3A_77 : i32
      %dma_wait3A_79 = arith.constant 1 : i32
      %dma_wait3A_80 = arith.constant 1 : i32
      %dma_wait3A_81 = arith.constant 0 : i32
      %dma_wait3A_82 = arith.constant 0 : i32
      %dma_wait3A_83 = tpu.memref_slice %arg10[%dma_wait3A_80, %dma_wait3A_81, %dma_wait3A_82] : memref<2x1000x8xf32, #tpu.memory_space<vmem>> -> memref<1x1000x8xf32, #tpu.memory_space<vmem>>
      %dma_wait3A_84 = tpu.memref_squeeze %dma_wait3A_83 : memref<1x1000x8xf32, #tpu.memory_space<vmem>> -> memref<1000x8xf32, #tpu.memory_space<vmem>>
      %dma_wait3A_85 = arith.constant 0 : i32
      %dma_wait3A_86 = tpu.memref_slice %arg8[%dma_wait3A_79, %dma_wait3A_85] : memref<2x1000xi32, #tpu.memory_space<vmem>> -> memref<1x1000xi32, #tpu.memory_space<vmem>>
      %dma_wait3A_87 = tpu.memref_squeeze %dma_wait3A_86 : memref<1x1000xi32, #tpu.memory_space<vmem>> -> memref<1000xi32, #tpu.memory_space<vmem>>
      %dma_wait3A_88 = arith.constant 0 : i32
      %dma_wait3A_89 = arith.constant 0 : i32
      %dma_wait3A_90 = tpu.memref_slice %arg2[%dma_wait3A_88, %dma_wait3A_89] : memref<50000x8xf32, #tpu.memory_space<hbm>> -> memref<50000x8xf32, #tpu.memory_space<hbm>>
      tpu.wait_indirect_dma semaphore(%arg13 : memref<!tpu.dma_semaphore, #tpu.memory_space<semaphore_mem>>) src(%dma_wait3A_90 : memref<50000x8xf32, #tpu.memory_space<hbm>>) dst(%dma_wait3A_84 : memref<1000x8xf32, #tpu.memory_space<vmem>>)
      %dma_wait3A_91 = arith.constant 1 : i32
      %dma_wait3A_92 = arith.constant 1 : i32
      %dma_wait3A_93 = arith.constant 0 : i32
      %dma_wait3A_94 = arith.constant 0 : i32
      %dma_wait3A_95 = tpu.memref_slice %arg11[%dma_wait3A_92, %dma_wait3A_93, %dma_wait3A_94] : memref<2x1000x8xf32, #tpu.memory_space<vmem>> -> memref<1x1000x8xf32, #tpu.memory_space<vmem>>
      %dma_wait3A_96 = tpu.memref_squeeze %dma_wait3A_95 : memref<1x1000x8xf32, #tpu.memory_space<vmem>> -> memref<1000x8xf32, #tpu.memory_space<vmem>>
      %dma_wait3A_97 = arith.constant 0 : i32
      %dma_wait3A_98 = tpu.memref_slice %arg9[%dma_wait3A_91, %dma_wait3A_97] : memref<2x1000xi32, #tpu.memory_space<vmem>> -> memref<1x1000xi32, #tpu.memory_space<vmem>>
      %dma_wait3A_99 = tpu.memref_squeeze %dma_wait3A_98 : memref<1x1000xi32, #tpu.memory_space<vmem>> -> memref<1000xi32, #tpu.memory_space<vmem>>
      %dma_wait3A_100 = arith.constant 0 : i32
      %dma_wait3A_101 = arith.constant 0 : i32
      %dma_wait3A_102 = tpu.memref_slice %arg12[%dma_wait3A_100, %dma_wait3A_101] : memref<50000x8xf32, #tpu.memory_space<vmem_shared>> -> memref<50000x8xf32, #tpu.memory_space<vmem_shared>>
      tpu.wait_indirect_dma semaphore(%arg14 : memref<!tpu.dma_semaphore, #tpu.memory_space<semaphore_mem>>) src(%dma_wait3A_102 : memref<50000x8xf32, #tpu.memory_space<vmem_shared>>) dst(%dma_wait3A_96 : memref<1000x8xf32, #tpu.memory_space<vmem>>)
      %add3A_103 = arith.constant 1 : i32
      %add3A_104 = arith.addi %add3A_78, %add3A_103 : i32
      %lt3A_105 = arith.constant 50 : i32
      %lt3A_106 = arith.cmpi slt, %add3A_104, %lt3A_105 : i32
      %convert_element_type3A_107 = arith.extui %lt3A_106 : i1 to i32
      %cond3A_108 = arith.constant 0 : i32
      %cond3A_109 = arith.cmpi ne, %convert_element_type3A_107, %cond3A_108 : i32
      scf.if %cond3A_109 {
        %add3A_115 = arith.constant 1 : i32
        %add3A_116 = arith.addi %add3A_78, %add3A_115 : i32
        %mul3A_117 = arith.constant 1000 : i32
        %mul3A_118 = arith.muli %add3A_116, %mul3A_117 : i32
        %add3A_119 = arith.addi %mul3A_2, %mul3A_118 : i32
        %run_scoped3A_120 = arith.constant 0 : i32
        "tpu.region"() ({
          %run_scoped3A_146 = tpu.sem_alloc : memref<!tpu.dma_semaphore, #tpu.memory_space<semaphore_mem>>
          %dma_start3A_147 = arith.constant 0 : i32
          %dma_start3A_148 = tpu.memref_slice %arg8[%run_scoped3A_120, %dma_start3A_147] : memref<2x1000xi32, #tpu.memory_space<vmem>> -> memref<1x1000xi32, #tpu.memory_space<vmem>>
          %dma_start3A_149 = tpu.memref_squeeze %dma_start3A_148 : memref<1x1000xi32, #tpu.memory_space<vmem>> -> memref<1000xi32, #tpu.memory_space<vmem>>
          %dma_start3A_150 = tpu.memref_slice %arg4[%add3A_119] : memref<1600000xi32, #tpu.memory_space<hbm>> -> memref<1000xi32, #tpu.memory_space<hbm>>
          %dma_start3A_151 = arith.constant 0 : i32
          %dma_start3A_152 = tpu.memref_slice %arg8[%run_scoped3A_120, %dma_start3A_151] : memref<2x1000xi32, #tpu.memory_space<vmem>> -> memref<1x1000xi32, #tpu.memory_space<vmem>>
          %dma_start3A_153 = tpu.memref_squeeze %dma_start3A_152 : memref<1x1000xi32, #tpu.memory_space<vmem>> -> memref<1000xi32, #tpu.memory_space<vmem>>
          %dma_start3A_154 = tpu.memref_slice %arg4[%add3A_119] : memref<1600000xi32, #tpu.memory_space<hbm>> -> memref<1000xi32, #tpu.memory_space<hbm>>
          tpu.enqueue_dma source(%dma_start3A_154 : memref<1000xi32, #tpu.memory_space<hbm>>) target(%dma_start3A_153 : memref<1000xi32, #tpu.memory_space<vmem>>) target_semaphore(%run_scoped3A_146 : memref<!tpu.dma_semaphore, #tpu.memory_space<semaphore_mem>>)
          %dma_wait3A_155 = arith.constant 0 : i32
          %dma_wait3A_156 = tpu.memref_slice %arg8[%run_scoped3A_120, %dma_wait3A_155] : memref<2x1000xi32, #tpu.memory_space<vmem>> -> memref<1x1000xi32, #tpu.memory_space<vmem>>
          %dma_wait3A_157 = tpu.memref_squeeze %dma_wait3A_156 : memref<1x1000xi32, #tpu.memory_space<vmem>> -> memref<1000xi32, #tpu.memory_space<vmem>>
          %dma_wait3A_158 = tpu.memref_slice %arg4[%add3A_119] : memref<1600000xi32, #tpu.memory_space<hbm>> -> memref<1000xi32, #tpu.memory_space<hbm>>
          %dma_wait3A_159 = arith.constant 0 : i32
          %dma_wait3A_160 = tpu.memref_slice %arg8[%run_scoped3A_120, %dma_wait3A_159] : memref<2x1000xi32, #tpu.memory_space<vmem>> -> memref<1x1000xi32, #tpu.memory_space<vmem>>
          %dma_wait3A_161 = tpu.memref_squeeze %dma_wait3A_160 : memref<1x1000xi32, #tpu.memory_space<vmem>> -> memref<1000xi32, #tpu.memory_space<vmem>>
          %dma_wait3A_162 = tpu.memref_slice %arg4[%add3A_119] : memref<1600000xi32, #tpu.memory_space<hbm>> -> memref<1000xi32, #tpu.memory_space<hbm>>
          tpu.wait_dma2 semaphore(%run_scoped3A_146 : memref<!tpu.dma_semaphore, #tpu.memory_space<semaphore_mem>>) src(%dma_wait3A_162 : memref<1000xi32, #tpu.memory_space<hbm>>) dst(%dma_wait3A_161 : memref<1000xi32, #tpu.memory_space<vmem>>)
          tpu.yield
        }) : () -> ()
        %run_scoped3A_121 = arith.constant 0 : i32
        "tpu.region"() ({
          %run_scoped3A_146 = tpu.sem_alloc : memref<!tpu.dma_semaphore, #tpu.memory_space<semaphore_mem>>
          %dma_start3A_147 = arith.constant 0 : i32
          %dma_start3A_148 = tpu.memref_slice %arg9[%run_scoped3A_121, %dma_start3A_147] : memref<2x1000xi32, #tpu.memory_space<vmem>> -> memref<1x1000xi32, #tpu.memory_space<vmem>>
          %dma_start3A_149 = tpu.memref_squeeze %dma_start3A_148 : memref<1x1000xi32, #tpu.memory_space<vmem>> -> memref<1000xi32, #tpu.memory_space<vmem>>
          %dma_start3A_150 = tpu.memref_slice %arg5[%add3A_119] : memref<1600000xi32, #tpu.memory_space<hbm>> -> memref<1000xi32, #tpu.memory_space<hbm>>
          %dma_start3A_151 = arith.constant 0 : i32
          %dma_start3A_152 = tpu.memref_slice %arg9[%run_scoped3A_121, %dma_start3A_151] : memref<2x1000xi32, #tpu.memory_space<vmem>> -> memref<1x1000xi32, #tpu.memory_space<vmem>>
          %dma_start3A_153 = tpu.memref_squeeze %dma_start3A_152 : memref<1x1000xi32, #tpu.memory_space<vmem>> -> memref<1000xi32, #tpu.memory_space<vmem>>
          %dma_start3A_154 = tpu.memref_slice %arg5[%add3A_119] : memref<1600000xi32, #tpu.memory_space<hbm>> -> memref<1000xi32, #tpu.memory_space<hbm>>
          tpu.enqueue_dma source(%dma_start3A_154 : memref<1000xi32, #tpu.memory_space<hbm>>) target(%dma_start3A_153 : memref<1000xi32, #tpu.memory_space<vmem>>) target_semaphore(%run_scoped3A_146 : memref<!tpu.dma_semaphore, #tpu.memory_space<semaphore_mem>>)
          %dma_wait3A_155 = arith.constant 0 : i32
          %dma_wait3A_156 = tpu.memref_slice %arg9[%run_scoped3A_121, %dma_wait3A_155] : memref<2x1000xi32, #tpu.memory_space<vmem>> -> memref<1x1000xi32, #tpu.memory_space<vmem>>
          %dma_wait3A_157 = tpu.memref_squeeze %dma_wait3A_156 : memref<1x1000xi32, #tpu.memory_space<vmem>> -> memref<1000xi32, #tpu.memory_space<vmem>>
          %dma_wait3A_158 = tpu.memref_slice %arg5[%add3A_119] : memref<1600000xi32, #tpu.memory_space<hbm>> -> memref<1000xi32, #tpu.memory_space<hbm>>
          %dma_wait3A_159 = arith.constant 0 : i32
          %dma_wait3A_160 = tpu.memref_slice %arg9[%run_scoped3A_121, %dma_wait3A_159] : memref<2x1000xi32, #tpu.memory_space<vmem>> -> memref<1x1000xi32, #tpu.memory_space<vmem>>
          %dma_wait3A_161 = tpu.memref_squeeze %dma_wait3A_160 : memref<1x1000xi32, #tpu.memory_space<vmem>> -> memref<1000xi32, #tpu.memory_space<vmem>>
          %dma_wait3A_162 = tpu.memref_slice %arg5[%add3A_119] : memref<1600000xi32, #tpu.memory_space<hbm>> -> memref<1000xi32, #tpu.memory_space<hbm>>
          tpu.wait_dma2 semaphore(%run_scoped3A_146 : memref<!tpu.dma_semaphore, #tpu.memory_space<semaphore_mem>>) src(%dma_wait3A_162 : memref<1000xi32, #tpu.memory_space<hbm>>) dst(%dma_wait3A_161 : memref<1000xi32, #tpu.memory_space<vmem>>)
          tpu.yield
        }) : () -> ()
        %dma_start3A_122 = arith.constant 0 : i32
        %dma_start3A_123 = arith.constant 0 : i32
        %dma_start3A_124 = arith.constant 0 : i32
        %dma_start3A_125 = arith.constant 0 : i32
        %dma_start3A_126 = tpu.memref_slice %arg10[%dma_start3A_123, %dma_start3A_124, %dma_start3A_125] : memref<2x1000x8xf32, #tpu.memory_space<vmem>> -> memref<1x1000x8xf32, #tpu.memory_space<vmem>>
        %dma_start3A_127 = tpu.memref_squeeze %dma_start3A_126 : memref<1x1000x8xf32, #tpu.memory_space<vmem>> -> memref<1000x8xf32, #tpu.memory_space<vmem>>
        %dma_start3A_128 = arith.constant 0 : i32
        %dma_start3A_129 = tpu.memref_slice %arg8[%dma_start3A_122, %dma_start3A_128] : memref<2x1000xi32, #tpu.memory_space<vmem>> -> memref<1x1000xi32, #tpu.memory_space<vmem>>
        %dma_start3A_130 = tpu.memref_squeeze %dma_start3A_129 : memref<1x1000xi32, #tpu.memory_space<vmem>> -> memref<1000xi32, #tpu.memory_space<vmem>>
        %dma_start3A_131 = arith.constant 0 : i32
        %dma_start3A_132 = arith.constant 0 : i32
        %dma_start3A_133 = tpu.memref_slice %arg2[%dma_start3A_131, %dma_start3A_132] : memref<50000x8xf32, #tpu.memory_space<hbm>> -> memref<50000x8xf32, #tpu.memory_space<hbm>>
        tpu.enqueue_indirect_dma source(%dma_start3A_133 : memref<50000x8xf32, #tpu.memory_space<hbm>>) target(%dma_start3A_127 : memref<1000x8xf32, #tpu.memory_space<vmem>>) offsets(%dma_start3A_130 : memref<1000xi32, #tpu.memory_space<vmem>>) semaphore(%arg13 : memref<!tpu.dma_semaphore, #tpu.memory_space<semaphore_mem>>)
        %dma_start3A_134 = arith.constant 0 : i32
        %dma_start3A_135 = arith.constant 0 : i32
        %dma_start3A_136 = arith.constant 0 : i32
        %dma_start3A_137 = arith.constant 0 : i32
        %dma_start3A_138 = tpu.memref_slice %arg11[%dma_start3A_135, %dma_start3A_136, %dma_start3A_137] : memref<2x1000x8xf32, #tpu.memory_space<vmem>> -> memref<1x1000x8xf32, #tpu.memory_space<vmem>>
        %dma_start3A_139 = tpu.memref_squeeze %dma_start3A_138 : memref<1x1000x8xf32, #tpu.memory_space<vmem>> -> memref<1000x8xf32, #tpu.memory_space<vmem>>
        %dma_start3A_140 = arith.constant 0 : i32
        %dma_start3A_141 = tpu.memref_slice %arg9[%dma_start3A_134, %dma_start3A_140] : memref<2x1000xi32, #tpu.memory_space<vmem>> -> memref<1x1000xi32, #tpu.memory_space<vmem>>
        %dma_start3A_142 = tpu.memref_squeeze %dma_start3A_141 : memref<1x1000xi32, #tpu.memory_space<vmem>> -> memref<1000xi32, #tpu.memory_space<vmem>>
        %dma_start3A_143 = arith.constant 0 : i32
        %dma_start3A_144 = arith.constant 0 : i32
        %dma_start3A_145 = tpu.memref_slice %arg12[%dma_start3A_143, %dma_start3A_144] : memref<50000x8xf32, #tpu.memory_space<vmem_shared>> -> memref<50000x8xf32, #tpu.memory_space<vmem_shared>>
        tpu.enqueue_indirect_dma source(%dma_start3A_145 : memref<50000x8xf32, #tpu.memory_space<vmem_shared>>) target(%dma_start3A_139 : memref<1000x8xf32, #tpu.memory_space<vmem>>) offsets(%dma_start3A_142 : memref<1000xi32, #tpu.memory_space<vmem>>) semaphore(%arg14 : memref<!tpu.dma_semaphore, #tpu.memory_space<semaphore_mem>>)
      } else {
      }
      %mul3A_110 = arith.constant 1000 : i32
      %mul3A_111 = arith.muli %add3A_78, %mul3A_110 : i32
      %add3A_112 = arith.addi %mul3A_2, %mul3A_111 : i32
      %run_scoped3A_113 = arith.constant 1 : i32
      "tpu.region"() ({
        %run_scoped3A_115 = tpu.sem_alloc : memref<!tpu.dma_semaphore, #tpu.memory_space<semaphore_mem>>
        %dma_start3A_116 = arith.constant 0 : i32
        %dma_start3A_117 = arith.constant 0 : i32
        %dma_start3A_118 = tpu.memref_slice %arg10[%run_scoped3A_113, %dma_start3A_116, %dma_start3A_117] : memref<2x1000x8xf32, #tpu.memory_space<vmem>> -> memref<1x1000x8xf32, #tpu.memory_space<vmem>>
        %dma_start3A_119 = tpu.memref_squeeze %dma_start3A_118 : memref<1x1000x8xf32, #tpu.memory_space<vmem>> -> memref<1000x8xf32, #tpu.memory_space<vmem>>
        %dma_start3A_120 = arith.constant 0 : i32
        %dma_start3A_121 = tpu.memref_slice %arg6[%add3A_112, %dma_start3A_120] : memref<1600000x8xf32, #tpu.memory_space<hbm>> -> memref<1000x8xf32, #tpu.memory_space<hbm>>
        %dma_start3A_122 = arith.constant 0 : i32
        %dma_start3A_123 = tpu.memref_slice %arg6[%add3A_112, %dma_start3A_122] : memref<1600000x8xf32, #tpu.memory_space<hbm>> -> memref<1000x8xf32, #tpu.memory_space<hbm>>
        %dma_start3A_124 = arith.constant 0 : i32
        %dma_start3A_125 = arith.constant 0 : i32
        %dma_start3A_126 = tpu.memref_slice %arg10[%run_scoped3A_113, %dma_start3A_124, %dma_start3A_125] : memref<2x1000x8xf32, #tpu.memory_space<vmem>> -> memref<1x1000x8xf32, #tpu.memory_space<vmem>>
        %dma_start3A_127 = tpu.memref_squeeze %dma_start3A_126 : memref<1x1000x8xf32, #tpu.memory_space<vmem>> -> memref<1000x8xf32, #tpu.memory_space<vmem>>
        tpu.enqueue_dma source(%dma_start3A_127 : memref<1000x8xf32, #tpu.memory_space<vmem>>) target(%dma_start3A_123 : memref<1000x8xf32, #tpu.memory_space<hbm>>) target_semaphore(%run_scoped3A_115 : memref<!tpu.dma_semaphore, #tpu.memory_space<semaphore_mem>>)
        %dma_wait3A_128 = arith.constant 0 : i32
        %dma_wait3A_129 = arith.constant 0 : i32
        %dma_wait3A_130 = tpu.memref_slice %arg10[%run_scoped3A_113, %dma_wait3A_128, %dma_wait3A_129] : memref<2x1000x8xf32, #tpu.memory_space<vmem>> -> memref<1x1000x8xf32, #tpu.memory_space<vmem>>
        %dma_wait3A_131 = tpu.memref_squeeze %dma_wait3A_130 : memref<1x1000x8xf32, #tpu.memory_space<vmem>> -> memref<1000x8xf32, #tpu.memory_space<vmem>>
        %dma_wait3A_132 = arith.constant 0 : i32
        %dma_wait3A_133 = tpu.memref_slice %arg6[%add3A_112, %dma_wait3A_132] : memref<1600000x8xf32, #tpu.memory_space<hbm>> -> memref<1000x8xf32, #tpu.memory_space<hbm>>
        %dma_wait3A_134 = arith.constant 0 : i32
        %dma_wait3A_135 = tpu.memref_slice %arg6[%add3A_112, %dma_wait3A_134] : memref<1600000x8xf32, #tpu.memory_space<hbm>> -> memref<1000x8xf32, #tpu.memory_space<hbm>>
        %dma_wait3A_136 = arith.constant 0 : i32
        %dma_wait3A_137 = arith.constant 0 : i32
        %dma_wait3A_138 = tpu.memref_slice %arg10[%run_scoped3A_113, %dma_wait3A_136, %dma_wait3A_137] : memref<2x1000x8xf32, #tpu.memory_space<vmem>> -> memref<1x1000x8xf32, #tpu.memory_space<vmem>>
        %dma_wait3A_139 = tpu.memref_squeeze %dma_wait3A_138 : memref<1x1000x8xf32, #tpu.memory_space<vmem>> -> memref<1000x8xf32, #tpu.memory_space<vmem>>
        tpu.wait_dma2 semaphore(%run_scoped3A_115 : memref<!tpu.dma_semaphore, #tpu.memory_space<semaphore_mem>>) src(%dma_wait3A_139 : memref<1000x8xf32, #tpu.memory_space<vmem>>) dst(%dma_wait3A_135 : memref<1000x8xf32, #tpu.memory_space<hbm>>)
        tpu.yield
      }) : () -> ()
      %run_scoped3A_114 = arith.constant 1 : i32
      "tpu.region"() ({
        %run_scoped3A_115 = tpu.sem_alloc : memref<!tpu.dma_semaphore, #tpu.memory_space<semaphore_mem>>
        %dma_start3A_116 = arith.constant 0 : i32
        %dma_start3A_117 = arith.constant 0 : i32
        %dma_start3A_118 = tpu.memref_slice %arg11[%run_scoped3A_114, %dma_start3A_116, %dma_start3A_117] : memref<2x1000x8xf32, #tpu.memory_space<vmem>> -> memref<1x1000x8xf32, #tpu.memory_space<vmem>>
        %dma_start3A_119 = tpu.memref_squeeze %dma_start3A_118 : memref<1x1000x8xf32, #tpu.memory_space<vmem>> -> memref<1000x8xf32, #tpu.memory_space<vmem>>
        %dma_start3A_120 = arith.constant 0 : i32
        %dma_start3A_121 = tpu.memref_slice %arg7[%add3A_112, %dma_start3A_120] : memref<1600000x8xf32, #tpu.memory_space<hbm>> -> memref<1000x8xf32, #tpu.memory_space<hbm>>
        %dma_start3A_122 = arith.constant 0 : i32
        %dma_start3A_123 = tpu.memref_slice %arg7[%add3A_112, %dma_start3A_122] : memref<1600000x8xf32, #tpu.memory_space<hbm>> -> memref<1000x8xf32, #tpu.memory_space<hbm>>
        %dma_start3A_124 = arith.constant 0 : i32
        %dma_start3A_125 = arith.constant 0 : i32
        %dma_start3A_126 = tpu.memref_slice %arg11[%run_scoped3A_114, %dma_start3A_124, %dma_start3A_125] : memref<2x1000x8xf32, #tpu.memory_space<vmem>> -> memref<1x1000x8xf32, #tpu.memory_space<vmem>>
        %dma_start3A_127 = tpu.memref_squeeze %dma_start3A_126 : memref<1x1000x8xf32, #tpu.memory_space<vmem>> -> memref<1000x8xf32, #tpu.memory_space<vmem>>
        tpu.enqueue_dma source(%dma_start3A_127 : memref<1000x8xf32, #tpu.memory_space<vmem>>) target(%dma_start3A_123 : memref<1000x8xf32, #tpu.memory_space<hbm>>) target_semaphore(%run_scoped3A_115 : memref<!tpu.dma_semaphore, #tpu.memory_space<semaphore_mem>>)
        %dma_wait3A_128 = arith.constant 0 : i32
        %dma_wait3A_129 = arith.constant 0 : i32
        %dma_wait3A_130 = tpu.memref_slice %arg11[%run_scoped3A_114, %dma_wait3A_128, %dma_wait3A_129] : memref<2x1000x8xf32, #tpu.memory_space<vmem>> -> memref<1x1000x8xf32, #tpu.memory_space<vmem>>
        %dma_wait3A_131 = tpu.memref_squeeze %dma_wait3A_130 : memref<1x1000x8xf32, #tpu.memory_space<vmem>> -> memref<1000x8xf32, #tpu.memory_space<vmem>>
        %dma_wait3A_132 = arith.constant 0 : i32
        %dma_wait3A_133 = tpu.memref_slice %arg7[%add3A_112, %dma_wait3A_132] : memref<1600000x8xf32, #tpu.memory_space<hbm>> -> memref<1000x8xf32, #tpu.memory_space<hbm>>
        %dma_wait3A_134 = arith.constant 0 : i32
        %dma_wait3A_135 = tpu.memref_slice %arg7[%add3A_112, %dma_wait3A_134] : memref<1600000x8xf32, #tpu.memory_space<hbm>> -> memref<1000x8xf32, #tpu.memory_space<hbm>>
        %dma_wait3A_136 = arith.constant 0 : i32
        %dma_wait3A_137 = arith.constant 0 : i32
        %dma_wait3A_138 = tpu.memref_slice %arg11[%run_scoped3A_114, %dma_wait3A_136, %dma_wait3A_137] : memref<2x1000x8xf32, #tpu.memory_space<vmem>> -> memref<1x1000x8xf32, #tpu.memory_space<vmem>>
        %dma_wait3A_139 = tpu.memref_squeeze %dma_wait3A_138 : memref<1x1000x8xf32, #tpu.memory_space<vmem>> -> memref<1000x8xf32, #tpu.memory_space<vmem>>
        tpu.wait_dma2 semaphore(%run_scoped3A_115 : memref<!tpu.dma_semaphore, #tpu.memory_space<semaphore_mem>>) src(%dma_wait3A_139 : memref<1000x8xf32, #tpu.memory_space<vmem>>) dst(%dma_wait3A_135 : memref<1000x8xf32, #tpu.memory_space<hbm>>)
        tpu.yield
      }) : () -> ()
    }
    %scan3A_35 = arith.constant 25 : i32
    return
  }
}

#map = affine_map<(d0, d1) -> (0)>
#map1 = affine_map<(d0, d1) -> (0, 0)>
module attributes {stable_mosaic.version = 14 : i64} {
  func.func @_scatter_body(%arg0: i32, %arg1: i32, %arg2: memref<1600000xi32, #tpu.memory_space<hbm>>, %arg3: memref<100000x128xf32, #tpu.memory_space<hbm>>, %arg4: memref<32x50000xf32, #tpu.memory_space<hbm>>, %arg5: memref<1600xi32, #tpu.memory_space<vmem>>, %arg6: memref<100x128xf32, #tpu.memory_space<vmem>>, %arg7: memref<50000xf32, #tpu.memory_space<vmem>>) attributes {dimension_semantics = [#tpu.dimension_semantics<core_parallel>, #tpu.dimension_semantics<subcore_parallel>], iteration_bounds = array<i64: 2, 16>, scalar_prefetch = 0 : i64, scratch_operands = 3 : i64, tpu.core_type = #tpu.core_type<sc_vector_subcore>, window_params = [{transform_indices = #map}, {transform_indices = #map1}, {transform_indices = #map1}]} {
    %mul3A = arith.constant 2 : i32
    %mul3A_0 = arith.muli %arg1, %mul3A : i32
    %add3A = arith.addi %mul3A_0, %arg0 : i32
    %broadcast_in_dim3A = arith.constant 0xFF800000 : f32
    %broadcast_in_dim3A_1 = vector.broadcast %broadcast_in_dim3A : f32 to vector<16xf32>
    %scan3A = arith.constant 0 : i32
    %scan3A_2 = arith.constant 0 : i32
    %scan3A_3 = arith.constant 3125 : i32
    %scan3A_4 = arith.addi %scan3A_2, %scan3A_3 : i32
    %scan3A_5 = arith.constant 1 : i32
    scf.for %scan3A_9 = %scan3A_2 to %scan3A_4 step %scan3A_5  : i32 {
      %mul3A_10 = arith.constant 16 : i32
      %mul3A_11 = arith.muli %scan3A_9, %mul3A_10 : i32
      %swap3A = arith.index_cast %mul3A_11 : i32 to index
      %swap3A_12 = tpu.vector_load %arg7[%swap3A] {strides = array<i32>} : memref<50000xf32, #tpu.memory_space<vmem>>, vector<16xf32>,
      tpu.vector_store %arg7[%swap3A], %broadcast_in_dim3A_1 {strides = array<i32>} : memref<50000xf32, #tpu.memory_space<vmem>>, vector<16xf32>,
    }
    %scan3A_6 = arith.constant 3125 : i32
    %lt3A = arith.constant 30 : i32
    %lt3A_7 = arith.cmpi slt, %add3A, %lt3A : i32
    %convert_element_type3A = arith.extui %lt3A_7 : i1 to i32
    %cond3A = arith.constant 0 : i32
    %cond3A_8 = arith.cmpi ne, %convert_element_type3A, %cond3A : i32
    scf.if %cond3A_8 {
      %jit3A = arith.constant 10 : i32
      %div3A = arith.divsi %add3A, %jit3A : i32
      %sign3A = arith.constant 0 : i32
      %sign3A_9 = arith.cmpi sgt, %add3A, %sign3A : i32
      %sign3A_10 = arith.extui %sign3A_9 : i1 to i32
      %sign3A_11 = arith.constant 0 : i32
      %sign3A_12 = arith.cmpi slt, %add3A, %sign3A_11 : i32
      %sign3A_13 = arith.extui %sign3A_12 : i1 to i32
      %sign3A_14 = arith.subi %sign3A_10, %sign3A_13 : i32
      %sign3A_15 = arith.constant 0 : i32
      %sign3A_16 = arith.cmpi sgt, %jit3A, %sign3A_15 : i32
      %sign3A_17 = arith.extui %sign3A_16 : i1 to i32
      %sign3A_18 = arith.constant 0 : i32
      %sign3A_19 = arith.cmpi slt, %jit3A, %sign3A_18 : i32
      %sign3A_20 = arith.extui %sign3A_19 : i1 to i32
      %sign3A_21 = arith.subi %sign3A_17, %sign3A_20 : i32
      %ne3A = arith.cmpi ne, %sign3A_14, %sign3A_21 : i32
      %rem3A = arith.remsi %add3A, %jit3A : i32
      %ne3A_22 = arith.constant 0 : i32
      %ne3A_23 = arith.cmpi ne, %rem3A, %ne3A_22 : i32
      %and3A = arith.andi %ne3A, %ne3A_23 : i1
      %sub3A = arith.constant 1 : i32
      %sub3A_24 = arith.subi %div3A, %sub3A : i32
      %select_n3A = arith.select %and3A, %sub3A_24, %div3A : i32
      %jit3A_25 = arith.constant 10 : i32
      %eq3A = arith.constant 0 : i32
      %eq3A_26 = arith.cmpi eq, %jit3A_25, %eq3A : i32
      %jit3A_27 = arith.constant 1 : i32
      %select_n3A_28 = arith.select %eq3A_26, %jit3A_27, %jit3A_25 : i32
      %rem3A_29 = arith.remsi %add3A, %select_n3A_28 : i32
      %ne3A_30 = arith.constant 0 : i32
      %ne3A_31 = arith.cmpi ne, %rem3A_29, %ne3A_30 : i32
      %lt3A_32 = arith.constant 0 : i32
      %lt3A_33 = arith.cmpi slt, %rem3A_29, %lt3A_32 : i32
      %lt3A_34 = arith.constant 0 : i32
      %lt3A_35 = arith.cmpi slt, %select_n3A_28, %lt3A_34 : i32
      %ne3A_36 = arith.xori %lt3A_33, %lt3A_35 : i1
      %and3A_37 = arith.andi %ne3A_36, %ne3A_31 : i1
      %add3A_38 = arith.addi %rem3A_29, %select_n3A_28 : i32
      %select_n3A_39 = arith.select %and3A_37, %add3A_38, %rem3A_29 : i32
      %scan3A_40 = arith.constant 0 : i32
      %scan3A_41 = arith.constant 0 : i32
      %scan3A_42 = arith.constant 100 : i32
      %scan3A_43 = arith.addi %scan3A_41, %scan3A_42 : i32
      %scan3A_44 = arith.constant 1 : i32
      scf.for %scan3A_46 = %scan3A_41 to %scan3A_43 step %scan3A_44  : i32 {
        %mul3A_47 = arith.constant 160000 : i32
        %mul3A_48 = arith.muli %select_n3A_39, %mul3A_47 : i32
        %mul3A_49 = arith.constant 1600 : i32
        %mul3A_50 = arith.muli %scan3A_46, %mul3A_49 : i32
        %add3A_51 = arith.addi %mul3A_48, %mul3A_50 : i32
        "tpu.region"() ({
          %run_scoped3A = tpu.sem_alloc : memref<!tpu.dma_semaphore, #tpu.memory_space<semaphore_mem>>
          %dma_start3A = tpu.memref_slice %arg2[%add3A_51] : memref<1600000xi32, #tpu.memory_space<hbm>> -> memref<1600xi32, #tpu.memory_space<hbm>>
          %dma_start3A_82 = tpu.memref_slice %arg2[%add3A_51] : memref<1600000xi32, #tpu.memory_space<hbm>> -> memref<1600xi32, #tpu.memory_space<hbm>>
          tpu.enqueue_dma source(%dma_start3A_82 : memref<1600xi32, #tpu.memory_space<hbm>>) target(%arg5 : memref<1600xi32, #tpu.memory_space<vmem>>) target_semaphore(%run_scoped3A : memref<!tpu.dma_semaphore, #tpu.memory_space<semaphore_mem>>)
          %dma_wait3A = tpu.memref_slice %arg2[%add3A_51] : memref<1600000xi32, #tpu.memory_space<hbm>> -> memref<1600xi32, #tpu.memory_space<hbm>>
          %dma_wait3A_83 = tpu.memref_slice %arg2[%add3A_51] : memref<1600000xi32, #tpu.memory_space<hbm>> -> memref<1600xi32, #tpu.memory_space<hbm>>
          tpu.wait_dma2 semaphore(%run_scoped3A : memref<!tpu.dma_semaphore, #tpu.memory_space<semaphore_mem>>) src(%dma_wait3A_83 : memref<1600xi32, #tpu.memory_space<hbm>>) dst(%arg5 : memref<1600xi32, #tpu.memory_space<vmem>>)
          tpu.yield
        }) : () -> ()
        %jit3A_52 = arith.constant 16 : i32
        %div3A_53 = arith.divsi %add3A_51, %jit3A_52 : i32
        %sign3A_54 = arith.constant 0 : i32
        %sign3A_55 = arith.cmpi sgt, %add3A_51, %sign3A_54 : i32
        %sign3A_56 = arith.extui %sign3A_55 : i1 to i32
        %sign3A_57 = arith.constant 0 : i32
        %sign3A_58 = arith.cmpi slt, %add3A_51, %sign3A_57 : i32
        %sign3A_59 = arith.extui %sign3A_58 : i1 to i32
        %sign3A_60 = arith.subi %sign3A_56, %sign3A_59 : i32
        %sign3A_61 = arith.constant 0 : i32
        %sign3A_62 = arith.cmpi sgt, %jit3A_52, %sign3A_61 : i32
        %sign3A_63 = arith.extui %sign3A_62 : i1 to i32
        %sign3A_64 = arith.constant 0 : i32
        %sign3A_65 = arith.cmpi slt, %jit3A_52, %sign3A_64 : i32
        %sign3A_66 = arith.extui %sign3A_65 : i1 to i32
        %sign3A_67 = arith.subi %sign3A_63, %sign3A_66 : i32
        %ne3A_68 = arith.cmpi ne, %sign3A_60, %sign3A_67 : i32
        %rem3A_69 = arith.remsi %add3A_51, %jit3A_52 : i32
        %ne3A_70 = arith.constant 0 : i32
        %ne3A_71 = arith.cmpi ne, %rem3A_69, %ne3A_70 : i32
        %and3A_72 = arith.andi %ne3A_68, %ne3A_71 : i1
        %sub3A_73 = arith.constant 1 : i32
        %sub3A_74 = arith.subi %div3A_53, %sub3A_73 : i32
        %select_n3A_75 = arith.select %and3A_72, %sub3A_74, %div3A_53 : i32
        "tpu.region"() ({
          %run_scoped3A = tpu.sem_alloc : memref<!tpu.dma_semaphore, #tpu.memory_space<semaphore_mem>>
          %dma_start3A = arith.constant 0 : i32
          %dma_start3A_82 = tpu.memref_slice %arg3[%select_n3A_75, %dma_start3A] : memref<100000x128xf32, #tpu.memory_space<hbm>> -> memref<100x128xf32, #tpu.memory_space<hbm>>
          %dma_start3A_83 = arith.constant 0 : i32
          %dma_start3A_84 = tpu.memref_slice %arg3[%select_n3A_75, %dma_start3A_83] : memref<100000x128xf32, #tpu.memory_space<hbm>> -> memref<100x128xf32, #tpu.memory_space<hbm>>
          tpu.enqueue_dma source(%dma_start3A_84 : memref<100x128xf32, #tpu.memory_space<hbm>>) target(%arg6 : memref<100x128xf32, #tpu.memory_space<vmem>>) target_semaphore(%run_scoped3A : memref<!tpu.dma_semaphore, #tpu.memory_space<semaphore_mem>>)
          %dma_wait3A = arith.constant 0 : i32
          %dma_wait3A_85 = tpu.memref_slice %arg3[%select_n3A_75, %dma_wait3A] : memref<100000x128xf32, #tpu.memory_space<hbm>> -> memref<100x128xf32, #tpu.memory_space<hbm>>
          %dma_wait3A_86 = arith.constant 0 : i32
          %dma_wait3A_87 = tpu.memref_slice %arg3[%select_n3A_75, %dma_wait3A_86] : memref<100000x128xf32, #tpu.memory_space<hbm>> -> memref<100x128xf32, #tpu.memory_space<hbm>>
          tpu.wait_dma2 semaphore(%run_scoped3A : memref<!tpu.dma_semaphore, #tpu.memory_space<semaphore_mem>>) src(%dma_wait3A_87 : memref<100x128xf32, #tpu.memory_space<hbm>>) dst(%arg6 : memref<100x128xf32, #tpu.memory_space<vmem>>)
          tpu.yield
        }) : () -> ()
        %scan3A_76 = arith.constant 0 : i32
        %scan3A_77 = arith.constant 0 : i32
        %scan3A_78 = arith.constant 100 : i32
        %scan3A_79 = arith.addi %scan3A_77, %scan3A_78 : i32
        %scan3A_80 = arith.constant 1 : i32
        scf.for %scan3A_82 = %scan3A_77 to %scan3A_79 step %scan3A_80  : i32 {
          %mul3A_83 = arith.constant 16 : i32
          %mul3A_84 = arith.muli %scan3A_82, %mul3A_83 : i32
          %get3A = arith.index_cast %mul3A_84 : i32 to index
          %get3A_85 = tpu.vector_load %arg5[%get3A] {strides = array<i32>} : memref<1600xi32, #tpu.memory_space<vmem>>, vector<16xi32>,
          %mul3A_86 = arith.constant 16 : i32
          %mul3A_87 = arith.muli %select_n3A, %mul3A_86 : i32
          %get3A_88 = arith.index_cast %scan3A_82 : i32 to index
          %get3A_89 = arith.index_cast %mul3A_87 : i32 to index
          %get3A_90 = tpu.vector_load %arg6[%get3A_88, %get3A_89] {strides = array<i32>} : memref<100x128xf32, #tpu.memory_space<vmem>>, vector<16xf32>,
          %broadcast_in_dim3A_91 = arith.constant true
          %broadcast_in_dim3A_92 = vector.broadcast %broadcast_in_dim3A_91 : i1 to vector<16xi1>
          %unique3A, %unique3A_93 = tpu.scan_count mask(%broadcast_in_dim3A_92 : vector<16xi1>) value(%get3A_85 : vector<16xi32>) : vector<16xi1>, vector<16xi32>
          %reduce_min3A = arith.constant true
          %reduce_min3A_94 = vector.broadcast %reduce_min3A : i1 to vector<16xi1>
          %reduce_min3A_95 = arith.constant -2147483648 : i32
          %reduce_min3A_96 = vector.broadcast %reduce_min3A_95 : i32 to vector<16xi32>
          %reduce_min3A_97 = arith.xori %unique3A_93, %reduce_min3A_96 : vector<16xi32>
          %reduce_min3A_98 = tpu.scan <min>, %reduce_min3A_97 masked %reduce_min3A_94 : vector<16xi32>, vector<16xi1> -> vector<16xi32>
          %reduce_min3A_99 = arith.xori %reduce_min3A_98, %reduce_min3A_96 : vector<16xi32>
          %reduce_min3A_100 = vector.extract %reduce_min3A_99[15] : i32 from vector<16xi32>
          %reduce_max3A = arith.constant true
          %reduce_max3A_101 = vector.broadcast %reduce_max3A : i1 to vector<16xi1>
          %reduce_max3A_102 = arith.constant -2147483648 : i32
          %reduce_max3A_103 = vector.broadcast %reduce_max3A_102 : i32 to vector<16xi32>
          %reduce_max3A_104 = arith.xori %unique3A_93, %reduce_max3A_103 : vector<16xi32>
          %reduce_max3A_105 = tpu.scan <max>, %reduce_max3A_104 masked %reduce_max3A_101 : vector<16xi32>, vector<16xi1> -> vector<16xi32>
          %reduce_max3A_106 = arith.xori %reduce_max3A_105, %reduce_max3A_103 : vector<16xi32>
          %reduce_max3A_107 = vector.extract %reduce_max3A_106[15] : i32 from vector<16xi32>
          %add3A_108 = arith.constant 1 : i32
          %add3A_109 = arith.addi %reduce_max3A_107, %add3A_108 : i32
          %while3A = arith.constant 0 : i32
          %while3A_110 = arith.subi %add3A_109, %reduce_min3A_100 : i32
          %while3A_111 = arith.addi %reduce_min3A_100, %while3A_110 : i32
          %while3A_112 = arith.constant 1 : i32
          %while3A_113 = arith.divsi %while3A_110, %while3A_112 : i32
          %while3A_114 = arith.muli %while3A_113, %while3A_112 : i32
          %while3A_115 = arith.addi %reduce_min3A_100, %while3A_114 : i32
          %while3A_116 = arith.constant 1 : i32
          scf.for %while3A_118 = %reduce_min3A_100 to %while3A_115 step %while3A_116  : i32 {
            %eq3A_119 = vector.broadcast %while3A_118 : i32 to vector<16xi32>
            %eq3A_120 = arith.cmpi eq, %unique3A_93, %eq3A_119 : vector<16xi32>
            %gather3A = tpu.vector_load_idx %arg7[%get3A_85] : memref<50000xf32, #tpu.memory_space<vmem>>[vector<16xi32>], vector<16xf32>,
            %max3A = arith.maximumf %gather3A, %get3A_90 : vector<16xf32>
            tpu.vector_store_idx %arg7[%get3A_85], %max3A masked %eq3A_120 : memref<50000xf32, #tpu.memory_space<vmem>>[vector<16xi32>], vector<16xf32>, vector<16xi1>
          }
          %while3A_117 = arith.constant 1 : i32
          scf.for %while3A_118 = %while3A_115 to %while3A_111 step %while3A_117  : i32 {
            %eq3A_119 = vector.broadcast %while3A_118 : i32 to vector<16xi32>
            %eq3A_120 = arith.cmpi eq, %unique3A_93, %eq3A_119 : vector<16xi32>
            %gather3A = tpu.vector_load_idx %arg7[%get3A_85] : memref<50000xf32, #tpu.memory_space<vmem>>[vector<16xi32>], vector<16xf32>,
            %max3A = arith.maximumf %gather3A, %get3A_90 : vector<16xf32>
            tpu.vector_store_idx %arg7[%get3A_85], %max3A masked %eq3A_120 : memref<50000xf32, #tpu.memory_space<vmem>>[vector<16xi32>], vector<16xf32>, vector<16xi1>
          }
        }
        %scan3A_81 = arith.constant 100 : i32
      }
      %scan3A_45 = arith.constant 100 : i32
    } else {
    }
    "tpu.region"() ({
      %run_scoped3A = tpu.sem_alloc : memref<!tpu.dma_semaphore, #tpu.memory_space<semaphore_mem>>
      %dma_start3A = arith.constant 0 : i32
      %dma_start3A_9 = tpu.memref_slice %arg4[%add3A, %dma_start3A] : memref<32x50000xf32, #tpu.memory_space<hbm>> -> memref<1x50000xf32, #tpu.memory_space<hbm>>
      %dma_start3A_10 = tpu.memref_squeeze %dma_start3A_9 : memref<1x50000xf32, #tpu.memory_space<hbm>> -> memref<50000xf32, #tpu.memory_space<hbm>>
      %dma_start3A_11 = arith.constant 0 : i32
      %dma_start3A_12 = tpu.memref_slice %arg4[%add3A, %dma_start3A_11] : memref<32x50000xf32, #tpu.memory_space<hbm>> -> memref<1x50000xf32, #tpu.memory_space<hbm>>
      %dma_start3A_13 = tpu.memref_squeeze %dma_start3A_12 : memref<1x50000xf32, #tpu.memory_space<hbm>> -> memref<50000xf32, #tpu.memory_space<hbm>>
      tpu.enqueue_dma source(%arg7 : memref<50000xf32, #tpu.memory_space<vmem>>) target(%dma_start3A_13 : memref<50000xf32, #tpu.memory_space<hbm>>) target_semaphore(%run_scoped3A : memref<!tpu.dma_semaphore, #tpu.memory_space<semaphore_mem>>)
      %dma_wait3A = arith.constant 0 : i32
      %dma_wait3A_14 = tpu.memref_slice %arg4[%add3A, %dma_wait3A] : memref<32x50000xf32, #tpu.memory_space<hbm>> -> memref<1x50000xf32, #tpu.memory_space<hbm>>
      %dma_wait3A_15 = tpu.memref_squeeze %dma_wait3A_14 : memref<1x50000xf32, #tpu.memory_space<hbm>> -> memref<50000xf32, #tpu.memory_space<hbm>>
      %dma_wait3A_16 = arith.constant 0 : i32
      %dma_wait3A_17 = tpu.memref_slice %arg4[%add3A, %dma_wait3A_16] : memref<32x50000xf32, #tpu.memory_space<hbm>> -> memref<1x50000xf32, #tpu.memory_space<hbm>>
      %dma_wait3A_18 = tpu.memref_squeeze %dma_wait3A_17 : memref<1x50000xf32, #tpu.memory_space<hbm>> -> memref<50000xf32, #tpu.memory_space<hbm>>
      tpu.wait_dma2 semaphore(%run_scoped3A : memref<!tpu.dma_semaphore, #tpu.memory_space<semaphore_mem>>) src(%arg7 : memref<50000xf32, #tpu.memory_space<vmem>>) dst(%dma_wait3A_18 : memref<50000xf32, #tpu.memory_space<hbm>>)
      tpu.yield
    }) : () -> ()
    return
  }
}

#map = affine_map<(d0, d1) -> (0, 0)>
#map1 = affine_map<(d0, d1) -> (0)>
module attributes {stable_mosaic.version = 14 : i64} {
  func.func @_gather_body(%arg0: i32, %arg1: i32, %arg2: memref<50000x8xf32, #tpu.memory_space<hbm>>, %arg3: memref<50000x8xf32, #tpu.memory_space<hbm>>, %arg4: memref<1600000xi32, #tpu.memory_space<hbm>>, %arg5: memref<1600000xi32, #tpu.memory_space<hbm>>, %arg6: memref<1600000x8xf32, #tpu.memory_space<hbm>>, %arg7: memref<1600000x8xf32, #tpu.memory_space<hbm>>, %arg8: memref<2x1000xi32, #tpu.memory_space<vmem>>, %arg9: memref<2x1000xi32, #tpu.memory_space<vmem>>, %arg10: memref<2x1000x8xf32, #tpu.memory_space<vmem>>, %arg11: memref<2x1000x8xf32, #tpu.memory_space<vmem>>, %arg12: memref<50000x8xf32, #tpu.memory_space<vmem_shared>>, %arg13: memref<!tpu.dma_semaphore, #tpu.memory_space<semaphore_mem>>, %arg14: memref<!tpu.dma_semaphore, #tpu.memory_space<semaphore_mem>>) attributes {dimension_semantics = [#tpu.dimension_semantics<core_parallel>, #tpu.dimension_semantics<subcore_parallel>], iteration_bounds = array<i64: 2, 16>, scalar_prefetch = 0 : i64, scratch_operands = 7 : i64, tpu.core_type = #tpu.core_type<sc_vector_subcore>, window_params = [{transform_indices = #map}, {transform_indices = #map}, {transform_indices = #map1}, {transform_indices = #map1}, {transform_indices = #map}, {transform_indices = #map}]} {
    %mul3A = arith.constant 2 : i32
    %mul3A_0 = arith.muli %arg1, %mul3A : i32
    %add3A = arith.addi %mul3A_0, %arg0 : i32
    %mul3A_1 = arith.constant 50000 : i32
    %mul3A_2 = arith.muli %add3A, %mul3A_1 : i32
    %eq3A = arith.constant 0 : i32
    %eq3A_3 = arith.cmpi eq, %arg1, %eq3A : i32
    %convert_element_type3A = arith.extui %eq3A_3 : i1 to i32
    %cond3A = arith.constant 0 : i32
    %cond3A_4 = arith.cmpi ne, %convert_element_type3A, %cond3A : i32
    scf.if %cond3A_4 {
      "tpu.region"() ({
        %run_scoped3A_36 = tpu.sem_alloc : memref<!tpu.dma_semaphore, #tpu.memory_space<semaphore_mem>>
        tpu.enqueue_dma source(%arg3 : memref<50000x8xf32, #tpu.memory_space<hbm>>) target(%arg12 : memref<50000x8xf32, #tpu.memory_space<vmem_shared>>) target_semaphore(%run_scoped3A_36 : memref<!tpu.dma_semaphore, #tpu.memory_space<semaphore_mem>>)
        tpu.wait_dma2 semaphore(%run_scoped3A_36 : memref<!tpu.dma_semaphore, #tpu.memory_space<semaphore_mem>>) src(%arg3 : memref<50000x8xf32, #tpu.memory_space<hbm>>) dst(%arg12 : memref<50000x8xf32, #tpu.memory_space<vmem_shared>>)
        tpu.yield
      }) : () -> ()
    } else {
    }
    %barrier3A = arith.constant 0 : index
    tpu.barrier barrier_id(%barrier3A)
    %add3A_5 = arith.constant 0 : i32
    %add3A_6 = arith.addi %mul3A_2, %add3A_5 : i32
    %run_scoped3A = arith.constant 0 : i32
    "tpu.region"() ({
      %run_scoped3A_36 = tpu.sem_alloc : memref<!tpu.dma_semaphore, #tpu.memory_space<semaphore_mem>>
      %dma_start3A_37 = arith.constant 0 : i32
      %dma_start3A_38 = tpu.memref_slice %arg8[%run_scoped3A, %dma_start3A_37] : memref<2x1000xi32, #tpu.memory_space<vmem>> -> memref<1x1000xi32, #tpu.memory_space<vmem>>
      %dma_start3A_39 = tpu.memref_squeeze %dma_start3A_38 : memref<1x1000xi32, #tpu.memory_space<vmem>> -> memref<1000xi32, #tpu.memory_space<vmem>>
      %dma_start3A_40 = tpu.memref_slice %arg4[%add3A_6] : memref<1600000xi32, #tpu.memory_space<hbm>> -> memref<1000xi32, #tpu.memory_space<hbm>>
      %dma_start3A_41 = arith.constant 0 : i32
      %dma_start3A_42 = tpu.memref_slice %arg8[%run_scoped3A, %dma_start3A_41] : memref<2x1000xi32, #tpu.memory_space<vmem>> -> memref<1x1000xi32, #tpu.memory_space<vmem>>
      %dma_start3A_43 = tpu.memref_squeeze %dma_start3A_42 : memref<1x1000xi32, #tpu.memory_space<vmem>> -> memref<1000xi32, #tpu.memory_space<vmem>>
      %dma_start3A_44 = tpu.memref_slice %arg4[%add3A_6] : memref<1600000xi32, #tpu.memory_space<hbm>> -> memref<1000xi32, #tpu.memory_space<hbm>>
      tpu.enqueue_dma source(%dma_start3A_44 : memref<1000xi32, #tpu.memory_space<hbm>>) target(%dma_start3A_43 : memref<1000xi32, #tpu.memory_space<vmem>>) target_semaphore(%run_scoped3A_36 : memref<!tpu.dma_semaphore, #tpu.memory_space<semaphore_mem>>)
      %dma_wait3A = arith.constant 0 : i32
      %dma_wait3A_45 = tpu.memref_slice %arg8[%run_scoped3A, %dma_wait3A] : memref<2x1000xi32, #tpu.memory_space<vmem>> -> memref<1x1000xi32, #tpu.memory_space<vmem>>
      %dma_wait3A_46 = tpu.memref_squeeze %dma_wait3A_45 : memref<1x1000xi32, #tpu.memory_space<vmem>> -> memref<1000xi32, #tpu.memory_space<vmem>>
      %dma_wait3A_47 = tpu.memref_slice %arg4[%add3A_6] : memref<1600000xi32, #tpu.memory_space<hbm>> -> memref<1000xi32, #tpu.memory_space<hbm>>
      %dma_wait3A_48 = arith.constant 0 : i32
      %dma_wait3A_49 = tpu.memref_slice %arg8[%run_scoped3A, %dma_wait3A_48] : memref<2x1000xi32, #tpu.memory_space<vmem>> -> memref<1x1000xi32, #tpu.memory_space<vmem>>
      %dma_wait3A_50 = tpu.memref_squeeze %dma_wait3A_49 : memref<1x1000xi32, #tpu.memory_space<vmem>> -> memref<1000xi32, #tpu.memory_space<vmem>>
      %dma_wait3A_51 = tpu.memref_slice %arg4[%add3A_6] : memref<1600000xi32, #tpu.memory_space<hbm>> -> memref<1000xi32, #tpu.memory_space<hbm>>
      tpu.wait_dma2 semaphore(%run_scoped3A_36 : memref<!tpu.dma_semaphore, #tpu.memory_space<semaphore_mem>>) src(%dma_wait3A_51 : memref<1000xi32, #tpu.memory_space<hbm>>) dst(%dma_wait3A_50 : memref<1000xi32, #tpu.memory_space<vmem>>)
      tpu.yield
    }) : () -> ()
    %run_scoped3A_7 = arith.constant 0 : i32
    "tpu.region"() ({
      %run_scoped3A_36 = tpu.sem_alloc : memref<!tpu.dma_semaphore, #tpu.memory_space<semaphore_mem>>
      %dma_start3A_37 = arith.constant 0 : i32
      %dma_start3A_38 = tpu.memref_slice %arg9[%run_scoped3A_7, %dma_start3A_37] : memref<2x1000xi32, #tpu.memory_space<vmem>> -> memref<1x1000xi32, #tpu.memory_space<vmem>>
      %dma_start3A_39 = tpu.memref_squeeze %dma_start3A_38 : memref<1x1000xi32, #tpu.memory_space<vmem>> -> memref<1000xi32, #tpu.memory_space<vmem>>
      %dma_start3A_40 = tpu.memref_slice %arg5[%add3A_6] : memref<1600000xi32, #tpu.memory_space<hbm>> -> memref<1000xi32, #tpu.memory_space<hbm>>
      %dma_start3A_41 = arith.constant 0 : i32
      %dma_start3A_42 = tpu.memref_slice %arg9[%run_scoped3A_7, %dma_start3A_41] : memref<2x1000xi32, #tpu.memory_space<vmem>> -> memref<1x1000xi32, #tpu.memory_space<vmem>>
      %dma_start3A_43 = tpu.memref_squeeze %dma_start3A_42 : memref<1x1000xi32, #tpu.memory_space<vmem>> -> memref<1000xi32, #tpu.memory_space<vmem>>
      %dma_start3A_44 = tpu.memref_slice %arg5[%add3A_6] : memref<1600000xi32, #tpu.memory_space<hbm>> -> memref<1000xi32, #tpu.memory_space<hbm>>
      tpu.enqueue_dma source(%dma_start3A_44 : memref<1000xi32, #tpu.memory_space<hbm>>) target(%dma_start3A_43 : memref<1000xi32, #tpu.memory_space<vmem>>) target_semaphore(%run_scoped3A_36 : memref<!tpu.dma_semaphore, #tpu.memory_space<semaphore_mem>>)
      %dma_wait3A = arith.constant 0 : i32
      %dma_wait3A_45 = tpu.memref_slice %arg9[%run_scoped3A_7, %dma_wait3A] : memref<2x1000xi32, #tpu.memory_space<vmem>> -> memref<1x1000xi32, #tpu.memory_space<vmem>>
      %dma_wait3A_46 = tpu.memref_squeeze %dma_wait3A_45 : memref<1x1000xi32, #tpu.memory_space<vmem>> -> memref<1000xi32, #tpu.memory_space<vmem>>
      %dma_wait3A_47 = tpu.memref_slice %arg5[%add3A_6] : memref<1600000xi32, #tpu.memory_space<hbm>> -> memref<1000xi32, #tpu.memory_space<hbm>>
      %dma_wait3A_48 = arith.constant 0 : i32
      %dma_wait3A_49 = tpu.memref_slice %arg9[%run_scoped3A_7, %dma_wait3A_48] : memref<2x1000xi32, #tpu.memory_space<vmem>> -> memref<1x1000xi32, #tpu.memory_space<vmem>>
      %dma_wait3A_50 = tpu.memref_squeeze %dma_wait3A_49 : memref<1x1000xi32, #tpu.memory_space<vmem>> -> memref<1000xi32, #tpu.memory_space<vmem>>
      %dma_wait3A_51 = tpu.memref_slice %arg5[%add3A_6] : memref<1600000xi32, #tpu.memory_space<hbm>> -> memref<1000xi32, #tpu.memory_space<hbm>>
      tpu.wait_dma2 semaphore(%run_scoped3A_36 : memref<!tpu.dma_semaphore, #tpu.memory_space<semaphore_mem>>) src(%dma_wait3A_51 : memref<1000xi32, #tpu.memory_space<hbm>>) dst(%dma_wait3A_50 : memref<1000xi32, #tpu.memory_space<vmem>>)
      tpu.yield
    }) : () -> ()
    %dma_start3A = arith.constant 0 : i32
    %dma_start3A_8 = arith.constant 0 : i32
    %dma_start3A_9 = arith.constant 0 : i32
    %dma_start3A_10 = arith.constant 0 : i32
    %dma_start3A_11 = tpu.memref_slice %arg10[%dma_start3A_8, %dma_start3A_9, %dma_start3A_10] : memref<2x1000x8xf32, #tpu.memory_space<vmem>> -> memref<1x1000x8xf32, #tpu.memory_space<vmem>>
    %dma_start3A_12 = tpu.memref_squeeze %dma_start3A_11 : memref<1x1000x8xf32, #tpu.memory_space<vmem>> -> memref<1000x8xf32, #tpu.memory_space<vmem>>
    %dma_start3A_13 = arith.constant 0 : i32
    %dma_start3A_14 = tpu.memref_slice %arg8[%dma_start3A, %dma_start3A_13] : memref<2x1000xi32, #tpu.memory_space<vmem>> -> memref<1x1000xi32, #tpu.memory_space<vmem>>
    %dma_start3A_15 = tpu.memref_squeeze %dma_start3A_14 : memref<1x1000xi32, #tpu.memory_space<vmem>> -> memref<1000xi32, #tpu.memory_space<vmem>>
    %dma_start3A_16 = arith.constant 0 : i32
    %dma_start3A_17 = arith.constant 0 : i32
    %dma_start3A_18 = tpu.memref_slice %arg2[%dma_start3A_16, %dma_start3A_17] : memref<50000x8xf32, #tpu.memory_space<hbm>> -> memref<50000x8xf32, #tpu.memory_space<hbm>>
    tpu.enqueue_indirect_dma source(%dma_start3A_18 : memref<50000x8xf32, #tpu.memory_space<hbm>>) target(%dma_start3A_12 : memref<1000x8xf32, #tpu.memory_space<vmem>>) offsets(%dma_start3A_15 : memref<1000xi32, #tpu.memory_space<vmem>>) semaphore(%arg13 : memref<!tpu.dma_semaphore, #tpu.memory_space<semaphore_mem>>)
    %dma_start3A_19 = arith.constant 0 : i32
    %dma_start3A_20 = arith.constant 0 : i32
    %dma_start3A_21 = arith.constant 0 : i32
    %dma_start3A_22 = arith.constant 0 : i32
    %dma_start3A_23 = tpu.memref_slice %arg11[%dma_start3A_20, %dma_start3A_21, %dma_start3A_22] : memref<2x1000x8xf32, #tpu.memory_space<vmem>> -> memref<1x1000x8xf32, #tpu.memory_space<vmem>>
    %dma_start3A_24 = tpu.memref_squeeze %dma_start3A_23 : memref<1x1000x8xf32, #tpu.memory_space<vmem>> -> memref<1000x8xf32, #tpu.memory_space<vmem>>
    %dma_start3A_25 = arith.constant 0 : i32
    %dma_start3A_26 = tpu.memref_slice %arg9[%dma_start3A_19, %dma_start3A_25] : memref<2x1000xi32, #tpu.memory_space<vmem>> -> memref<1x1000xi32, #tpu.memory_space<vmem>>
    %dma_start3A_27 = tpu.memref_squeeze %dma_start3A_26 : memref<1x1000xi32, #tpu.memory_space<vmem>> -> memref<1000xi32, #tpu.memory_space<vmem>>
    %dma_start3A_28 = arith.constant 0 : i32
    %dma_start3A_29 = arith.constant 0 : i32
    %dma_start3A_30 = tpu.memref_slice %arg12[%dma_start3A_28, %dma_start3A_29] : memref<50000x8xf32, #tpu.memory_space<vmem_shared>> -> memref<50000x8xf32, #tpu.memory_space<vmem_shared>>
    tpu.enqueue_indirect_dma source(%dma_start3A_30 : memref<50000x8xf32, #tpu.memory_space<vmem_shared>>) target(%dma_start3A_24 : memref<1000x8xf32, #tpu.memory_space<vmem>>) offsets(%dma_start3A_27 : memref<1000xi32, #tpu.memory_space<vmem>>) semaphore(%arg14 : memref<!tpu.dma_semaphore, #tpu.memory_space<semaphore_mem>>)
    %scan3A = arith.constant 0 : i32
    %scan3A_31 = arith.constant 0 : i32
    %scan3A_32 = arith.constant 25 : i32
    %scan3A_33 = arith.addi %scan3A_31, %scan3A_32 : i32
    %scan3A_34 = arith.constant 1 : i32
    scf.for %scan3A_36 = %scan3A_31 to %scan3A_33 step %scan3A_34  : i32 {
      %mul3A_37 = arith.constant 2 : i32
      %mul3A_38 = arith.muli %mul3A_37, %scan3A_36 : i32
      %add3A_39 = arith.constant 0 : i32
      %add3A_40 = arith.addi %mul3A_38, %add3A_39 : i32
      %dma_wait3A = arith.constant 0 : i32
      %dma_wait3A_41 = arith.constant 0 : i32
      %dma_wait3A_42 = arith.constant 0 : i32
      %dma_wait3A_43 = arith.constant 0 : i32
      %dma_wait3A_44 = tpu.memref_slice %arg10[%dma_wait3A_41, %dma_wait3A_42, %dma_wait3A_43] : memref<2x1000x8xf32, #tpu.memory_space<vmem>> -> memref<1x1000x8xf32, #tpu.memory_space<vmem>>
      %dma_wait3A_45 = tpu.memref_squeeze %dma_wait3A_44 : memref<1x1000x8xf32, #tpu.memory_space<vmem>> -> memref<1000x8xf32, #tpu.memory_space<vmem>>
      %dma_wait3A_46 = arith.constant 0 : i32
      %dma_wait3A_47 = tpu.memref_slice %arg8[%dma_wait3A, %dma_wait3A_46] : memref<2x1000xi32, #tpu.memory_space<vmem>> -> memref<1x1000xi32, #tpu.memory_space<vmem>>
      %dma_wait3A_48 = tpu.memref_squeeze %dma_wait3A_47 : memref<1x1000xi32, #tpu.memory_space<vmem>> -> memref<1000xi32, #tpu.memory_space<vmem>>
      %dma_wait3A_49 = arith.constant 0 : i32
      %dma_wait3A_50 = arith.constant 0 : i32
      %dma_wait3A_51 = tpu.memref_slice %arg2[%dma_wait3A_49, %dma_wait3A_50] : memref<50000x8xf32, #tpu.memory_space<hbm>> -> memref<50000x8xf32, #tpu.memory_space<hbm>>
      tpu.wait_indirect_dma semaphore(%arg13 : memref<!tpu.dma_semaphore, #tpu.memory_space<semaphore_mem>>) src(%dma_wait3A_51 : memref<50000x8xf32, #tpu.memory_space<hbm>>) dst(%dma_wait3A_45 : memref<1000x8xf32, #tpu.memory_space<vmem>>)
      %dma_wait3A_52 = arith.constant 0 : i32
      %dma_wait3A_53 = arith.constant 0 : i32
      %dma_wait3A_54 = arith.constant 0 : i32
      %dma_wait3A_55 = arith.constant 0 : i32
      %dma_wait3A_56 = tpu.memref_slice %arg11[%dma_wait3A_53, %dma_wait3A_54, %dma_wait3A_55] : memref<2x1000x8xf32, #tpu.memory_space<vmem>> -> memref<1x1000x8xf32, #tpu.memory_space<vmem>>
      %dma_wait3A_57 = tpu.memref_squeeze %dma_wait3A_56 : memref<1x1000x8xf32, #tpu.memory_space<vmem>> -> memref<1000x8xf32, #tpu.memory_space<vmem>>
      %dma_wait3A_58 = arith.constant 0 : i32
      %dma_wait3A_59 = tpu.memref_slice %arg9[%dma_wait3A_52, %dma_wait3A_58] : memref<2x1000xi32, #tpu.memory_space<vmem>> -> memref<1x1000xi32, #tpu.memory_space<vmem>>
      %dma_wait3A_60 = tpu.memref_squeeze %dma_wait3A_59 : memref<1x1000xi32, #tpu.memory_space<vmem>> -> memref<1000xi32, #tpu.memory_space<vmem>>
      %dma_wait3A_61 = arith.constant 0 : i32
      %dma_wait3A_62 = arith.constant 0 : i32
      %dma_wait3A_63 = tpu.memref_slice %arg12[%dma_wait3A_61, %dma_wait3A_62] : memref<50000x8xf32, #tpu.memory_space<vmem_shared>> -> memref<50000x8xf32, #tpu.memory_space<vmem_shared>>
      tpu.wait_indirect_dma semaphore(%arg14 : memref<!tpu.dma_semaphore, #tpu.memory_space<semaphore_mem>>) src(%dma_wait3A_63 : memref<50000x8xf32, #tpu.memory_space<vmem_shared>>) dst(%dma_wait3A_57 : memref<1000x8xf32, #tpu.memory_space<vmem>>)
      %add3A_64 = arith.constant 1 : i32
      %add3A_65 = arith.addi %add3A_40, %add3A_64 : i32
      %lt3A = arith.constant 50 : i32
      %lt3A_66 = arith.cmpi slt, %add3A_65, %lt3A : i32
      %convert_element_type3A_67 = arith.extui %lt3A_66 : i1 to i32
      %cond3A_68 = arith.constant 0 : i32
      %cond3A_69 = arith.cmpi ne, %convert_element_type3A_67, %cond3A_68 : i32
      scf.if %cond3A_69 {
        %add3A_115 = arith.constant 1 : i32
        %add3A_116 = arith.addi %add3A_40, %add3A_115 : i32
        %mul3A_117 = arith.constant 1000 : i32
        %mul3A_118 = arith.muli %add3A_116, %mul3A_117 : i32
        %add3A_119 = arith.addi %mul3A_2, %mul3A_118 : i32
        %run_scoped3A_120 = arith.constant 1 : i32
        "tpu.region"() ({
          %run_scoped3A_146 = tpu.sem_alloc : memref<!tpu.dma_semaphore, #tpu.memory_space<semaphore_mem>>
          %dma_start3A_147 = arith.constant 0 : i32
          %dma_start3A_148 = tpu.memref_slice %arg8[%run_scoped3A_120, %dma_start3A_147] : memref<2x1000xi32, #tpu.memory_space<vmem>> -> memref<1x1000xi32, #tpu.memory_space<vmem>>
          %dma_start3A_149 = tpu.memref_squeeze %dma_start3A_148 : memref<1x1000xi32, #tpu.memory_space<vmem>> -> memref<1000xi32, #tpu.memory_space<vmem>>
          %dma_start3A_150 = tpu.memref_slice %arg4[%add3A_119] : memref<1600000xi32, #tpu.memory_space<hbm>> -> memref<1000xi32, #tpu.memory_space<hbm>>
          %dma_start3A_151 = arith.constant 0 : i32
          %dma_start3A_152 = tpu.memref_slice %arg8[%run_scoped3A_120, %dma_start3A_151] : memref<2x1000xi32, #tpu.memory_space<vmem>> -> memref<1x1000xi32, #tpu.memory_space<vmem>>
          %dma_start3A_153 = tpu.memref_squeeze %dma_start3A_152 : memref<1x1000xi32, #tpu.memory_space<vmem>> -> memref<1000xi32, #tpu.memory_space<vmem>>
          %dma_start3A_154 = tpu.memref_slice %arg4[%add3A_119] : memref<1600000xi32, #tpu.memory_space<hbm>> -> memref<1000xi32, #tpu.memory_space<hbm>>
          tpu.enqueue_dma source(%dma_start3A_154 : memref<1000xi32, #tpu.memory_space<hbm>>) target(%dma_start3A_153 : memref<1000xi32, #tpu.memory_space<vmem>>) target_semaphore(%run_scoped3A_146 : memref<!tpu.dma_semaphore, #tpu.memory_space<semaphore_mem>>)
          %dma_wait3A_155 = arith.constant 0 : i32
          %dma_wait3A_156 = tpu.memref_slice %arg8[%run_scoped3A_120, %dma_wait3A_155] : memref<2x1000xi32, #tpu.memory_space<vmem>> -> memref<1x1000xi32, #tpu.memory_space<vmem>>
          %dma_wait3A_157 = tpu.memref_squeeze %dma_wait3A_156 : memref<1x1000xi32, #tpu.memory_space<vmem>> -> memref<1000xi32, #tpu.memory_space<vmem>>
          %dma_wait3A_158 = tpu.memref_slice %arg4[%add3A_119] : memref<1600000xi32, #tpu.memory_space<hbm>> -> memref<1000xi32, #tpu.memory_space<hbm>>
          %dma_wait3A_159 = arith.constant 0 : i32
          %dma_wait3A_160 = tpu.memref_slice %arg8[%run_scoped3A_120, %dma_wait3A_159] : memref<2x1000xi32, #tpu.memory_space<vmem>> -> memref<1x1000xi32, #tpu.memory_space<vmem>>
          %dma_wait3A_161 = tpu.memref_squeeze %dma_wait3A_160 : memref<1x1000xi32, #tpu.memory_space<vmem>> -> memref<1000xi32, #tpu.memory_space<vmem>>
          %dma_wait3A_162 = tpu.memref_slice %arg4[%add3A_119] : memref<1600000xi32, #tpu.memory_space<hbm>> -> memref<1000xi32, #tpu.memory_space<hbm>>
          tpu.wait_dma2 semaphore(%run_scoped3A_146 : memref<!tpu.dma_semaphore, #tpu.memory_space<semaphore_mem>>) src(%dma_wait3A_162 : memref<1000xi32, #tpu.memory_space<hbm>>) dst(%dma_wait3A_161 : memref<1000xi32, #tpu.memory_space<vmem>>)
          tpu.yield
        }) : () -> ()
        %run_scoped3A_121 = arith.constant 1 : i32
        "tpu.region"() ({
          %run_scoped3A_146 = tpu.sem_alloc : memref<!tpu.dma_semaphore, #tpu.memory_space<semaphore_mem>>
          %dma_start3A_147 = arith.constant 0 : i32
          %dma_start3A_148 = tpu.memref_slice %arg9[%run_scoped3A_121, %dma_start3A_147] : memref<2x1000xi32, #tpu.memory_space<vmem>> -> memref<1x1000xi32, #tpu.memory_space<vmem>>
          %dma_start3A_149 = tpu.memref_squeeze %dma_start3A_148 : memref<1x1000xi32, #tpu.memory_space<vmem>> -> memref<1000xi32, #tpu.memory_space<vmem>>
          %dma_start3A_150 = tpu.memref_slice %arg5[%add3A_119] : memref<1600000xi32, #tpu.memory_space<hbm>> -> memref<1000xi32, #tpu.memory_space<hbm>>
          %dma_start3A_151 = arith.constant 0 : i32
          %dma_start3A_152 = tpu.memref_slice %arg9[%run_scoped3A_121, %dma_start3A_151] : memref<2x1000xi32, #tpu.memory_space<vmem>> -> memref<1x1000xi32, #tpu.memory_space<vmem>>
          %dma_start3A_153 = tpu.memref_squeeze %dma_start3A_152 : memref<1x1000xi32, #tpu.memory_space<vmem>> -> memref<1000xi32, #tpu.memory_space<vmem>>
          %dma_start3A_154 = tpu.memref_slice %arg5[%add3A_119] : memref<1600000xi32, #tpu.memory_space<hbm>> -> memref<1000xi32, #tpu.memory_space<hbm>>
          tpu.enqueue_dma source(%dma_start3A_154 : memref<1000xi32, #tpu.memory_space<hbm>>) target(%dma_start3A_153 : memref<1000xi32, #tpu.memory_space<vmem>>) target_semaphore(%run_scoped3A_146 : memref<!tpu.dma_semaphore, #tpu.memory_space<semaphore_mem>>)
          %dma_wait3A_155 = arith.constant 0 : i32
          %dma_wait3A_156 = tpu.memref_slice %arg9[%run_scoped3A_121, %dma_wait3A_155] : memref<2x1000xi32, #tpu.memory_space<vmem>> -> memref<1x1000xi32, #tpu.memory_space<vmem>>
          %dma_wait3A_157 = tpu.memref_squeeze %dma_wait3A_156 : memref<1x1000xi32, #tpu.memory_space<vmem>> -> memref<1000xi32, #tpu.memory_space<vmem>>
          %dma_wait3A_158 = tpu.memref_slice %arg5[%add3A_119] : memref<1600000xi32, #tpu.memory_space<hbm>> -> memref<1000xi32, #tpu.memory_space<hbm>>
          %dma_wait3A_159 = arith.constant 0 : i32
          %dma_wait3A_160 = tpu.memref_slice %arg9[%run_scoped3A_121, %dma_wait3A_159] : memref<2x1000xi32, #tpu.memory_space<vmem>> -> memref<1x1000xi32, #tpu.memory_space<vmem>>
          %dma_wait3A_161 = tpu.memref_squeeze %dma_wait3A_160 : memref<1x1000xi32, #tpu.memory_space<vmem>> -> memref<1000xi32, #tpu.memory_space<vmem>>
          %dma_wait3A_162 = tpu.memref_slice %arg5[%add3A_119] : memref<1600000xi32, #tpu.memory_space<hbm>> -> memref<1000xi32, #tpu.memory_space<hbm>>
          tpu.wait_dma2 semaphore(%run_scoped3A_146 : memref<!tpu.dma_semaphore, #tpu.memory_space<semaphore_mem>>) src(%dma_wait3A_162 : memref<1000xi32, #tpu.memory_space<hbm>>) dst(%dma_wait3A_161 : memref<1000xi32, #tpu.memory_space<vmem>>)
          tpu.yield
        }) : () -> ()
        %dma_start3A_122 = arith.constant 1 : i32
        %dma_start3A_123 = arith.constant 1 : i32
        %dma_start3A_124 = arith.constant 0 : i32
        %dma_start3A_125 = arith.constant 0 : i32
        %dma_start3A_126 = tpu.memref_slice %arg10[%dma_start3A_123, %dma_start3A_124, %dma_start3A_125] : memref<2x1000x8xf32, #tpu.memory_space<vmem>> -> memref<1x1000x8xf32, #tpu.memory_space<vmem>>
        %dma_start3A_127 = tpu.memref_squeeze %dma_start3A_126 : memref<1x1000x8xf32, #tpu.memory_space<vmem>> -> memref<1000x8xf32, #tpu.memory_space<vmem>>
        %dma_start3A_128 = arith.constant 0 : i32
        %dma_start3A_129 = tpu.memref_slice %arg8[%dma_start3A_122, %dma_start3A_128] : memref<2x1000xi32, #tpu.memory_space<vmem>> -> memref<1x1000xi32, #tpu.memory_space<vmem>>
        %dma_start3A_130 = tpu.memref_squeeze %dma_start3A_129 : memref<1x1000xi32, #tpu.memory_space<vmem>> -> memref<1000xi32, #tpu.memory_space<vmem>>
        %dma_start3A_131 = arith.constant 0 : i32
        %dma_start3A_132 = arith.constant 0 : i32
        %dma_start3A_133 = tpu.memref_slice %arg2[%dma_start3A_131, %dma_start3A_132] : memref<50000x8xf32, #tpu.memory_space<hbm>> -> memref<50000x8xf32, #tpu.memory_space<hbm>>
        tpu.enqueue_indirect_dma source(%dma_start3A_133 : memref<50000x8xf32, #tpu.memory_space<hbm>>) target(%dma_start3A_127 : memref<1000x8xf32, #tpu.memory_space<vmem>>) offsets(%dma_start3A_130 : memref<1000xi32, #tpu.memory_space<vmem>>) semaphore(%arg13 : memref<!tpu.dma_semaphore, #tpu.memory_space<semaphore_mem>>)
        %dma_start3A_134 = arith.constant 1 : i32
        %dma_start3A_135 = arith.constant 1 : i32
        %dma_start3A_136 = arith.constant 0 : i32
        %dma_start3A_137 = arith.constant 0 : i32
        %dma_start3A_138 = tpu.memref_slice %arg11[%dma_start3A_135, %dma_start3A_136, %dma_start3A_137] : memref<2x1000x8xf32, #tpu.memory_space<vmem>> -> memref<1x1000x8xf32, #tpu.memory_space<vmem>>
        %dma_start3A_139 = tpu.memref_squeeze %dma_start3A_138 : memref<1x1000x8xf32, #tpu.memory_space<vmem>> -> memref<1000x8xf32, #tpu.memory_space<vmem>>
        %dma_start3A_140 = arith.constant 0 : i32
        %dma_start3A_141 = tpu.memref_slice %arg9[%dma_start3A_134, %dma_start3A_140] : memref<2x1000xi32, #tpu.memory_space<vmem>> -> memref<1x1000xi32, #tpu.memory_space<vmem>>
        %dma_start3A_142 = tpu.memref_squeeze %dma_start3A_141 : memref<1x1000xi32, #tpu.memory_space<vmem>> -> memref<1000xi32, #tpu.memory_space<vmem>>
        %dma_start3A_143 = arith.constant 0 : i32
        %dma_start3A_144 = arith.constant 0 : i32
        %dma_start3A_145 = tpu.memref_slice %arg12[%dma_start3A_143, %dma_start3A_144] : memref<50000x8xf32, #tpu.memory_space<vmem_shared>> -> memref<50000x8xf32, #tpu.memory_space<vmem_shared>>
        tpu.enqueue_indirect_dma source(%dma_start3A_145 : memref<50000x8xf32, #tpu.memory_space<vmem_shared>>) target(%dma_start3A_139 : memref<1000x8xf32, #tpu.memory_space<vmem>>) offsets(%dma_start3A_142 : memref<1000xi32, #tpu.memory_space<vmem>>) semaphore(%arg14 : memref<!tpu.dma_semaphore, #tpu.memory_space<semaphore_mem>>)
      } else {
      }
      %mul3A_70 = arith.constant 1000 : i32
      %mul3A_71 = arith.muli %add3A_40, %mul3A_70 : i32
      %add3A_72 = arith.addi %mul3A_2, %mul3A_71 : i32
      %run_scoped3A_73 = arith.constant 0 : i32
      "tpu.region"() ({
        %run_scoped3A_115 = tpu.sem_alloc : memref<!tpu.dma_semaphore, #tpu.memory_space<semaphore_mem>>
        %dma_start3A_116 = arith.constant 0 : i32
        %dma_start3A_117 = arith.constant 0 : i32
        %dma_start3A_118 = tpu.memref_slice %arg10[%run_scoped3A_73, %dma_start3A_116, %dma_start3A_117] : memref<2x1000x8xf32, #tpu.memory_space<vmem>> -> memref<1x1000x8xf32, #tpu.memory_space<vmem>>
        %dma_start3A_119 = tpu.memref_squeeze %dma_start3A_118 : memref<1x1000x8xf32, #tpu.memory_space<vmem>> -> memref<1000x8xf32, #tpu.memory_space<vmem>>
        %dma_start3A_120 = arith.constant 0 : i32
        %dma_start3A_121 = tpu.memref_slice %arg6[%add3A_72, %dma_start3A_120] : memref<1600000x8xf32, #tpu.memory_space<hbm>> -> memref<1000x8xf32, #tpu.memory_space<hbm>>
        %dma_start3A_122 = arith.constant 0 : i32
        %dma_start3A_123 = tpu.memref_slice %arg6[%add3A_72, %dma_start3A_122] : memref<1600000x8xf32, #tpu.memory_space<hbm>> -> memref<1000x8xf32, #tpu.memory_space<hbm>>
        %dma_start3A_124 = arith.constant 0 : i32
        %dma_start3A_125 = arith.constant 0 : i32
        %dma_start3A_126 = tpu.memref_slice %arg10[%run_scoped3A_73, %dma_start3A_124, %dma_start3A_125] : memref<2x1000x8xf32, #tpu.memory_space<vmem>> -> memref<1x1000x8xf32, #tpu.memory_space<vmem>>
        %dma_start3A_127 = tpu.memref_squeeze %dma_start3A_126 : memref<1x1000x8xf32, #tpu.memory_space<vmem>> -> memref<1000x8xf32, #tpu.memory_space<vmem>>
        tpu.enqueue_dma source(%dma_start3A_127 : memref<1000x8xf32, #tpu.memory_space<vmem>>) target(%dma_start3A_123 : memref<1000x8xf32, #tpu.memory_space<hbm>>) target_semaphore(%run_scoped3A_115 : memref<!tpu.dma_semaphore, #tpu.memory_space<semaphore_mem>>)
        %dma_wait3A_128 = arith.constant 0 : i32
        %dma_wait3A_129 = arith.constant 0 : i32
        %dma_wait3A_130 = tpu.memref_slice %arg10[%run_scoped3A_73, %dma_wait3A_128, %dma_wait3A_129] : memref<2x1000x8xf32, #tpu.memory_space<vmem>> -> memref<1x1000x8xf32, #tpu.memory_space<vmem>>
        %dma_wait3A_131 = tpu.memref_squeeze %dma_wait3A_130 : memref<1x1000x8xf32, #tpu.memory_space<vmem>> -> memref<1000x8xf32, #tpu.memory_space<vmem>>
        %dma_wait3A_132 = arith.constant 0 : i32
        %dma_wait3A_133 = tpu.memref_slice %arg6[%add3A_72, %dma_wait3A_132] : memref<1600000x8xf32, #tpu.memory_space<hbm>> -> memref<1000x8xf32, #tpu.memory_space<hbm>>
        %dma_wait3A_134 = arith.constant 0 : i32
        %dma_wait3A_135 = tpu.memref_slice %arg6[%add3A_72, %dma_wait3A_134] : memref<1600000x8xf32, #tpu.memory_space<hbm>> -> memref<1000x8xf32, #tpu.memory_space<hbm>>
        %dma_wait3A_136 = arith.constant 0 : i32
        %dma_wait3A_137 = arith.constant 0 : i32
        %dma_wait3A_138 = tpu.memref_slice %arg10[%run_scoped3A_73, %dma_wait3A_136, %dma_wait3A_137] : memref<2x1000x8xf32, #tpu.memory_space<vmem>> -> memref<1x1000x8xf32, #tpu.memory_space<vmem>>
        %dma_wait3A_139 = tpu.memref_squeeze %dma_wait3A_138 : memref<1x1000x8xf32, #tpu.memory_space<vmem>> -> memref<1000x8xf32, #tpu.memory_space<vmem>>
        tpu.wait_dma2 semaphore(%run_scoped3A_115 : memref<!tpu.dma_semaphore, #tpu.memory_space<semaphore_mem>>) src(%dma_wait3A_139 : memref<1000x8xf32, #tpu.memory_space<vmem>>) dst(%dma_wait3A_135 : memref<1000x8xf32, #tpu.memory_space<hbm>>)
        tpu.yield
      }) : () -> ()
      %run_scoped3A_74 = arith.constant 0 : i32
      "tpu.region"() ({
        %run_scoped3A_115 = tpu.sem_alloc : memref<!tpu.dma_semaphore, #tpu.memory_space<semaphore_mem>>
        %dma_start3A_116 = arith.constant 0 : i32
        %dma_start3A_117 = arith.constant 0 : i32
        %dma_start3A_118 = tpu.memref_slice %arg11[%run_scoped3A_74, %dma_start3A_116, %dma_start3A_117] : memref<2x1000x8xf32, #tpu.memory_space<vmem>> -> memref<1x1000x8xf32, #tpu.memory_space<vmem>>
        %dma_start3A_119 = tpu.memref_squeeze %dma_start3A_118 : memref<1x1000x8xf32, #tpu.memory_space<vmem>> -> memref<1000x8xf32, #tpu.memory_space<vmem>>
        %dma_start3A_120 = arith.constant 0 : i32
        %dma_start3A_121 = tpu.memref_slice %arg7[%add3A_72, %dma_start3A_120] : memref<1600000x8xf32, #tpu.memory_space<hbm>> -> memref<1000x8xf32, #tpu.memory_space<hbm>>
        %dma_start3A_122 = arith.constant 0 : i32
        %dma_start3A_123 = tpu.memref_slice %arg7[%add3A_72, %dma_start3A_122] : memref<1600000x8xf32, #tpu.memory_space<hbm>> -> memref<1000x8xf32, #tpu.memory_space<hbm>>
        %dma_start3A_124 = arith.constant 0 : i32
        %dma_start3A_125 = arith.constant 0 : i32
        %dma_start3A_126 = tpu.memref_slice %arg11[%run_scoped3A_74, %dma_start3A_124, %dma_start3A_125] : memref<2x1000x8xf32, #tpu.memory_space<vmem>> -> memref<1x1000x8xf32, #tpu.memory_space<vmem>>
        %dma_start3A_127 = tpu.memref_squeeze %dma_start3A_126 : memref<1x1000x8xf32, #tpu.memory_space<vmem>> -> memref<1000x8xf32, #tpu.memory_space<vmem>>
        tpu.enqueue_dma source(%dma_start3A_127 : memref<1000x8xf32, #tpu.memory_space<vmem>>) target(%dma_start3A_123 : memref<1000x8xf32, #tpu.memory_space<hbm>>) target_semaphore(%run_scoped3A_115 : memref<!tpu.dma_semaphore, #tpu.memory_space<semaphore_mem>>)
        %dma_wait3A_128 = arith.constant 0 : i32
        %dma_wait3A_129 = arith.constant 0 : i32
        %dma_wait3A_130 = tpu.memref_slice %arg11[%run_scoped3A_74, %dma_wait3A_128, %dma_wait3A_129] : memref<2x1000x8xf32, #tpu.memory_space<vmem>> -> memref<1x1000x8xf32, #tpu.memory_space<vmem>>
        %dma_wait3A_131 = tpu.memref_squeeze %dma_wait3A_130 : memref<1x1000x8xf32, #tpu.memory_space<vmem>> -> memref<1000x8xf32, #tpu.memory_space<vmem>>
        %dma_wait3A_132 = arith.constant 0 : i32
        %dma_wait3A_133 = tpu.memref_slice %arg7[%add3A_72, %dma_wait3A_132] : memref<1600000x8xf32, #tpu.memory_space<hbm>> -> memref<1000x8xf32, #tpu.memory_space<hbm>>
        %dma_wait3A_134 = arith.constant 0 : i32
        %dma_wait3A_135 = tpu.memref_slice %arg7[%add3A_72, %dma_wait3A_134] : memref<1600000x8xf32, #tpu.memory_space<hbm>> -> memref<1000x8xf32, #tpu.memory_space<hbm>>
        %dma_wait3A_136 = arith.constant 0 : i32
        %dma_wait3A_137 = arith.constant 0 : i32
        %dma_wait3A_138 = tpu.memref_slice %arg11[%run_scoped3A_74, %dma_wait3A_136, %dma_wait3A_137] : memref<2x1000x8xf32, #tpu.memory_space<vmem>> -> memref<1x1000x8xf32, #tpu.memory_space<vmem>>
        %dma_wait3A_139 = tpu.memref_squeeze %dma_wait3A_138 : memref<1x1000x8xf32, #tpu.memory_space<vmem>> -> memref<1000x8xf32, #tpu.memory_space<vmem>>
        tpu.wait_dma2 semaphore(%run_scoped3A_115 : memref<!tpu.dma_semaphore, #tpu.memory_space<semaphore_mem>>) src(%dma_wait3A_139 : memref<1000x8xf32, #tpu.memory_space<vmem>>) dst(%dma_wait3A_135 : memref<1000x8xf32, #tpu.memory_space<hbm>>)
        tpu.yield
      }) : () -> ()
      %mul3A_75 = arith.constant 2 : i32
      %mul3A_76 = arith.muli %mul3A_75, %scan3A_36 : i32
      %add3A_77 = arith.constant 1 : i32
      %add3A_78 = arith.addi %mul3A_76, %add3A_77 : i32
      %dma_wait3A_79 = arith.constant 1 : i32
      %dma_wait3A_80 = arith.constant 1 : i32
      %dma_wait3A_81 = arith.constant 0 : i32
      %dma_wait3A_82 = arith.constant 0 : i32
      %dma_wait3A_83 = tpu.memref_slice %arg10[%dma_wait3A_80, %dma_wait3A_81, %dma_wait3A_82] : memref<2x1000x8xf32, #tpu.memory_space<vmem>> -> memref<1x1000x8xf32, #tpu.memory_space<vmem>>
      %dma_wait3A_84 = tpu.memref_squeeze %dma_wait3A_83 : memref<1x1000x8xf32, #tpu.memory_space<vmem>> -> memref<1000x8xf32, #tpu.memory_space<vmem>>
      %dma_wait3A_85 = arith.constant 0 : i32
      %dma_wait3A_86 = tpu.memref_slice %arg8[%dma_wait3A_79, %dma_wait3A_85] : memref<2x1000xi32, #tpu.memory_space<vmem>> -> memref<1x1000xi32, #tpu.memory_space<vmem>>
      %dma_wait3A_87 = tpu.memref_squeeze %dma_wait3A_86 : memref<1x1000xi32, #tpu.memory_space<vmem>> -> memref<1000xi32, #tpu.memory_space<vmem>>
      %dma_wait3A_88 = arith.constant 0 : i32
      %dma_wait3A_89 = arith.constant 0 : i32
      %dma_wait3A_90 = tpu.memref_slice %arg2[%dma_wait3A_88, %dma_wait3A_89] : memref<50000x8xf32, #tpu.memory_space<hbm>> -> memref<50000x8xf32, #tpu.memory_space<hbm>>
      tpu.wait_indirect_dma semaphore(%arg13 : memref<!tpu.dma_semaphore, #tpu.memory_space<semaphore_mem>>) src(%dma_wait3A_90 : memref<50000x8xf32, #tpu.memory_space<hbm>>) dst(%dma_wait3A_84 : memref<1000x8xf32, #tpu.memory_space<vmem>>)
      %dma_wait3A_91 = arith.constant 1 : i32
      %dma_wait3A_92 = arith.constant 1 : i32
      %dma_wait3A_93 = arith.constant 0 : i32
      %dma_wait3A_94 = arith.constant 0 : i32
      %dma_wait3A_95 = tpu.memref_slice %arg11[%dma_wait3A_92, %dma_wait3A_93, %dma_wait3A_94] : memref<2x1000x8xf32, #tpu.memory_space<vmem>> -> memref<1x1000x8xf32, #tpu.memory_space<vmem>>
      %dma_wait3A_96 = tpu.memref_squeeze %dma_wait3A_95 : memref<1x1000x8xf32, #tpu.memory_space<vmem>> -> memref<1000x8xf32, #tpu.memory_space<vmem>>
      %dma_wait3A_97 = arith.constant 0 : i32
      %dma_wait3A_98 = tpu.memref_slice %arg9[%dma_wait3A_91, %dma_wait3A_97] : memref<2x1000xi32, #tpu.memory_space<vmem>> -> memref<1x1000xi32, #tpu.memory_space<vmem>>
      %dma_wait3A_99 = tpu.memref_squeeze %dma_wait3A_98 : memref<1x1000xi32, #tpu.memory_space<vmem>> -> memref<1000xi32, #tpu.memory_space<vmem>>
      %dma_wait3A_100 = arith.constant 0 : i32
      %dma_wait3A_101 = arith.constant 0 : i32
      %dma_wait3A_102 = tpu.memref_slice %arg12[%dma_wait3A_100, %dma_wait3A_101] : memref<50000x8xf32, #tpu.memory_space<vmem_shared>> -> memref<50000x8xf32, #tpu.memory_space<vmem_shared>>
      tpu.wait_indirect_dma semaphore(%arg14 : memref<!tpu.dma_semaphore, #tpu.memory_space<semaphore_mem>>) src(%dma_wait3A_102 : memref<50000x8xf32, #tpu.memory_space<vmem_shared>>) dst(%dma_wait3A_96 : memref<1000x8xf32, #tpu.memory_space<vmem>>)
      %add3A_103 = arith.constant 1 : i32
      %add3A_104 = arith.addi %add3A_78, %add3A_103 : i32
      %lt3A_105 = arith.constant 50 : i32
      %lt3A_106 = arith.cmpi slt, %add3A_104, %lt3A_105 : i32
      %convert_element_type3A_107 = arith.extui %lt3A_106 : i1 to i32
      %cond3A_108 = arith.constant 0 : i32
      %cond3A_109 = arith.cmpi ne, %convert_element_type3A_107, %cond3A_108 : i32
      scf.if %cond3A_109 {
        %add3A_115 = arith.constant 1 : i32
        %add3A_116 = arith.addi %add3A_78, %add3A_115 : i32
        %mul3A_117 = arith.constant 1000 : i32
        %mul3A_118 = arith.muli %add3A_116, %mul3A_117 : i32
        %add3A_119 = arith.addi %mul3A_2, %mul3A_118 : i32
        %run_scoped3A_120 = arith.constant 0 : i32
        "tpu.region"() ({
          %run_scoped3A_146 = tpu.sem_alloc : memref<!tpu.dma_semaphore, #tpu.memory_space<semaphore_mem>>
          %dma_start3A_147 = arith.constant 0 : i32
          %dma_start3A_148 = tpu.memref_slice %arg8[%run_scoped3A_120, %dma_start3A_147] : memref<2x1000xi32, #tpu.memory_space<vmem>> -> memref<1x1000xi32, #tpu.memory_space<vmem>>
          %dma_start3A_149 = tpu.memref_squeeze %dma_start3A_148 : memref<1x1000xi32, #tpu.memory_space<vmem>> -> memref<1000xi32, #tpu.memory_space<vmem>>
          %dma_start3A_150 = tpu.memref_slice %arg4[%add3A_119] : memref<1600000xi32, #tpu.memory_space<hbm>> -> memref<1000xi32, #tpu.memory_space<hbm>>
          %dma_start3A_151 = arith.constant 0 : i32
          %dma_start3A_152 = tpu.memref_slice %arg8[%run_scoped3A_120, %dma_start3A_151] : memref<2x1000xi32, #tpu.memory_space<vmem>> -> memref<1x1000xi32, #tpu.memory_space<vmem>>
          %dma_start3A_153 = tpu.memref_squeeze %dma_start3A_152 : memref<1x1000xi32, #tpu.memory_space<vmem>> -> memref<1000xi32, #tpu.memory_space<vmem>>
          %dma_start3A_154 = tpu.memref_slice %arg4[%add3A_119] : memref<1600000xi32, #tpu.memory_space<hbm>> -> memref<1000xi32, #tpu.memory_space<hbm>>
          tpu.enqueue_dma source(%dma_start3A_154 : memref<1000xi32, #tpu.memory_space<hbm>>) target(%dma_start3A_153 : memref<1000xi32, #tpu.memory_space<vmem>>) target_semaphore(%run_scoped3A_146 : memref<!tpu.dma_semaphore, #tpu.memory_space<semaphore_mem>>)
          %dma_wait3A_155 = arith.constant 0 : i32
          %dma_wait3A_156 = tpu.memref_slice %arg8[%run_scoped3A_120, %dma_wait3A_155] : memref<2x1000xi32, #tpu.memory_space<vmem>> -> memref<1x1000xi32, #tpu.memory_space<vmem>>
          %dma_wait3A_157 = tpu.memref_squeeze %dma_wait3A_156 : memref<1x1000xi32, #tpu.memory_space<vmem>> -> memref<1000xi32, #tpu.memory_space<vmem>>
          %dma_wait3A_158 = tpu.memref_slice %arg4[%add3A_119] : memref<1600000xi32, #tpu.memory_space<hbm>> -> memref<1000xi32, #tpu.memory_space<hbm>>
          %dma_wait3A_159 = arith.constant 0 : i32
          %dma_wait3A_160 = tpu.memref_slice %arg8[%run_scoped3A_120, %dma_wait3A_159] : memref<2x1000xi32, #tpu.memory_space<vmem>> -> memref<1x1000xi32, #tpu.memory_space<vmem>>
          %dma_wait3A_161 = tpu.memref_squeeze %dma_wait3A_160 : memref<1x1000xi32, #tpu.memory_space<vmem>> -> memref<1000xi32, #tpu.memory_space<vmem>>
          %dma_wait3A_162 = tpu.memref_slice %arg4[%add3A_119] : memref<1600000xi32, #tpu.memory_space<hbm>> -> memref<1000xi32, #tpu.memory_space<hbm>>
          tpu.wait_dma2 semaphore(%run_scoped3A_146 : memref<!tpu.dma_semaphore, #tpu.memory_space<semaphore_mem>>) src(%dma_wait3A_162 : memref<1000xi32, #tpu.memory_space<hbm>>) dst(%dma_wait3A_161 : memref<1000xi32, #tpu.memory_space<vmem>>)
          tpu.yield
        }) : () -> ()
        %run_scoped3A_121 = arith.constant 0 : i32
        "tpu.region"() ({
          %run_scoped3A_146 = tpu.sem_alloc : memref<!tpu.dma_semaphore, #tpu.memory_space<semaphore_mem>>
          %dma_start3A_147 = arith.constant 0 : i32
          %dma_start3A_148 = tpu.memref_slice %arg9[%run_scoped3A_121, %dma_start3A_147] : memref<2x1000xi32, #tpu.memory_space<vmem>> -> memref<1x1000xi32, #tpu.memory_space<vmem>>
          %dma_start3A_149 = tpu.memref_squeeze %dma_start3A_148 : memref<1x1000xi32, #tpu.memory_space<vmem>> -> memref<1000xi32, #tpu.memory_space<vmem>>
          %dma_start3A_150 = tpu.memref_slice %arg5[%add3A_119] : memref<1600000xi32, #tpu.memory_space<hbm>> -> memref<1000xi32, #tpu.memory_space<hbm>>
          %dma_start3A_151 = arith.constant 0 : i32
          %dma_start3A_152 = tpu.memref_slice %arg9[%run_scoped3A_121, %dma_start3A_151] : memref<2x1000xi32, #tpu.memory_space<vmem>> -> memref<1x1000xi32, #tpu.memory_space<vmem>>
          %dma_start3A_153 = tpu.memref_squeeze %dma_start3A_152 : memref<1x1000xi32, #tpu.memory_space<vmem>> -> memref<1000xi32, #tpu.memory_space<vmem>>
          %dma_start3A_154 = tpu.memref_slice %arg5[%add3A_119] : memref<1600000xi32, #tpu.memory_space<hbm>> -> memref<1000xi32, #tpu.memory_space<hbm>>
          tpu.enqueue_dma source(%dma_start3A_154 : memref<1000xi32, #tpu.memory_space<hbm>>) target(%dma_start3A_153 : memref<1000xi32, #tpu.memory_space<vmem>>) target_semaphore(%run_scoped3A_146 : memref<!tpu.dma_semaphore, #tpu.memory_space<semaphore_mem>>)
          %dma_wait3A_155 = arith.constant 0 : i32
          %dma_wait3A_156 = tpu.memref_slice %arg9[%run_scoped3A_121, %dma_wait3A_155] : memref<2x1000xi32, #tpu.memory_space<vmem>> -> memref<1x1000xi32, #tpu.memory_space<vmem>>
          %dma_wait3A_157 = tpu.memref_squeeze %dma_wait3A_156 : memref<1x1000xi32, #tpu.memory_space<vmem>> -> memref<1000xi32, #tpu.memory_space<vmem>>
          %dma_wait3A_158 = tpu.memref_slice %arg5[%add3A_119] : memref<1600000xi32, #tpu.memory_space<hbm>> -> memref<1000xi32, #tpu.memory_space<hbm>>
          %dma_wait3A_159 = arith.constant 0 : i32
          %dma_wait3A_160 = tpu.memref_slice %arg9[%run_scoped3A_121, %dma_wait3A_159] : memref<2x1000xi32, #tpu.memory_space<vmem>> -> memref<1x1000xi32, #tpu.memory_space<vmem>>
          %dma_wait3A_161 = tpu.memref_squeeze %dma_wait3A_160 : memref<1x1000xi32, #tpu.memory_space<vmem>> -> memref<1000xi32, #tpu.memory_space<vmem>>
          %dma_wait3A_162 = tpu.memref_slice %arg5[%add3A_119] : memref<1600000xi32, #tpu.memory_space<hbm>> -> memref<1000xi32, #tpu.memory_space<hbm>>
          tpu.wait_dma2 semaphore(%run_scoped3A_146 : memref<!tpu.dma_semaphore, #tpu.memory_space<semaphore_mem>>) src(%dma_wait3A_162 : memref<1000xi32, #tpu.memory_space<hbm>>) dst(%dma_wait3A_161 : memref<1000xi32, #tpu.memory_space<vmem>>)
          tpu.yield
        }) : () -> ()
        %dma_start3A_122 = arith.constant 0 : i32
        %dma_start3A_123 = arith.constant 0 : i32
        %dma_start3A_124 = arith.constant 0 : i32
        %dma_start3A_125 = arith.constant 0 : i32
        %dma_start3A_126 = tpu.memref_slice %arg10[%dma_start3A_123, %dma_start3A_124, %dma_start3A_125] : memref<2x1000x8xf32, #tpu.memory_space<vmem>> -> memref<1x1000x8xf32, #tpu.memory_space<vmem>>
        %dma_start3A_127 = tpu.memref_squeeze %dma_start3A_126 : memref<1x1000x8xf32, #tpu.memory_space<vmem>> -> memref<1000x8xf32, #tpu.memory_space<vmem>>
        %dma_start3A_128 = arith.constant 0 : i32
        %dma_start3A_129 = tpu.memref_slice %arg8[%dma_start3A_122, %dma_start3A_128] : memref<2x1000xi32, #tpu.memory_space<vmem>> -> memref<1x1000xi32, #tpu.memory_space<vmem>>
        %dma_start3A_130 = tpu.memref_squeeze %dma_start3A_129 : memref<1x1000xi32, #tpu.memory_space<vmem>> -> memref<1000xi32, #tpu.memory_space<vmem>>
        %dma_start3A_131 = arith.constant 0 : i32
        %dma_start3A_132 = arith.constant 0 : i32
        %dma_start3A_133 = tpu.memref_slice %arg2[%dma_start3A_131, %dma_start3A_132] : memref<50000x8xf32, #tpu.memory_space<hbm>> -> memref<50000x8xf32, #tpu.memory_space<hbm>>
        tpu.enqueue_indirect_dma source(%dma_start3A_133 : memref<50000x8xf32, #tpu.memory_space<hbm>>) target(%dma_start3A_127 : memref<1000x8xf32, #tpu.memory_space<vmem>>) offsets(%dma_start3A_130 : memref<1000xi32, #tpu.memory_space<vmem>>) semaphore(%arg13 : memref<!tpu.dma_semaphore, #tpu.memory_space<semaphore_mem>>)
        %dma_start3A_134 = arith.constant 0 : i32
        %dma_start3A_135 = arith.constant 0 : i32
        %dma_start3A_136 = arith.constant 0 : i32
        %dma_start3A_137 = arith.constant 0 : i32
        %dma_start3A_138 = tpu.memref_slice %arg11[%dma_start3A_135, %dma_start3A_136, %dma_start3A_137] : memref<2x1000x8xf32, #tpu.memory_space<vmem>> -> memref<1x1000x8xf32, #tpu.memory_space<vmem>>
        %dma_start3A_139 = tpu.memref_squeeze %dma_start3A_138 : memref<1x1000x8xf32, #tpu.memory_space<vmem>> -> memref<1000x8xf32, #tpu.memory_space<vmem>>
        %dma_start3A_140 = arith.constant 0 : i32
        %dma_start3A_141 = tpu.memref_slice %arg9[%dma_start3A_134, %dma_start3A_140] : memref<2x1000xi32, #tpu.memory_space<vmem>> -> memref<1x1000xi32, #tpu.memory_space<vmem>>
        %dma_start3A_142 = tpu.memref_squeeze %dma_start3A_141 : memref<1x1000xi32, #tpu.memory_space<vmem>> -> memref<1000xi32, #tpu.memory_space<vmem>>
        %dma_start3A_143 = arith.constant 0 : i32
        %dma_start3A_144 = arith.constant 0 : i32
        %dma_start3A_145 = tpu.memref_slice %arg12[%dma_start3A_143, %dma_start3A_144] : memref<50000x8xf32, #tpu.memory_space<vmem_shared>> -> memref<50000x8xf32, #tpu.memory_space<vmem_shared>>
        tpu.enqueue_indirect_dma source(%dma_start3A_145 : memref<50000x8xf32, #tpu.memory_space<vmem_shared>>) target(%dma_start3A_139 : memref<1000x8xf32, #tpu.memory_space<vmem>>) offsets(%dma_start3A_142 : memref<1000xi32, #tpu.memory_space<vmem>>) semaphore(%arg14 : memref<!tpu.dma_semaphore, #tpu.memory_space<semaphore_mem>>)
      } else {
      }
      %mul3A_110 = arith.constant 1000 : i32
      %mul3A_111 = arith.muli %add3A_78, %mul3A_110 : i32
      %add3A_112 = arith.addi %mul3A_2, %mul3A_111 : i32
      %run_scoped3A_113 = arith.constant 1 : i32
      "tpu.region"() ({
        %run_scoped3A_115 = tpu.sem_alloc : memref<!tpu.dma_semaphore, #tpu.memory_space<semaphore_mem>>
        %dma_start3A_116 = arith.constant 0 : i32
        %dma_start3A_117 = arith.constant 0 : i32
        %dma_start3A_118 = tpu.memref_slice %arg10[%run_scoped3A_113, %dma_start3A_116, %dma_start3A_117] : memref<2x1000x8xf32, #tpu.memory_space<vmem>> -> memref<1x1000x8xf32, #tpu.memory_space<vmem>>
        %dma_start3A_119 = tpu.memref_squeeze %dma_start3A_118 : memref<1x1000x8xf32, #tpu.memory_space<vmem>> -> memref<1000x8xf32, #tpu.memory_space<vmem>>
        %dma_start3A_120 = arith.constant 0 : i32
        %dma_start3A_121 = tpu.memref_slice %arg6[%add3A_112, %dma_start3A_120] : memref<1600000x8xf32, #tpu.memory_space<hbm>> -> memref<1000x8xf32, #tpu.memory_space<hbm>>
        %dma_start3A_122 = arith.constant 0 : i32
        %dma_start3A_123 = tpu.memref_slice %arg6[%add3A_112, %dma_start3A_122] : memref<1600000x8xf32, #tpu.memory_space<hbm>> -> memref<1000x8xf32, #tpu.memory_space<hbm>>
        %dma_start3A_124 = arith.constant 0 : i32
        %dma_start3A_125 = arith.constant 0 : i32
        %dma_start3A_126 = tpu.memref_slice %arg10[%run_scoped3A_113, %dma_start3A_124, %dma_start3A_125] : memref<2x1000x8xf32, #tpu.memory_space<vmem>> -> memref<1x1000x8xf32, #tpu.memory_space<vmem>>
        %dma_start3A_127 = tpu.memref_squeeze %dma_start3A_126 : memref<1x1000x8xf32, #tpu.memory_space<vmem>> -> memref<1000x8xf32, #tpu.memory_space<vmem>>
        tpu.enqueue_dma source(%dma_start3A_127 : memref<1000x8xf32, #tpu.memory_space<vmem>>) target(%dma_start3A_123 : memref<1000x8xf32, #tpu.memory_space<hbm>>) target_semaphore(%run_scoped3A_115 : memref<!tpu.dma_semaphore, #tpu.memory_space<semaphore_mem>>)
        %dma_wait3A_128 = arith.constant 0 : i32
        %dma_wait3A_129 = arith.constant 0 : i32
        %dma_wait3A_130 = tpu.memref_slice %arg10[%run_scoped3A_113, %dma_wait3A_128, %dma_wait3A_129] : memref<2x1000x8xf32, #tpu.memory_space<vmem>> -> memref<1x1000x8xf32, #tpu.memory_space<vmem>>
        %dma_wait3A_131 = tpu.memref_squeeze %dma_wait3A_130 : memref<1x1000x8xf32, #tpu.memory_space<vmem>> -> memref<1000x8xf32, #tpu.memory_space<vmem>>
        %dma_wait3A_132 = arith.constant 0 : i32
        %dma_wait3A_133 = tpu.memref_slice %arg6[%add3A_112, %dma_wait3A_132] : memref<1600000x8xf32, #tpu.memory_space<hbm>> -> memref<1000x8xf32, #tpu.memory_space<hbm>>
        %dma_wait3A_134 = arith.constant 0 : i32
        %dma_wait3A_135 = tpu.memref_slice %arg6[%add3A_112, %dma_wait3A_134] : memref<1600000x8xf32, #tpu.memory_space<hbm>> -> memref<1000x8xf32, #tpu.memory_space<hbm>>
        %dma_wait3A_136 = arith.constant 0 : i32
        %dma_wait3A_137 = arith.constant 0 : i32
        %dma_wait3A_138 = tpu.memref_slice %arg10[%run_scoped3A_113, %dma_wait3A_136, %dma_wait3A_137] : memref<2x1000x8xf32, #tpu.memory_space<vmem>> -> memref<1x1000x8xf32, #tpu.memory_space<vmem>>
        %dma_wait3A_139 = tpu.memref_squeeze %dma_wait3A_138 : memref<1x1000x8xf32, #tpu.memory_space<vmem>> -> memref<1000x8xf32, #tpu.memory_space<vmem>>
        tpu.wait_dma2 semaphore(%run_scoped3A_115 : memref<!tpu.dma_semaphore, #tpu.memory_space<semaphore_mem>>) src(%dma_wait3A_139 : memref<1000x8xf32, #tpu.memory_space<vmem>>) dst(%dma_wait3A_135 : memref<1000x8xf32, #tpu.memory_space<hbm>>)
        tpu.yield
      }) : () -> ()
      %run_scoped3A_114 = arith.constant 1 : i32
      "tpu.region"() ({
        %run_scoped3A_115 = tpu.sem_alloc : memref<!tpu.dma_semaphore, #tpu.memory_space<semaphore_mem>>
        %dma_start3A_116 = arith.constant 0 : i32
        %dma_start3A_117 = arith.constant 0 : i32
        %dma_start3A_118 = tpu.memref_slice %arg11[%run_scoped3A_114, %dma_start3A_116, %dma_start3A_117] : memref<2x1000x8xf32, #tpu.memory_space<vmem>> -> memref<1x1000x8xf32, #tpu.memory_space<vmem>>
        %dma_start3A_119 = tpu.memref_squeeze %dma_start3A_118 : memref<1x1000x8xf32, #tpu.memory_space<vmem>> -> memref<1000x8xf32, #tpu.memory_space<vmem>>
        %dma_start3A_120 = arith.constant 0 : i32
        %dma_start3A_121 = tpu.memref_slice %arg7[%add3A_112, %dma_start3A_120] : memref<1600000x8xf32, #tpu.memory_space<hbm>> -> memref<1000x8xf32, #tpu.memory_space<hbm>>
        %dma_start3A_122 = arith.constant 0 : i32
        %dma_start3A_123 = tpu.memref_slice %arg7[%add3A_112, %dma_start3A_122] : memref<1600000x8xf32, #tpu.memory_space<hbm>> -> memref<1000x8xf32, #tpu.memory_space<hbm>>
        %dma_start3A_124 = arith.constant 0 : i32
        %dma_start3A_125 = arith.constant 0 : i32
        %dma_start3A_126 = tpu.memref_slice %arg11[%run_scoped3A_114, %dma_start3A_124, %dma_start3A_125] : memref<2x1000x8xf32, #tpu.memory_space<vmem>> -> memref<1x1000x8xf32, #tpu.memory_space<vmem>>
        %dma_start3A_127 = tpu.memref_squeeze %dma_start3A_126 : memref<1x1000x8xf32, #tpu.memory_space<vmem>> -> memref<1000x8xf32, #tpu.memory_space<vmem>>
        tpu.enqueue_dma source(%dma_start3A_127 : memref<1000x8xf32, #tpu.memory_space<vmem>>) target(%dma_start3A_123 : memref<1000x8xf32, #tpu.memory_space<hbm>>) target_semaphore(%run_scoped3A_115 : memref<!tpu.dma_semaphore, #tpu.memory_space<semaphore_mem>>)
        %dma_wait3A_128 = arith.constant 0 : i32
        %dma_wait3A_129 = arith.constant 0 : i32
        %dma_wait3A_130 = tpu.memref_slice %arg11[%run_scoped3A_114, %dma_wait3A_128, %dma_wait3A_129] : memref<2x1000x8xf32, #tpu.memory_space<vmem>> -> memref<1x1000x8xf32, #tpu.memory_space<vmem>>
        %dma_wait3A_131 = tpu.memref_squeeze %dma_wait3A_130 : memref<1x1000x8xf32, #tpu.memory_space<vmem>> -> memref<1000x8xf32, #tpu.memory_space<vmem>>
        %dma_wait3A_132 = arith.constant 0 : i32
        %dma_wait3A_133 = tpu.memref_slice %arg7[%add3A_112, %dma_wait3A_132] : memref<1600000x8xf32, #tpu.memory_space<hbm>> -> memref<1000x8xf32, #tpu.memory_space<hbm>>
        %dma_wait3A_134 = arith.constant 0 : i32
        %dma_wait3A_135 = tpu.memref_slice %arg7[%add3A_112, %dma_wait3A_134] : memref<1600000x8xf32, #tpu.memory_space<hbm>> -> memref<1000x8xf32, #tpu.memory_space<hbm>>
        %dma_wait3A_136 = arith.constant 0 : i32
        %dma_wait3A_137 = arith.constant 0 : i32
        %dma_wait3A_138 = tpu.memref_slice %arg11[%run_scoped3A_114, %dma_wait3A_136, %dma_wait3A_137] : memref<2x1000x8xf32, #tpu.memory_space<vmem>> -> memref<1x1000x8xf32, #tpu.memory_space<vmem>>
        %dma_wait3A_139 = tpu.memref_squeeze %dma_wait3A_138 : memref<1x1000x8xf32, #tpu.memory_space<vmem>> -> memref<1000x8xf32, #tpu.memory_space<vmem>>
        tpu.wait_dma2 semaphore(%run_scoped3A_115 : memref<!tpu.dma_semaphore, #tpu.memory_space<semaphore_mem>>) src(%dma_wait3A_139 : memref<1000x8xf32, #tpu.memory_space<vmem>>) dst(%dma_wait3A_135 : memref<1000x8xf32, #tpu.memory_space<hbm>>)
        tpu.yield
      }) : () -> ()
    }
    %scan3A_35 = arith.constant 25 : i32
    return
  }
}

#map = affine_map<(d0, d1) -> (0)>
#map1 = affine_map<(d0, d1) -> (0, 0)>
module attributes {stable_mosaic.version = 14 : i64} {
  func.func @_scatter_body(%arg0: i32, %arg1: i32, %arg2: memref<1600000xi32, #tpu.memory_space<hbm>>, %arg3: memref<100000x128xf32, #tpu.memory_space<hbm>>, %arg4: memref<32x50000xf32, #tpu.memory_space<hbm>>, %arg5: memref<1600xi32, #tpu.memory_space<vmem>>, %arg6: memref<100x128xf32, #tpu.memory_space<vmem>>, %arg7: memref<50000xf32, #tpu.memory_space<vmem>>) attributes {dimension_semantics = [#tpu.dimension_semantics<core_parallel>, #tpu.dimension_semantics<subcore_parallel>], iteration_bounds = array<i64: 2, 16>, scalar_prefetch = 0 : i64, scratch_operands = 3 : i64, tpu.core_type = #tpu.core_type<sc_vector_subcore>, window_params = [{transform_indices = #map}, {transform_indices = #map1}, {transform_indices = #map1}]} {
    %mul3A = arith.constant 2 : i32
    %mul3A_0 = arith.muli %arg1, %mul3A : i32
    %add3A = arith.addi %mul3A_0, %arg0 : i32
    %broadcast_in_dim3A = arith.constant 0xFF800000 : f32
    %broadcast_in_dim3A_1 = vector.broadcast %broadcast_in_dim3A : f32 to vector<16xf32>
    %scan3A = arith.constant 0 : i32
    %scan3A_2 = arith.constant 0 : i32
    %scan3A_3 = arith.constant 3125 : i32
    %scan3A_4 = arith.addi %scan3A_2, %scan3A_3 : i32
    %scan3A_5 = arith.constant 1 : i32
    scf.for %scan3A_9 = %scan3A_2 to %scan3A_4 step %scan3A_5  : i32 {
      %mul3A_10 = arith.constant 16 : i32
      %mul3A_11 = arith.muli %scan3A_9, %mul3A_10 : i32
      %swap3A = arith.index_cast %mul3A_11 : i32 to index
      %swap3A_12 = tpu.vector_load %arg7[%swap3A] {strides = array<i32>} : memref<50000xf32, #tpu.memory_space<vmem>>, vector<16xf32>,
      tpu.vector_store %arg7[%swap3A], %broadcast_in_dim3A_1 {strides = array<i32>} : memref<50000xf32, #tpu.memory_space<vmem>>, vector<16xf32>,
    }
    %scan3A_6 = arith.constant 3125 : i32
    %lt3A = arith.constant 30 : i32
    %lt3A_7 = arith.cmpi slt, %add3A, %lt3A : i32
    %convert_element_type3A = arith.extui %lt3A_7 : i1 to i32
    %cond3A = arith.constant 0 : i32
    %cond3A_8 = arith.cmpi ne, %convert_element_type3A, %cond3A : i32
    scf.if %cond3A_8 {
      %jit3A = arith.constant 10 : i32
      %div3A = arith.divsi %add3A, %jit3A : i32
      %sign3A = arith.constant 0 : i32
      %sign3A_9 = arith.cmpi sgt, %add3A, %sign3A : i32
      %sign3A_10 = arith.extui %sign3A_9 : i1 to i32
      %sign3A_11 = arith.constant 0 : i32
      %sign3A_12 = arith.cmpi slt, %add3A, %sign3A_11 : i32
      %sign3A_13 = arith.extui %sign3A_12 : i1 to i32
      %sign3A_14 = arith.subi %sign3A_10, %sign3A_13 : i32
      %sign3A_15 = arith.constant 0 : i32
      %sign3A_16 = arith.cmpi sgt, %jit3A, %sign3A_15 : i32
      %sign3A_17 = arith.extui %sign3A_16 : i1 to i32
      %sign3A_18 = arith.constant 0 : i32
      %sign3A_19 = arith.cmpi slt, %jit3A, %sign3A_18 : i32
      %sign3A_20 = arith.extui %sign3A_19 : i1 to i32
      %sign3A_21 = arith.subi %sign3A_17, %sign3A_20 : i32
      %ne3A = arith.cmpi ne, %sign3A_14, %sign3A_21 : i32
      %rem3A = arith.remsi %add3A, %jit3A : i32
      %ne3A_22 = arith.constant 0 : i32
      %ne3A_23 = arith.cmpi ne, %rem3A, %ne3A_22 : i32
      %and3A = arith.andi %ne3A, %ne3A_23 : i1
      %sub3A = arith.constant 1 : i32
      %sub3A_24 = arith.subi %div3A, %sub3A : i32
      %select_n3A = arith.select %and3A, %sub3A_24, %div3A : i32
      %jit3A_25 = arith.constant 10 : i32
      %eq3A = arith.constant 0 : i32
      %eq3A_26 = arith.cmpi eq, %jit3A_25, %eq3A : i32
      %jit3A_27 = arith.constant 1 : i32
      %select_n3A_28 = arith.select %eq3A_26, %jit3A_27, %jit3A_25 : i32
      %rem3A_29 = arith.remsi %add3A, %select_n3A_28 : i32
      %ne3A_30 = arith.constant 0 : i32
      %ne3A_31 = arith.cmpi ne, %rem3A_29, %ne3A_30 : i32
      %lt3A_32 = arith.constant 0 : i32
      %lt3A_33 = arith.cmpi slt, %rem3A_29, %lt3A_32 : i32
      %lt3A_34 = arith.constant 0 : i32
      %lt3A_35 = arith.cmpi slt, %select_n3A_28, %lt3A_34 : i32
      %ne3A_36 = arith.xori %lt3A_33, %lt3A_35 : i1
      %and3A_37 = arith.andi %ne3A_36, %ne3A_31 : i1
      %add3A_38 = arith.addi %rem3A_29, %select_n3A_28 : i32
      %select_n3A_39 = arith.select %and3A_37, %add3A_38, %rem3A_29 : i32
      %scan3A_40 = arith.constant 0 : i32
      %scan3A_41 = arith.constant 0 : i32
      %scan3A_42 = arith.constant 100 : i32
      %scan3A_43 = arith.addi %scan3A_41, %scan3A_42 : i32
      %scan3A_44 = arith.constant 1 : i32
      scf.for %scan3A_46 = %scan3A_41 to %scan3A_43 step %scan3A_44  : i32 {
        %mul3A_47 = arith.constant 160000 : i32
        %mul3A_48 = arith.muli %select_n3A_39, %mul3A_47 : i32
        %mul3A_49 = arith.constant 1600 : i32
        %mul3A_50 = arith.muli %scan3A_46, %mul3A_49 : i32
        %add3A_51 = arith.addi %mul3A_48, %mul3A_50 : i32
        "tpu.region"() ({
          %run_scoped3A = tpu.sem_alloc : memref<!tpu.dma_semaphore, #tpu.memory_space<semaphore_mem>>
          %dma_start3A = tpu.memref_slice %arg2[%add3A_51] : memref<1600000xi32, #tpu.memory_space<hbm>> -> memref<1600xi32, #tpu.memory_space<hbm>>
          %dma_start3A_82 = tpu.memref_slice %arg2[%add3A_51] : memref<1600000xi32, #tpu.memory_space<hbm>> -> memref<1600xi32, #tpu.memory_space<hbm>>
          tpu.enqueue_dma source(%dma_start3A_82 : memref<1600xi32, #tpu.memory_space<hbm>>) target(%arg5 : memref<1600xi32, #tpu.memory_space<vmem>>) target_semaphore(%run_scoped3A : memref<!tpu.dma_semaphore, #tpu.memory_space<semaphore_mem>>)
          %dma_wait3A = tpu.memref_slice %arg2[%add3A_51] : memref<1600000xi32, #tpu.memory_space<hbm>> -> memref<1600xi32, #tpu.memory_space<hbm>>
          %dma_wait3A_83 = tpu.memref_slice %arg2[%add3A_51] : memref<1600000xi32, #tpu.memory_space<hbm>> -> memref<1600xi32, #tpu.memory_space<hbm>>
          tpu.wait_dma2 semaphore(%run_scoped3A : memref<!tpu.dma_semaphore, #tpu.memory_space<semaphore_mem>>) src(%dma_wait3A_83 : memref<1600xi32, #tpu.memory_space<hbm>>) dst(%arg5 : memref<1600xi32, #tpu.memory_space<vmem>>)
          tpu.yield
        }) : () -> ()
        %jit3A_52 = arith.constant 16 : i32
        %div3A_53 = arith.divsi %add3A_51, %jit3A_52 : i32
        %sign3A_54 = arith.constant 0 : i32
        %sign3A_55 = arith.cmpi sgt, %add3A_51, %sign3A_54 : i32
        %sign3A_56 = arith.extui %sign3A_55 : i1 to i32
        %sign3A_57 = arith.constant 0 : i32
        %sign3A_58 = arith.cmpi slt, %add3A_51, %sign3A_57 : i32
        %sign3A_59 = arith.extui %sign3A_58 : i1 to i32
        %sign3A_60 = arith.subi %sign3A_56, %sign3A_59 : i32
        %sign3A_61 = arith.constant 0 : i32
        %sign3A_62 = arith.cmpi sgt, %jit3A_52, %sign3A_61 : i32
        %sign3A_63 = arith.extui %sign3A_62 : i1 to i32
        %sign3A_64 = arith.constant 0 : i32
        %sign3A_65 = arith.cmpi slt, %jit3A_52, %sign3A_64 : i32
        %sign3A_66 = arith.extui %sign3A_65 : i1 to i32
        %sign3A_67 = arith.subi %sign3A_63, %sign3A_66 : i32
        %ne3A_68 = arith.cmpi ne, %sign3A_60, %sign3A_67 : i32
        %rem3A_69 = arith.remsi %add3A_51, %jit3A_52 : i32
        %ne3A_70 = arith.constant 0 : i32
        %ne3A_71 = arith.cmpi ne, %rem3A_69, %ne3A_70 : i32
        %and3A_72 = arith.andi %ne3A_68, %ne3A_71 : i1
        %sub3A_73 = arith.constant 1 : i32
        %sub3A_74 = arith.subi %div3A_53, %sub3A_73 : i32
        %select_n3A_75 = arith.select %and3A_72, %sub3A_74, %div3A_53 : i32
        "tpu.region"() ({
          %run_scoped3A = tpu.sem_alloc : memref<!tpu.dma_semaphore, #tpu.memory_space<semaphore_mem>>
          %dma_start3A = arith.constant 0 : i32
          %dma_start3A_82 = tpu.memref_slice %arg3[%select_n3A_75, %dma_start3A] : memref<100000x128xf32, #tpu.memory_space<hbm>> -> memref<100x128xf32, #tpu.memory_space<hbm>>
          %dma_start3A_83 = arith.constant 0 : i32
          %dma_start3A_84 = tpu.memref_slice %arg3[%select_n3A_75, %dma_start3A_83] : memref<100000x128xf32, #tpu.memory_space<hbm>> -> memref<100x128xf32, #tpu.memory_space<hbm>>
          tpu.enqueue_dma source(%dma_start3A_84 : memref<100x128xf32, #tpu.memory_space<hbm>>) target(%arg6 : memref<100x128xf32, #tpu.memory_space<vmem>>) target_semaphore(%run_scoped3A : memref<!tpu.dma_semaphore, #tpu.memory_space<semaphore_mem>>)
          %dma_wait3A = arith.constant 0 : i32
          %dma_wait3A_85 = tpu.memref_slice %arg3[%select_n3A_75, %dma_wait3A] : memref<100000x128xf32, #tpu.memory_space<hbm>> -> memref<100x128xf32, #tpu.memory_space<hbm>>
          %dma_wait3A_86 = arith.constant 0 : i32
          %dma_wait3A_87 = tpu.memref_slice %arg3[%select_n3A_75, %dma_wait3A_86] : memref<100000x128xf32, #tpu.memory_space<hbm>> -> memref<100x128xf32, #tpu.memory_space<hbm>>
          tpu.wait_dma2 semaphore(%run_scoped3A : memref<!tpu.dma_semaphore, #tpu.memory_space<semaphore_mem>>) src(%dma_wait3A_87 : memref<100x128xf32, #tpu.memory_space<hbm>>) dst(%arg6 : memref<100x128xf32, #tpu.memory_space<vmem>>)
          tpu.yield
        }) : () -> ()
        %scan3A_76 = arith.constant 0 : i32
        %scan3A_77 = arith.constant 0 : i32
        %scan3A_78 = arith.constant 100 : i32
        %scan3A_79 = arith.addi %scan3A_77, %scan3A_78 : i32
        %scan3A_80 = arith.constant 1 : i32
        scf.for %scan3A_82 = %scan3A_77 to %scan3A_79 step %scan3A_80  : i32 {
          %mul3A_83 = arith.constant 16 : i32
          %mul3A_84 = arith.muli %scan3A_82, %mul3A_83 : i32
          %get3A = arith.index_cast %mul3A_84 : i32 to index
          %get3A_85 = tpu.vector_load %arg5[%get3A] {strides = array<i32>} : memref<1600xi32, #tpu.memory_space<vmem>>, vector<16xi32>,
          %mul3A_86 = arith.constant 16 : i32
          %mul3A_87 = arith.muli %select_n3A, %mul3A_86 : i32
          %get3A_88 = arith.index_cast %scan3A_82 : i32 to index
          %get3A_89 = arith.index_cast %mul3A_87 : i32 to index
          %get3A_90 = tpu.vector_load %arg6[%get3A_88, %get3A_89] {strides = array<i32>} : memref<100x128xf32, #tpu.memory_space<vmem>>, vector<16xf32>,
          %broadcast_in_dim3A_91 = arith.constant true
          %broadcast_in_dim3A_92 = vector.broadcast %broadcast_in_dim3A_91 : i1 to vector<16xi1>
          %unique3A, %unique3A_93 = tpu.scan_count mask(%broadcast_in_dim3A_92 : vector<16xi1>) value(%get3A_85 : vector<16xi32>) : vector<16xi1>, vector<16xi32>
          %reduce_min3A = arith.constant true
          %reduce_min3A_94 = vector.broadcast %reduce_min3A : i1 to vector<16xi1>
          %reduce_min3A_95 = arith.constant -2147483648 : i32
          %reduce_min3A_96 = vector.broadcast %reduce_min3A_95 : i32 to vector<16xi32>
          %reduce_min3A_97 = arith.xori %unique3A_93, %reduce_min3A_96 : vector<16xi32>
          %reduce_min3A_98 = tpu.scan <min>, %reduce_min3A_97 masked %reduce_min3A_94 : vector<16xi32>, vector<16xi1> -> vector<16xi32>
          %reduce_min3A_99 = arith.xori %reduce_min3A_98, %reduce_min3A_96 : vector<16xi32>
          %reduce_min3A_100 = vector.extract %reduce_min3A_99[15] : i32 from vector<16xi32>
          %reduce_max3A = arith.constant true
          %reduce_max3A_101 = vector.broadcast %reduce_max3A : i1 to vector<16xi1>
          %reduce_max3A_102 = arith.constant -2147483648 : i32
          %reduce_max3A_103 = vector.broadcast %reduce_max3A_102 : i32 to vector<16xi32>
          %reduce_max3A_104 = arith.xori %unique3A_93, %reduce_max3A_103 : vector<16xi32>
          %reduce_max3A_105 = tpu.scan <max>, %reduce_max3A_104 masked %reduce_max3A_101 : vector<16xi32>, vector<16xi1> -> vector<16xi32>
          %reduce_max3A_106 = arith.xori %reduce_max3A_105, %reduce_max3A_103 : vector<16xi32>
          %reduce_max3A_107 = vector.extract %reduce_max3A_106[15] : i32 from vector<16xi32>
          %add3A_108 = arith.constant 1 : i32
          %add3A_109 = arith.addi %reduce_max3A_107, %add3A_108 : i32
          %while3A = arith.constant 0 : i32
          %while3A_110 = arith.subi %add3A_109, %reduce_min3A_100 : i32
          %while3A_111 = arith.addi %reduce_min3A_100, %while3A_110 : i32
          %while3A_112 = arith.constant 1 : i32
          %while3A_113 = arith.divsi %while3A_110, %while3A_112 : i32
          %while3A_114 = arith.muli %while3A_113, %while3A_112 : i32
          %while3A_115 = arith.addi %reduce_min3A_100, %while3A_114 : i32
          %while3A_116 = arith.constant 1 : i32
          scf.for %while3A_118 = %reduce_min3A_100 to %while3A_115 step %while3A_116  : i32 {
            %eq3A_119 = vector.broadcast %while3A_118 : i32 to vector<16xi32>
            %eq3A_120 = arith.cmpi eq, %unique3A_93, %eq3A_119 : vector<16xi32>
            %gather3A = tpu.vector_load_idx %arg7[%get3A_85] : memref<50000xf32, #tpu.memory_space<vmem>>[vector<16xi32>], vector<16xf32>,
            %max3A = arith.maximumf %gather3A, %get3A_90 : vector<16xf32>
            tpu.vector_store_idx %arg7[%get3A_85], %max3A masked %eq3A_120 : memref<50000xf32, #tpu.memory_space<vmem>>[vector<16xi32>], vector<16xf32>, vector<16xi1>
          }
          %while3A_117 = arith.constant 1 : i32
          scf.for %while3A_118 = %while3A_115 to %while3A_111 step %while3A_117  : i32 {
            %eq3A_119 = vector.broadcast %while3A_118 : i32 to vector<16xi32>
            %eq3A_120 = arith.cmpi eq, %unique3A_93, %eq3A_119 : vector<16xi32>
            %gather3A = tpu.vector_load_idx %arg7[%get3A_85] : memref<50000xf32, #tpu.memory_space<vmem>>[vector<16xi32>], vector<16xf32>,
            %max3A = arith.maximumf %gather3A, %get3A_90 : vector<16xf32>
            tpu.vector_store_idx %arg7[%get3A_85], %max3A masked %eq3A_120 : memref<50000xf32, #tpu.memory_space<vmem>>[vector<16xi32>], vector<16xf32>, vector<16xi1>
          }
        }
        %scan3A_81 = arith.constant 100 : i32
      }
      %scan3A_45 = arith.constant 100 : i32
    } else {
    }
    "tpu.region"() ({
      %run_scoped3A = tpu.sem_alloc : memref<!tpu.dma_semaphore, #tpu.memory_space<semaphore_mem>>
      %dma_start3A = arith.constant 0 : i32
      %dma_start3A_9 = tpu.memref_slice %arg4[%add3A, %dma_start3A] : memref<32x50000xf32, #tpu.memory_space<hbm>> -> memref<1x50000xf32, #tpu.memory_space<hbm>>
      %dma_start3A_10 = tpu.memref_squeeze %dma_start3A_9 : memref<1x50000xf32, #tpu.memory_space<hbm>> -> memref<50000xf32, #tpu.memory_space<hbm>>
      %dma_start3A_11 = arith.constant 0 : i32
      %dma_start3A_12 = tpu.memref_slice %arg4[%add3A, %dma_start3A_11] : memref<32x50000xf32, #tpu.memory_space<hbm>> -> memref<1x50000xf32, #tpu.memory_space<hbm>>
      %dma_start3A_13 = tpu.memref_squeeze %dma_start3A_12 : memref<1x50000xf32, #tpu.memory_space<hbm>> -> memref<50000xf32, #tpu.memory_space<hbm>>
      tpu.enqueue_dma source(%arg7 : memref<50000xf32, #tpu.memory_space<vmem>>) target(%dma_start3A_13 : memref<50000xf32, #tpu.memory_space<hbm>>) target_semaphore(%run_scoped3A : memref<!tpu.dma_semaphore, #tpu.memory_space<semaphore_mem>>)
      %dma_wait3A = arith.constant 0 : i32
      %dma_wait3A_14 = tpu.memref_slice %arg4[%add3A, %dma_wait3A] : memref<32x50000xf32, #tpu.memory_space<hbm>> -> memref<1x50000xf32, #tpu.memory_space<hbm>>
      %dma_wait3A_15 = tpu.memref_squeeze %dma_wait3A_14 : memref<1x50000xf32, #tpu.memory_space<hbm>> -> memref<50000xf32, #tpu.memory_space<hbm>>
      %dma_wait3A_16 = arith.constant 0 : i32
      %dma_wait3A_17 = tpu.memref_slice %arg4[%add3A, %dma_wait3A_16] : memref<32x50000xf32, #tpu.memory_space<hbm>> -> memref<1x50000xf32, #tpu.memory_space<hbm>>
      %dma_wait3A_18 = tpu.memref_squeeze %dma_wait3A_17 : memref<1x50000xf32, #tpu.memory_space<hbm>> -> memref<50000xf32, #tpu.memory_space<hbm>>
      tpu.wait_dma2 semaphore(%run_scoped3A : memref<!tpu.dma_semaphore, #tpu.memory_space<semaphore_mem>>) src(%arg7 : memref<50000xf32, #tpu.memory_space<vmem>>) dst(%dma_wait3A_18 : memref<50000xf32, #tpu.memory_space<hbm>>)
      tpu.yield
    }) : () -> ()
    return
  }
}

module attributes {stable_mosaic.version = 14 : i64} {
  func.func @_node_h_body(%arg0: i32, %arg1: memref<8192x3xf32, #tpu.memory_space<vmem>>, %arg2: memref<64x3xf32, #tpu.memory_space<vmem>>, %arg3: memref<1x64xf32, #tpu.memory_space<vmem>>, %arg4: memref<3x64xf32, #tpu.memory_space<vmem>>, %arg5: memref<1x3xf32, #tpu.memory_space<vmem>>, %arg6: memref<8192x3xf32, #tpu.memory_space<vmem>>) attributes {dimension_semantics = [#tpu.dimension_semantics<arbitrary>], iteration_bounds = array<i64: 7>, scalar_prefetch = 0 : i64, scratch_operands = 0 : i64, tpu.core_type = #tpu.core_type<tc>, window_params = [{transform_indices = @transform_0, window_bounds = array<i64: 8192, 3>}, {pipeline_mode = #tpu.pipeline_mode<synchronous>, transform_indices = @transform_1, window_bounds = array<i64: 64, 3>}, {pipeline_mode = #tpu.pipeline_mode<synchronous>, transform_indices = @transform_2, window_bounds = array<i64: 1, 64>}, {pipeline_mode = #tpu.pipeline_mode<synchronous>, transform_indices = @transform_3, window_bounds = array<i64: 3, 64>}, {pipeline_mode = #tpu.pipeline_mode<synchronous>, transform_indices = @transform_4, window_bounds = array<i64: 1, 3>}, {transform_indices = @transform_5, window_bounds = array<i64: 8192, 3>}]} {
    %get3A = arith.constant 0 : index
    %get3A_0 = arith.constant 0 : index
    %get3A_1 = vector.load %arg1[%get3A, %get3A_0] : memref<8192x3xf32, #tpu.memory_space<vmem>>, vector<8192x3xf32>
    %get3A_2 = arith.constant 0 : index
    %get3A_3 = arith.constant 0 : index
    %get3A_4 = vector.load %arg2[%get3A_2, %get3A_3] : memref<64x3xf32, #tpu.memory_space<vmem>>, vector<64x3xf32>
    %dot_general3A = arith.constant dense<0.000000e+00> : vector<8192x64xf32>
    %dot_general3A_5 = tpu.matmul %get3A_1, %get3A_4, %dot_general3A {dimension_numbers = #tpu.dot_dimension_numbers<[1], [1], [0], [0], [0, 0, 1, 0], [], []>, transpose_lhs_hint = false} : vector<8192x3xf32>, vector<64x3xf32>, vector<8192x64xf32> -> vector<8192x64xf32>
    %get3A_6 = arith.constant 0 : index
    %get3A_7 = arith.constant 0 : index
    %get3A_8 = vector.load %arg3[%get3A_6, %get3A_7] : memref<1x64xf32, #tpu.memory_space<vmem>>, vector<1x64xf32>
    %add3A = vector.broadcast %get3A_8 : vector<1x64xf32> to vector<8192x64xf32>
    %add3A_9 = arith.addf %dot_general3A_5, %add3A : vector<8192x64xf32>
    %max3A = arith.constant 0.000000e+00 : f32
    %max3A_10 = vector.broadcast %max3A : f32 to vector<8192x64xf32>
    %max3A_11 = arith.maximumf %add3A_9, %max3A_10 : vector<8192x64xf32>
    %get3A_12 = arith.constant 0 : index
    %get3A_13 = arith.constant 0 : index
    %get3A_14 = vector.load %arg4[%get3A_12, %get3A_13] : memref<3x64xf32, #tpu.memory_space<vmem>>, vector<3x64xf32>
    %dot_general3A_15 = arith.constant dense<0.000000e+00> : vector<8192x3xf32>
    %dot_general3A_16 = tpu.matmul %max3A_11, %get3A_14, %dot_general3A_15 {dimension_numbers = #tpu.dot_dimension_numbers<[1], [1], [0], [0], [0, 0, 1, 0], [], []>, transpose_lhs_hint = false} : vector<8192x64xf32>, vector<3x64xf32>, vector<8192x3xf32> -> vector<8192x3xf32>
    %get3A_17 = arith.constant 0 : index
    %get3A_18 = arith.constant 0 : index
    %get3A_19 = vector.load %arg5[%get3A_17, %get3A_18] : memref<1x3xf32, #tpu.memory_space<vmem>>, vector<1x3xf32>
    %add3A_20 = vector.broadcast %get3A_19 : vector<1x3xf32> to vector<8192x3xf32>
    %add3A_21 = arith.addf %dot_general3A_16, %add3A_20 : vector<8192x3xf32>
    %swap3A = arith.constant 0 : index
    %swap3A_22 = arith.constant 0 : index
    %swap3A_23 = vector.load %arg6[%swap3A, %swap3A_22] : memref<8192x3xf32, #tpu.memory_space<vmem>>, vector<8192x3xf32>
    tpu.vector_store %arg6[%swap3A, %swap3A_22], %add3A_21 {strides = array<i32>} : memref<8192x3xf32, #tpu.memory_space<vmem>>, vector<8192x3xf32>,
    return
  }
  func.func @transform_0(%arg0: i32) -> (i32, i32) {
    %c0_i32 = arith.constant 0 : i32
    %c0_i32_0 = arith.constant 0 : i32
    return %arg0, %c0_i32 : i32, i32
  }
  func.func @transform_1(%arg0: i32) -> (i32, i32) {
    %c0_i32 = arith.constant 0 : i32
    %c0_i32_0 = arith.constant 0 : i32
    %c0_i32_1 = arith.constant 0 : i32
    return %c0_i32, %c0_i32_0 : i32, i32
  }
  func.func @transform_2(%arg0: i32) -> (i32, i32) {
    %c0_i32 = arith.constant 0 : i32
    %c0_i32_0 = arith.constant 0 : i32
    %c0_i32_1 = arith.constant 0 : i32
    return %c0_i32, %c0_i32_0 : i32, i32
  }
  func.func @transform_3(%arg0: i32) -> (i32, i32) {
    %c0_i32 = arith.constant 0 : i32
    %c0_i32_0 = arith.constant 0 : i32
    %c0_i32_1 = arith.constant 0 : i32
    return %c0_i32, %c0_i32_0 : i32, i32
  }
  func.func @transform_4(%arg0: i32) -> (i32, i32) {
    %c0_i32 = arith.constant 0 : i32
    %c0_i32_0 = arith.constant 0 : i32
    %c0_i32_1 = arith.constant 0 : i32
    return %c0_i32, %c0_i32_0 : i32, i32
  }
  func.func @transform_5(%arg0: i32) -> (i32, i32) {
    %c0_i32 = arith.constant 0 : i32
    %c0_i32_0 = arith.constant 0 : i32
    return %arg0, %c0_i32 : i32, i32
  }
}

module attributes {stable_mosaic.version = 14 : i64} {
  func.func @_edge_mlp_body(%arg0: i32, %arg1: memref<256x128xf32, #tpu.memory_space<vmem>>, %arg2: memref<256x128xf32, #tpu.memory_space<vmem>>, %arg3: memref<128x1024xf32, #tpu.memory_space<vmem>>, %arg4: memref<1x1024xf32, #tpu.memory_space<vmem>>, %arg5: memref<1024x128xf32, #tpu.memory_space<vmem>>, %arg6: memref<1x128xf32, #tpu.memory_space<vmem>>, %arg7: memref<256x128xf32, #tpu.memory_space<vmem>>) attributes {dimension_semantics = [#tpu.dimension_semantics<arbitrary>], iteration_bounds = array<i64: 391>, scalar_prefetch = 0 : i64, scratch_operands = 0 : i64, tpu.core_type = #tpu.core_type<tc>, window_params = [{transform_indices = @transform_0, window_bounds = array<i64: 256, 128>}, {transform_indices = @transform_1, window_bounds = array<i64: 256, 128>}, {pipeline_mode = #tpu.pipeline_mode<synchronous>, transform_indices = @transform_2, window_bounds = array<i64: 128, 1024>}, {pipeline_mode = #tpu.pipeline_mode<synchronous>, transform_indices = @transform_3, window_bounds = array<i64: 1, 1024>}, {pipeline_mode = #tpu.pipeline_mode<synchronous>, transform_indices = @transform_4, window_bounds = array<i64: 1024, 128>}, {pipeline_mode = #tpu.pipeline_mode<synchronous>, transform_indices = @transform_5, window_bounds = array<i64: 1, 128>}, {transform_indices = @transform_6, window_bounds = array<i64: 256, 128>}]} {
    %get3A = arith.constant 0 : index
    %get3A_0 = arith.constant 0 : index
    %get3A_1 = vector.load %arg1[%get3A, %get3A_0] : memref<256x128xf32, #tpu.memory_space<vmem>>, vector<256x128xf32>
    %get3A_2 = arith.constant 0 : index
    %get3A_3 = arith.constant 0 : index
    %get3A_4 = vector.load %arg2[%get3A_2, %get3A_3] : memref<256x128xf32, #tpu.memory_space<vmem>>, vector<256x128xf32>
    %sub3A = arith.subf %get3A_1, %get3A_4 : vector<256x128xf32>
    %get3A_5 = arith.constant 0 : index
    %get3A_6 = arith.constant 0 : index
    %get3A_7 = vector.load %arg3[%get3A_5, %get3A_6] : memref<128x1024xf32, #tpu.memory_space<vmem>>, vector<128x1024xf32>
    %dot_general3A = arith.constant dense<0.000000e+00> : vector<256x1024xf32>
    %dot_general3A_8 = tpu.matmul %sub3A, %get3A_7, %dot_general3A {dimension_numbers = #tpu.dot_dimension_numbers<[1], [0], [0], [1], [0, 0, 1, 1], [], []>, transpose_lhs_hint = false} : vector<256x128xf32>, vector<128x1024xf32>, vector<256x1024xf32> -> vector<256x1024xf32>
    %get3A_9 = arith.constant 0 : index
    %get3A_10 = arith.constant 0 : index
    %get3A_11 = vector.load %arg4[%get3A_9, %get3A_10] : memref<1x1024xf32, #tpu.memory_space<vmem>>, vector<1x1024xf32>
    %add3A = vector.broadcast %get3A_11 : vector<1x1024xf32> to vector<256x1024xf32>
    %add3A_12 = arith.addf %dot_general3A_8, %add3A : vector<256x1024xf32>
    %max3A = arith.constant 0.000000e+00 : f32
    %max3A_13 = vector.broadcast %max3A : f32 to vector<256x1024xf32>
    %max3A_14 = arith.maximumf %add3A_12, %max3A_13 : vector<256x1024xf32>
    %get3A_15 = arith.constant 0 : index
    %get3A_16 = arith.constant 0 : index
    %get3A_17 = vector.load %arg5[%get3A_15, %get3A_16] : memref<1024x128xf32, #tpu.memory_space<vmem>>, vector<1024x128xf32>
    %dot_general3A_18 = arith.constant dense<0.000000e+00> : vector<256x128xf32>
    %dot_general3A_19 = tpu.matmul %max3A_14, %get3A_17, %dot_general3A_18 {dimension_numbers = #tpu.dot_dimension_numbers<[1], [0], [0], [1], [0, 0, 1, 1], [], []>, transpose_lhs_hint = false} : vector<256x1024xf32>, vector<1024x128xf32>, vector<256x128xf32> -> vector<256x128xf32>
    %get3A_20 = arith.constant 0 : index
    %get3A_21 = arith.constant 0 : index
    %get3A_22 = vector.load %arg6[%get3A_20, %get3A_21] : memref<1x128xf32, #tpu.memory_space<vmem>>, vector<1x128xf32>
    %add3A_23 = vector.broadcast %get3A_22 : vector<1x128xf32> to vector<256x128xf32>
    %add3A_24 = arith.addf %dot_general3A_19, %add3A_23 : vector<256x128xf32>
    %swap3A = arith.constant 0 : index
    %swap3A_25 = arith.constant 0 : index
    %swap3A_26 = vector.load %arg7[%swap3A, %swap3A_25] : memref<256x128xf32, #tpu.memory_space<vmem>>, vector<256x128xf32>
    tpu.vector_store %arg7[%swap3A, %swap3A_25], %add3A_24 {strides = array<i32>} : memref<256x128xf32, #tpu.memory_space<vmem>>, vector<256x128xf32>,
    return
  }
  func.func @transform_0(%arg0: i32) -> (i32, i32) {
    %c0_i32 = arith.constant 0 : i32
    %c0_i32_0 = arith.constant 0 : i32
    return %arg0, %c0_i32 : i32, i32
  }
  func.func @transform_1(%arg0: i32) -> (i32, i32) {
    %c0_i32 = arith.constant 0 : i32
    %c0_i32_0 = arith.constant 0 : i32
    return %arg0, %c0_i32 : i32, i32
  }
  func.func @transform_2(%arg0: i32) -> (i32, i32) {
    %c0_i32 = arith.constant 0 : i32
    %c0_i32_0 = arith.constant 0 : i32
    %c0_i32_1 = arith.constant 0 : i32
    return %c0_i32, %c0_i32_0 : i32, i32
  }
  func.func @transform_3(%arg0: i32) -> (i32, i32) {
    %c0_i32 = arith.constant 0 : i32
    %c0_i32_0 = arith.constant 0 : i32
    %c0_i32_1 = arith.constant 0 : i32
    return %c0_i32, %c0_i32_0 : i32, i32
  }
  func.func @transform_4(%arg0: i32) -> (i32, i32) {
    %c0_i32 = arith.constant 0 : i32
    %c0_i32_0 = arith.constant 0 : i32
    %c0_i32_1 = arith.constant 0 : i32
    return %c0_i32, %c0_i32_0 : i32, i32
  }
  func.func @transform_5(%arg0: i32) -> (i32, i32) {
    %c0_i32 = arith.constant 0 : i32
    %c0_i32_0 = arith.constant 0 : i32
    %c0_i32_1 = arith.constant 0 : i32
    return %c0_i32, %c0_i32_0 : i32, i32
  }
  func.func @transform_6(%arg0: i32) -> (i32, i32) {
    %c0_i32 = arith.constant 0 : i32
    %c0_i32_0 = arith.constant 0 : i32
    return %arg0, %c0_i32 : i32, i32
  }
}

module attributes {stable_mosaic.version = 14 : i64} {
  func.func @_merge_mlp_body(%arg0: i32, %arg1: memref<32x2048xf32, #tpu.memory_space<vmem>>, %arg2: memref<64x3xf32, #tpu.memory_space<vmem>>, %arg3: memref<1x64xf32, #tpu.memory_space<vmem>>, %arg4: memref<3x64xf32, #tpu.memory_space<vmem>>, %arg5: memref<1x3xf32, #tpu.memory_space<vmem>>, %arg6: memref<64x3xf32, #tpu.memory_space<vmem>>, %arg7: memref<1x64xf32, #tpu.memory_space<vmem>>, %arg8: memref<3x64xf32, #tpu.memory_space<vmem>>, %arg9: memref<1x3xf32, #tpu.memory_space<vmem>>, %arg10: memref<2048x3xf32, #tpu.memory_space<vmem>>) attributes {dimension_semantics = [#tpu.dimension_semantics<arbitrary>], iteration_bounds = array<i64: 25>, scalar_prefetch = 0 : i64, scratch_operands = 0 : i64, tpu.core_type = #tpu.core_type<tc>, window_params = [{transform_indices = @transform_0, window_bounds = array<i64: 32, 2048>}, {pipeline_mode = #tpu.pipeline_mode<synchronous>, transform_indices = @transform_1, window_bounds = array<i64: 64, 3>}, {pipeline_mode = #tpu.pipeline_mode<synchronous>, transform_indices = @transform_2, window_bounds = array<i64: 1, 64>}, {pipeline_mode = #tpu.pipeline_mode<synchronous>, transform_indices = @transform_3, window_bounds = array<i64: 3, 64>}, {pipeline_mode = #tpu.pipeline_mode<synchronous>, transform_indices = @transform_4, window_bounds = array<i64: 1, 3>}, {pipeline_mode = #tpu.pipeline_mode<synchronous>, transform_indices = @transform_5, window_bounds = array<i64: 64, 3>}, {pipeline_mode = #tpu.pipeline_mode<synchronous>, transform_indices = @transform_6, window_bounds = array<i64: 1, 64>}, {pipeline_mode = #tpu.pipeline_mode<synchronous>, transform_indices = @transform_7, window_bounds = array<i64: 3, 64>}, {pipeline_mode = #tpu.pipeline_mode<synchronous>, transform_indices = @transform_8, window_bounds = array<i64: 1, 3>}, {transform_indices = @transform_9, window_bounds = array<i64: 2048, 3>}]} {
    %get3A = arith.constant 0 : index
    %get3A_0 = arith.constant 0 : index
    %get3A_1 = vector.load %arg1[%get3A, %get3A_0] : memref<32x2048xf32, #tpu.memory_space<vmem>>, vector<32x2048xf32>
    %slice3A = vector.extract_strided_slice %get3A_1 {offsets = [0, 0], sizes = [10, 2048], strides = [1, 1]} : vector<32x2048xf32> to vector<10x2048xf32>
    %reduce_max3A = arith.constant dense<0xFF800000> : vector<2048xf32>
    %reduce_max3A_2 = vector.multi_reduction <maximumf>, %slice3A, %reduce_max3A [0] : vector<10x2048xf32> to vector<2048xf32>
    %slice3A_3 = vector.extract_strided_slice %get3A_1 {offsets = [10, 0], sizes = [10, 2048], strides = [1, 1]} : vector<32x2048xf32> to vector<10x2048xf32>
    %reduce_max3A_4 = arith.constant dense<0xFF800000> : vector<2048xf32>
    %reduce_max3A_5 = vector.multi_reduction <maximumf>, %slice3A_3, %reduce_max3A_4 [0] : vector<10x2048xf32> to vector<2048xf32>
    %slice3A_6 = vector.extract_strided_slice %get3A_1 {offsets = [20, 0], sizes = [10, 2048], strides = [1, 1]} : vector<32x2048xf32> to vector<10x2048xf32>
    %reduce_max3A_7 = arith.constant dense<0xFF800000> : vector<2048xf32>
    %reduce_max3A_8 = vector.multi_reduction <maximumf>, %slice3A_6, %reduce_max3A_7 [0] : vector<10x2048xf32> to vector<2048xf32>
    %reshape3A = vector.shape_cast %reduce_max3A_2 : vector<2048xf32> to vector<1x2048xf32>
    %reshape3A_9 = vector.shape_cast %reduce_max3A_5 : vector<2048xf32> to vector<1x2048xf32>
    %reshape3A_10 = vector.shape_cast %reduce_max3A_8 : vector<2048xf32> to vector<1x2048xf32>
    %concatenate3A = tpu.concatenate %reshape3A, %reshape3A_9, %reshape3A_10 in 0 : vector<1x2048xf32>, vector<1x2048xf32>, vector<1x2048xf32> -> vector<3x2048xf32>
    %is_finite3A = tpu.weird %concatenate3A : vector<3x2048xf32> -> vector<3x2048xi1>
    %is_finite3A_11 = arith.constant dense<true> : vector<3x2048xi1>
    %is_finite3A_12 = arith.xori %is_finite3A, %is_finite3A_11 : vector<3x2048xi1>
    %jit3A = arith.constant 0.000000e+00 : f32
    %broadcast_in_dim3A = vector.broadcast %jit3A : f32 to vector<3x2048xf32>
    %select_n3A = arith.select %is_finite3A_12, %concatenate3A, %broadcast_in_dim3A : vector<3x2048xi1>, vector<3x2048xf32>
    %iota3A = tpu.iota {dimensions = array<i32: 0>} : vector<3x3xi32>
    %iota3A_13 = tpu.iota {dimensions = array<i32: 1>} : vector<3x3xi32>
    %add3A = arith.constant 0 : i32
    %add3A_14 = vector.broadcast %add3A : i32 to vector<3x3xi32>
    %add3A_15 = arith.addi %iota3A, %add3A_14 : vector<3x3xi32>
    %eq3A = arith.cmpi eq, %add3A_15, %iota3A_13 : vector<3x3xi32>
    %convert_element_type3A = arith.extui %eq3A : vector<3x3xi1> to vector<3x3xi32>
    %convert_element_type3A_16 = arith.sitofp %convert_element_type3A : vector<3x3xi32> to vector<3x3xf32>
    %dot_general3A = arith.constant dense<0.000000e+00> : vector<2048x3xf32>
    %dot_general3A_17 = tpu.matmul %select_n3A, %convert_element_type3A_16, %dot_general3A {dimension_numbers = #tpu.dot_dimension_numbers<[0], [0], [1], [1], [0, 1, 1, 1], [], []>, transpose_lhs_hint = false} : vector<3x2048xf32>, vector<3x3xf32>, vector<2048x3xf32> -> vector<2048x3xf32>
    %get3A_18 = arith.constant 0 : index
    %get3A_19 = arith.constant 0 : index
    %get3A_20 = vector.load %arg2[%get3A_18, %get3A_19] : memref<64x3xf32, #tpu.memory_space<vmem>>, vector<64x3xf32>
    %dot_general3A_21 = arith.constant dense<0.000000e+00> : vector<2048x64xf32>
    %dot_general3A_22 = tpu.matmul %dot_general3A_17, %get3A_20, %dot_general3A_21 {dimension_numbers = #tpu.dot_dimension_numbers<[1], [1], [0], [0], [0, 0, 1, 0], [], []>, transpose_lhs_hint = false} : vector<2048x3xf32>, vector<64x3xf32>, vector<2048x64xf32> -> vector<2048x64xf32>
    %get3A_23 = arith.constant 0 : index
    %get3A_24 = arith.constant 0 : index
    %get3A_25 = vector.load %arg3[%get3A_23, %get3A_24] : memref<1x64xf32, #tpu.memory_space<vmem>>, vector<1x64xf32>
    %add3A_26 = vector.broadcast %get3A_25 : vector<1x64xf32> to vector<2048x64xf32>
    %add3A_27 = arith.addf %dot_general3A_22, %add3A_26 : vector<2048x64xf32>
    %max3A = arith.constant 0.000000e+00 : f32
    %max3A_28 = vector.broadcast %max3A : f32 to vector<2048x64xf32>
    %max3A_29 = arith.maximumf %add3A_27, %max3A_28 : vector<2048x64xf32>
    %get3A_30 = arith.constant 0 : index
    %get3A_31 = arith.constant 0 : index
    %get3A_32 = vector.load %arg4[%get3A_30, %get3A_31] : memref<3x64xf32, #tpu.memory_space<vmem>>, vector<3x64xf32>
    %dot_general3A_33 = arith.constant dense<0.000000e+00> : vector<2048x3xf32>
    %dot_general3A_34 = tpu.matmul %max3A_29, %get3A_32, %dot_general3A_33 {dimension_numbers = #tpu.dot_dimension_numbers<[1], [1], [0], [0], [0, 0, 1, 0], [], []>, transpose_lhs_hint = false} : vector<2048x64xf32>, vector<3x64xf32>, vector<2048x3xf32> -> vector<2048x3xf32>
    %get3A_35 = arith.constant 0 : index
    %get3A_36 = arith.constant 0 : index
    %get3A_37 = vector.load %arg5[%get3A_35, %get3A_36] : memref<1x3xf32, #tpu.memory_space<vmem>>, vector<1x3xf32>
    %add3A_38 = vector.broadcast %get3A_37 : vector<1x3xf32> to vector<2048x3xf32>
    %add3A_39 = arith.addf %dot_general3A_34, %add3A_38 : vector<2048x3xf32>
    %max3A_40 = arith.constant 0.000000e+00 : f32
    %max3A_41 = vector.broadcast %max3A_40 : f32 to vector<2048x3xf32>
    %max3A_42 = arith.maximumf %add3A_39, %max3A_41 : vector<2048x3xf32>
    %get3A_43 = arith.constant 0 : index
    %get3A_44 = arith.constant 0 : index
    %get3A_45 = vector.load %arg6[%get3A_43, %get3A_44] : memref<64x3xf32, #tpu.memory_space<vmem>>, vector<64x3xf32>
    %dot_general3A_46 = arith.constant dense<0.000000e+00> : vector<2048x64xf32>
    %dot_general3A_47 = tpu.matmul %max3A_42, %get3A_45, %dot_general3A_46 {dimension_numbers = #tpu.dot_dimension_numbers<[1], [1], [0], [0], [0, 0, 1, 0], [], []>, transpose_lhs_hint = false} : vector<2048x3xf32>, vector<64x3xf32>, vector<2048x64xf32> -> vector<2048x64xf32>
    %get3A_48 = arith.constant 0 : index
    %get3A_49 = arith.constant 0 : index
    %get3A_50 = vector.load %arg7[%get3A_48, %get3A_49] : memref<1x64xf32, #tpu.memory_space<vmem>>, vector<1x64xf32>
    %add3A_51 = vector.broadcast %get3A_50 : vector<1x64xf32> to vector<2048x64xf32>
    %add3A_52 = arith.addf %dot_general3A_47, %add3A_51 : vector<2048x64xf32>
    %max3A_53 = arith.constant 0.000000e+00 : f32
    %max3A_54 = vector.broadcast %max3A_53 : f32 to vector<2048x64xf32>
    %max3A_55 = arith.maximumf %add3A_52, %max3A_54 : vector<2048x64xf32>
    %get3A_56 = arith.constant 0 : index
    %get3A_57 = arith.constant 0 : index
    %get3A_58 = vector.load %arg8[%get3A_56, %get3A_57] : memref<3x64xf32, #tpu.memory_space<vmem>>, vector<3x64xf32>
    %dot_general3A_59 = arith.constant dense<0.000000e+00> : vector<2048x3xf32>
    %dot_general3A_60 = tpu.matmul %max3A_55, %get3A_58, %dot_general3A_59 {dimension_numbers = #tpu.dot_dimension_numbers<[1], [1], [0], [0], [0, 0, 1, 0], [], []>, transpose_lhs_hint = false} : vector<2048x64xf32>, vector<3x64xf32>, vector<2048x3xf32> -> vector<2048x3xf32>
    %get3A_61 = arith.constant 0 : index
    %get3A_62 = arith.constant 0 : index
    %get3A_63 = vector.load %arg9[%get3A_61, %get3A_62] : memref<1x3xf32, #tpu.memory_space<vmem>>, vector<1x3xf32>
    %add3A_64 = vector.broadcast %get3A_63 : vector<1x3xf32> to vector<2048x3xf32>
    %add3A_65 = arith.addf %dot_general3A_60, %add3A_64 : vector<2048x3xf32>
    %swap3A = arith.constant 0 : index
    %swap3A_66 = arith.constant 0 : index
    %swap3A_67 = vector.load %arg10[%swap3A, %swap3A_66] : memref<2048x3xf32, #tpu.memory_space<vmem>>, vector<2048x3xf32>
    tpu.vector_store %arg10[%swap3A, %swap3A_66], %add3A_65 {strides = array<i32>} : memref<2048x3xf32, #tpu.memory_space<vmem>>, vector<2048x3xf32>,
    return
  }
  func.func @transform_0(%arg0: i32) -> (i32, i32) {
    %c0_i32 = arith.constant 0 : i32
    %c0_i32_0 = arith.constant 0 : i32
    return %c0_i32, %arg0 : i32, i32
  }
  func.func @transform_1(%arg0: i32) -> (i32, i32) {
    %c0_i32 = arith.constant 0 : i32
    %c0_i32_0 = arith.constant 0 : i32
    %c0_i32_1 = arith.constant 0 : i32
    return %c0_i32, %c0_i32_0 : i32, i32
  }
  func.func @transform_2(%arg0: i32) -> (i32, i32) {
    %c0_i32 = arith.constant 0 : i32
    %c0_i32_0 = arith.constant 0 : i32
    %c0_i32_1 = arith.constant 0 : i32
    return %c0_i32, %c0_i32_0 : i32, i32
  }
  func.func @transform_3(%arg0: i32) -> (i32, i32) {
    %c0_i32 = arith.constant 0 : i32
    %c0_i32_0 = arith.constant 0 : i32
    %c0_i32_1 = arith.constant 0 : i32
    return %c0_i32, %c0_i32_0 : i32, i32
  }
  func.func @transform_4(%arg0: i32) -> (i32, i32) {
    %c0_i32 = arith.constant 0 : i32
    %c0_i32_0 = arith.constant 0 : i32
    %c0_i32_1 = arith.constant 0 : i32
    return %c0_i32, %c0_i32_0 : i32, i32
  }
  func.func @transform_5(%arg0: i32) -> (i32, i32) {
    %c0_i32 = arith.constant 0 : i32
    %c0_i32_0 = arith.constant 0 : i32
    %c0_i32_1 = arith.constant 0 : i32
    return %c0_i32, %c0_i32_0 : i32, i32
  }
  func.func @transform_6(%arg0: i32) -> (i32, i32) {
    %c0_i32 = arith.constant 0 : i32
    %c0_i32_0 = arith.constant 0 : i32
    %c0_i32_1 = arith.constant 0 : i32
    return %c0_i32, %c0_i32_0 : i32, i32
  }
  func.func @transform_7(%arg0: i32) -> (i32, i32) {
    %c0_i32 = arith.constant 0 : i32
    %c0_i32_0 = arith.constant 0 : i32
    %c0_i32_1 = arith.constant 0 : i32
    return %c0_i32, %c0_i32_0 : i32, i32
  }
  func.func @transform_8(%arg0: i32) -> (i32, i32) {
    %c0_i32 = arith.constant 0 : i32
    %c0_i32_0 = arith.constant 0 : i32
    %c0_i32_1 = arith.constant 0 : i32
    return %c0_i32, %c0_i32_0 : i32, i32
  }
  func.func @transform_9(%arg0: i32) -> (i32, i32) {
    %c0_i32 = arith.constant 0 : i32
    %c0_i32_0 = arith.constant 0 : i32
    return %arg0, %c0_i32 : i32, i32
  }
}

module attributes {stable_mosaic.version = 14 : i64} {
  func.func @_merge_mlp_body(%arg0: i32, %arg1: memref<32x2048xf32, #tpu.memory_space<vmem>>, %arg2: memref<64x3xf32, #tpu.memory_space<vmem>>, %arg3: memref<1x64xf32, #tpu.memory_space<vmem>>, %arg4: memref<3x64xf32, #tpu.memory_space<vmem>>, %arg5: memref<1x3xf32, #tpu.memory_space<vmem>>, %arg6: memref<64x3xf32, #tpu.memory_space<vmem>>, %arg7: memref<1x64xf32, #tpu.memory_space<vmem>>, %arg8: memref<3x64xf32, #tpu.memory_space<vmem>>, %arg9: memref<1x3xf32, #tpu.memory_space<vmem>>, %arg10: memref<2048x3xf32, #tpu.memory_space<vmem>>) attributes {dimension_semantics = [#tpu.dimension_semantics<arbitrary>], iteration_bounds = array<i64: 25>, scalar_prefetch = 0 : i64, scratch_operands = 0 : i64, tpu.core_type = #tpu.core_type<tc>, window_params = [{transform_indices = @transform_0, window_bounds = array<i64: 32, 2048>}, {pipeline_mode = #tpu.pipeline_mode<synchronous>, transform_indices = @transform_1, window_bounds = array<i64: 64, 3>}, {pipeline_mode = #tpu.pipeline_mode<synchronous>, transform_indices = @transform_2, window_bounds = array<i64: 1, 64>}, {pipeline_mode = #tpu.pipeline_mode<synchronous>, transform_indices = @transform_3, window_bounds = array<i64: 3, 64>}, {pipeline_mode = #tpu.pipeline_mode<synchronous>, transform_indices = @transform_4, window_bounds = array<i64: 1, 3>}, {pipeline_mode = #tpu.pipeline_mode<synchronous>, transform_indices = @transform_5, window_bounds = array<i64: 64, 3>}, {pipeline_mode = #tpu.pipeline_mode<synchronous>, transform_indices = @transform_6, window_bounds = array<i64: 1, 64>}, {pipeline_mode = #tpu.pipeline_mode<synchronous>, transform_indices = @transform_7, window_bounds = array<i64: 3, 64>}, {pipeline_mode = #tpu.pipeline_mode<synchronous>, transform_indices = @transform_8, window_bounds = array<i64: 1, 3>}, {transform_indices = @transform_9, window_bounds = array<i64: 2048, 3>}]} {
    %get3A = arith.constant 0 : index
    %get3A_0 = arith.constant 0 : index
    %get3A_1 = vector.load %arg1[%get3A, %get3A_0] : memref<32x2048xf32, #tpu.memory_space<vmem>>, vector<32x2048xf32>
    %slice3A = vector.extract_strided_slice %get3A_1 {offsets = [0, 0], sizes = [10, 2048], strides = [1, 1]} : vector<32x2048xf32> to vector<10x2048xf32>
    %reduce_max3A = arith.constant dense<0xFF800000> : vector<2048xf32>
    %reduce_max3A_2 = vector.multi_reduction <maximumf>, %slice3A, %reduce_max3A [0] : vector<10x2048xf32> to vector<2048xf32>
    %slice3A_3 = vector.extract_strided_slice %get3A_1 {offsets = [10, 0], sizes = [10, 2048], strides = [1, 1]} : vector<32x2048xf32> to vector<10x2048xf32>
    %reduce_max3A_4 = arith.constant dense<0xFF800000> : vector<2048xf32>
    %reduce_max3A_5 = vector.multi_reduction <maximumf>, %slice3A_3, %reduce_max3A_4 [0] : vector<10x2048xf32> to vector<2048xf32>
    %slice3A_6 = vector.extract_strided_slice %get3A_1 {offsets = [20, 0], sizes = [10, 2048], strides = [1, 1]} : vector<32x2048xf32> to vector<10x2048xf32>
    %reduce_max3A_7 = arith.constant dense<0xFF800000> : vector<2048xf32>
    %reduce_max3A_8 = vector.multi_reduction <maximumf>, %slice3A_6, %reduce_max3A_7 [0] : vector<10x2048xf32> to vector<2048xf32>
    %reshape3A = vector.shape_cast %reduce_max3A_2 : vector<2048xf32> to vector<1x2048xf32>
    %reshape3A_9 = vector.shape_cast %reduce_max3A_5 : vector<2048xf32> to vector<1x2048xf32>
    %reshape3A_10 = vector.shape_cast %reduce_max3A_8 : vector<2048xf32> to vector<1x2048xf32>
    %concatenate3A = tpu.concatenate %reshape3A, %reshape3A_9, %reshape3A_10 in 0 : vector<1x2048xf32>, vector<1x2048xf32>, vector<1x2048xf32> -> vector<3x2048xf32>
    %is_finite3A = tpu.weird %concatenate3A : vector<3x2048xf32> -> vector<3x2048xi1>
    %is_finite3A_11 = arith.constant dense<true> : vector<3x2048xi1>
    %is_finite3A_12 = arith.xori %is_finite3A, %is_finite3A_11 : vector<3x2048xi1>
    %jit3A = arith.constant 0.000000e+00 : f32
    %broadcast_in_dim3A = vector.broadcast %jit3A : f32 to vector<3x2048xf32>
    %select_n3A = arith.select %is_finite3A_12, %concatenate3A, %broadcast_in_dim3A : vector<3x2048xi1>, vector<3x2048xf32>
    %iota3A = tpu.iota {dimensions = array<i32: 0>} : vector<3x3xi32>
    %iota3A_13 = tpu.iota {dimensions = array<i32: 1>} : vector<3x3xi32>
    %add3A = arith.constant 0 : i32
    %add3A_14 = vector.broadcast %add3A : i32 to vector<3x3xi32>
    %add3A_15 = arith.addi %iota3A, %add3A_14 : vector<3x3xi32>
    %eq3A = arith.cmpi eq, %add3A_15, %iota3A_13 : vector<3x3xi32>
    %convert_element_type3A = arith.extui %eq3A : vector<3x3xi1> to vector<3x3xi32>
    %convert_element_type3A_16 = arith.sitofp %convert_element_type3A : vector<3x3xi32> to vector<3x3xf32>
    %dot_general3A = arith.constant dense<0.000000e+00> : vector<2048x3xf32>
    %dot_general3A_17 = tpu.matmul %select_n3A, %convert_element_type3A_16, %dot_general3A {dimension_numbers = #tpu.dot_dimension_numbers<[0], [0], [1], [1], [0, 1, 1, 1], [], []>, transpose_lhs_hint = false} : vector<3x2048xf32>, vector<3x3xf32>, vector<2048x3xf32> -> vector<2048x3xf32>
    %get3A_18 = arith.constant 0 : index
    %get3A_19 = arith.constant 0 : index
    %get3A_20 = vector.load %arg2[%get3A_18, %get3A_19] : memref<64x3xf32, #tpu.memory_space<vmem>>, vector<64x3xf32>
    %dot_general3A_21 = arith.constant dense<0.000000e+00> : vector<2048x64xf32>
    %dot_general3A_22 = tpu.matmul %dot_general3A_17, %get3A_20, %dot_general3A_21 {dimension_numbers = #tpu.dot_dimension_numbers<[1], [1], [0], [0], [0, 0, 1, 0], [], []>, transpose_lhs_hint = false} : vector<2048x3xf32>, vector<64x3xf32>, vector<2048x64xf32> -> vector<2048x64xf32>
    %get3A_23 = arith.constant 0 : index
    %get3A_24 = arith.constant 0 : index
    %get3A_25 = vector.load %arg3[%get3A_23, %get3A_24] : memref<1x64xf32, #tpu.memory_space<vmem>>, vector<1x64xf32>
    %add3A_26 = vector.broadcast %get3A_25 : vector<1x64xf32> to vector<2048x64xf32>
    %add3A_27 = arith.addf %dot_general3A_22, %add3A_26 : vector<2048x64xf32>
    %max3A = arith.constant 0.000000e+00 : f32
    %max3A_28 = vector.broadcast %max3A : f32 to vector<2048x64xf32>
    %max3A_29 = arith.maximumf %add3A_27, %max3A_28 : vector<2048x64xf32>
    %get3A_30 = arith.constant 0 : index
    %get3A_31 = arith.constant 0 : index
    %get3A_32 = vector.load %arg4[%get3A_30, %get3A_31] : memref<3x64xf32, #tpu.memory_space<vmem>>, vector<3x64xf32>
    %dot_general3A_33 = arith.constant dense<0.000000e+00> : vector<2048x3xf32>
    %dot_general3A_34 = tpu.matmul %max3A_29, %get3A_32, %dot_general3A_33 {dimension_numbers = #tpu.dot_dimension_numbers<[1], [1], [0], [0], [0, 0, 1, 0], [], []>, transpose_lhs_hint = false} : vector<2048x64xf32>, vector<3x64xf32>, vector<2048x3xf32> -> vector<2048x3xf32>
    %get3A_35 = arith.constant 0 : index
    %get3A_36 = arith.constant 0 : index
    %get3A_37 = vector.load %arg5[%get3A_35, %get3A_36] : memref<1x3xf32, #tpu.memory_space<vmem>>, vector<1x3xf32>
    %add3A_38 = vector.broadcast %get3A_37 : vector<1x3xf32> to vector<2048x3xf32>
    %add3A_39 = arith.addf %dot_general3A_34, %add3A_38 : vector<2048x3xf32>
    %swap3A = arith.constant 0 : index
    %swap3A_40 = arith.constant 0 : index
    %swap3A_41 = vector.load %arg10[%swap3A, %swap3A_40] : memref<2048x3xf32, #tpu.memory_space<vmem>>, vector<2048x3xf32>
    tpu.vector_store %arg10[%swap3A, %swap3A_40], %add3A_39 {strides = array<i32>} : memref<2048x3xf32, #tpu.memory_space<vmem>>, vector<2048x3xf32>,
    return
  }
  func.func @transform_0(%arg0: i32) -> (i32, i32) {
    %c0_i32 = arith.constant 0 : i32
    %c0_i32_0 = arith.constant 0 : i32
    return %c0_i32, %arg0 : i32, i32
  }
  func.func @transform_1(%arg0: i32) -> (i32, i32) {
    %c0_i32 = arith.constant 0 : i32
    %c0_i32_0 = arith.constant 0 : i32
    %c0_i32_1 = arith.constant 0 : i32
    return %c0_i32, %c0_i32_0 : i32, i32
  }
  func.func @transform_2(%arg0: i32) -> (i32, i32) {
    %c0_i32 = arith.constant 0 : i32
    %c0_i32_0 = arith.constant 0 : i32
    %c0_i32_1 = arith.constant 0 : i32
    return %c0_i32, %c0_i32_0 : i32, i32
  }
  func.func @transform_3(%arg0: i32) -> (i32, i32) {
    %c0_i32 = arith.constant 0 : i32
    %c0_i32_0 = arith.constant 0 : i32
    %c0_i32_1 = arith.constant 0 : i32
    return %c0_i32, %c0_i32_0 : i32, i32
  }
  func.func @transform_4(%arg0: i32) -> (i32, i32) {
    %c0_i32 = arith.constant 0 : i32
    %c0_i32_0 = arith.constant 0 : i32
    %c0_i32_1 = arith.constant 0 : i32
    return %c0_i32, %c0_i32_0 : i32, i32
  }
  func.func @transform_5(%arg0: i32) -> (i32, i32) {
    %c0_i32 = arith.constant 0 : i32
    %c0_i32_0 = arith.constant 0 : i32
    %c0_i32_1 = arith.constant 0 : i32
    return %c0_i32, %c0_i32_0 : i32, i32
  }
  func.func @transform_6(%arg0: i32) -> (i32, i32) {
    %c0_i32 = arith.constant 0 : i32
    %c0_i32_0 = arith.constant 0 : i32
    %c0_i32_1 = arith.constant 0 : i32
    return %c0_i32, %c0_i32_0 : i32, i32
  }
  func.func @transform_7(%arg0: i32) -> (i32, i32) {
    %c0_i32 = arith.constant 0 : i32
    %c0_i32_0 = arith.constant 0 : i32
    %c0_i32_1 = arith.constant 0 : i32
    return %c0_i32, %c0_i32_0 : i32, i32
  }
  func.func @transform_8(%arg0: i32) -> (i32, i32) {
    %c0_i32 = arith.constant 0 : i32
    %c0_i32_0 = arith.constant 0 : i32
    %c0_i32_1 = arith.constant 0 : i32
    return %c0_i32, %c0_i32_0 : i32, i32
  }
  func.func @transform_9(%arg0: i32) -> (i32, i32) {
    %c0_i32 = arith.constant 0 : i32
    %c0_i32_0 = arith.constant 0 : i32
    return %arg0, %c0_i32 : i32, i32
  }
}

module attributes {stable_mosaic.version = 14 : i64} {
  func.func @_pool_body(%arg0: i32, %arg1: memref<2000x3xf32, #tpu.memory_space<vmem>>, %arg2: memref<1x1x2000xi32, #tpu.memory_space<vmem>>, %arg3: memref<40x3xf32, #tpu.memory_space<vmem>>, %arg4: memref<1x40xf32, #tpu.memory_space<vmem>>, %arg5: memref<64x40xf32, #tpu.memory_space<vmem>>, %arg6: memref<64x4xf32, #tpu.memory_space<vmem>>) attributes {dimension_semantics = [#tpu.dimension_semantics<arbitrary>], iteration_bounds = array<i64: 25>, scalar_prefetch = 0 : i64, scratch_operands = 1 : i64, tpu.core_type = #tpu.core_type<tc>, window_params = [{transform_indices = @transform_0, window_bounds = array<i64: 2000, 3>}, {transform_indices = @transform_1, window_bounds = array<i64: 1, 1, 2000>}, {pipeline_mode = #tpu.pipeline_mode<synchronous>, transform_indices = @transform_2, window_bounds = array<i64: 40, 3>}, {pipeline_mode = #tpu.pipeline_mode<synchronous>, transform_indices = @transform_3, window_bounds = array<i64: 1, 40>}, {pipeline_mode = #tpu.pipeline_mode<synchronous>, transform_indices = @transform_4, window_bounds = array<i64: 64, 40>}]} {
    %eq3A = arith.constant 0 : i32
    %eq3A_0 = arith.cmpi eq, %arg0, %eq3A : i32
    %convert_element_type3A = arith.extui %eq3A_0 : i1 to i32
    %cond3A = arith.constant 0 : i32
    %cond3A_1 = arith.cmpi ne, %convert_element_type3A, %cond3A : i32
    scf.if %cond3A_1 {
      %broadcast_in_dim3A_32 = arith.constant 0.000000e+00 : f32
      %broadcast_in_dim3A_33 = vector.broadcast %broadcast_in_dim3A_32 : f32 to vector<64x4xf32>
      %swap3A_34 = arith.constant 0 : index
      %swap3A_35 = arith.constant 0 : index
      %swap3A_36 = vector.load %arg6[%swap3A_34, %swap3A_35] : memref<64x4xf32, #tpu.memory_space<vmem>>, vector<64x4xf32>
      tpu.vector_store %arg6[%swap3A_34, %swap3A_35], %broadcast_in_dim3A_33 {strides = array<i32>} : memref<64x4xf32, #tpu.memory_space<vmem>>, vector<64x4xf32>,
    } else {
    }
    %get3A = arith.constant 0 : index
    %get3A_2 = arith.constant 0 : index
    %get3A_3 = vector.load %arg1[%get3A, %get3A_2] : memref<2000x3xf32, #tpu.memory_space<vmem>>, vector<2000x3xf32>
    %get3A_4 = arith.constant 0 : index
    %get3A_5 = arith.constant 0 : index
    %get3A_6 = arith.constant 0 : index
    %get3A_7 = vector.load %arg2[%get3A_4, %get3A_5, %get3A_6] : memref<1x1x2000xi32, #tpu.memory_space<vmem>>, vector<1x1x2000xi32>
    %get3A_8 = vector.shape_cast %get3A_7 : vector<1x1x2000xi32> to vector<2000xi32>
    %iota3A = tpu.iota {dimensions = array<i32: 0>} : vector<64x2000xi32>
    %broadcast_in_dim3A = vector.shape_cast %get3A_8 : vector<2000xi32> to vector<1x2000xi32>
    %eq3A_9 = vector.broadcast %broadcast_in_dim3A : vector<1x2000xi32> to vector<64x2000xi32>
    %eq3A_10 = arith.cmpi eq, %iota3A, %eq3A_9 : vector<64x2000xi32>
    %convert_element_type3A_11 = arith.extui %eq3A_10 : vector<64x2000xi1> to vector<64x2000xi32>
    %convert_element_type3A_12 = arith.sitofp %convert_element_type3A_11 : vector<64x2000xi32> to vector<64x2000xf32>
    %dot_general3A = arith.constant dense<0.000000e+00> : vector<64x3xf32>
    %dot_general3A_13 = tpu.matmul %convert_element_type3A_12, %get3A_3, %dot_general3A {dimension_numbers = #tpu.dot_dimension_numbers<[1], [0], [0], [1], [0, 0, 1, 1], [], []>, transpose_lhs_hint = false} : vector<64x2000xf32>, vector<2000x3xf32>, vector<64x3xf32> -> vector<64x3xf32>
    %reduce_sum3A = arith.constant dense<0.000000e+00> : vector<64xf32>
    %reduce_sum3A_14 = vector.multi_reduction <add>, %convert_element_type3A_12, %reduce_sum3A [1] : vector<64x2000xf32> to vector<64xf32>
    %reshape3A = vector.shape_cast %reduce_sum3A_14 : vector<64xf32> to vector<64x1xf32>
    %get3A_15 = arith.constant 0 : index
    %get3A_16 = arith.constant 0 : index
    %get3A_17 = vector.load %arg6[%get3A_15, %get3A_16] : memref<64x4xf32, #tpu.memory_space<vmem>>, vector<64x3xf32>
    %add3A = arith.addf %get3A_17, %dot_general3A_13 : vector<64x3xf32>
    %swap3A = arith.constant 0 : index
    %swap3A_18 = arith.constant 0 : index
    %swap3A_19 = vector.load %arg6[%swap3A, %swap3A_18] : memref<64x4xf32, #tpu.memory_space<vmem>>, vector<64x3xf32>
    tpu.vector_store %arg6[%swap3A, %swap3A_18], %add3A {strides = array<i32>} : memref<64x4xf32, #tpu.memory_space<vmem>>, vector<64x3xf32>,
    %get3A_20 = arith.constant 0 : index
    %get3A_21 = arith.constant 3 : index
    %get3A_22 = vector.load %arg6[%get3A_20, %get3A_21] : memref<64x4xf32, #tpu.memory_space<vmem>>, vector<64x1xf32>
    %add3A_23 = arith.addf %get3A_22, %reshape3A : vector<64x1xf32>
    %swap3A_24 = arith.constant 0 : index
    %swap3A_25 = arith.constant 3 : index
    %swap3A_26 = vector.load %arg6[%swap3A_24, %swap3A_25] : memref<64x4xf32, #tpu.memory_space<vmem>>, vector<64x1xf32>
    tpu.vector_store %arg6[%swap3A_24, %swap3A_25], %add3A_23 {strides = array<i32>} : memref<64x4xf32, #tpu.memory_space<vmem>>, vector<64x1xf32>,
    %eq3A_27 = arith.constant 24 : i32
    %eq3A_28 = arith.cmpi eq, %arg0, %eq3A_27 : i32
    %convert_element_type3A_29 = arith.extui %eq3A_28 : i1 to i32
    %cond3A_30 = arith.constant 0 : i32
    %cond3A_31 = arith.cmpi ne, %convert_element_type3A_29, %cond3A_30 : i32
    scf.if %cond3A_31 {
      %get3A_32 = arith.constant 0 : index
      %get3A_33 = arith.constant 0 : index
      %get3A_34 = vector.load %arg6[%get3A_32, %get3A_33] : memref<64x4xf32, #tpu.memory_space<vmem>>, vector<64x3xf32>
      %get3A_35 = arith.constant 0 : index
      %get3A_36 = arith.constant 3 : index
      %get3A_37 = vector.load %arg6[%get3A_35, %get3A_36] : memref<64x4xf32, #tpu.memory_space<vmem>>, vector<64x1xf32>
      %max3A = arith.constant 1.000000e+00 : f32
      %max3A_38 = vector.broadcast %max3A : f32 to vector<64x1xf32>
      %max3A_39 = arith.maximumf %get3A_37, %max3A_38 : vector<64x1xf32>
      %div3A = vector.broadcast %max3A_39 : vector<64x1xf32> to vector<64x3xf32>
      %div3A_40 = arith.divf %get3A_34, %div3A : vector<64x3xf32>
      %get3A_41 = arith.constant 0 : index
      %get3A_42 = arith.constant 0 : index
      %get3A_43 = vector.load %arg3[%get3A_41, %get3A_42] : memref<40x3xf32, #tpu.memory_space<vmem>>, vector<40x3xf32>
      %dot_general3A_44 = arith.constant dense<0.000000e+00> : vector<64x40xf32>
      %dot_general3A_45 = tpu.matmul %div3A_40, %get3A_43, %dot_general3A_44 {dimension_numbers = #tpu.dot_dimension_numbers<[1], [1], [0], [0], [0, 0, 1, 0], [], []>, transpose_lhs_hint = false} : vector<64x3xf32>, vector<40x3xf32>, vector<64x40xf32> -> vector<64x40xf32>
      %get3A_46 = arith.constant 0 : index
      %get3A_47 = arith.constant 0 : index
      %get3A_48 = vector.load %arg4[%get3A_46, %get3A_47] : memref<1x40xf32, #tpu.memory_space<vmem>>, vector<1x40xf32>
      %add3A_49 = vector.broadcast %get3A_48 : vector<1x40xf32> to vector<64x40xf32>
      %add3A_50 = arith.addf %dot_general3A_45, %add3A_49 : vector<64x40xf32>
      %reduce_max3A = arith.constant dense<0xFF800000> : vector<64xf32>
      %reduce_max3A_51 = vector.multi_reduction <maximumf>, %add3A_50, %reduce_max3A [1] : vector<64x40xf32> to vector<64xf32>
      %broadcast_in_dim3A_52 = vector.shape_cast %reduce_max3A_51 : vector<64xf32> to vector<64x1xf32>
      %sub3A = vector.broadcast %broadcast_in_dim3A_52 : vector<64x1xf32> to vector<64x40xf32>
      %sub3A_53 = arith.subf %add3A_50, %sub3A : vector<64x40xf32>
      %exp3A = math.exp %sub3A_53 : vector<64x40xf32>
      %reduce_sum3A_54 = arith.constant dense<0.000000e+00> : vector<64xf32>
      %reduce_sum3A_55 = vector.multi_reduction <add>, %exp3A, %reduce_sum3A_54 [1] : vector<64x40xf32> to vector<64xf32>
      %broadcast_in_dim3A_56 = vector.shape_cast %reduce_sum3A_55 : vector<64xf32> to vector<64x1xf32>
      %log3A = math.log %broadcast_in_dim3A_56 : vector<64x1xf32>
      %sub3A_57 = vector.broadcast %log3A : vector<64x1xf32> to vector<64x40xf32>
      %sub3A_58 = arith.subf %sub3A_53, %sub3A_57 : vector<64x40xf32>
      %swap3A_59 = arith.constant 0 : index
      %swap3A_60 = arith.constant 0 : index
      %swap3A_61 = vector.load %arg5[%swap3A_59, %swap3A_60] : memref<64x40xf32, #tpu.memory_space<vmem>>, vector<64x40xf32>
      tpu.vector_store %arg5[%swap3A_59, %swap3A_60], %sub3A_58 {strides = array<i32>} : memref<64x40xf32, #tpu.memory_space<vmem>>, vector<64x40xf32>,
    } else {
    }
    return
  }
  func.func @transform_0(%arg0: i32) -> (i32, i32) {
    %c0_i32 = arith.constant 0 : i32
    %c0_i32_0 = arith.constant 0 : i32
    return %arg0, %c0_i32 : i32, i32
  }
  func.func @transform_1(%arg0: i32) -> (i32, i32, i32) {
    %c0_i32 = arith.constant 0 : i32
    %c0_i32_0 = arith.constant 0 : i32
    %c0_i32_1 = arith.constant 0 : i32
    return %arg0, %c0_i32, %c0_i32_0 : i32, i32, i32
  }
  func.func @transform_2(%arg0: i32) -> (i32, i32) {
    %c0_i32 = arith.constant 0 : i32
    %c0_i32_0 = arith.constant 0 : i32
    %c0_i32_1 = arith.constant 0 : i32
    return %c0_i32, %c0_i32_0 : i32, i32
  }
  func.func @transform_3(%arg0: i32) -> (i32, i32) {
    %c0_i32 = arith.constant 0 : i32
    %c0_i32_0 = arith.constant 0 : i32
    %c0_i32_1 = arith.constant 0 : i32
    return %c0_i32, %c0_i32_0 : i32, i32
  }
  func.func @transform_4(%arg0: i32) -> (i32, i32) {
    %c0_i32 = arith.constant 0 : i32
    %c0_i32_0 = arith.constant 0 : i32
    %c0_i32_1 = arith.constant 0 : i32
    return %c0_i32, %c0_i32_0 : i32, i32
  }
}

</mosaic_0001>

<sc_bundles>
// kernel: kernel.16.cloned.1.call-start
scs
__scs_entry_jumppad:
0x0: {  	(pc) =	sbr.rel $0x88, $3  }
0x1: {  	(tag) =	ssettag $0x0;
	lr =	simm.s32 $0x1  }
0x2: {  	[smem:$0x3F78] =	sst lr;
	_ =	strace $0xD0000000  }
0x3: {  	_ = 	snop  }
0x4: {  	_ = 	snop  }
0x5: {  	_ = 	snop  }
0x6: {  	_ = 	snop  }
0x7: {  	_ = 	snop  }
__scs_overlays_trampoline_lowered:
0x8: {  	[smem:$0x3F87] =	sst s0  }
0x9: {  	[smem:$0x3F88] =	sst s1  }
0xa: {  	[smem:$0x3F89] =	sst s2  }
0xb: {  	[smem:$0x3F8A] =	sst s3  }
0xc: {  	[smem:$0x3F8B] =	sst s4  }
0xd: {  	[smem:$0x3F8C] =	sst s5  }
0xe: {  	[smem:$0x3F8D] =	sst s6  }
0xf: {  	[smem:$0x3F8E] =	sst s7  }
0x10: {  	[smem:$0x3F8F] =	sst s8  }
0x11: {  	[smem:$0x3F90] =	sst s9;
	s0 =	simm.s32 @!p0 $0x0  }
0x12: {  	s1 =	sld [smem:$0x3F76];
	s0 =	simm.s32 @p0 $0x1  }
0x13: {  	[smem:$0x3F91] =	sst s0;
	s0 =	simm.s32 @!p1 $0x0  }
0x14: {  	s2 =	sld [smem:$0x3F75];
	s0 =	simm.s32 @p1 $0x1  }
0x15: {  	[smem:$0x3F92] =	sst s0;
	s0 =	simm.s32 @!p2 $0x0  }
0x16: {  	s3 =	sld [smem:$0x3FDB];
	s0 =	simm.s32 @p2 $0x1  }
0x17: {  	s4 =	simm.s32 $0x1BF5;
	[smem:$0x3F94] =	sst s0  }
0x18: {  	s0 =	sld [smem:$0x3F77];
	_ =	swait.ge [sflag:s4], $0x0  }
0x19: {  	s7 =	sld [smem:$0x3F78]  }
0x1a: {  	s8 =	sadd.s32 $0xFFFFE003, lr  }
0x1b: {  	s9 =	sadd.s32 $0xFFFFFEF7, lr;
	s5 =	simm.s32 $0xFFFFFFFF;
	p2 =	slt.u32 s8, $0xFFFFF086  }
0x1c: {  	p1 =	slt.u32 s9, $0xF7A;
	s5 =	simm.s32 @!p2 $0x0  }
0x1d: {  	s5 =	simm.s32 @p1 $0x1;
	p0 =	seq.s32 s7, s2  }
0x1e: {  	s7 =	smul.u32 @!p0 $0xF7A, s2;
	p2 =	seq.s32 @!p0 s5, $0x0  }
0x1f: {  	s9 =	smul.u32 $0xF7A, s1;
	s8 =	simm.s32 @!p0 $0x1BF5;
	p2 =	por !p2, p0  }
0x20: {  	[sflag:s8] =	ssyncset.s32 @!p0 $0xFFFFF086;
	s6 =	sadd.s32 @!p0 s3, s7;
	s7 =	simm.s32 @!p0 $0x108  }
0x21: {  	s3 =	sadd.s32 s3, s9;
	s6 =	sadd.s32 @!p0 $0x88, s6;
	s7 =	simm.s32 @p2 $0x1082  }
0x22: {  	[simem:s7], [sflag:s8] =	dma.local @!p0 [hbm:s6], $0xF7A  }
0x23: {  	s9 =	sor.u32 $0xD0000000, s2;
	s6 =	simm.s32 $0x108;
	_ =	swait.ge @!p0 [sflag:s8], $0x0  }
0x24: {  	s3 =	sadd.s32 $0x88, s3;
	s6 =	simm.s32 @!p1 $0x1082;
	[sflag:s4] =	ssyncset.s32 $0xFFFFF086  }
0x25: {  	[simem:s6], [sflag:s4] =	dma.local [hbm:s3], $0xF7A  }
0x26: {  	[smem:$0x3F78] =	sst s1;
	(tag) =	ssettag s2;
	_ =	strace s9  }
0x27: {  	s1 =	sld [smem:$0x3F88]  }
0x28: {  	s2 =	sld [smem:$0x3F89]  }
0x29: {  	s4 =	sld [smem:$0x3F8B]  }
0x2a: {  	p0 =	seq.s32 s5, $0x0;
	s5 =	sld [smem:$0x3F8C]  }
0x2b: {  	s6 =	sld [smem:$0x3F8D]  }
0x2c: {  	s7 =	sld [smem:$0x3F8E]  }
0x2d: {  	s3 =	simm.s32 $0x108;
	s8 =	sld [smem:$0x3F8F]  }
0x2e: {  	s3 =	simm.s32 @!p0 $0x1082;
	s9 =	sld [smem:$0x3F90]  }
0x2f: {  	lr =	sadd.s32 s0, s3;
	s0 =	sld [smem:$0x3F87]  }
0x30: {  	s3 =	sld [smem:$0x3F8A]  }
0x31: {  	[smem:$0x3F93] =	sst s10  }
0x32: {  	s10 =	sld [smem:$0x3F91];
	_ =	sdelay $0x3  }
0x33: {  	p0 =	seq.s32 s10, $0x1;
	s10 =	sld [smem:$0x3F93];
	_ =	sdelay $0x3  }
0x34: {  	[smem:$0x3F93] =	sst s10  }
0x35: {  	s10 =	sld [smem:$0x3F92];
	_ =	sdelay $0x3  }
0x36: {  	p1 =	seq.s32 s10, $0x1;
	s10 =	sld [smem:$0x3F93];
	_ =	sdelay $0x3  }
0x37: {  	[smem:$0x3F93] =	sst s10  }
0x38: {  	s10 =	sld [smem:$0x3F94]  }
0x39: {  	_ = 	snop;
	(pc) =	sbr.ind lr, $3  }
0x3a: {  	_ = 	snop  }
0x3b: {  	_ = 	snop  }
0x3c: {  	p2 =	seq.s32 s10, $0x1;
	s10 =	sld [smem:$0x3F93]  }
0x3d: {  	_ =	shalt  }
0x3e: {  	_ =	shalt  }
0x3f: {  	_ =	shalt  }
0x40: {  	_ =	shalt  }
0x41: {  	_ =	shalt  }
0x42: {  	_ =	shalt  }
0x43: {  	_ =	shalt  }
0x44: {  	_ =	shalt  }
0x45: {  	_ =	shalt  }
0x46: {  	_ =	shalt  }
0x47: {  	_ =	shalt  }
0x48: {  	_ =	shalt  }
0x49: {  	_ =	shalt  }
0x4a: {  	_ =	shalt  }
0x4b: {  	_ =	shalt  }
0x4c: {  	_ =	shalt  }
0x4d: {  	_ =	shalt  }
0x4e: {  	_ =	shalt  }
0x4f: {  	_ =	shalt  }
0x50: {  	_ =	shalt  }
0x51: {  	_ =	shalt  }
0x52: {  	_ =	shalt  }
0x53: {  	_ =	shalt  }
0x54: {  	_ =	shalt  }
0x55: {  	_ =	shalt  }
0x56: {  	_ =	shalt  }
0x57: {  	_ =	shalt  }
0x58: {  	_ =	shalt  }
0x59: {  	_ =	shalt  }
0x5a: {  	_ =	shalt  }
0x5b: {  	_ =	shalt  }
0x5c: {  	_ =	shalt  }
0x5d: {  	_ =	shalt  }
0x5e: {  	_ =	shalt  }
0x5f: {  	_ =	shalt  }
0x60: {  	_ =	shalt  }
0x61: {  	_ =	shalt  }
0x62: {  	_ =	shalt  }
0x63: {  	_ =	shalt  }
0x64: {  	_ =	shalt  }
0x65: {  	_ =	shalt  }
0x66: {  	_ =	shalt  }
0x67: {  	_ =	shalt  }
0x68: {  	_ =	shalt  }
0x69: {  	_ =	shalt  }
0x6a: {  	_ =	shalt  }
0x6b: {  	_ =	shalt  }
0x6c: {  	_ =	shalt  }
0x6d: {  	_ =	shalt  }
0x6e: {  	_ =	shalt  }
0x6f: {  	_ =	shalt  }
0x70: {  	_ =	shalt  }
0x71: {  	_ =	shalt  }
0x72: {  	_ =	shalt  }
0x73: {  	_ =	shalt  }
0x74: {  	_ =	shalt  }
0x75: {  	_ =	shalt  }
0x76: {  	_ =	shalt  }
0x77: {  	_ =	shalt  }
0x78: {  	_ =	shalt  }
0x79: {  	_ =	shalt  }
0x7a: {  	_ =	shalt  }
0x7b: {  	_ =	shalt  }
0x7c: {  	_ =	shalt  }
0x7d: {  	_ =	shalt  }
0x7e: {  	_ =	shalt  }
0x7f: {  	_ =	shalt  }
0x80: {  	_ =	shalt  }
0x81: {  	_ =	shalt  }
0x82: {  	_ =	shalt  }
0x83: {  	_ =	shalt  }
0x84: {  	_ =	shalt  }
0x85: {  	_ =	shalt  }
0x86: {  	_ =	shalt  }
0x87: {  	_ =	shalt  }
.Lfunc_end0:
.L_simem_size_0:
called_computation_lowered:
.L_overlay_start_0:
0x88: {  	s2 =	sld [smem:$0x3FD9]  }
0x89: {  	s3 =	sld [smem:$0x3FFE];
	_ =	sdelay $0x1  }
0x8a: {  	s1 =	srdreg.scid  }
0x8b: {  	s0 =	sand.u32 $0x1, s1  }
0x8c: {  	s16 =	sshll.u32 s0, $0xA;
	s2 =	sadd.s32 s3, s2  }
0x8d: {  	s2 =	sadd.s32 s2, s16  }
0x8e: {  	[smem:$0x3F9F] =	sst s2  }
0x8f: {  	_ = 	snop  }
0x90: {  	(tm) =	ssettm $0x1  }
0x91: {  	s17 =	sld [smem:$0x3FFB];
	_ =	sdelay $0x3  }
0x92: {  	_ =	strace s17  }
0x93: {  	s2 =	sld [smem:$0x3FFC];
	_ =	sdelay $0x3  }
0x94: {  	_ =	strace s2  }
0x95: {  	s2 =	sld [smem:$0x3FFD];
	_ =	sdelay $0x3  }
0x96: {  	_ =	strace s2  }
0x97: {  	_ =	strace $0x8FFFFFFF  }
0x98: {  	s18 =	sld [smem:$0x3FDB];
	_ =	sdelay $0x1  }
0x99: {  	s19 =	simm.s32 $_scs_section_size  }
0x9a: {  	s4 =	simm.s32 $_size__tile_overlayer_lowered;
	s5 =	simm.s32 $_tile_overlayer_lowered  }
0x9b: {  	s22 =	simm.s32 $0x1BFF;
	s21 =	sshll.u32 s5, $0x1;
	s2 =	sadd.s32 s19, s18  }
0x9c: {  	s6 =	simm.s32 $0x0;
	s20 =	sshll.u32 s4, $0x1;
	s4 =	sadd.s32 s21, s2  }
0x9d: {  	[timem:s6], [sflag:s22] =	dma.local [hbm:s4], s20  }
0x9e: {  	_ =	swait.ge [sflag:s22], s20  }
0x9f: {  	s3 =	ssub.s32 $0x0, s20;
	[sflag:s22] =	ssyncset.done $0x0  }
0xa0: {  	[sflag:s22] =	ssyncadd.s32 s3;
	_ =	sdelay $0x1  }
0xa1: {  	s23 =	simm.s32 $0x1B8B  }
0xa2: {  	_ =	swait.ge [sflag:s23], $0x1  }
0xa3: {  	[sflag:s23] =	ssyncset.done $0x0  }
0xa4: {  	s25 =	simm.s32 $0x1B8E;
	s24 =	sld [smem:$0x3FFE];
	[sflag:s23] =	ssyncadd.s32 $0xFFFFFFFF  }
0xa5: {  	s26 =	simm.s32 $execute0_lowered;
	[smem:$0x3FD2] =	sst s25  }
0xa6: {  	s4 =	sshll.u32 s26, $0x1;
	_ =	strace $0x80000046;
	[dreg:$0x1] =	wrdreg $0xFFFFFFFF  }
0xa7: {  	s28 =	simm.s32 $_size_execute0_lowered;
	s2 =	sadd.s32 s2, s4;
	[dreg:$0x0] =	wrdreg $0x0  }
0xa8: {  	s4 =	sshll.u32 s28, $0x1;
	[dreg:$0x2] =	wrdreg s2  }
0xa9: {  	[dreg:$0x3] =	wrdreg s4  }
0xaa: {  	[dreg:$0x4] =	wrdreg $0xC0  }
0xab: {  	_ =	task [dreg:s6], $0x5FFFF  }
0xac: {  	[dreg:$0x1] =	wrdreg $0xFFFFFFFF  }
0xad: {  	[dreg:$0x0] =	wrdreg $0x60  }
0xae: {  	[dreg:$0x2] =	wrdreg s24  }
0xaf: {  	[dreg:$0x3] =	wrdreg $0x8CA00  }
0xb0: {  	[dreg:$0x4] =	wrdreg $0x9  }
0xb1: {  	_ =	task.clear_ibuf [dreg:s6], $0x5FFFF;
	_ =	strace $0x90000046  }
0xb2: {  	s29 =	simm.s32 $0x9;
	_ =	strace $0x80000048  }
0xb3: {  	_ =	swait.ge [sflag:s29], $0x1  }
0xb4: {  	[sflag:s29] =	ssyncadd.s32 $0xFFFFFFFF  }
0xb5: {  	_ =	strace $0x90000048  }
0xb6: {  	_ =	sfence  }
0xb7: {  	s30 =	sld [smem:$0x0];
	_ =	sdelay $0x2  }
0xb8: {  	s31 =	sshll.u32 s1, $0xD;
	s1 =	sshrl.u32 s1, $0x2  }
0xb9: {  	s3 =	sand.u32 $0x4000, s31;
	s1 =	sadd.s32 s1, s30  }
0xba: {  	s0 =	sor.u32 s3, s0;
	s1 =	sshll.u32 s1, $0x11  }
0xbb: {  	s0 =	sor.u32 s1, s0  }
0xbc: {  	s0 =	sadd.s32 $0x8F2B, s0  }
0xbd: {  	[sflag:s0] =	ssyncadd.remote.s32 $0x1  }
0xbe: {  	_ =	sfence.sel $0xFFFF  }
0xbf: {  	[dreg:$0x0] =	wrdreg $0xFFFFFFFF;
	(pc) =	sbr.abs _section_cstart, $3  }
0xc0: {  	[dreg:$0x1] =	wrdreg $0xFFFFFFFF  }
0xc1: {  	_ =	task.clear_ibuf [dreg:s6], $0x2FFFF;
	_ =	strace $0x9FFFFFFF  }
0xc2: {  	(tm) =	ssettm $0x7FFFFFFF  }
0xc3: {  	_ =	shalt  }
tec
execute0_lowered:
.L_overlay_start_1:
0x0: {  	(tag) =	ssettag $0x1  }
0x1: {  	s8 =	rddreg [dreg:$0x0]  }
0x2: {  	s1 =	rddreg [dreg:$0x1];
	s2 =	simm.s32 $0x0;
	s4 =	srdreg.scid  }
0x3: {  	s13 =	stileid.u32;
	s15 =	simm.s32 $0x7D0;
	s16 =	simm.s32 $0x3E8  }
0x4: {  	s17 =	simm.s32 $0xFA0;
	s18 =	simm.s32 $0x4E20;
	s19 =	simm.s32 $0x1  }
0x5: {  	s20 =	simm.s32 $0x2;
	s21 =	simm.s32 $0xBB8;
	s22 =	simm.s32 $0x2EE0  }
0x6: {  	s23 =	simm.s32 $0x6D60;
	s24 =	simm.s32 $0x0;
	[smem:$0x7FF] =	sst s2  }
0x7: {  	s3 =	sadd.s32 $0x139200, s8;
	s6 =	sand.u32 $0x1, s4;
	s7 =	smul.u32 $0x186A0, s13  }
0x8: {  	s5 =	sshll.u32 s13, $0x1;
	s0 =	sadd.s32 $0x12CE00, s8;
	p0 =	sne.s32 s13, $0x0  }
0x9: {  	_ =	strace $0x80000047;
	[dreg:$0x5] =	wrdreg s0;
	s9 =	smul.u32 $0xC350, s6  }
0xa: {  	s10 =	sor.u32 s6, s5;
	s5 =	sadd.s32 $0x7C00, s8;
	s11 =	ssub.s32 $0x2, s6  }
0xb: {  	s6 =	sadd.s32 $0x38A00, s8;
	s10 =	smul.u32 $0xC350, s10;
	s26 =	sshrl.u32 s11, $0x1  }
0xc: {  	s13 =	sshrl.u32 @!p0 s1, $0x3;
	s7 =	sadd.s32 s9, s7;
	s11 =	ssub.s32 s11, s26  }
0xd: {  	s12 =	sadd.s32 s7, s8;
	s28 =	sshrl.u32 s10, $0x3;
	s14 =	sadd.s32 $0x3E8, s7  }
0xe: {  	s10 =	smax.u32 s11, $0x1;
	s29 =	sadd.s32 s5, s28;
	s9 =	sadd.s32 s6, s28  }
0xf: {  	s30 =	sadd.s32 $0x2CC000, s12;
	s12 =	sadd.s32 $0x145600, s12;
	[dreg:$0x6] =	wrdreg s29  }
0x10: {  	s31 =	sshrl.u32 s14, $0x3;
	s14 =	simm.s32 $0x3;
	[dreg:$0x3] =	wrdreg s30  }
0x11: {  	[dreg:$0x4] =	wrdreg s12;
	s11 =	sadd.s32 s31, s6;
	s12 =	sadd.s32 s31, s5  }
.LBB2_1:
0x12: {  	s25 =	simm.s32 @!p0 $0x1C03;
	s0 =	rddreg [dreg:$0x5]  }
0x13: {  	[spmem:s13], [sflag:s25] =	dma.local @!p0 [hbm:s0], $0xC350  }
0x14: {  	s25 =	simm.s32 @!p0 $0x3  }
0x15: {  	_ =	swait.ge @!p0 [sflag:s25], $0xC350  }
0x16: {  	[sflag:s25] =	ssyncset.done @!p0 $0x0  }
0x17: {  	[sflag:s25] =	ssyncadd.s32 @!p0 $0xFFFF3CB0  }
0x18: {  	[bflag:$0x0] =	sbarrier.arrive $0xFFFF  }
0x19: {  	s29 =	rddreg [dreg:$0x6]  }
0x1a: {  	[tilespmem:s2], [sflag:$0x3] =	stream.linear.gather [hbm4b:s29+s2], $0x3E8, $0x38;
	[tilespmem:$0xEE48] =	vst v63  }
0x1b: {  	_ =	swait.ge [sflag:s14], $0x3E8  }
0x1c: {  	[sflag:s14] =	ssyncset.done $0x0  }
0x1d: {  	[sflag:s14] =	ssyncadd.s32 $0xFFFFFC18  }
0x1e: {  	[tilespmem:s15], [sflag:$0x3] =	stream.linear.gather [hbm4b:s9+s2], $0x3E8, $0x38;
	[tilespmem:$0xEE48] =	vst v63  }
0x1f: {  	_ =	swait.ge [sflag:s14], $0x3E8  }
0x20: {  	[sflag:s14] =	ssyncset.done $0x0  }
0x21: {  	[sflag:s14] =	ssyncadd.s32 $0xFFFFFC18  }
0x22: {  	[tilespmem:s17], [sflag:$0x1] =	stream.indirect.gather [hbm4b:s3+s16], $0x8, s2, s16, $0xb8;
	[tilespmem:$0xEE48] =	vst v63  }
0x23: {  	_ = 	snop  }
0x24: {  	[tilespmem:s18], [sflag:$0x2] =	stream.indirect.gather [spmem:s1], $0x8, s15, s16, $0xb8;
	[tilespmem:$0xEE48] =	vst v63  }
0x25: {  	_ =	swait.ge [sflag:s19], $0x1F40  }
0x26: {  	[sflag:s19] =	ssyncset.done $0x0  }
0x27: {  	[sflag:s19] =	ssyncadd.s32 $0xFFFFE0C0  }
0x28: {  	_ =	swait.ge [sflag:s20], $0x1F40  }
0x29: {  	[sflag:s20] =	ssyncset.done $0x0  }
0x2a: {  	[sflag:s20] =	ssyncadd.s32 $0xFFFFE0C0  }
0x2b: {  	[tilespmem:s16], [sflag:$0x3] =	stream.linear.gather [hbm4b:s12+s2], $0x3E8, $0x38;
	[tilespmem:$0xEE48] =	vst v63  }
0x2c: {  	_ =	swait.ge [sflag:s14], $0x3E8  }
0x2d: {  	[sflag:s14] =	ssyncset.done $0x0  }
0x2e: {  	[sflag:s14] =	ssyncadd.s32 $0xFFFFFC18  }
0x2f: {  	[tilespmem:s21], [sflag:$0x3] =	stream.linear.gather [hbm4b:s11+s2], $0x3E8, $0x38;
	[tilespmem:$0xEE48] =	vst v63  }
0x30: {  	_ =	swait.ge [sflag:s14], $0x3E8  }
0x31: {  	[sflag:s14] =	ssyncset.done $0x0  }
0x32: {  	[sflag:s14] =	ssyncadd.s32 $0xFFFFFC18  }
0x33: {  	[tilespmem:s22], [sflag:$0x1] =	stream.indirect.gather [hbm4b:s3+s16], $0x8, s16, s16, $0xb8;
	[tilespmem:$0xEE48] =	vst v63  }
0x34: {  	s30 =	rddreg [dreg:$0x4]  }
0x35: {  	[tilespmem:s23], [sflag:$0x2] =	stream.indirect.gather [spmem:s1], $0x8, s21, s16, $0xb8;
	[tilespmem:$0xEE48] =	vst v63  }
0x36: {  	s25 =	sadd.s32 $0x0, s30  }
0x37: {  	[hbm4b:s25+s2] =	stream.linear.scatter [tilespmem:s17], [sflag:$0x3], $0x1F40, $0x38;
	[tilespmem:$0xEE48] =	vst v63  }
0x38: {  	_ =	swait.ge [sflag:s14], $0x1F40  }
0x39: {  	s26 =	rddreg [dreg:$0x3];
	[sflag:s14] =	ssyncset.done $0x0  }
0x3a: {  	[sflag:s14] =	ssyncadd.s32 $0xFFFFE0C0;
	s26 =	sadd.s32 $0x0, s26  }
0x3b: {  	[hbm4b:s26+s2] =	stream.linear.scatter [tilespmem:s18], [sflag:$0x3], $0x1F40, $0x38;
	[tilespmem:$0xEE48] =	vst v63  }
0x3c: {  	_ =	swait.ge [sflag:s14], $0x1F40  }
0x3d: {  	[sflag:s14] =	ssyncset.done $0x0  }
0x3e: {  	[sflag:s14] =	ssyncadd.s32 $0xFFFFE0C0  }
0x3f: {  	_ =	swait.ge [sflag:s19], $0x1F40  }
0x40: {  	p1 =	por $0x0, $0x0;
	[sflag:s19] =	ssyncset.done $0x0  }
0x41: {  	s28 =	sadd.s32 @!p1 $0x0, s7;
	[sflag:s19] =	ssyncadd.s32 $0xFFFFE0C0  }
0x42: {  	s28 =	sadd.s32 @!p1 $0x7D0, s28;
	_ =	swait.ge [sflag:s20], $0x1F40  }
0x43: {  	s31 =	simm.s32 @!p1 $0x0;
	s28 =	sshrl.u32 @!p1 s28, $0x3;
	[sflag:s20] =	ssyncset.done $0x0  }
0x44: {  	s29 =	simm.s32 @!p1 $0x3;
	s30 =	sadd.s32 @!p1 s5, s28;
	[sflag:s20] =	ssyncadd.s32 $0xFFFFE0C0  }
0x45: {  	[tilespmem:s31], [sflag:$0x3] =	stream.linear.gather @!p1 [hbm4b:s30+s31], $0x3E8, $0x38;
	[tilespmem:$0xEE48] =	vst v63  }
0x46: {  	_ =	swait.ge @!p1 [sflag:s29], $0x3E8  }
0x47: {  	[sflag:s29] =	ssyncset.done @!p1 $0x0  }
0x48: {  	s28 =	sadd.s32 @!p1 s6, s28;
	s30 =	simm.s32 @!p1 $0x7D0;
	[sflag:s29] =	ssyncadd.s32 @!p1 $0xFFFFFC18  }
0x49: {  	[tilespmem:s30], [sflag:$0x3] =	stream.linear.gather @!p1 [hbm4b:s28+s31], $0x3E8, $0x38;
	[tilespmem:$0xEE48] =	vst v63  }
0x4a: {  	_ =	swait.ge @!p1 [sflag:s29], $0x3E8  }
0x4b: {  	[sflag:s29] =	ssyncset.done @!p1 $0x0  }
0x4c: {  	s28 =	simm.s32 @!p1 $0x3E8;
	[sflag:s29] =	ssyncadd.s32 @!p1 $0xFFFFFC18;
	s29 =	simm.s32 @!p1 $0xFA0  }
0x4d: {  	[tilespmem:s29], [sflag:$0x1] =	stream.indirect.gather @!p1 [hbm4b:s3+s28], $0x8, s31, s28, $0xb8;
	[tilespmem:$0xEE48] =	vst v63  }
0x4e: {  	s29 =	simm.s32 @!p1 $0x4E20  }
0x4f: {  	[tilespmem:s29], [sflag:$0x2] =	stream.indirect.gather @!p1 [spmem:s1], $0x8, s30, s28, $0xb8;
	[tilespmem:$0xEE48] =	vst v63  }
0x50: {  	s25 =	sadd.s32 $0x3E8, s25  }
0x51: {  	[hbm4b:s25+s2] =	stream.linear.scatter [tilespmem:s22], [sflag:$0x3], $0x1F40, $0x38;
	[tilespmem:$0xEE48] =	vst v63  }
0x52: {  	_ =	swait.ge [sflag:s14], $0x1F40  }
0x53: {  	[sflag:s14] =	ssyncset.done $0x0  }
0x54: {  	s31 =	sadd.s32 $0x3E8, s26;
	[sflag:s14] =	ssyncadd.s32 $0xFFFFE0C0  }
0x55: {  	[hbm4b:s31+s2] =	stream.linear.scatter [tilespmem:s23], [sflag:$0x3], $0x1F40, $0x38;
	[tilespmem:$0xEE48] =	vst v63  }
0x56: {  	s26 =	sadd.s32 $0xFA, s12;
	_ =	swait.ge [sflag:s14], $0x1F40  }
0x57: {  	s28 =	smov.u32 s11;
	s25 =	simm.s32 $0x7D0;
	[sflag:s14] =	ssyncset.done $0x0  }
.LBB2_2:
0x58: {  	[sflag:s14] =	ssyncadd.s32 $0xFFFFE0C0  }
0x59: {  	_ =	swait.ge [sflag:s19], $0x1F40  }
0x5a: {  	[sflag:s19] =	ssyncset.done $0x0  }
0x5b: {  	[sflag:s19] =	ssyncadd.s32 $0xFFFFE0C0  }
0x5c: {  	_ =	swait.ge [sflag:s20], $0x1F40  }
0x5d: {  	[sflag:s20] =	ssyncset.done $0x0  }
0x5e: {  	[sflag:s20] =	ssyncadd.s32 $0xFFFFE0C0  }
0x5f: {  	[tilespmem:s16], [sflag:$0x3] =	stream.linear.gather [hbm4b:s26+s2], $0x3E8, $0x38;
	[tilespmem:$0xEE48] =	vst v63  }
0x60: {  	_ =	swait.ge [sflag:s14], $0x3E8  }
0x61: {  	[sflag:s14] =	ssyncset.done $0x0  }
0x62: {  	s28 =	sadd.s32 $0xFA, s28;
	[sflag:s14] =	ssyncadd.s32 $0xFFFFFC18  }
0x63: {  	[tilespmem:s21], [sflag:$0x3] =	stream.linear.gather [hbm4b:s28+s2], $0x3E8, $0x38;
	[tilespmem:$0xEE48] =	vst v63  }
0x64: {  	_ =	swait.ge [sflag:s14], $0x3E8  }
0x65: {  	[sflag:s14] =	ssyncset.done $0x0  }
0x66: {  	[sflag:s14] =	ssyncadd.s32 $0xFFFFFC18  }
0x67: {  	[tilespmem:s22], [sflag:$0x1] =	stream.indirect.gather [hbm4b:s3+s16], $0x8, s16, s16, $0xb8;
	[tilespmem:$0xEE48] =	vst v63  }
0x68: {  	s30 =	smov.u32 s25;
	s29 =	rddreg [dreg:$0x4]  }
0x69: {  	[tilespmem:s23], [sflag:$0x2] =	stream.indirect.gather [spmem:s1], $0x8, s21, s16, $0xb8;
	[tilespmem:$0xEE48] =	vst v63  }
0x6a: {  	s29 =	sadd.s32 s30, s29  }
0x6b: {  	[hbm4b:s29+s2] =	stream.linear.scatter [tilespmem:s17], [sflag:$0x3], $0x1F40, $0x38;
	[tilespmem:$0xEE48] =	vst v63  }
0x6c: {  	_ =	swait.ge [sflag:s14], $0x1F40  }
0x6d: {  	s31 =	rddreg [dreg:$0x3];
	[sflag:s14] =	ssyncset.done $0x0  }
0x6e: {  	[sflag:s14] =	ssyncadd.s32 $0xFFFFE0C0;
	s31 =	sadd.s32 s30, s31  }
0x6f: {  	[hbm4b:s31+s2] =	stream.linear.scatter [tilespmem:s18], [sflag:$0x3], $0x1F40, $0x38;
	[tilespmem:$0xEE48] =	vst v63  }
0x70: {  	_ =	swait.ge [sflag:s14], $0x1F40  }
0x71: {  	[sflag:s14] =	ssyncset.done $0x0  }
0x72: {  	[sflag:s14] =	ssyncadd.s32 $0xFFFFE0C0  }
0x73: {  	_ =	swait.ge [sflag:s19], $0x1F40  }
0x74: {  	p2 =	seq.s32 s30, $0xBB80;
	[sflag:s19] =	ssyncset.done $0x0  }
0x75: {  	s30 =	sadd.s32 @!p2 s30, s7;
	[sflag:s19] =	ssyncadd.s32 $0xFFFFE0C0  }
0x76: {  	s30 =	sadd.s32 @!p2 $0x7D0, s30;
	_ =	swait.ge [sflag:s20], $0x1F40  }
0x77: {  	s0 =	simm.s32 @!p2 $0x3;
	s30 =	sshrl.u32 @!p2 s30, $0x3;
	[sflag:s20] =	ssyncset.done $0x0  }
0x78: {  	s8 =	simm.s32 @!p2 $0x0;
	s4 =	sadd.s32 @!p2 s5, s30;
	[sflag:s20] =	ssyncadd.s32 $0xFFFFE0C0  }
0x79: {  	[tilespmem:s8], [sflag:$0x3] =	stream.linear.gather @!p2 [hbm4b:s4+s8], $0x3E8, $0x38;
	[tilespmem:$0xEE48] =	vst v63  }
0x7a: {  	_ =	swait.ge @!p2 [sflag:s0], $0x3E8  }
0x7b: {  	[sflag:s0] =	ssyncset.done @!p2 $0x0  }
0x7c: {  	s4 =	sadd.s32 @!p2 s6, s30;
	s30 =	simm.s32 @!p2 $0x7D0;
	[sflag:s0] =	ssyncadd.s32 @!p2 $0xFFFFFC18  }
0x7d: {  	[tilespmem:s30], [sflag:$0x3] =	stream.linear.gather @!p2 [hbm4b:s4+s8], $0x3E8, $0x38;
	[tilespmem:$0xEE48] =	vst v63  }
0x7e: {  	_ =	swait.ge @!p2 [sflag:s0], $0x3E8  }
0x7f: {  	[sflag:s0] =	ssyncset.done @!p2 $0x0  }
0x80: {  	s4 =	simm.s32 @!p2 $0xFA0;
	[sflag:s0] =	ssyncadd.s32 @!p2 $0xFFFFFC18;
	s0 =	simm.s32 @!p2 $0x3E8  }
0x81: {  	[tilespmem:s4], [sflag:$0x1] =	stream.indirect.gather @!p2 [hbm4b:s3+s0], $0x8, s8, s0, $0xb8;
	[tilespmem:$0xEE48] =	vst v63  }
0x82: {  	s4 =	simm.s32 @!p2 $0x4E20  }
0x83: {  	[tilespmem:s4], [sflag:$0x2] =	stream.indirect.gather @!p2 [spmem:s1], $0x8, s30, s0, $0xb8;
	[tilespmem:$0xEE48] =	vst v63  }
0x84: {  	s25 =	sadd.s32 $0x7D0, s25;
	s30 =	sadd.s32 $0x3E8, s29  }
0x85: {  	[hbm4b:s30+s2] =	stream.linear.scatter [tilespmem:s22], [sflag:$0x3], $0x1F40, $0x38;
	[tilespmem:$0xEE48] =	vst v63  }
0x86: {  	p1 =	sne.s32 s25, $0xC350;
	_ =	swait.ge [sflag:s14], $0x1F40  }
.Ltmp0:
0x87: {  	[sflag:s14] =	ssyncset.done $0x0;
	(pc) =	sbr.rel @p1 .LBB2_2-.Ltmp0, $4  }
0x88: {  	s31 =	sadd.s32 $0x3E8, s31;
	[sflag:s14] =	ssyncadd.s32 $0xFFFFE0C0  }
0x89: {  	[hbm4b:s31+s2] =	stream.linear.scatter [tilespmem:s23], [sflag:$0x3], $0x1F40, $0x38;
	[tilespmem:$0xEE48] =	vst v63  }
0x8a: {  	_ =	swait.ge [sflag:s14], $0x1F40  }
0x8b: {  	s26 =	sadd.s32 $0xFA, s26;
	[sflag:s14] =	ssyncset.done $0x0  }
0x8c: {  	s24 =	sadd.s32 $0x1, s24  }
0x8d: {  	p1 =	sne.s32 s24, s10  }
.Ltmp1:
0x8e: {  	_ = 	snop;
	(pc) =	sbr.rel @p1 .LBB2_1-.Ltmp1, $2  }
0x8f: {  	_ =	sdelay $0x2  }
0x90: {  	[sflag:s14] =	ssyncadd.s32 $0xFFFFE0C0  }
0x91: {  	_ =	sfence.sel $0x180000  }
0x92: {  	[bflag:$0x0] =	sbarrier.arrive $0xFFFF  }
0x93: {  	_ =	strace $0x90000047  }
0x94: {  	[bflag:$0x2] =	sbarrier.arrive $0xFFFF  }
0x95: {  	s0 =	rddreg [dreg:$0x2]  }
0x96: {  	s0 =	sadd.s32 @!p0 $0x100000, s0  }
0x97: {  	[sflag:s0] =	ssyncadd.tile.s32 @!p0 $0x1;
	_ =	shalt  }
.Lfunc_end2:
_tile_overlayer_lowered:
.L_overlay_start_2:
0x98: {  	(tag) =	ssettag $0x2  }
0x99: {  	s0 =	rddreg [dreg:$0x0];
	s2 =	stileid.u32  }
0x9a: {  	s1 =	rddreg [dreg:$0x1];
	p0 =	sne.s32 s2, $0x0  }
0x9b: {  	s3 =	rddreg [dreg:$0x2];
	[bflag:$0x3] =	sbarrier.arrive $0xFFFF;
	s2 =	simm.s32 @!p0 $0x1C03  }
0x9c: {  	[timem:s3], [sflag:s2] =	dma.local @!p0 [hbm:s0], s1  }
0x9d: {  	s0 =	simm.s32 @!p0 $0x3  }
0x9e: {  	_ =	swait.ge @!p0 [sflag:s0], s1  }
0x9f: {  	s1 =	ssub.s32 @!p0 $0x0, s1;
	[sflag:s0] =	ssyncset.done @!p0 $0x0  }
0xa0: {  	[sflag:s0] =	ssyncadd.s32 @!p0 s1  }
0xa1: {  	[bflag:$0x3] =	sbarrier.arrive $0xFFFF  }
0xa2: {  	_ =	shalt  }

// kernel: kernel.19.cloned.1.call-start
scs
__scs_entry_jumppad:
0x0: {  	(pc) =	sbr.rel $0x88, $3  }
0x1: {  	(tag) =	ssettag $0x0;
	lr =	simm.s32 $0x1  }
0x2: {  	[smem:$0x3F78] =	sst lr;
	_ =	strace $0xD0000000  }
0x3: {  	_ = 	snop  }
0x4: {  	_ = 	snop  }
0x5: {  	_ = 	snop  }
0x6: {  	_ = 	snop  }
0x7: {  	_ = 	snop  }
__scs_overlays_trampoline_lowered:
0x8: {  	[smem:$0x3F87] =	sst s0  }
0x9: {  	[smem:$0x3F88] =	sst s1  }
0xa: {  	[smem:$0x3F89] =	sst s2  }
0xb: {  	[smem:$0x3F8A] =	sst s3  }
0xc: {  	[smem:$0x3F8B] =	sst s4  }
0xd: {  	[smem:$0x3F8C] =	sst s5  }
0xe: {  	[smem:$0x3F8D] =	sst s6  }
0xf: {  	[smem:$0x3F8E] =	sst s7  }
0x10: {  	[smem:$0x3F8F] =	sst s8  }
0x11: {  	[smem:$0x3F90] =	sst s9;
	s0 =	simm.s32 @!p0 $0x0  }
0x12: {  	s1 =	sld [smem:$0x3F76];
	s0 =	simm.s32 @p0 $0x1  }
0x13: {  	[smem:$0x3F91] =	sst s0;
	s0 =	simm.s32 @!p1 $0x0  }
0x14: {  	s2 =	sld [smem:$0x3F75];
	s0 =	simm.s32 @p1 $0x1  }
0x15: {  	[smem:$0x3F92] =	sst s0;
	s0 =	simm.s32 @!p2 $0x0  }
0x16: {  	s3 =	sld [smem:$0x3FDB];
	s0 =	simm.s32 @p2 $0x1  }
0x17: {  	s4 =	simm.s32 $0x1BF5;
	[smem:$0x3F94] =	sst s0  }
0x18: {  	s0 =	sld [smem:$0x3F77];
	_ =	swait.ge [sflag:s4], $0x0  }
0x19: {  	s7 =	sld [smem:$0x3F78]  }
0x1a: {  	s8 =	sadd.s32 $0xFFFFE003, lr  }
0x1b: {  	s9 =	sadd.s32 $0xFFFFFEF7, lr;
	s5 =	simm.s32 $0xFFFFFFFF;
	p2 =	slt.u32 s8, $0xFFFFF086  }
0x1c: {  	p1 =	slt.u32 s9, $0xF7A;
	s5 =	simm.s32 @!p2 $0x0  }
0x1d: {  	s5 =	simm.s32 @p1 $0x1;
	p0 =	seq.s32 s7, s2  }
0x1e: {  	s7 =	smul.u32 @!p0 $0xF7A, s2;
	p2 =	seq.s32 @!p0 s5, $0x0  }
0x1f: {  	s9 =	smul.u32 $0xF7A, s1;
	s8 =	simm.s32 @!p0 $0x1BF5;
	p2 =	por !p2, p0  }
0x20: {  	[sflag:s8] =	ssyncset.s32 @!p0 $0xFFFFF086;
	s6 =	sadd.s32 @!p0 s3, s7;
	s7 =	simm.s32 @!p0 $0x108  }
0x21: {  	s3 =	sadd.s32 s3, s9;
	s6 =	sadd.s32 @!p0 $0x88, s6;
	s7 =	simm.s32 @p2 $0x1082  }
0x22: {  	[simem:s7], [sflag:s8] =	dma.local @!p0 [hbm:s6], $0xF7A  }
0x23: {  	s9 =	sor.u32 $0xD0000000, s2;
	s6 =	simm.s32 $0x108;
	_ =	swait.ge @!p0 [sflag:s8], $0x0  }
0x24: {  	s3 =	sadd.s32 $0x88, s3;
	s6 =	simm.s32 @!p1 $0x1082;
	[sflag:s4] =	ssyncset.s32 $0xFFFFF086  }
0x25: {  	[simem:s6], [sflag:s4] =	dma.local [hbm:s3], $0xF7A  }
0x26: {  	[smem:$0x3F78] =	sst s1;
	(tag) =	ssettag s2;
	_ =	strace s9  }
0x27: {  	s1 =	sld [smem:$0x3F88]  }
0x28: {  	s2 =	sld [smem:$0x3F89]  }
0x29: {  	s4 =	sld [smem:$0x3F8B]  }
0x2a: {  	p0 =	seq.s32 s5, $0x0;
	s5 =	sld [smem:$0x3F8C]  }
0x2b: {  	s6 =	sld [smem:$0x3F8D]  }
0x2c: {  	s7 =	sld [smem:$0x3F8E]  }
0x2d: {  	s3 =	simm.s32 $0x108;
	s8 =	sld [smem:$0x3F8F]  }
0x2e: {  	s3 =	simm.s32 @!p0 $0x1082;
	s9 =	sld [smem:$0x3F90]  }
0x2f: {  	lr =	sadd.s32 s0, s3;
	s0 =	sld [smem:$0x3F87]  }
0x30: {  	s3 =	sld [smem:$0x3F8A]  }
0x31: {  	[smem:$0x3F93] =	sst s10  }
0x32: {  	s10 =	sld [smem:$0x3F91];
	_ =	sdelay $0x3  }
0x33: {  	p0 =	seq.s32 s10, $0x1;
	s10 =	sld [smem:$0x3F93];
	_ =	sdelay $0x3  }
0x34: {  	[smem:$0x3F93] =	sst s10  }
0x35: {  	s10 =	sld [smem:$0x3F92];
	_ =	sdelay $0x3  }
0x36: {  	p1 =	seq.s32 s10, $0x1;
	s10 =	sld [smem:$0x3F93];
	_ =	sdelay $0x3  }
0x37: {  	[smem:$0x3F93] =	sst s10  }
0x38: {  	s10 =	sld [smem:$0x3F94]  }
0x39: {  	_ = 	snop;
	(pc) =	sbr.ind lr, $3  }
0x3a: {  	_ = 	snop  }
0x3b: {  	_ = 	snop  }
0x3c: {  	p2 =	seq.s32 s10, $0x1;
	s10 =	sld [smem:$0x3F93]  }
0x3d: {  	_ =	shalt  }
0x3e: {  	_ =	shalt  }
0x3f: {  	_ =	shalt  }
0x40: {  	_ =	shalt  }
0x41: {  	_ =	shalt  }
0x42: {  	_ =	shalt  }
0x43: {  	_ =	shalt  }
0x44: {  	_ =	shalt  }
0x45: {  	_ =	shalt  }
0x46: {  	_ =	shalt  }
0x47: {  	_ =	shalt  }
0x48: {  	_ =	shalt  }
0x49: {  	_ =	shalt  }
0x4a: {  	_ =	shalt  }
0x4b: {  	_ =	shalt  }
0x4c: {  	_ =	shalt  }
0x4d: {  	_ =	shalt  }
0x4e: {  	_ =	shalt  }
0x4f: {  	_ =	shalt  }
0x50: {  	_ =	shalt  }
0x51: {  	_ =	shalt  }
0x52: {  	_ =	shalt  }
0x53: {  	_ =	shalt  }
0x54: {  	_ =	shalt  }
0x55: {  	_ =	shalt  }
0x56: {  	_ =	shalt  }
0x57: {  	_ =	shalt  }
0x58: {  	_ =	shalt  }
0x59: {  	_ =	shalt  }
0x5a: {  	_ =	shalt  }
0x5b: {  	_ =	shalt  }
0x5c: {  	_ =	shalt  }
0x5d: {  	_ =	shalt  }
0x5e: {  	_ =	shalt  }
0x5f: {  	_ =	shalt  }
0x60: {  	_ =	shalt  }
0x61: {  	_ =	shalt  }
0x62: {  	_ =	shalt  }
0x63: {  	_ =	shalt  }
0x64: {  	_ =	shalt  }
0x65: {  	_ =	shalt  }
0x66: {  	_ =	shalt  }
0x67: {  	_ =	shalt  }
0x68: {  	_ =	shalt  }
0x69: {  	_ =	shalt  }
0x6a: {  	_ =	shalt  }
0x6b: {  	_ =	shalt  }
0x6c: {  	_ =	shalt  }
0x6d: {  	_ =	shalt  }
0x6e: {  	_ =	shalt  }
0x6f: {  	_ =	shalt  }
0x70: {  	_ =	shalt  }
0x71: {  	_ =	shalt  }
0x72: {  	_ =	shalt  }
0x73: {  	_ =	shalt  }
0x74: {  	_ =	shalt  }
0x75: {  	_ =	shalt  }
0x76: {  	_ =	shalt  }
0x77: {  	_ =	shalt  }
0x78: {  	_ =	shalt  }
0x79: {  	_ =	shalt  }
0x7a: {  	_ =	shalt  }
0x7b: {  	_ =	shalt  }
0x7c: {  	_ =	shalt  }
0x7d: {  	_ =	shalt  }
0x7e: {  	_ =	shalt  }
0x7f: {  	_ =	shalt  }
0x80: {  	_ =	shalt  }
0x81: {  	_ =	shalt  }
0x82: {  	_ =	shalt  }
0x83: {  	_ =	shalt  }
0x84: {  	_ =	shalt  }
0x85: {  	_ =	shalt  }
0x86: {  	_ =	shalt  }
0x87: {  	_ =	shalt  }
.Lfunc_end0:
.L_simem_size_0:
called_computation.1_lowered:
.L_overlay_start_0:
0x88: {  	s2 =	sld [smem:$0x3FD9]  }
0x89: {  	s3 =	sld [smem:$0x3FFE];
	_ =	sdelay $0x1  }
0x8a: {  	s1 =	srdreg.scid  }
0x8b: {  	s0 =	sand.u32 $0x1, s1  }
0x8c: {  	s16 =	sshll.u32 s0, $0xA;
	s2 =	sadd.s32 s3, s2  }
0x8d: {  	s2 =	sadd.s32 s2, s16  }
0x8e: {  	[smem:$0x3F9F] =	sst s2  }
0x8f: {  	_ = 	snop  }
0x90: {  	(tm) =	ssettm $0x1  }
0x91: {  	s17 =	sld [smem:$0x3FFB];
	_ =	sdelay $0x3  }
0x92: {  	_ =	strace s17  }
0x93: {  	s2 =	sld [smem:$0x3FFC];
	_ =	sdelay $0x3  }
0x94: {  	_ =	strace s2  }
0x95: {  	s2 =	sld [smem:$0x3FFD];
	_ =	sdelay $0x3  }
0x96: {  	_ =	strace s2  }
0x97: {  	_ =	strace $0x8FFFFFFF  }
0x98: {  	s18 =	sld [smem:$0x3FDB];
	_ =	sdelay $0x1  }
0x99: {  	s19 =	simm.s32 $_scs_section_size  }
0x9a: {  	s4 =	simm.s32 $_size__tile_overlayer_lowered;
	s5 =	simm.s32 $_tile_overlayer_lowered  }
0x9b: {  	s22 =	simm.s32 $0x1BFF;
	s21 =	sshll.u32 s5, $0x1;
	s2 =	sadd.s32 s19, s18  }
0x9c: {  	s6 =	simm.s32 $0x0;
	s20 =	sshll.u32 s4, $0x1;
	s4 =	sadd.s32 s21, s2  }
0x9d: {  	[timem:s6], [sflag:s22] =	dma.local [hbm:s4], s20  }
0x9e: {  	_ =	swait.ge [sflag:s22], s20  }
0x9f: {  	s3 =	ssub.s32 $0x0, s20;
	[sflag:s22] =	ssyncset.done $0x0  }
0xa0: {  	[sflag:s22] =	ssyncadd.s32 s3;
	_ =	sdelay $0x1  }
0xa1: {  	s23 =	simm.s32 $0x1B8B  }
0xa2: {  	_ =	swait.ge [sflag:s23], $0x1  }
0xa3: {  	[sflag:s23] =	ssyncset.done $0x0  }
0xa4: {  	s25 =	simm.s32 $0x1B8E;
	s24 =	sld [smem:$0x3FFE];
	[sflag:s23] =	ssyncadd.s32 $0xFFFFFFFF  }
0xa5: {  	s26 =	simm.s32 $execute0_lowered;
	[smem:$0x3FD2] =	sst s25  }
0xa6: {  	s4 =	sshll.u32 s26, $0x1;
	_ =	strace $0x80000049;
	[dreg:$0x1] =	wrdreg $0xFFFFFFFF  }
0xa7: {  	s28 =	simm.s32 $_size_execute0_lowered;
	s2 =	sadd.s32 s2, s4;
	[dreg:$0x0] =	wrdreg $0x0  }
0xa8: {  	s4 =	sshll.u32 s28, $0x1;
	[dreg:$0x2] =	wrdreg s2  }
0xa9: {  	[dreg:$0x3] =	wrdreg s4  }
0xaa: {  	[dreg:$0x4] =	wrdreg $0xC0  }
0xab: {  	_ =	task [dreg:s6], $0x5FFFF  }
0xac: {  	[dreg:$0x1] =	wrdreg $0xFFFFFFFF  }
0xad: {  	[dreg:$0x0] =	wrdreg $0x60  }
0xae: {  	[dreg:$0x2] =	wrdreg s24  }
0xaf: {  	[dreg:$0x3] =	wrdreg $0x9  }
0xb0: {  	_ =	task.clear_ibuf [dreg:s6], $0x4FFFF;
	_ =	strace $0x90000049  }
0xb1: {  	s29 =	simm.s32 $0x9;
	_ =	strace $0x8000004B  }
0xb2: {  	_ =	swait.ge [sflag:s29], $0x1  }
0xb3: {  	[sflag:s29] =	ssyncadd.s32 $0xFFFFFFFF  }
0xb4: {  	_ =	strace $0x9000004B  }
0xb5: {  	_ =	sfence  }
0xb6: {  	s30 =	sld [smem:$0x0];
	_ =	sdelay $0x2  }
0xb7: {  	s31 =	sshll.u32 s1, $0xD;
	s1 =	sshrl.u32 s1, $0x2  }
0xb8: {  	s3 =	sand.u32 $0x4000, s31;
	s1 =	sadd.s32 s1, s30  }
0xb9: {  	s0 =	sor.u32 s3, s0;
	s1 =	sshll.u32 s1, $0x11  }
0xba: {  	s0 =	sor.u32 s1, s0  }
0xbb: {  	s0 =	sadd.s32 $0x8F2B, s0  }
0xbc: {  	[sflag:s0] =	ssyncadd.remote.s32 $0x1  }
0xbd: {  	_ =	sfence.sel $0xFFFF  }
0xbe: {  	[dreg:$0x0] =	wrdreg $0xFFFFFFFF;
	(pc) =	sbr.abs _section_cstart, $3  }
0xbf: {  	[dreg:$0x1] =	wrdreg $0xFFFFFFFF  }
0xc0: {  	_ =	task.clear_ibuf [dreg:s6], $0x2FFFF;
	_ =	strace $0x9FFFFFFF  }
0xc1: {  	(tm) =	ssettm $0x7FFFFFFF  }
tec
execute0_lowered:
.L_overlay_start_1:
0x0: {  	(tag) =	ssettag $0x1  }
0x1: {  	s1 =	srdreg.scid  }
0x2: {  	s0 =	stileid.u32;
	s7 =	rddreg [dreg:$0x0]  }
0x3: {  	s2 =	simm.s32 $0x0;
	s5 =	sand.u32 $0x1, s1;
	s28 =	sshll.u32 s0, $0x1  }
0x4: {  	s1 =	rddreg [dreg:$0x1];
	s9 =	smul.u32 $0x34, s0;
	s6 =	sor.u32 s5, s28  }
0x5: {  	[smem:$0x7FF] =	sst s2;
	s3 =	smul.u32 $0x1A, s6  }
0x6: {  	p0 =	seq.s32 s0, $0xF;
	_ =	strace $0x8000004A;
	s5 =	ssub.s32 $0x2, s5  }
0x7: {  	s8 =	smul.u32 $0x186A, s6;
	s9 =	sshrl.u32 s9, $0x4;
	s4 =	sshrl.u32 s3, $0x8  }
0x8: {  	s29 =	sshrl.u32 s5, $0x1;
	s31 =	sand.u32 $0x30, s9;
	s10 =	smul.u32 $0xA, s4  }
.Ltmp0:
0x9: {  	s9 =	simm.s32 $0x1;
	s3 =	sadd.s32 $0x38A00, s7;
	(pc) =	sbr.rel .LBB2_1-.Ltmp0, $4  }
0xa: {  	s11 =	sor.u32 $0x640, s31;
	s4 =	sadd.s32 $0x452A00, s7;
	s7 =	sadd.s32 s8, s7  }
0xb: {  	s8 =	ssub.s32 s5, s29;
	v1 =	vmov s11;
	s11 =	simm.s32 $0x0;
	s6 =	ssub.s32 s6, s10  }
0xc: {  	s10 =	simm.s32 $0x640;
	s30 =	sand.u32 $0xFF, s6;
	s6 =	sadd.s32 $0x7F800, s7  }
0xd: {  	v0 =	vimm.f32 $-Inf;
	s7 =	smax.u32 s8, $0x1;
	s8 =	simm.s32 $0x3840;
	s5 =	smul.u32 $0x27100, s30  }
.LBB2_12:
0xe: {  	s11 =	sadd.s32 $0x1, s11  }
0xf: {  	p1 =	sne.s32 s11, s7  }
.Ltmp1:
0x10: {  	_ = 	snop;
	(pc) =	sbr.rel @!p1 .LBB2_13-.Ltmp1, $4  }
0x11: {  	[hbm4b:s6+s2] =	stream.linear.scatter [tilespmem:s8], [sflag:$0x1], $0xC350, $0x38;
	[tilespmem:$0xFB90] =	vst v63  }
0x12: {  	_ =	swait.ge [sflag:s9], $0xC350  }
0x13: {  	[sflag:s9] =	ssyncset.done $0x0  }
0x14: {  	[sflag:s9] =	ssyncadd.s32 $0xFFFF3CB0  }
.LBB2_1:
0x15: {  	s12 =	simm.s32 $0x40;
	s13 =	simm.s32 $0x0  }
.LBB2_2:
0x16: {  	p1 =	sne.s32 s12, $0x30D00;
	[tilespmem:s13+$0x3840] =	vst v0;
	s13 =	smov.u32 s12;
	s12 =	sadd.s32 $0x40, s12  }
.Ltmp2:
0x17: {  	(pc) =	sbr.rel @p1 .LBB2_2-.Ltmp2, $2  }
0x18: {  	_ =	sdelay $0x2  }
0x19: {  	s13 =	sshra.s32 s13, $0x2  }
.Ltmp3:
0x1a: {  	(pc) =	sbr.rel @p0 .LBB2_12-.Ltmp3, $2  }
0x1b: {  	_ =	sdelay $0x2  }
0x1c: {  	[tilespmem:s13+$0x3840] =	vst v0  }
.Ltmp4:
0x1d: {  	(pc) =	sbr.rel .LBB2_5-.Ltmp4, $2  }
0x1e: {  	_ =	sdelay $0x2  }
0x1f: {  	s12 =	simm.s32 $0x0;
	s13 =	simm.s32 $0x0  }
.LBB2_11:
0x20: {  	s13 =	sadd.s32 $0x1, s13  }
0x21: {  	p1 =	sne.s32 s13, $0x64  }
.Ltmp5:
0x22: {  	_ = 	snop;
	(pc) =	sbr.rel @!p1 .LBB2_12-.Ltmp5, $1  }
0x23: {  	_ =	sdelay $0x3  }
.LBB2_5:
0x24: {  	s14 =	smul.u32 $0x640, s13;
	_ =	sdelay $0x1  }
0x25: {  	s14 =	sadd.s32 s5, s14  }
0x26: {  	s15 =	sshrl.u32 s14, $0x3  }
0x27: {  	s15 =	sadd.s32 s3, s15  }
0x28: {  	[tilespmem:s12], [sflag:$0x1] =	stream.linear.gather [hbm4b:s15+s12], $0x640, $0x38;
	[tilespmem:$0xFB90] =	vst v63  }
0x29: {  	_ =	swait.ge [sflag:s9], $0x640  }
0x2a: {  	[sflag:s9] =	ssyncset.done $0x0  }
.Ltmp6:
0x2b: {  	s14 =	sadd.s32 s4, s14;
	[sflag:s9] =	ssyncadd.s32 $0xFFFFF9C0;
	(pc) =	sbr.rel .LBB2_6-.Ltmp6, $4  }
0x2c: {  	[tilespmem:s10], [sflag:$0x1] =	stream.linear.gather [hbm4b:s14+s12], $0x3200, $0x38;
	[tilespmem:$0xFB90] =	vst v63  }
0x2d: {  	_ =	swait.ge [sflag:s9], $0x3200  }
0x2e: {  	[sflag:s9] =	ssyncset.done $0x0  }
0x2f: {  	s14 =	simm.s32 $0x0;
	[sflag:s9] =	ssyncadd.s32 $0xFFFFCE00  }
.LBB2_9:
0x30: {  	_ =	sdelay $0x4  }
0x31: {  	[tilespmem:v2+s8+$0x0] =	vst.idx.msk vm0, v5  }
.LBB2_10:
0x32: {  	s14 =	sadd.s32 $0x1, s14  }
0x33: {  	p1 =	sne.s32 s14, $0x64  }
.Ltmp7:
0x34: {  	_ = 	snop;
	(pc) =	sbr.rel @!p1 .LBB2_11-.Ltmp7, $1  }
0x35: {  	_ =	sdelay $0x3  }
.LBB2_6:
0x36: {  	s15 =	sshll.u32 s14, $0x4  }
0x37: {  	s15 =	sand.u32 $0x3FFFFFF0, s15  }
0x38: {  	v2 =	vld [tilespmem:s15+$0x0];
	_ =	sdelay $0x4  }
0x39: {  	(xrf1) =	vunique.msk.u32 $0xffff, v2;
	_ =	sdelay $0xd  }
0x3a: {  	_, v3, _ =	vpop (xrf1)  }
0x3b: {  	v4 =	vxor.u32 $0x80000000, v3  }
0x3c: {  	(xrf0) =	vmin.scan.msk.u32 $0xffff, v4  }
0x3d: {  	(xrf0) =	vmax.scan.msk.u32 $0xffff, v4;
	_ =	sdelay $0x4  }
0x3e: {  	v4, _, _ =	vpop (xrf0)  }
0x3f: {  	(v2sf) =	vpush v4, $0xF;
	v4, _, _ =	vpop (xrf0)  }
0x40: {  	(v2sf) =	vpush v4, $0xF;
	_ =	sdelay $0xd  }
0x41: {  	s16 =	spop (v2sf)  }
0x42: {  	s15 =	spop (v2sf)  }
0x43: {  	s18 =	sxor.u32 $0x80000000, s16;
	s19 =	sadd.s32 $0x80000001, s15  }
0x44: {  	p1 =	sge.s32 s18, s19  }
.Ltmp8:
0x45: {  	_ = 	snop;
	(pc) =	sbr.rel @p1 .LBB2_10-.Ltmp8, $4  }
0x46: {  	_ = 	snop  }
0x47: {  	s17 =	sshll.u32 s14, $0x7  }
0x48: {  	s17 =	sand.u32 $0x3FFFFF80, s17  }
0x49: {  	v4 =	vld.idx.msk [tilespmem:v1+s17+$0x0 ss:$0x1], $0xffff  }
0x4a: {  	_ =	sdelay $0x1  }
0x4b: {  	s17 =	sadd.s32 $0xFFFFFFFF, s16  }
0x4c: {  	s16 =	sadd.s32 $0x1, s17;
	s17 =	sadd.s32 $0x80000001, s17  }
0x4d: {  	v5 =	vld.idx.msk [tilespmem:v2+s8+$0x0], $0xffff;
	p1 =	sne.s32 s15, s16;
	vm0 =	veq.s32 v3, s17  }
.Ltmp9:
0x4e: {  	_ = 	snop;
	(pc) =	sbr.rel @!p1 .LBB2_9-.Ltmp9, $2  }
0x4f: {  	_ =	sdelay $0x2  }
0x50: {  	v5 =	vmax.f32 v5, v4  }
.LBB2_8:
0x51: {  	[tilespmem:v2+s8+$0x0] =	vst.idx.msk vm0, v5;
	s17 =	smov.u32 s16;
	s16 =	sadd.s32 $0x1, s16  }
0x52: {  	s17 =	sadd.s32 $0x80000001, s17;
	v5 =	vld.idx.msk [tilespmem:v2+s8+$0x0], $0xffff;
	p1 =	sne.s32 s15, s16  }
0x53: {  	vm0 =	veq.s32 v3, s17  }
.Ltmp10:
0x54: {  	(pc) =	sbr.rel @p1 .LBB2_8-.Ltmp10, $2  }
0x55: {  	_ =	sdelay $0x2  }
0x56: {  	v5 =	vmax.f32 v5, v4  }
.Ltmp11:
0x57: {  	_ = 	snop;
	(pc) =	sbr.rel .LBB2_9-.Ltmp11, $1  }
0x58: {  	_ =	sdelay $0x3  }
.LBB2_13:
0x59: {  	_ =	sfence.sel $0x180000  }
0x5a: {  	[bflag:$0x0] =	sbarrier.arrive $0xFFFF  }
0x5b: {  	p0 =	sne.s32 s0, $0x0;
	_ =	strace $0x9000004A  }
0x5c: {  	s0 =	sadd.s32 @!p0 $0x100000, s1;
	[bflag:$0x2] =	sbarrier.arrive $0xFFFF  }
0x5d: {  	[sflag:s0] =	ssyncadd.tile.s32 @!p0 $0x1;
	_ =	shalt  }
.Lfunc_end2:
_tile_overlayer_lowered:
.L_overlay_start_2:
0x5e: {  	(tag) =	ssettag $0x2  }
0x5f: {  	s0 =	rddreg [dreg:$0x0];
	s2 =	stileid.u32  }
0x60: {  	s1 =	rddreg [dreg:$0x1];
	p0 =	sne.s32 s2, $0x0  }
0x61: {  	s3 =	rddreg [dreg:$0x2];
	[bflag:$0x3] =	sbarrier.arrive $0xFFFF;
	s2 =	simm.s32 @!p0 $0x1C01  }
0x62: {  	[timem:s3], [sflag:s2] =	dma.local @!p0 [hbm:s0], s1  }
0x63: {  	s0 =	simm.s32 @!p0 $0x1  }
0x64: {  	_ =	swait.ge @!p0 [sflag:s0], s1  }
0x65: {  	s1 =	ssub.s32 @!p0 $0x0, s1;
	[sflag:s0] =	ssyncset.done @!p0 $0x0  }
0x66: {  	[sflag:s0] =	ssyncadd.s32 @!p0 s1  }
0x67: {  	[bflag:$0x3] =	sbarrier.arrive $0xFFFF  }
0x68: {  	_ =	shalt  }

// kernel: kernel.22.cloned.1.call-start
scs
__scs_entry_jumppad:
0x0: {  	(pc) =	sbr.rel $0x88, $3  }
0x1: {  	(tag) =	ssettag $0x0;
	lr =	simm.s32 $0x1  }
0x2: {  	[smem:$0x3F78] =	sst lr;
	_ =	strace $0xD0000000  }
0x3: {  	_ = 	snop  }
0x4: {  	_ = 	snop  }
0x5: {  	_ = 	snop  }
0x6: {  	_ = 	snop  }
0x7: {  	_ = 	snop  }
__scs_overlays_trampoline_lowered:
0x8: {  	[smem:$0x3F87] =	sst s0  }
0x9: {  	[smem:$0x3F88] =	sst s1  }
0xa: {  	[smem:$0x3F89] =	sst s2  }
0xb: {  	[smem:$0x3F8A] =	sst s3  }
0xc: {  	[smem:$0x3F8B] =	sst s4  }
0xd: {  	[smem:$0x3F8C] =	sst s5  }
0xe: {  	[smem:$0x3F8D] =	sst s6  }
0xf: {  	[smem:$0x3F8E] =	sst s7  }
0x10: {  	[smem:$0x3F8F] =	sst s8  }
0x11: {  	[smem:$0x3F90] =	sst s9;
	s0 =	simm.s32 @!p0 $0x0  }
0x12: {  	s1 =	sld [smem:$0x3F76];
	s0 =	simm.s32 @p0 $0x1  }
0x13: {  	[smem:$0x3F91] =	sst s0;
	s0 =	simm.s32 @!p1 $0x0  }
0x14: {  	s2 =	sld [smem:$0x3F75];
	s0 =	simm.s32 @p1 $0x1  }
0x15: {  	[smem:$0x3F92] =	sst s0;
	s0 =	simm.s32 @!p2 $0x0  }
0x16: {  	s3 =	sld [smem:$0x3FDB];
	s0 =	simm.s32 @p2 $0x1  }
0x17: {  	s4 =	simm.s32 $0x1BF5;
	[smem:$0x3F94] =	sst s0  }
0x18: {  	s0 =	sld [smem:$0x3F77];
	_ =	swait.ge [sflag:s4], $0x0  }
0x19: {  	s7 =	sld [smem:$0x3F78]  }
0x1a: {  	s8 =	sadd.s32 $0xFFFFE003, lr  }
0x1b: {  	s9 =	sadd.s32 $0xFFFFFEF7, lr;
	s5 =	simm.s32 $0xFFFFFFFF;
	p2 =	slt.u32 s8, $0xFFFFF086  }
0x1c: {  	p1 =	slt.u32 s9, $0xF7A;
	s5 =	simm.s32 @!p2 $0x0  }
0x1d: {  	s5 =	simm.s32 @p1 $0x1;
	p0 =	seq.s32 s7, s2  }
0x1e: {  	s7 =	smul.u32 @!p0 $0xF7A, s2;
	p2 =	seq.s32 @!p0 s5, $0x0  }
0x1f: {  	s9 =	smul.u32 $0xF7A, s1;
	s8 =	simm.s32 @!p0 $0x1BF5;
	p2 =	por !p2, p0  }
0x20: {  	[sflag:s8] =	ssyncset.s32 @!p0 $0xFFFFF086;
	s6 =	sadd.s32 @!p0 s3, s7;
	s7 =	simm.s32 @!p0 $0x108  }
0x21: {  	s3 =	sadd.s32 s3, s9;
	s6 =	sadd.s32 @!p0 $0x88, s6;
	s7 =	simm.s32 @p2 $0x1082  }
0x22: {  	[simem:s7], [sflag:s8] =	dma.local @!p0 [hbm:s6], $0xF7A  }
0x23: {  	s9 =	sor.u32 $0xD0000000, s2;
	s6 =	simm.s32 $0x108;
	_ =	swait.ge @!p0 [sflag:s8], $0x0  }
0x24: {  	s3 =	sadd.s32 $0x88, s3;
	s6 =	simm.s32 @!p1 $0x1082;
	[sflag:s4] =	ssyncset.s32 $0xFFFFF086  }
0x25: {  	[simem:s6], [sflag:s4] =	dma.local [hbm:s3], $0xF7A  }
0x26: {  	[smem:$0x3F78] =	sst s1;
	(tag) =	ssettag s2;
	_ =	strace s9  }
0x27: {  	s1 =	sld [smem:$0x3F88]  }
0x28: {  	s2 =	sld [smem:$0x3F89]  }
0x29: {  	s4 =	sld [smem:$0x3F8B]  }
0x2a: {  	p0 =	seq.s32 s5, $0x0;
	s5 =	sld [smem:$0x3F8C]  }
0x2b: {  	s6 =	sld [smem:$0x3F8D]  }
0x2c: {  	s7 =	sld [smem:$0x3F8E]  }
0x2d: {  	s3 =	simm.s32 $0x108;
	s8 =	sld [smem:$0x3F8F]  }
0x2e: {  	s3 =	simm.s32 @!p0 $0x1082;
	s9 =	sld [smem:$0x3F90]  }
0x2f: {  	lr =	sadd.s32 s0, s3;
	s0 =	sld [smem:$0x3F87]  }
0x30: {  	s3 =	sld [smem:$0x3F8A]  }
0x31: {  	[smem:$0x3F93] =	sst s10  }
0x32: {  	s10 =	sld [smem:$0x3F91];
	_ =	sdelay $0x3  }
0x33: {  	p0 =	seq.s32 s10, $0x1;
	s10 =	sld [smem:$0x3F93];
	_ =	sdelay $0x3  }
0x34: {  	[smem:$0x3F93] =	sst s10  }
0x35: {  	s10 =	sld [smem:$0x3F92];
	_ =	sdelay $0x3  }
0x36: {  	p1 =	seq.s32 s10, $0x1;
	s10 =	sld [smem:$0x3F93];
	_ =	sdelay $0x3  }
0x37: {  	[smem:$0x3F93] =	sst s10  }
0x38: {  	s10 =	sld [smem:$0x3F94]  }
0x39: {  	_ = 	snop;
	(pc) =	sbr.ind lr, $3  }
0x3a: {  	_ = 	snop  }
0x3b: {  	_ = 	snop  }
0x3c: {  	p2 =	seq.s32 s10, $0x1;
	s10 =	sld [smem:$0x3F93]  }
0x3d: {  	_ =	shalt  }
0x3e: {  	_ =	shalt  }
0x3f: {  	_ =	shalt  }
0x40: {  	_ =	shalt  }
0x41: {  	_ =	shalt  }
0x42: {  	_ =	shalt  }
0x43: {  	_ =	shalt  }
0x44: {  	_ =	shalt  }
0x45: {  	_ =	shalt  }
0x46: {  	_ =	shalt  }
0x47: {  	_ =	shalt  }
0x48: {  	_ =	shalt  }
0x49: {  	_ =	shalt  }
0x4a: {  	_ =	shalt  }
0x4b: {  	_ =	shalt  }
0x4c: {  	_ =	shalt  }
0x4d: {  	_ =	shalt  }
0x4e: {  	_ =	shalt  }
0x4f: {  	_ =	shalt  }
0x50: {  	_ =	shalt  }
0x51: {  	_ =	shalt  }
0x52: {  	_ =	shalt  }
0x53: {  	_ =	shalt  }
0x54: {  	_ =	shalt  }
0x55: {  	_ =	shalt  }
0x56: {  	_ =	shalt  }
0x57: {  	_ =	shalt  }
0x58: {  	_ =	shalt  }
0x59: {  	_ =	shalt  }
0x5a: {  	_ =	shalt  }
0x5b: {  	_ =	shalt  }
0x5c: {  	_ =	shalt  }
0x5d: {  	_ =	shalt  }
0x5e: {  	_ =	shalt  }
0x5f: {  	_ =	shalt  }
0x60: {  	_ =	shalt  }
0x61: {  	_ =	shalt  }
0x62: {  	_ =	shalt  }
0x63: {  	_ =	shalt  }
0x64: {  	_ =	shalt  }
0x65: {  	_ =	shalt  }
0x66: {  	_ =	shalt  }
0x67: {  	_ =	shalt  }
0x68: {  	_ =	shalt  }
0x69: {  	_ =	shalt  }
0x6a: {  	_ =	shalt  }
0x6b: {  	_ =	shalt  }
0x6c: {  	_ =	shalt  }
0x6d: {  	_ =	shalt  }
0x6e: {  	_ =	shalt  }
0x6f: {  	_ =	shalt  }
0x70: {  	_ =	shalt  }
0x71: {  	_ =	shalt  }
0x72: {  	_ =	shalt  }
0x73: {  	_ =	shalt  }
0x74: {  	_ =	shalt  }
0x75: {  	_ =	shalt  }
0x76: {  	_ =	shalt  }
0x77: {  	_ =	shalt  }
0x78: {  	_ =	shalt  }
0x79: {  	_ =	shalt  }
0x7a: {  	_ =	shalt  }
0x7b: {  	_ =	shalt  }
0x7c: {  	_ =	shalt  }
0x7d: {  	_ =	shalt  }
0x7e: {  	_ =	shalt  }
0x7f: {  	_ =	shalt  }
0x80: {  	_ =	shalt  }
0x81: {  	_ =	shalt  }
0x82: {  	_ =	shalt  }
0x83: {  	_ =	shalt  }
0x84: {  	_ =	shalt  }
0x85: {  	_ =	shalt  }
0x86: {  	_ =	shalt  }
0x87: {  	_ =	shalt  }
.Lfunc_end0:
.L_simem_size_0:
called_computation.2_lowered:
.L_overlay_start_0:
0x88: {  	s2 =	sld [smem:$0x3FD9]  }
0x89: {  	s3 =	sld [smem:$0x3FFE];
	_ =	sdelay $0x1  }
0x8a: {  	s1 =	srdreg.scid  }
0x8b: {  	s0 =	sand.u32 $0x1, s1  }
0x8c: {  	s16 =	sshll.u32 s0, $0xA;
	s2 =	sadd.s32 s3, s2  }
0x8d: {  	s2 =	sadd.s32 s2, s16  }
0x8e: {  	[smem:$0x3F9F] =	sst s2  }
0x8f: {  	_ = 	snop  }
0x90: {  	(tm) =	ssettm $0x1  }
0x91: {  	s17 =	sld [smem:$0x3FFB];
	_ =	sdelay $0x3  }
0x92: {  	_ =	strace s17  }
0x93: {  	s2 =	sld [smem:$0x3FFC];
	_ =	sdelay $0x3  }
0x94: {  	_ =	strace s2  }
0x95: {  	s2 =	sld [smem:$0x3FFD];
	_ =	sdelay $0x3  }
0x96: {  	_ =	strace s2  }
0x97: {  	_ =	strace $0x8FFFFFFF  }
0x98: {  	s18 =	sld [smem:$0x3FDB];
	_ =	sdelay $0x1  }
0x99: {  	s19 =	simm.s32 $_scs_section_size  }
0x9a: {  	s4 =	simm.s32 $_size__tile_overlayer_lowered;
	s5 =	simm.s32 $_tile_overlayer_lowered  }
0x9b: {  	s22 =	simm.s32 $0x1BFF;
	s21 =	sshll.u32 s5, $0x1;
	s2 =	sadd.s32 s19, s18  }
0x9c: {  	s6 =	simm.s32 $0x0;
	s20 =	sshll.u32 s4, $0x1;
	s4 =	sadd.s32 s21, s2  }
0x9d: {  	[timem:s6], [sflag:s22] =	dma.local [hbm:s4], s20  }
0x9e: {  	_ =	swait.ge [sflag:s22], s20  }
0x9f: {  	s3 =	ssub.s32 $0x0, s20;
	[sflag:s22] =	ssyncset.done $0x0  }
0xa0: {  	[sflag:s22] =	ssyncadd.s32 s3;
	_ =	sdelay $0x1  }
0xa1: {  	s23 =	simm.s32 $0x1B8B  }
0xa2: {  	_ =	swait.ge [sflag:s23], $0x1  }
0xa3: {  	[sflag:s23] =	ssyncset.done $0x0  }
0xa4: {  	s25 =	simm.s32 $0x1B8E;
	s24 =	sld [smem:$0x3FFE];
	[sflag:s23] =	ssyncadd.s32 $0xFFFFFFFF  }
0xa5: {  	s26 =	simm.s32 $execute0_lowered;
	[smem:$0x3FD2] =	sst s25  }
0xa6: {  	s4 =	sshll.u32 s26, $0x1;
	_ =	strace $0x8000004C;
	[dreg:$0x1] =	wrdreg $0xFFFFFFFF  }
0xa7: {  	s28 =	simm.s32 $_size_execute0_lowered;
	s2 =	sadd.s32 s2, s4;
	[dreg:$0x0] =	wrdreg $0x0  }
0xa8: {  	s4 =	sshll.u32 s28, $0x1;
	[dreg:$0x2] =	wrdreg s2  }
0xa9: {  	[dreg:$0x3] =	wrdreg s4  }
0xaa: {  	[dreg:$0x4] =	wrdreg $0xC0  }
0xab: {  	_ =	task [dreg:s6], $0x5FFFF  }
0xac: {  	[dreg:$0x1] =	wrdreg $0xFFFFFFFF  }
0xad: {  	[dreg:$0x0] =	wrdreg $0x60  }
0xae: {  	[dreg:$0x2] =	wrdreg s24  }
0xaf: {  	[dreg:$0x3] =	wrdreg $0x8CA00  }
0xb0: {  	[dreg:$0x4] =	wrdreg $0x9  }
0xb1: {  	_ =	task.clear_ibuf [dreg:s6], $0x5FFFF;
	_ =	strace $0x9000004C  }
0xb2: {  	s29 =	simm.s32 $0x9;
	_ =	strace $0x8000004E  }
0xb3: {  	_ =	swait.ge [sflag:s29], $0x1  }
0xb4: {  	[sflag:s29] =	ssyncadd.s32 $0xFFFFFFFF  }
0xb5: {  	_ =	strace $0x9000004E  }
0xb6: {  	_ =	sfence  }
0xb7: {  	s30 =	sld [smem:$0x0];
	_ =	sdelay $0x2  }
0xb8: {  	s31 =	sshll.u32 s1, $0xD;
	s1 =	sshrl.u32 s1, $0x2  }
0xb9: {  	s3 =	sand.u32 $0x4000, s31;
	s1 =	sadd.s32 s1, s30  }
0xba: {  	s0 =	sor.u32 s3, s0;
	s1 =	sshll.u32 s1, $0x11  }
0xbb: {  	s0 =	sor.u32 s1, s0  }
0xbc: {  	s0 =	sadd.s32 $0x8F2B, s0  }
0xbd: {  	[sflag:s0] =	ssyncadd.remote.s32 $0x1  }
0xbe: {  	_ =	sfence.sel $0xFFFF  }
0xbf: {  	[dreg:$0x0] =	wrdreg $0xFFFFFFFF;
	(pc) =	sbr.abs _section_cstart, $3  }
0xc0: {  	[dreg:$0x1] =	wrdreg $0xFFFFFFFF  }
0xc1: {  	_ =	task.clear_ibuf [dreg:s6], $0x2FFFF;
	_ =	strace $0x9FFFFFFF  }
0xc2: {  	(tm) =	ssettm $0x7FFFFFFF  }
0xc3: {  	_ =	shalt  }
tec
execute0_lowered:
.L_overlay_start_1:
0x0: {  	(tag) =	ssettag $0x1  }
0x1: {  	s8 =	rddreg [dreg:$0x0]  }
0x2: {  	s1 =	rddreg [dreg:$0x1];
	s2 =	simm.s32 $0x0;
	s4 =	srdreg.scid  }
0x3: {  	s13 =	stileid.u32;
	s15 =	simm.s32 $0x7D0;
	s16 =	simm.s32 $0x3E8  }
0x4: {  	s17 =	simm.s32 $0xFA0;
	s18 =	simm.s32 $0x4E20;
	s19 =	simm.s32 $0x1  }
0x5: {  	s20 =	simm.s32 $0x2;
	s21 =	simm.s32 $0xBB8;
	s22 =	simm.s32 $0x2EE0  }
0x6: {  	s23 =	simm.s32 $0x6D60;
	s24 =	simm.s32 $0x0;
	[smem:$0x7FF] =	sst s2  }
0x7: {  	s3 =	sadd.s32 $0x7F800, s8;
	s6 =	sand.u32 $0x1, s4;
	s7 =	smul.u32 $0x186A0, s13  }
0x8: {  	s5 =	sshll.u32 s13, $0x1;
	s0 =	sadd.s32 $0x12CE00, s8;
	p0 =	sne.s32 s13, $0x0  }
0x9: {  	_ =	strace $0x8000004D;
	[dreg:$0x5] =	wrdreg s0;
	s9 =	smul.u32 $0xC350, s6  }
0xa: {  	s10 =	sor.u32 s6, s5;
	s5 =	sadd.s32 $0x7C00, s8;
	s11 =	ssub.s32 $0x2, s6  }
0xb: {  	s6 =	sadd.s32 $0x38A00, s8;
	s10 =	smul.u32 $0xC350, s10;
	s26 =	sshrl.u32 s11, $0x1  }
0xc: {  	s13 =	sshrl.u32 @!p0 s1, $0x3;
	s7 =	sadd.s32 s9, s7;
	s11 =	ssub.s32 s11, s26  }
0xd: {  	s12 =	sadd.s32 s7, s8;
	s28 =	sshrl.u32 s10, $0x3;
	s14 =	sadd.s32 $0x3E8, s7  }
0xe: {  	s10 =	smax.u32 s11, $0x1;
	s29 =	sadd.s32 s5, s28;
	s9 =	sadd.s32 s6, s28  }
0xf: {  	s30 =	sadd.s32 $0x2BFC00, s12;
	s12 =	sadd.s32 $0x139200, s12;
	[dreg:$0x6] =	wrdreg s29  }
0x10: {  	s31 =	sshrl.u32 s14, $0x3;
	s14 =	simm.s32 $0x3;
	[dreg:$0x3] =	wrdreg s30  }
0x11: {  	[dreg:$0x4] =	wrdreg s12;
	s11 =	sadd.s32 s31, s6;
	s12 =	sadd.s32 s31, s5  }
.LBB2_1:
0x12: {  	s25 =	simm.s32 @!p0 $0x1C03;
	s0 =	rddreg [dreg:$0x5]  }
0x13: {  	[spmem:s13], [sflag:s25] =	dma.local @!p0 [hbm:s0], $0xC350  }
0x14: {  	s25 =	simm.s32 @!p0 $0x3  }
0x15: {  	_ =	swait.ge @!p0 [sflag:s25], $0xC350  }
0x16: {  	[sflag:s25] =	ssyncset.done @!p0 $0x0  }
0x17: {  	[sflag:s25] =	ssyncadd.s32 @!p0 $0xFFFF3CB0  }
0x18: {  	[bflag:$0x0] =	sbarrier.arrive $0xFFFF  }
0x19: {  	s29 =	rddreg [dreg:$0x6]  }
0x1a: {  	[tilespmem:s2], [sflag:$0x3] =	stream.linear.gather [hbm4b:s29+s2], $0x3E8, $0x38;
	[tilespmem:$0xEE48] =	vst v63  }
0x1b: {  	_ =	swait.ge [sflag:s14], $0x3E8  }
0x1c: {  	[sflag:s14] =	ssyncset.done $0x0  }
0x1d: {  	[sflag:s14] =	ssyncadd.s32 $0xFFFFFC18  }
0x1e: {  	[tilespmem:s15], [sflag:$0x3] =	stream.linear.gather [hbm4b:s9+s2], $0x3E8, $0x38;
	[tilespmem:$0xEE48] =	vst v63  }
0x1f: {  	_ =	swait.ge [sflag:s14], $0x3E8  }
0x20: {  	[sflag:s14] =	ssyncset.done $0x0  }
0x21: {  	[sflag:s14] =	ssyncadd.s32 $0xFFFFFC18  }
0x22: {  	[tilespmem:s17], [sflag:$0x1] =	stream.indirect.gather [hbm4b:s3+s16], $0x8, s2, s16, $0xb8;
	[tilespmem:$0xEE48] =	vst v63  }
0x23: {  	_ = 	snop  }
0x24: {  	[tilespmem:s18], [sflag:$0x2] =	stream.indirect.gather [spmem:s1], $0x8, s15, s16, $0xb8;
	[tilespmem:$0xEE48] =	vst v63  }
0x25: {  	_ =	swait.ge [sflag:s19], $0x1F40  }
0x26: {  	[sflag:s19] =	ssyncset.done $0x0  }
0x27: {  	[sflag:s19] =	ssyncadd.s32 $0xFFFFE0C0  }
0x28: {  	_ =	swait.ge [sflag:s20], $0x1F40  }
0x29: {  	[sflag:s20] =	ssyncset.done $0x0  }
0x2a: {  	[sflag:s20] =	ssyncadd.s32 $0xFFFFE0C0  }
0x2b: {  	[tilespmem:s16], [sflag:$0x3] =	stream.linear.gather [hbm4b:s12+s2], $0x3E8, $0x38;
	[tilespmem:$0xEE48] =	vst v63  }
0x2c: {  	_ =	swait.ge [sflag:s14], $0x3E8  }
0x2d: {  	[sflag:s14] =	ssyncset.done $0x0  }
0x2e: {  	[sflag:s14] =	ssyncadd.s32 $0xFFFFFC18  }
0x2f: {  	[tilespmem:s21], [sflag:$0x3] =	stream.linear.gather [hbm4b:s11+s2], $0x3E8, $0x38;
	[tilespmem:$0xEE48] =	vst v63  }
0x30: {  	_ =	swait.ge [sflag:s14], $0x3E8  }
0x31: {  	[sflag:s14] =	ssyncset.done $0x0  }
0x32: {  	[sflag:s14] =	ssyncadd.s32 $0xFFFFFC18  }
0x33: {  	[tilespmem:s22], [sflag:$0x1] =	stream.indirect.gather [hbm4b:s3+s16], $0x8, s16, s16, $0xb8;
	[tilespmem:$0xEE48] =	vst v63  }
0x34: {  	s30 =	rddreg [dreg:$0x4]  }
0x35: {  	[tilespmem:s23], [sflag:$0x2] =	stream.indirect.gather [spmem:s1], $0x8, s21, s16, $0xb8;
	[tilespmem:$0xEE48] =	vst v63  }
0x36: {  	s25 =	sadd.s32 $0x0, s30  }
0x37: {  	[hbm4b:s25+s2] =	stream.linear.scatter [tilespmem:s17], [sflag:$0x3], $0x1F40, $0x38;
	[tilespmem:$0xEE48] =	vst v63  }
0x38: {  	_ =	swait.ge [sflag:s14], $0x1F40  }
0x39: {  	s26 =	rddreg [dreg:$0x3];
	[sflag:s14] =	ssyncset.done $0x0  }
0x3a: {  	[sflag:s14] =	ssyncadd.s32 $0xFFFFE0C0;
	s26 =	sadd.s32 $0x0, s26  }
0x3b: {  	[hbm4b:s26+s2] =	stream.linear.scatter [tilespmem:s18], [sflag:$0x3], $0x1F40, $0x38;
	[tilespmem:$0xEE48] =	vst v63  }
0x3c: {  	_ =	swait.ge [sflag:s14], $0x1F40  }
0x3d: {  	[sflag:s14] =	ssyncset.done $0x0  }
0x3e: {  	[sflag:s14] =	ssyncadd.s32 $0xFFFFE0C0  }
0x3f: {  	_ =	swait.ge [sflag:s19], $0x1F40  }
0x40: {  	p1 =	por $0x0, $0x0;
	[sflag:s19] =	ssyncset.done $0x0  }
0x41: {  	s28 =	sadd.s32 @!p1 $0x0, s7;
	[sflag:s19] =	ssyncadd.s32 $0xFFFFE0C0  }
0x42: {  	s28 =	sadd.s32 @!p1 $0x7D0, s28;
	_ =	swait.ge [sflag:s20], $0x1F40  }
0x43: {  	s31 =	simm.s32 @!p1 $0x0;
	s28 =	sshrl.u32 @!p1 s28, $0x3;
	[sflag:s20] =	ssyncset.done $0x0  }
0x44: {  	s29 =	simm.s32 @!p1 $0x3;
	s30 =	sadd.s32 @!p1 s5, s28;
	[sflag:s20] =	ssyncadd.s32 $0xFFFFE0C0  }
0x45: {  	[tilespmem:s31], [sflag:$0x3] =	stream.linear.gather @!p1 [hbm4b:s30+s31], $0x3E8, $0x38;
	[tilespmem:$0xEE48] =	vst v63  }
0x46: {  	_ =	swait.ge @!p1 [sflag:s29], $0x3E8  }
0x47: {  	[sflag:s29] =	ssyncset.done @!p1 $0x0  }
0x48: {  	s28 =	sadd.s32 @!p1 s6, s28;
	s30 =	simm.s32 @!p1 $0x7D0;
	[sflag:s29] =	ssyncadd.s32 @!p1 $0xFFFFFC18  }
0x49: {  	[tilespmem:s30], [sflag:$0x3] =	stream.linear.gather @!p1 [hbm4b:s28+s31], $0x3E8, $0x38;
	[tilespmem:$0xEE48] =	vst v63  }
0x4a: {  	_ =	swait.ge @!p1 [sflag:s29], $0x3E8  }
0x4b: {  	[sflag:s29] =	ssyncset.done @!p1 $0x0  }
0x4c: {  	s28 =	simm.s32 @!p1 $0x3E8;
	[sflag:s29] =	ssyncadd.s32 @!p1 $0xFFFFFC18;
	s29 =	simm.s32 @!p1 $0xFA0  }
0x4d: {  	[tilespmem:s29], [sflag:$0x1] =	stream.indirect.gather @!p1 [hbm4b:s3+s28], $0x8, s31, s28, $0xb8;
	[tilespmem:$0xEE48] =	vst v63  }
0x4e: {  	s29 =	simm.s32 @!p1 $0x4E20  }
0x4f: {  	[tilespmem:s29], [sflag:$0x2] =	stream.indirect.gather @!p1 [spmem:s1], $0x8, s30, s28, $0xb8;
	[tilespmem:$0xEE48] =	vst v63  }
0x50: {  	s25 =	sadd.s32 $0x3E8, s25  }
0x51: {  	[hbm4b:s25+s2] =	stream.linear.scatter [tilespmem:s22], [sflag:$0x3], $0x1F40, $0x38;
	[tilespmem:$0xEE48] =	vst v63  }
0x52: {  	_ =	swait.ge [sflag:s14], $0x1F40  }
0x53: {  	[sflag:s14] =	ssyncset.done $0x0  }
0x54: {  	s31 =	sadd.s32 $0x3E8, s26;
	[sflag:s14] =	ssyncadd.s32 $0xFFFFE0C0  }
0x55: {  	[hbm4b:s31+s2] =	stream.linear.scatter [tilespmem:s23], [sflag:$0x3], $0x1F40, $0x38;
	[tilespmem:$0xEE48] =	vst v63  }
0x56: {  	s26 =	sadd.s32 $0xFA, s12;
	_ =	swait.ge [sflag:s14], $0x1F40  }
0x57: {  	s28 =	smov.u32 s11;
	s25 =	simm.s32 $0x7D0;
	[sflag:s14] =	ssyncset.done $0x0  }
.LBB2_2:
0x58: {  	[sflag:s14] =	ssyncadd.s32 $0xFFFFE0C0  }
0x59: {  	_ =	swait.ge [sflag:s19], $0x1F40  }
0x5a: {  	[sflag:s19] =	ssyncset.done $0x0  }
0x5b: {  	[sflag:s19] =	ssyncadd.s32 $0xFFFFE0C0  }
0x5c: {  	_ =	swait.ge [sflag:s20], $0x1F40  }
0x5d: {  	[sflag:s20] =	ssyncset.done $0x0  }
0x5e: {  	[sflag:s20] =	ssyncadd.s32 $0xFFFFE0C0  }
0x5f: {  	[tilespmem:s16], [sflag:$0x3] =	stream.linear.gather [hbm4b:s26+s2], $0x3E8, $0x38;
	[tilespmem:$0xEE48] =	vst v63  }
0x60: {  	_ =	swait.ge [sflag:s14], $0x3E8  }
0x61: {  	[sflag:s14] =	ssyncset.done $0x0  }
0x62: {  	s28 =	sadd.s32 $0xFA, s28;
	[sflag:s14] =	ssyncadd.s32 $0xFFFFFC18  }
0x63: {  	[tilespmem:s21], [sflag:$0x3] =	stream.linear.gather [hbm4b:s28+s2], $0x3E8, $0x38;
	[tilespmem:$0xEE48] =	vst v63  }
0x64: {  	_ =	swait.ge [sflag:s14], $0x3E8  }
0x65: {  	[sflag:s14] =	ssyncset.done $0x0  }
0x66: {  	[sflag:s14] =	ssyncadd.s32 $0xFFFFFC18  }
0x67: {  	[tilespmem:s22], [sflag:$0x1] =	stream.indirect.gather [hbm4b:s3+s16], $0x8, s16, s16, $0xb8;
	[tilespmem:$0xEE48] =	vst v63  }
0x68: {  	s30 =	smov.u32 s25;
	s29 =	rddreg [dreg:$0x4]  }
0x69: {  	[tilespmem:s23], [sflag:$0x2] =	stream.indirect.gather [spmem:s1], $0x8, s21, s16, $0xb8;
	[tilespmem:$0xEE48] =	vst v63  }
0x6a: {  	s29 =	sadd.s32 s30, s29  }
0x6b: {  	[hbm4b:s29+s2] =	stream.linear.scatter [tilespmem:s17], [sflag:$0x3], $0x1F40, $0x38;
	[tilespmem:$0xEE48] =	vst v63  }
0x6c: {  	_ =	swait.ge [sflag:s14], $0x1F40  }
0x6d: {  	s31 =	rddreg [dreg:$0x3];
	[sflag:s14] =	ssyncset.done $0x0  }
0x6e: {  	[sflag:s14] =	ssyncadd.s32 $0xFFFFE0C0;
	s31 =	sadd.s32 s30, s31  }
0x6f: {  	[hbm4b:s31+s2] =	stream.linear.scatter [tilespmem:s18], [sflag:$0x3], $0x1F40, $0x38;
	[tilespmem:$0xEE48] =	vst v63  }
0x70: {  	_ =	swait.ge [sflag:s14], $0x1F40  }
0x71: {  	[sflag:s14] =	ssyncset.done $0x0  }
0x72: {  	[sflag:s14] =	ssyncadd.s32 $0xFFFFE0C0  }
0x73: {  	_ =	swait.ge [sflag:s19], $0x1F40  }
0x74: {  	p2 =	seq.s32 s30, $0xBB80;
	[sflag:s19] =	ssyncset.done $0x0  }
0x75: {  	s30 =	sadd.s32 @!p2 s30, s7;
	[sflag:s19] =	ssyncadd.s32 $0xFFFFE0C0  }
0x76: {  	s30 =	sadd.s32 @!p2 $0x7D0, s30;
	_ =	swait.ge [sflag:s20], $0x1F40  }
0x77: {  	s0 =	simm.s32 @!p2 $0x3;
	s30 =	sshrl.u32 @!p2 s30, $0x3;
	[sflag:s20] =	ssyncset.done $0x0  }
0x78: {  	s8 =	simm.s32 @!p2 $0x0;
	s4 =	sadd.s32 @!p2 s5, s30;
	[sflag:s20] =	ssyncadd.s32 $0xFFFFE0C0  }
0x79: {  	[tilespmem:s8], [sflag:$0x3] =	stream.linear.gather @!p2 [hbm4b:s4+s8], $0x3E8, $0x38;
	[tilespmem:$0xEE48] =	vst v63  }
0x7a: {  	_ =	swait.ge @!p2 [sflag:s0], $0x3E8  }
0x7b: {  	[sflag:s0] =	ssyncset.done @!p2 $0x0  }
0x7c: {  	s4 =	sadd.s32 @!p2 s6, s30;
	s30 =	simm.s32 @!p2 $0x7D0;
	[sflag:s0] =	ssyncadd.s32 @!p2 $0xFFFFFC18  }
0x7d: {  	[tilespmem:s30], [sflag:$0x3] =	stream.linear.gather @!p2 [hbm4b:s4+s8], $0x3E8, $0x38;
	[tilespmem:$0xEE48] =	vst v63  }
0x7e: {  	_ =	swait.ge @!p2 [sflag:s0], $0x3E8  }
0x7f: {  	[sflag:s0] =	ssyncset.done @!p2 $0x0  }
0x80: {  	s4 =	simm.s32 @!p2 $0xFA0;
	[sflag:s0] =	ssyncadd.s32 @!p2 $0xFFFFFC18;
	s0 =	simm.s32 @!p2 $0x3E8  }
0x81: {  	[tilespmem:s4], [sflag:$0x1] =	stream.indirect.gather @!p2 [hbm4b:s3+s0], $0x8, s8, s0, $0xb8;
	[tilespmem:$0xEE48] =	vst v63  }
0x82: {  	s4 =	simm.s32 @!p2 $0x4E20  }
0x83: {  	[tilespmem:s4], [sflag:$0x2] =	stream.indirect.gather @!p2 [spmem:s1], $0x8, s30, s0, $0xb8;
	[tilespmem:$0xEE48] =	vst v63  }
0x84: {  	s25 =	sadd.s32 $0x7D0, s25;
	s30 =	sadd.s32 $0x3E8, s29  }
0x85: {  	[hbm4b:s30+s2] =	stream.linear.scatter [tilespmem:s22], [sflag:$0x3], $0x1F40, $0x38;
	[tilespmem:$0xEE48] =	vst v63  }
0x86: {  	p1 =	sne.s32 s25, $0xC350;
	_ =	swait.ge [sflag:s14], $0x1F40  }
.Ltmp0:
0x87: {  	[sflag:s14] =	ssyncset.done $0x0;
	(pc) =	sbr.rel @p1 .LBB2_2-.Ltmp0, $4  }
0x88: {  	s31 =	sadd.s32 $0x3E8, s31;
	[sflag:s14] =	ssyncadd.s32 $0xFFFFE0C0  }
0x89: {  	[hbm4b:s31+s2] =	stream.linear.scatter [tilespmem:s23], [sflag:$0x3], $0x1F40, $0x38;
	[tilespmem:$0xEE48] =	vst v63  }
0x8a: {  	_ =	swait.ge [sflag:s14], $0x1F40  }
0x8b: {  	s26 =	sadd.s32 $0xFA, s26;
	[sflag:s14] =	ssyncset.done $0x0  }
0x8c: {  	s24 =	sadd.s32 $0x1, s24  }
0x8d: {  	p1 =	sne.s32 s24, s10  }
.Ltmp1:
0x8e: {  	_ = 	snop;
	(pc) =	sbr.rel @p1 .LBB2_1-.Ltmp1, $2  }
0x8f: {  	_ =	sdelay $0x2  }
0x90: {  	[sflag:s14] =	ssyncadd.s32 $0xFFFFE0C0  }
0x91: {  	_ =	sfence.sel $0x180000  }
0x92: {  	[bflag:$0x0] =	sbarrier.arrive $0xFFFF  }
0x93: {  	_ =	strace $0x9000004D  }
0x94: {  	[bflag:$0x2] =	sbarrier.arrive $0xFFFF  }
0x95: {  	s0 =	rddreg [dreg:$0x2]  }
0x96: {  	s0 =	sadd.s32 @!p0 $0x100000, s0  }
0x97: {  	[sflag:s0] =	ssyncadd.tile.s32 @!p0 $0x1;
	_ =	shalt  }
.Lfunc_end2:
_tile_overlayer_lowered:
.L_overlay_start_2:
0x98: {  	(tag) =	ssettag $0x2  }
0x99: {  	s0 =	rddreg [dreg:$0x0];
	s2 =	stileid.u32  }
0x9a: {  	s1 =	rddreg [dreg:$0x1];
	p0 =	sne.s32 s2, $0x0  }
0x9b: {  	s3 =	rddreg [dreg:$0x2];
	[bflag:$0x3] =	sbarrier.arrive $0xFFFF;
	s2 =	simm.s32 @!p0 $0x1C03  }
0x9c: {  	[timem:s3], [sflag:s2] =	dma.local @!p0 [hbm:s0], s1  }
0x9d: {  	s0 =	simm.s32 @!p0 $0x3  }
0x9e: {  	_ =	swait.ge @!p0 [sflag:s0], s1  }
0x9f: {  	s1 =	ssub.s32 @!p0 $0x0, s1;
	[sflag:s0] =	ssyncset.done @!p0 $0x0  }
0xa0: {  	[sflag:s0] =	ssyncadd.s32 @!p0 s1  }
0xa1: {  	[bflag:$0x3] =	sbarrier.arrive $0xFFFF  }
0xa2: {  	_ =	shalt  }

// kernel: kernel.25.cloned.1.call-start
scs
__scs_entry_jumppad:
0x0: {  	(pc) =	sbr.rel $0x88, $3  }
0x1: {  	(tag) =	ssettag $0x0;
	lr =	simm.s32 $0x1  }
0x2: {  	[smem:$0x3F78] =	sst lr;
	_ =	strace $0xD0000000  }
0x3: {  	_ = 	snop  }
0x4: {  	_ = 	snop  }
0x5: {  	_ = 	snop  }
0x6: {  	_ = 	snop  }
0x7: {  	_ = 	snop  }
__scs_overlays_trampoline_lowered:
0x8: {  	[smem:$0x3F87] =	sst s0  }
0x9: {  	[smem:$0x3F88] =	sst s1  }
0xa: {  	[smem:$0x3F89] =	sst s2  }
0xb: {  	[smem:$0x3F8A] =	sst s3  }
0xc: {  	[smem:$0x3F8B] =	sst s4  }
0xd: {  	[smem:$0x3F8C] =	sst s5  }
0xe: {  	[smem:$0x3F8D] =	sst s6  }
0xf: {  	[smem:$0x3F8E] =	sst s7  }
0x10: {  	[smem:$0x3F8F] =	sst s8  }
0x11: {  	[smem:$0x3F90] =	sst s9;
	s0 =	simm.s32 @!p0 $0x0  }
0x12: {  	s1 =	sld [smem:$0x3F76];
	s0 =	simm.s32 @p0 $0x1  }
0x13: {  	[smem:$0x3F91] =	sst s0;
	s0 =	simm.s32 @!p1 $0x0  }
0x14: {  	s2 =	sld [smem:$0x3F75];
	s0 =	simm.s32 @p1 $0x1  }
0x15: {  	[smem:$0x3F92] =	sst s0;
	s0 =	simm.s32 @!p2 $0x0  }
0x16: {  	s3 =	sld [smem:$0x3FDB];
	s0 =	simm.s32 @p2 $0x1  }
0x17: {  	s4 =	simm.s32 $0x1BF5;
	[smem:$0x3F94] =	sst s0  }
0x18: {  	s0 =	sld [smem:$0x3F77];
	_ =	swait.ge [sflag:s4], $0x0  }
0x19: {  	s7 =	sld [smem:$0x3F78]  }
0x1a: {  	s8 =	sadd.s32 $0xFFFFE003, lr  }
0x1b: {  	s9 =	sadd.s32 $0xFFFFFEF7, lr;
	s5 =	simm.s32 $0xFFFFFFFF;
	p2 =	slt.u32 s8, $0xFFFFF086  }
0x1c: {  	p1 =	slt.u32 s9, $0xF7A;
	s5 =	simm.s32 @!p2 $0x0  }
0x1d: {  	s5 =	simm.s32 @p1 $0x1;
	p0 =	seq.s32 s7, s2  }
0x1e: {  	s7 =	smul.u32 @!p0 $0xF7A, s2;
	p2 =	seq.s32 @!p0 s5, $0x0  }
0x1f: {  	s9 =	smul.u32 $0xF7A, s1;
	s8 =	simm.s32 @!p0 $0x1BF5;
	p2 =	por !p2, p0  }
0x20: {  	[sflag:s8] =	ssyncset.s32 @!p0 $0xFFFFF086;
	s6 =	sadd.s32 @!p0 s3, s7;
	s7 =	simm.s32 @!p0 $0x108  }
0x21: {  	s3 =	sadd.s32 s3, s9;
	s6 =	sadd.s32 @!p0 $0x88, s6;
	s7 =	simm.s32 @p2 $0x1082  }
0x22: {  	[simem:s7], [sflag:s8] =	dma.local @!p0 [hbm:s6], $0xF7A  }
0x23: {  	s9 =	sor.u32 $0xD0000000, s2;
	s6 =	simm.s32 $0x108;
	_ =	swait.ge @!p0 [sflag:s8], $0x0  }
0x24: {  	s3 =	sadd.s32 $0x88, s3;
	s6 =	simm.s32 @!p1 $0x1082;
	[sflag:s4] =	ssyncset.s32 $0xFFFFF086  }
0x25: {  	[simem:s6], [sflag:s4] =	dma.local [hbm:s3], $0xF7A  }
0x26: {  	[smem:$0x3F78] =	sst s1;
	(tag) =	ssettag s2;
	_ =	strace s9  }
0x27: {  	s1 =	sld [smem:$0x3F88]  }
0x28: {  	s2 =	sld [smem:$0x3F89]  }
0x29: {  	s4 =	sld [smem:$0x3F8B]  }
0x2a: {  	p0 =	seq.s32 s5, $0x0;
	s5 =	sld [smem:$0x3F8C]  }
0x2b: {  	s6 =	sld [smem:$0x3F8D]  }
0x2c: {  	s7 =	sld [smem:$0x3F8E]  }
0x2d: {  	s3 =	simm.s32 $0x108;
	s8 =	sld [smem:$0x3F8F]  }
0x2e: {  	s3 =	simm.s32 @!p0 $0x1082;
	s9 =	sld [smem:$0x3F90]  }
0x2f: {  	lr =	sadd.s32 s0, s3;
	s0 =	sld [smem:$0x3F87]  }
0x30: {  	s3 =	sld [smem:$0x3F8A]  }
0x31: {  	[smem:$0x3F93] =	sst s10  }
0x32: {  	s10 =	sld [smem:$0x3F91];
	_ =	sdelay $0x3  }
0x33: {  	p0 =	seq.s32 s10, $0x1;
	s10 =	sld [smem:$0x3F93];
	_ =	sdelay $0x3  }
0x34: {  	[smem:$0x3F93] =	sst s10  }
0x35: {  	s10 =	sld [smem:$0x3F92];
	_ =	sdelay $0x3  }
0x36: {  	p1 =	seq.s32 s10, $0x1;
	s10 =	sld [smem:$0x3F93];
	_ =	sdelay $0x3  }
0x37: {  	[smem:$0x3F93] =	sst s10  }
0x38: {  	s10 =	sld [smem:$0x3F94]  }
0x39: {  	_ = 	snop;
	(pc) =	sbr.ind lr, $3  }
0x3a: {  	_ = 	snop  }
0x3b: {  	_ = 	snop  }
0x3c: {  	p2 =	seq.s32 s10, $0x1;
	s10 =	sld [smem:$0x3F93]  }
0x3d: {  	_ =	shalt  }
0x3e: {  	_ =	shalt  }
0x3f: {  	_ =	shalt  }
0x40: {  	_ =	shalt  }
0x41: {  	_ =	shalt  }
0x42: {  	_ =	shalt  }
0x43: {  	_ =	shalt  }
0x44: {  	_ =	shalt  }
0x45: {  	_ =	shalt  }
0x46: {  	_ =	shalt  }
0x47: {  	_ =	shalt  }
0x48: {  	_ =	shalt  }
0x49: {  	_ =	shalt  }
0x4a: {  	_ =	shalt  }
0x4b: {  	_ =	shalt  }
0x4c: {  	_ =	shalt  }
0x4d: {  	_ =	shalt  }
0x4e: {  	_ =	shalt  }
0x4f: {  	_ =	shalt  }
0x50: {  	_ =	shalt  }
0x51: {  	_ =	shalt  }
0x52: {  	_ =	shalt  }
0x53: {  	_ =	shalt  }
0x54: {  	_ =	shalt  }
0x55: {  	_ =	shalt  }
0x56: {  	_ =	shalt  }
0x57: {  	_ =	shalt  }
0x58: {  	_ =	shalt  }
0x59: {  	_ =	shalt  }
0x5a: {  	_ =	shalt  }
0x5b: {  	_ =	shalt  }
0x5c: {  	_ =	shalt  }
0x5d: {  	_ =	shalt  }
0x5e: {  	_ =	shalt  }
0x5f: {  	_ =	shalt  }
0x60: {  	_ =	shalt  }
0x61: {  	_ =	shalt  }
0x62: {  	_ =	shalt  }
0x63: {  	_ =	shalt  }
0x64: {  	_ =	shalt  }
0x65: {  	_ =	shalt  }
0x66: {  	_ =	shalt  }
0x67: {  	_ =	shalt  }
0x68: {  	_ =	shalt  }
0x69: {  	_ =	shalt  }
0x6a: {  	_ =	shalt  }
0x6b: {  	_ =	shalt  }
0x6c: {  	_ =	shalt  }
0x6d: {  	_ =	shalt  }
0x6e: {  	_ =	shalt  }
0x6f: {  	_ =	shalt  }
0x70: {  	_ =	shalt  }
0x71: {  	_ =	shalt  }
0x72: {  	_ =	shalt  }
0x73: {  	_ =	shalt  }
0x74: {  	_ =	shalt  }
0x75: {  	_ =	shalt  }
0x76: {  	_ =	shalt  }
0x77: {  	_ =	shalt  }
0x78: {  	_ =	shalt  }
0x79: {  	_ =	shalt  }
0x7a: {  	_ =	shalt  }
0x7b: {  	_ =	shalt  }
0x7c: {  	_ =	shalt  }
0x7d: {  	_ =	shalt  }
0x7e: {  	_ =	shalt  }
0x7f: {  	_ =	shalt  }
0x80: {  	_ =	shalt  }
0x81: {  	_ =	shalt  }
0x82: {  	_ =	shalt  }
0x83: {  	_ =	shalt  }
0x84: {  	_ =	shalt  }
0x85: {  	_ =	shalt  }
0x86: {  	_ =	shalt  }
0x87: {  	_ =	shalt  }
.Lfunc_end0:
.L_simem_size_0:
called_computation.3_lowered:
.L_overlay_start_0:
0x88: {  	s2 =	sld [smem:$0x3FD9]  }
0x89: {  	s3 =	sld [smem:$0x3FFE];
	_ =	sdelay $0x1  }
0x8a: {  	s1 =	srdreg.scid  }
0x8b: {  	s0 =	sand.u32 $0x1, s1  }
0x8c: {  	s16 =	sshll.u32 s0, $0xA;
	s2 =	sadd.s32 s3, s2  }
0x8d: {  	s2 =	sadd.s32 s2, s16  }
0x8e: {  	[smem:$0x3F9F] =	sst s2  }
0x8f: {  	_ = 	snop  }
0x90: {  	(tm) =	ssettm $0x1  }
0x91: {  	s17 =	sld [smem:$0x3FFB];
	_ =	sdelay $0x3  }
0x92: {  	_ =	strace s17  }
0x93: {  	s2 =	sld [smem:$0x3FFC];
	_ =	sdelay $0x3  }
0x94: {  	_ =	strace s2  }
0x95: {  	s2 =	sld [smem:$0x3FFD];
	_ =	sdelay $0x3  }
0x96: {  	_ =	strace s2  }
0x97: {  	_ =	strace $0x8FFFFFFF  }
0x98: {  	s18 =	sld [smem:$0x3FDB];
	_ =	sdelay $0x1  }
0x99: {  	s19 =	simm.s32 $_scs_section_size  }
0x9a: {  	s4 =	simm.s32 $_size__tile_overlayer_lowered;
	s5 =	simm.s32 $_tile_overlayer_lowered  }
0x9b: {  	s22 =	simm.s32 $0x1BFF;
	s21 =	sshll.u32 s5, $0x1;
	s2 =	sadd.s32 s19, s18  }
0x9c: {  	s6 =	simm.s32 $0x0;
	s20 =	sshll.u32 s4, $0x1;
	s4 =	sadd.s32 s21, s2  }
0x9d: {  	[timem:s6], [sflag:s22] =	dma.local [hbm:s4], s20  }
0x9e: {  	_ =	swait.ge [sflag:s22], s20  }
0x9f: {  	s3 =	ssub.s32 $0x0, s20;
	[sflag:s22] =	ssyncset.done $0x0  }
0xa0: {  	[sflag:s22] =	ssyncadd.s32 s3;
	_ =	sdelay $0x1  }
0xa1: {  	s23 =	simm.s32 $0x1B8B  }
0xa2: {  	_ =	swait.ge [sflag:s23], $0x1  }
0xa3: {  	[sflag:s23] =	ssyncset.done $0x0  }
0xa4: {  	s25 =	simm.s32 $0x1B8E;
	s24 =	sld [smem:$0x3FFE];
	[sflag:s23] =	ssyncadd.s32 $0xFFFFFFFF  }
0xa5: {  	s26 =	simm.s32 $execute0_lowered;
	[smem:$0x3FD2] =	sst s25  }
0xa6: {  	s4 =	sshll.u32 s26, $0x1;
	_ =	strace $0x8000004F;
	[dreg:$0x1] =	wrdreg $0xFFFFFFFF  }
0xa7: {  	s28 =	simm.s32 $_size_execute0_lowered;
	s2 =	sadd.s32 s2, s4;
	[dreg:$0x0] =	wrdreg $0x0  }
0xa8: {  	s4 =	sshll.u32 s28, $0x1;
	[dreg:$0x2] =	wrdreg s2  }
0xa9: {  	[dreg:$0x3] =	wrdreg s4  }
0xaa: {  	[dreg:$0x4] =	wrdreg $0xC0  }
0xab: {  	_ =	task [dreg:s6], $0x5FFFF  }
0xac: {  	[dreg:$0x1] =	wrdreg $0xFFFFFFFF  }
0xad: {  	[dreg:$0x0] =	wrdreg $0x60  }
0xae: {  	[dreg:$0x2] =	wrdreg s24  }
0xaf: {  	[dreg:$0x3] =	wrdreg $0x9  }
0xb0: {  	_ =	task.clear_ibuf [dreg:s6], $0x4FFFF;
	_ =	strace $0x9000004F  }
0xb1: {  	s29 =	simm.s32 $0x9;
	_ =	strace $0x80000051  }
0xb2: {  	_ =	swait.ge [sflag:s29], $0x1  }
0xb3: {  	[sflag:s29] =	ssyncadd.s32 $0xFFFFFFFF  }
0xb4: {  	_ =	strace $0x90000051  }
0xb5: {  	_ =	sfence  }
0xb6: {  	s30 =	sld [smem:$0x0];
	_ =	sdelay $0x2  }
0xb7: {  	s31 =	sshll.u32 s1, $0xD;
	s1 =	sshrl.u32 s1, $0x2  }
0xb8: {  	s3 =	sand.u32 $0x4000, s31;
	s1 =	sadd.s32 s1, s30  }
0xb9: {  	s0 =	sor.u32 s3, s0;
	s1 =	sshll.u32 s1, $0x11  }
0xba: {  	s0 =	sor.u32 s1, s0  }
0xbb: {  	s0 =	sadd.s32 $0x8F2B, s0  }
0xbc: {  	[sflag:s0] =	ssyncadd.remote.s32 $0x1  }
0xbd: {  	_ =	sfence.sel $0xFFFF  }
0xbe: {  	[dreg:$0x0] =	wrdreg $0xFFFFFFFF;
	(pc) =	sbr.abs _section_cstart, $3  }
0xbf: {  	[dreg:$0x1] =	wrdreg $0xFFFFFFFF  }
0xc0: {  	_ =	task.clear_ibuf [dreg:s6], $0x2FFFF;
	_ =	strace $0x9FFFFFFF  }
0xc1: {  	(tm) =	ssettm $0x7FFFFFFF  }
tec
execute0_lowered:
.L_overlay_start_1:
0x0: {  	(tag) =	ssettag $0x1  }
0x1: {  	s1 =	srdreg.scid  }
0x2: {  	s0 =	stileid.u32;
	s7 =	rddreg [dreg:$0x0]  }
0x3: {  	s2 =	simm.s32 $0x0;
	s5 =	sand.u32 $0x1, s1;
	s28 =	sshll.u32 s0, $0x1  }
0x4: {  	s1 =	rddreg [dreg:$0x1];
	s9 =	smul.u32 $0x34, s0;
	s6 =	sor.u32 s5, s28  }
0x5: {  	[smem:$0x7FF] =	sst s2;
	s3 =	smul.u32 $0x1A, s6  }
0x6: {  	p0 =	seq.s32 s0, $0xF;
	_ =	strace $0x80000050;
	s5 =	ssub.s32 $0x2, s5  }
0x7: {  	s8 =	smul.u32 $0x186A, s6;
	s9 =	sshrl.u32 s9, $0x4;
	s4 =	sshrl.u32 s3, $0x8  }
0x8: {  	s29 =	sshrl.u32 s5, $0x1;
	s31 =	sand.u32 $0x30, s9;
	s10 =	smul.u32 $0xA, s4  }
.Ltmp0:
0x9: {  	s9 =	simm.s32 $0x1;
	s3 =	sadd.s32 $0x38A00, s7;
	(pc) =	sbr.rel .LBB2_1-.Ltmp0, $4  }
0xa: {  	s11 =	sor.u32 $0x640, s31;
	s4 =	sadd.s32 $0x446600, s7;
	s7 =	sadd.s32 s8, s7  }
0xb: {  	s8 =	ssub.s32 s5, s29;
	v1 =	vmov s11;
	s11 =	simm.s32 $0x0;
	s6 =	ssub.s32 s6, s10  }
0xc: {  	s10 =	simm.s32 $0x640;
	s30 =	sand.u32 $0xFF, s6;
	s6 =	sadd.s32 $0x7F800, s7  }
0xd: {  	v0 =	vimm.f32 $-Inf;
	s7 =	smax.u32 s8, $0x1;
	s8 =	simm.s32 $0x3840;
	s5 =	smul.u32 $0x27100, s30  }
.LBB2_12:
0xe: {  	s11 =	sadd.s32 $0x1, s11  }
0xf: {  	p1 =	sne.s32 s11, s7  }
.Ltmp1:
0x10: {  	_ = 	snop;
	(pc) =	sbr.rel @!p1 .LBB2_13-.Ltmp1, $4  }
0x11: {  	[hbm4b:s6+s2] =	stream.linear.scatter [tilespmem:s8], [sflag:$0x1], $0xC350, $0x38;
	[tilespmem:$0xFB90] =	vst v63  }
0x12: {  	_ =	swait.ge [sflag:s9], $0xC350  }
0x13: {  	[sflag:s9] =	ssyncset.done $0x0  }
0x14: {  	[sflag:s9] =	ssyncadd.s32 $0xFFFF3CB0  }
.LBB2_1:
0x15: {  	s12 =	simm.s32 $0x40;
	s13 =	simm.s32 $0x0  }
.LBB2_2:
0x16: {  	p1 =	sne.s32 s12, $0x30D00;
	[tilespmem:s13+$0x3840] =	vst v0;
	s13 =	smov.u32 s12;
	s12 =	sadd.s32 $0x40, s12  }
.Ltmp2:
0x17: {  	(pc) =	sbr.rel @p1 .LBB2_2-.Ltmp2, $2  }
0x18: {  	_ =	sdelay $0x2  }
0x19: {  	s13 =	sshra.s32 s13, $0x2  }
.Ltmp3:
0x1a: {  	(pc) =	sbr.rel @p0 .LBB2_12-.Ltmp3, $2  }
0x1b: {  	_ =	sdelay $0x2  }
0x1c: {  	[tilespmem:s13+$0x3840] =	vst v0  }
.Ltmp4:
0x1d: {  	(pc) =	sbr.rel .LBB2_5-.Ltmp4, $2  }
0x1e: {  	_ =	sdelay $0x2  }
0x1f: {  	s12 =	simm.s32 $0x0;
	s13 =	simm.s32 $0x0  }
.LBB2_11:
0x20: {  	s13 =	sadd.s32 $0x1, s13  }
0x21: {  	p1 =	sne.s32 s13, $0x64  }
.Ltmp5:
0x22: {  	_ = 	snop;
	(pc) =	sbr.rel @!p1 .LBB2_12-.Ltmp5, $1  }
0x23: {  	_ =	sdelay $0x3  }
.LBB2_5:
0x24: {  	s14 =	smul.u32 $0x640, s13;
	_ =	sdelay $0x1  }
0x25: {  	s14 =	sadd.s32 s5, s14  }
0x26: {  	s15 =	sshrl.u32 s14, $0x3  }
0x27: {  	s15 =	sadd.s32 s3, s15  }
0x28: {  	[tilespmem:s12], [sflag:$0x1] =	stream.linear.gather [hbm4b:s15+s12], $0x640, $0x38;
	[tilespmem:$0xFB90] =	vst v63  }
0x29: {  	_ =	swait.ge [sflag:s9], $0x640  }
0x2a: {  	[sflag:s9] =	ssyncset.done $0x0  }
.Ltmp6:
0x2b: {  	s14 =	sadd.s32 s4, s14;
	[sflag:s9] =	ssyncadd.s32 $0xFFFFF9C0;
	(pc) =	sbr.rel .LBB2_6-.Ltmp6, $4  }
0x2c: {  	[tilespmem:s10], [sflag:$0x1] =	stream.linear.gather [hbm4b:s14+s12], $0x3200, $0x38;
	[tilespmem:$0xFB90] =	vst v63  }
0x2d: {  	_ =	swait.ge [sflag:s9], $0x3200  }
0x2e: {  	[sflag:s9] =	ssyncset.done $0x0  }
0x2f: {  	s14 =	simm.s32 $0x0;
	[sflag:s9] =	ssyncadd.s32 $0xFFFFCE00  }
.LBB2_9:
0x30: {  	_ =	sdelay $0x4  }
0x31: {  	[tilespmem:v2+s8+$0x0] =	vst.idx.msk vm0, v5  }
.LBB2_10:
0x32: {  	s14 =	sadd.s32 $0x1, s14  }
0x33: {  	p1 =	sne.s32 s14, $0x64  }
.Ltmp7:
0x34: {  	_ = 	snop;
	(pc) =	sbr.rel @!p1 .LBB2_11-.Ltmp7, $1  }
0x35: {  	_ =	sdelay $0x3  }
.LBB2_6:
0x36: {  	s15 =	sshll.u32 s14, $0x4  }
0x37: {  	s15 =	sand.u32 $0x3FFFFFF0, s15  }
0x38: {  	v2 =	vld [tilespmem:s15+$0x0];
	_ =	sdelay $0x4  }
0x39: {  	(xrf1) =	vunique.msk.u32 $0xffff, v2;
	_ =	sdelay $0xd  }
0x3a: {  	_, v3, _ =	vpop (xrf1)  }
0x3b: {  	v4 =	vxor.u32 $0x80000000, v3  }
0x3c: {  	(xrf0) =	vmin.scan.msk.u32 $0xffff, v4  }
0x3d: {  	(xrf0) =	vmax.scan.msk.u32 $0xffff, v4;
	_ =	sdelay $0x4  }
0x3e: {  	v4, _, _ =	vpop (xrf0)  }
0x3f: {  	(v2sf) =	vpush v4, $0xF;
	v4, _, _ =	vpop (xrf0)  }
0x40: {  	(v2sf) =	vpush v4, $0xF;
	_ =	sdelay $0xd  }
0x41: {  	s16 =	spop (v2sf)  }
0x42: {  	s15 =	spop (v2sf)  }
0x43: {  	s18 =	sxor.u32 $0x80000000, s16;
	s19 =	sadd.s32 $0x80000001, s15  }
0x44: {  	p1 =	sge.s32 s18, s19  }
.Ltmp8:
0x45: {  	_ = 	snop;
	(pc) =	sbr.rel @p1 .LBB2_10-.Ltmp8, $4  }
0x46: {  	_ = 	snop  }
0x47: {  	s17 =	sshll.u32 s14, $0x7  }
0x48: {  	s17 =	sand.u32 $0x3FFFFF80, s17  }
0x49: {  	v4 =	vld.idx.msk [tilespmem:v1+s17+$0x0 ss:$0x1], $0xffff  }
0x4a: {  	_ =	sdelay $0x1  }
0x4b: {  	s17 =	sadd.s32 $0xFFFFFFFF, s16  }
0x4c: {  	s16 =	sadd.s32 $0x1, s17;
	s17 =	sadd.s32 $0x80000001, s17  }
0x4d: {  	v5 =	vld.idx.msk [tilespmem:v2+s8+$0x0], $0xffff;
	p1 =	sne.s32 s15, s16;
	vm0 =	veq.s32 v3, s17  }
.Ltmp9:
0x4e: {  	_ = 	snop;
	(pc) =	sbr.rel @!p1 .LBB2_9-.Ltmp9, $2  }
0x4f: {  	_ =	sdelay $0x2  }
0x50: {  	v5 =	vmax.f32 v5, v4  }
.LBB2_8:
0x51: {  	[tilespmem:v2+s8+$0x0] =	vst.idx.msk vm0, v5;
	s17 =	smov.u32 s16;
	s16 =	sadd.s32 $0x1, s16  }
0x52: {  	s17 =	sadd.s32 $0x80000001, s17;
	v5 =	vld.idx.msk [tilespmem:v2+s8+$0x0], $0xffff;
	p1 =	sne.s32 s15, s16  }
0x53: {  	vm0 =	veq.s32 v3, s17  }
.Ltmp10:
0x54: {  	(pc) =	sbr.rel @p1 .LBB2_8-.Ltmp10, $2  }
0x55: {  	_ =	sdelay $0x2  }
0x56: {  	v5 =	vmax.f32 v5, v4  }
.Ltmp11:
0x57: {  	_ = 	snop;
	(pc) =	sbr.rel .LBB2_9-.Ltmp11, $1  }
0x58: {  	_ =	sdelay $0x3  }
.LBB2_13:
0x59: {  	_ =	sfence.sel $0x180000  }
0x5a: {  	[bflag:$0x0] =	sbarrier.arrive $0xFFFF  }
0x5b: {  	p0 =	sne.s32 s0, $0x0;
	_ =	strace $0x90000050  }
0x5c: {  	s0 =	sadd.s32 @!p0 $0x100000, s1;
	[bflag:$0x2] =	sbarrier.arrive $0xFFFF  }
0x5d: {  	[sflag:s0] =	ssyncadd.tile.s32 @!p0 $0x1;
	_ =	shalt  }
.Lfunc_end2:
_tile_overlayer_lowered:
.L_overlay_start_2:
0x5e: {  	(tag) =	ssettag $0x2  }
0x5f: {  	s0 =	rddreg [dreg:$0x0];
	s2 =	stileid.u32  }
0x60: {  	s1 =	rddreg [dreg:$0x1];
	p0 =	sne.s32 s2, $0x0  }
0x61: {  	s3 =	rddreg [dreg:$0x2];
	[bflag:$0x3] =	sbarrier.arrive $0xFFFF;
	s2 =	simm.s32 @!p0 $0x1C01  }
0x62: {  	[timem:s3], [sflag:s2] =	dma.local @!p0 [hbm:s0], s1  }
0x63: {  	s0 =	simm.s32 @!p0 $0x1  }
0x64: {  	_ =	swait.ge @!p0 [sflag:s0], s1  }
0x65: {  	s1 =	ssub.s32 @!p0 $0x0, s1;
	[sflag:s0] =	ssyncset.done @!p0 $0x0  }
0x66: {  	[sflag:s0] =	ssyncadd.s32 @!p0 s1  }
0x67: {  	[bflag:$0x3] =	sbarrier.arrive $0xFFFF  }
0x68: {  	_ =	shalt  }

// kernel: kernel.28.cloned.1.call-start
scs
__scs_entry_jumppad:
0x0: {  	(pc) =	sbr.rel $0x88, $3  }
0x1: {  	(tag) =	ssettag $0x0;
	lr =	simm.s32 $0x1  }
0x2: {  	[smem:$0x3F78] =	sst lr;
	_ =	strace $0xD0000000  }
0x3: {  	_ = 	snop  }
0x4: {  	_ = 	snop  }
0x5: {  	_ = 	snop  }
0x6: {  	_ = 	snop  }
0x7: {  	_ = 	snop  }
__scs_overlays_trampoline_lowered:
0x8: {  	[smem:$0x3F87] =	sst s0  }
0x9: {  	[smem:$0x3F88] =	sst s1  }
0xa: {  	[smem:$0x3F89] =	sst s2  }
0xb: {  	[smem:$0x3F8A] =	sst s3  }
0xc: {  	[smem:$0x3F8B] =	sst s4  }
0xd: {  	[smem:$0x3F8C] =	sst s5  }
0xe: {  	[smem:$0x3F8D] =	sst s6  }
0xf: {  	[smem:$0x3F8E] =	sst s7  }
0x10: {  	[smem:$0x3F8F] =	sst s8  }
0x11: {  	[smem:$0x3F90] =	sst s9;
	s0 =	simm.s32 @!p0 $0x0  }
0x12: {  	s1 =	sld [smem:$0x3F76];
	s0 =	simm.s32 @p0 $0x1  }
0x13: {  	[smem:$0x3F91] =	sst s0;
	s0 =	simm.s32 @!p1 $0x0  }
0x14: {  	s2 =	sld [smem:$0x3F75];
	s0 =	simm.s32 @p1 $0x1  }
0x15: {  	[smem:$0x3F92] =	sst s0;
	s0 =	simm.s32 @!p2 $0x0  }
0x16: {  	s3 =	sld [smem:$0x3FDB];
	s0 =	simm.s32 @p2 $0x1  }
0x17: {  	s4 =	simm.s32 $0x1BF5;
	[smem:$0x3F94] =	sst s0  }
0x18: {  	s0 =	sld [smem:$0x3F77];
	_ =	swait.ge [sflag:s4], $0x0  }
0x19: {  	s7 =	sld [smem:$0x3F78]  }
0x1a: {  	s8 =	sadd.s32 $0xFFFFE003, lr  }
0x1b: {  	s9 =	sadd.s32 $0xFFFFFEF7, lr;
	s5 =	simm.s32 $0xFFFFFFFF;
	p2 =	slt.u32 s8, $0xFFFFF086  }
0x1c: {  	p1 =	slt.u32 s9, $0xF7A;
	s5 =	simm.s32 @!p2 $0x0  }
0x1d: {  	s5 =	simm.s32 @p1 $0x1;
	p0 =	seq.s32 s7, s2  }
0x1e: {  	s7 =	smul.u32 @!p0 $0xF7A, s2;
	p2 =	seq.s32 @!p0 s5, $0x0  }
0x1f: {  	s9 =	smul.u32 $0xF7A, s1;
	s8 =	simm.s32 @!p0 $0x1BF5;
	p2 =	por !p2, p0  }
0x20: {  	[sflag:s8] =	ssyncset.s32 @!p0 $0xFFFFF086;
	s6 =	sadd.s32 @!p0 s3, s7;
	s7 =	simm.s32 @!p0 $0x108  }
0x21: {  	s3 =	sadd.s32 s3, s9;
	s6 =	sadd.s32 @!p0 $0x88, s6;
	s7 =	simm.s32 @p2 $0x1082  }
0x22: {  	[simem:s7], [sflag:s8] =	dma.local @!p0 [hbm:s6], $0xF7A  }
0x23: {  	s9 =	sor.u32 $0xD0000000, s2;
	s6 =	simm.s32 $0x108;
	_ =	swait.ge @!p0 [sflag:s8], $0x0  }
0x24: {  	s3 =	sadd.s32 $0x88, s3;
	s6 =	simm.s32 @!p1 $0x1082;
	[sflag:s4] =	ssyncset.s32 $0xFFFFF086  }
0x25: {  	[simem:s6], [sflag:s4] =	dma.local [hbm:s3], $0xF7A  }
0x26: {  	[smem:$0x3F78] =	sst s1;
	(tag) =	ssettag s2;
	_ =	strace s9  }
0x27: {  	s1 =	sld [smem:$0x3F88]  }
0x28: {  	s2 =	sld [smem:$0x3F89]  }
0x29: {  	s4 =	sld [smem:$0x3F8B]  }
0x2a: {  	p0 =	seq.s32 s5, $0x0;
	s5 =	sld [smem:$0x3F8C]  }
0x2b: {  	s6 =	sld [smem:$0x3F8D]  }
0x2c: {  	s7 =	sld [smem:$0x3F8E]  }
0x2d: {  	s3 =	simm.s32 $0x108;
	s8 =	sld [smem:$0x3F8F]  }
0x2e: {  	s3 =	simm.s32 @!p0 $0x1082;
	s9 =	sld [smem:$0x3F90]  }
0x2f: {  	lr =	sadd.s32 s0, s3;
	s0 =	sld [smem:$0x3F87]  }
0x30: {  	s3 =	sld [smem:$0x3F8A]  }
0x31: {  	[smem:$0x3F93] =	sst s10  }
0x32: {  	s10 =	sld [smem:$0x3F91];
	_ =	sdelay $0x3  }
0x33: {  	p0 =	seq.s32 s10, $0x1;
	s10 =	sld [smem:$0x3F93];
	_ =	sdelay $0x3  }
0x34: {  	[smem:$0x3F93] =	sst s10  }
0x35: {  	s10 =	sld [smem:$0x3F92];
	_ =	sdelay $0x3  }
0x36: {  	p1 =	seq.s32 s10, $0x1;
	s10 =	sld [smem:$0x3F93];
	_ =	sdelay $0x3  }
0x37: {  	[smem:$0x3F93] =	sst s10  }
0x38: {  	s10 =	sld [smem:$0x3F94]  }
0x39: {  	_ = 	snop;
	(pc) =	sbr.ind lr, $3  }
0x3a: {  	_ = 	snop  }
0x3b: {  	_ = 	snop  }
0x3c: {  	p2 =	seq.s32 s10, $0x1;
	s10 =	sld [smem:$0x3F93]  }
0x3d: {  	_ =	shalt  }
0x3e: {  	_ =	shalt  }
0x3f: {  	_ =	shalt  }
0x40: {  	_ =	shalt  }
0x41: {  	_ =	shalt  }
0x42: {  	_ =	shalt  }
0x43: {  	_ =	shalt  }
0x44: {  	_ =	shalt  }
0x45: {  	_ =	shalt  }
0x46: {  	_ =	shalt  }
0x47: {  	_ =	shalt  }
0x48: {  	_ =	shalt  }
0x49: {  	_ =	shalt  }
0x4a: {  	_ =	shalt  }
0x4b: {  	_ =	shalt  }
0x4c: {  	_ =	shalt  }
0x4d: {  	_ =	shalt  }
0x4e: {  	_ =	shalt  }
0x4f: {  	_ =	shalt  }
0x50: {  	_ =	shalt  }
0x51: {  	_ =	shalt  }
0x52: {  	_ =	shalt  }
0x53: {  	_ =	shalt  }
0x54: {  	_ =	shalt  }
0x55: {  	_ =	shalt  }
0x56: {  	_ =	shalt  }
0x57: {  	_ =	shalt  }
0x58: {  	_ =	shalt  }
0x59: {  	_ =	shalt  }
0x5a: {  	_ =	shalt  }
0x5b: {  	_ =	shalt  }
0x5c: {  	_ =	shalt  }
0x5d: {  	_ =	shalt  }
0x5e: {  	_ =	shalt  }
0x5f: {  	_ =	shalt  }
0x60: {  	_ =	shalt  }
0x61: {  	_ =	shalt  }
0x62: {  	_ =	shalt  }
0x63: {  	_ =	shalt  }
0x64: {  	_ =	shalt  }
0x65: {  	_ =	shalt  }
0x66: {  	_ =	shalt  }
0x67: {  	_ =	shalt  }
0x68: {  	_ =	shalt  }
0x69: {  	_ =	shalt  }
0x6a: {  	_ =	shalt  }
0x6b: {  	_ =	shalt  }
0x6c: {  	_ =	shalt  }
0x6d: {  	_ =	shalt  }
0x6e: {  	_ =	shalt  }
0x6f: {  	_ =	shalt  }
0x70: {  	_ =	shalt  }
0x71: {  	_ =	shalt  }
0x72: {  	_ =	shalt  }
0x73: {  	_ =	shalt  }
0x74: {  	_ =	shalt  }
0x75: {  	_ =	shalt  }
0x76: {  	_ =	shalt  }
0x77: {  	_ =	shalt  }
0x78: {  	_ =	shalt  }
0x79: {  	_ =	shalt  }
0x7a: {  	_ =	shalt  }
0x7b: {  	_ =	shalt  }
0x7c: {  	_ =	shalt  }
0x7d: {  	_ =	shalt  }
0x7e: {  	_ =	shalt  }
0x7f: {  	_ =	shalt  }
0x80: {  	_ =	shalt  }
0x81: {  	_ =	shalt  }
0x82: {  	_ =	shalt  }
0x83: {  	_ =	shalt  }
0x84: {  	_ =	shalt  }
0x85: {  	_ =	shalt  }
0x86: {  	_ =	shalt  }
0x87: {  	_ =	shalt  }
.Lfunc_end0:
.L_simem_size_0:
called_computation.4_lowered:
.L_overlay_start_0:
0x88: {  	s2 =	sld [smem:$0x3FD9]  }
0x89: {  	s3 =	sld [smem:$0x3FFE];
	_ =	sdelay $0x1  }
0x8a: {  	s1 =	srdreg.scid  }
0x8b: {  	s0 =	sand.u32 $0x1, s1  }
0x8c: {  	s16 =	sshll.u32 s0, $0xA;
	s2 =	sadd.s32 s3, s2  }
0x8d: {  	s2 =	sadd.s32 s2, s16  }
0x8e: {  	[smem:$0x3F9F] =	sst s2  }
0x8f: {  	_ = 	snop  }
0x90: {  	(tm) =	ssettm $0x1  }
0x91: {  	s17 =	sld [smem:$0x3FFB];
	_ =	sdelay $0x3  }
0x92: {  	_ =	strace s17  }
0x93: {  	s2 =	sld [smem:$0x3FFC];
	_ =	sdelay $0x3  }
0x94: {  	_ =	strace s2  }
0x95: {  	s2 =	sld [smem:$0x3FFD];
	_ =	sdelay $0x3  }
0x96: {  	_ =	strace s2  }
0x97: {  	_ =	strace $0x8FFFFFFF  }
0x98: {  	s18 =	sld [smem:$0x3FDB];
	_ =	sdelay $0x1  }
0x99: {  	s19 =	simm.s32 $_scs_section_size  }
0x9a: {  	s4 =	simm.s32 $_size__tile_overlayer_lowered;
	s5 =	simm.s32 $_tile_overlayer_lowered  }
0x9b: {  	s22 =	simm.s32 $0x1BFF;
	s21 =	sshll.u32 s5, $0x1;
	s2 =	sadd.s32 s19, s18  }
0x9c: {  	s6 =	simm.s32 $0x0;
	s20 =	sshll.u32 s4, $0x1;
	s4 =	sadd.s32 s21, s2  }
0x9d: {  	[timem:s6], [sflag:s22] =	dma.local [hbm:s4], s20  }
0x9e: {  	_ =	swait.ge [sflag:s22], s20  }
0x9f: {  	s3 =	ssub.s32 $0x0, s20;
	[sflag:s22] =	ssyncset.done $0x0  }
0xa0: {  	[sflag:s22] =	ssyncadd.s32 s3;
	_ =	sdelay $0x1  }
0xa1: {  	s23 =	simm.s32 $0x1B8B  }
0xa2: {  	_ =	swait.ge [sflag:s23], $0x1  }
0xa3: {  	[sflag:s23] =	ssyncset.done $0x0  }
0xa4: {  	s25 =	simm.s32 $0x1B8E;
	s24 =	sld [smem:$0x3FFE];
	[sflag:s23] =	ssyncadd.s32 $0xFFFFFFFF  }
0xa5: {  	s26 =	simm.s32 $execute0_lowered;
	[smem:$0x3FD2] =	sst s25  }
0xa6: {  	s4 =	sshll.u32 s26, $0x1;
	_ =	strace $0x80000052;
	[dreg:$0x1] =	wrdreg $0xFFFFFFFF  }
0xa7: {  	s28 =	simm.s32 $_size_execute0_lowered;
	s2 =	sadd.s32 s2, s4;
	[dreg:$0x0] =	wrdreg $0x0  }
0xa8: {  	s4 =	sshll.u32 s28, $0x1;
	[dreg:$0x2] =	wrdreg s2  }
0xa9: {  	[dreg:$0x3] =	wrdreg s4  }
0xaa: {  	[dreg:$0x4] =	wrdreg $0xC0  }
0xab: {  	_ =	task [dreg:s6], $0x5FFFF  }
0xac: {  	[dreg:$0x1] =	wrdreg $0xFFFFFFFF  }
0xad: {  	[dreg:$0x0] =	wrdreg $0x60  }
0xae: {  	[dreg:$0x2] =	wrdreg s24  }
0xaf: {  	[dreg:$0x3] =	wrdreg $0x8CA00  }
0xb0: {  	[dreg:$0x4] =	wrdreg $0x9  }
0xb1: {  	_ =	task.clear_ibuf [dreg:s6], $0x5FFFF;
	_ =	strace $0x90000052  }
0xb2: {  	s29 =	simm.s32 $0x9;
	_ =	strace $0x80000054  }
0xb3: {  	_ =	swait.ge [sflag:s29], $0x1  }
0xb4: {  	[sflag:s29] =	ssyncadd.s32 $0xFFFFFFFF  }
0xb5: {  	_ =	strace $0x90000054  }
0xb6: {  	_ =	sfence  }
0xb7: {  	s30 =	sld [smem:$0x0];
	_ =	sdelay $0x2  }
0xb8: {  	s31 =	sshll.u32 s1, $0xD;
	s1 =	sshrl.u32 s1, $0x2  }
0xb9: {  	s3 =	sand.u32 $0x4000, s31;
	s1 =	sadd.s32 s1, s30  }
0xba: {  	s0 =	sor.u32 s3, s0;
	s1 =	sshll.u32 s1, $0x11  }
0xbb: {  	s0 =	sor.u32 s1, s0  }
0xbc: {  	s0 =	sadd.s32 $0x8F2B, s0  }
0xbd: {  	[sflag:s0] =	ssyncadd.remote.s32 $0x1  }
0xbe: {  	_ =	sfence.sel $0xFFFF  }
0xbf: {  	[dreg:$0x0] =	wrdreg $0xFFFFFFFF;
	(pc) =	sbr.abs _section_cstart, $3  }
0xc0: {  	[dreg:$0x1] =	wrdreg $0xFFFFFFFF  }
0xc1: {  	_ =	task.clear_ibuf [dreg:s6], $0x2FFFF;
	_ =	strace $0x9FFFFFFF  }
0xc2: {  	(tm) =	ssettm $0x7FFFFFFF  }
0xc3: {  	_ =	shalt  }
tec
execute0_lowered:
.L_overlay_start_1:
0x0: {  	(tag) =	ssettag $0x1  }
0x1: {  	s8 =	rddreg [dreg:$0x0]  }
0x2: {  	s1 =	rddreg [dreg:$0x1];
	s2 =	simm.s32 $0x0;
	s4 =	srdreg.scid  }
0x3: {  	s13 =	stileid.u32;
	s15 =	simm.s32 $0x7D0;
	s16 =	simm.s32 $0x3E8  }
0x4: {  	s17 =	simm.s32 $0xFA0;
	s18 =	simm.s32 $0x4E20;
	s19 =	simm.s32 $0x1  }
0x5: {  	s20 =	simm.s32 $0x2;
	s21 =	simm.s32 $0xBB8;
	s22 =	simm.s32 $0x2EE0  }
0x6: {  	s23 =	simm.s32 $0x6D60;
	s24 =	simm.s32 $0x0;
	[smem:$0x7FF] =	sst s2  }
0x7: {  	s3 =	sadd.s32 $0x7F800, s8;
	s6 =	sand.u32 $0x1, s4;
	s7 =	smul.u32 $0x186A0, s13  }
0x8: {  	s5 =	sshll.u32 s13, $0x1;
	s0 =	sadd.s32 $0x12CE00, s8;
	p0 =	sne.s32 s13, $0x0  }
0x9: {  	_ =	strace $0x80000053;
	[dreg:$0x5] =	wrdreg s0;
	s9 =	smul.u32 $0xC350, s6  }
0xa: {  	s10 =	sor.u32 s6, s5;
	s5 =	sadd.s32 $0x7C00, s8;
	s11 =	ssub.s32 $0x2, s6  }
0xb: {  	s6 =	sadd.s32 $0x38A00, s8;
	s10 =	smul.u32 $0xC350, s10;
	s26 =	sshrl.u32 s11, $0x1  }
0xc: {  	s13 =	sshrl.u32 @!p0 s1, $0x3;
	s7 =	sadd.s32 s9, s7;
	s11 =	ssub.s32 s11, s26  }
0xd: {  	s12 =	sadd.s32 s7, s8;
	s28 =	sshrl.u32 s10, $0x3;
	s14 =	sadd.s32 $0x3E8, s7  }
0xe: {  	s10 =	smax.u32 s11, $0x1;
	s29 =	sadd.s32 s5, s28;
	s9 =	sadd.s32 s6, s28  }
0xf: {  	s30 =	sadd.s32 $0x2BFC00, s12;
	s12 =	sadd.s32 $0x139200, s12;
	[dreg:$0x6] =	wrdreg s29  }
0x10: {  	s31 =	sshrl.u32 s14, $0x3;
	s14 =	simm.s32 $0x3;
	[dreg:$0x3] =	wrdreg s30  }
0x11: {  	[dreg:$0x4] =	wrdreg s12;
	s11 =	sadd.s32 s31, s6;
	s12 =	sadd.s32 s31, s5  }
.LBB2_1:
0x12: {  	s25 =	simm.s32 @!p0 $0x1C03;
	s0 =	rddreg [dreg:$0x5]  }
0x13: {  	[spmem:s13], [sflag:s25] =	dma.local @!p0 [hbm:s0], $0xC350  }
0x14: {  	s25 =	simm.s32 @!p0 $0x3  }
0x15: {  	_ =	swait.ge @!p0 [sflag:s25], $0xC350  }
0x16: {  	[sflag:s25] =	ssyncset.done @!p0 $0x0  }
0x17: {  	[sflag:s25] =	ssyncadd.s32 @!p0 $0xFFFF3CB0  }
0x18: {  	[bflag:$0x0] =	sbarrier.arrive $0xFFFF  }
0x19: {  	s29 =	rddreg [dreg:$0x6]  }
0x1a: {  	[tilespmem:s2], [sflag:$0x3] =	stream.linear.gather [hbm4b:s29+s2], $0x3E8, $0x38;
	[tilespmem:$0xEE48] =	vst v63  }
0x1b: {  	_ =	swait.ge [sflag:s14], $0x3E8  }
0x1c: {  	[sflag:s14] =	ssyncset.done $0x0  }
0x1d: {  	[sflag:s14] =	ssyncadd.s32 $0xFFFFFC18  }
0x1e: {  	[tilespmem:s15], [sflag:$0x3] =	stream.linear.gather [hbm4b:s9+s2], $0x3E8, $0x38;
	[tilespmem:$0xEE48] =	vst v63  }
0x1f: {  	_ =	swait.ge [sflag:s14], $0x3E8  }
0x20: {  	[sflag:s14] =	ssyncset.done $0x0  }
0x21: {  	[sflag:s14] =	ssyncadd.s32 $0xFFFFFC18  }
0x22: {  	[tilespmem:s17], [sflag:$0x1] =	stream.indirect.gather [hbm4b:s3+s16], $0x8, s2, s16, $0xb8;
	[tilespmem:$0xEE48] =	vst v63  }
0x23: {  	_ = 	snop  }
0x24: {  	[tilespmem:s18], [sflag:$0x2] =	stream.indirect.gather [spmem:s1], $0x8, s15, s16, $0xb8;
	[tilespmem:$0xEE48] =	vst v63  }
0x25: {  	_ =	swait.ge [sflag:s19], $0x1F40  }
0x26: {  	[sflag:s19] =	ssyncset.done $0x0  }
0x27: {  	[sflag:s19] =	ssyncadd.s32 $0xFFFFE0C0  }
0x28: {  	_ =	swait.ge [sflag:s20], $0x1F40  }
0x29: {  	[sflag:s20] =	ssyncset.done $0x0  }
0x2a: {  	[sflag:s20] =	ssyncadd.s32 $0xFFFFE0C0  }
0x2b: {  	[tilespmem:s16], [sflag:$0x3] =	stream.linear.gather [hbm4b:s12+s2], $0x3E8, $0x38;
	[tilespmem:$0xEE48] =	vst v63  }
0x2c: {  	_ =	swait.ge [sflag:s14], $0x3E8  }
0x2d: {  	[sflag:s14] =	ssyncset.done $0x0  }
0x2e: {  	[sflag:s14] =	ssyncadd.s32 $0xFFFFFC18  }
0x2f: {  	[tilespmem:s21], [sflag:$0x3] =	stream.linear.gather [hbm4b:s11+s2], $0x3E8, $0x38;
	[tilespmem:$0xEE48] =	vst v63  }
0x30: {  	_ =	swait.ge [sflag:s14], $0x3E8  }
0x31: {  	[sflag:s14] =	ssyncset.done $0x0  }
0x32: {  	[sflag:s14] =	ssyncadd.s32 $0xFFFFFC18  }
0x33: {  	[tilespmem:s22], [sflag:$0x1] =	stream.indirect.gather [hbm4b:s3+s16], $0x8, s16, s16, $0xb8;
	[tilespmem:$0xEE48] =	vst v63  }
0x34: {  	s30 =	rddreg [dreg:$0x4]  }
0x35: {  	[tilespmem:s23], [sflag:$0x2] =	stream.indirect.gather [spmem:s1], $0x8, s21, s16, $0xb8;
	[tilespmem:$0xEE48] =	vst v63  }
0x36: {  	s25 =	sadd.s32 $0x0, s30  }
0x37: {  	[hbm4b:s25+s2] =	stream.linear.scatter [tilespmem:s17], [sflag:$0x3], $0x1F40, $0x38;
	[tilespmem:$0xEE48] =	vst v63  }
0x38: {  	_ =	swait.ge [sflag:s14], $0x1F40  }
0x39: {  	s26 =	rddreg [dreg:$0x3];
	[sflag:s14] =	ssyncset.done $0x0  }
0x3a: {  	[sflag:s14] =	ssyncadd.s32 $0xFFFFE0C0;
	s26 =	sadd.s32 $0x0, s26  }
0x3b: {  	[hbm4b:s26+s2] =	stream.linear.scatter [tilespmem:s18], [sflag:$0x3], $0x1F40, $0x38;
	[tilespmem:$0xEE48] =	vst v63  }
0x3c: {  	_ =	swait.ge [sflag:s14], $0x1F40  }
0x3d: {  	[sflag:s14] =	ssyncset.done $0x0  }
0x3e: {  	[sflag:s14] =	ssyncadd.s32 $0xFFFFE0C0  }
0x3f: {  	_ =	swait.ge [sflag:s19], $0x1F40  }
0x40: {  	p1 =	por $0x0, $0x0;
	[sflag:s19] =	ssyncset.done $0x0  }
0x41: {  	s28 =	sadd.s32 @!p1 $0x0, s7;
	[sflag:s19] =	ssyncadd.s32 $0xFFFFE0C0  }
0x42: {  	s28 =	sadd.s32 @!p1 $0x7D0, s28;
	_ =	swait.ge [sflag:s20], $0x1F40  }
0x43: {  	s31 =	simm.s32 @!p1 $0x0;
	s28 =	sshrl.u32 @!p1 s28, $0x3;
	[sflag:s20] =	ssyncset.done $0x0  }
0x44: {  	s29 =	simm.s32 @!p1 $0x3;
	s30 =	sadd.s32 @!p1 s5, s28;
	[sflag:s20] =	ssyncadd.s32 $0xFFFFE0C0  }
0x45: {  	[tilespmem:s31], [sflag:$0x3] =	stream.linear.gather @!p1 [hbm4b:s30+s31], $0x3E8, $0x38;
	[tilespmem:$0xEE48] =	vst v63  }
0x46: {  	_ =	swait.ge @!p1 [sflag:s29], $0x3E8  }
0x47: {  	[sflag:s29] =	ssyncset.done @!p1 $0x0  }
0x48: {  	s28 =	sadd.s32 @!p1 s6, s28;
	s30 =	simm.s32 @!p1 $0x7D0;
	[sflag:s29] =	ssyncadd.s32 @!p1 $0xFFFFFC18  }
0x49: {  	[tilespmem:s30], [sflag:$0x3] =	stream.linear.gather @!p1 [hbm4b:s28+s31], $0x3E8, $0x38;
	[tilespmem:$0xEE48] =	vst v63  }
0x4a: {  	_ =	swait.ge @!p1 [sflag:s29], $0x3E8  }
0x4b: {  	[sflag:s29] =	ssyncset.done @!p1 $0x0  }
0x4c: {  	s28 =	simm.s32 @!p1 $0x3E8;
	[sflag:s29] =	ssyncadd.s32 @!p1 $0xFFFFFC18;
	s29 =	simm.s32 @!p1 $0xFA0  }
0x4d: {  	[tilespmem:s29], [sflag:$0x1] =	stream.indirect.gather @!p1 [hbm4b:s3+s28], $0x8, s31, s28, $0xb8;
	[tilespmem:$0xEE48] =	vst v63  }
0x4e: {  	s29 =	simm.s32 @!p1 $0x4E20  }
0x4f: {  	[tilespmem:s29], [sflag:$0x2] =	stream.indirect.gather @!p1 [spmem:s1], $0x8, s30, s28, $0xb8;
	[tilespmem:$0xEE48] =	vst v63  }
0x50: {  	s25 =	sadd.s32 $0x3E8, s25  }
0x51: {  	[hbm4b:s25+s2] =	stream.linear.scatter [tilespmem:s22], [sflag:$0x3], $0x1F40, $0x38;
	[tilespmem:$0xEE48] =	vst v63  }
0x52: {  	_ =	swait.ge [sflag:s14], $0x1F40  }
0x53: {  	[sflag:s14] =	ssyncset.done $0x0  }
0x54: {  	s31 =	sadd.s32 $0x3E8, s26;
	[sflag:s14] =	ssyncadd.s32 $0xFFFFE0C0  }
0x55: {  	[hbm4b:s31+s2] =	stream.linear.scatter [tilespmem:s23], [sflag:$0x3], $0x1F40, $0x38;
	[tilespmem:$0xEE48] =	vst v63  }
0x56: {  	s26 =	sadd.s32 $0xFA, s12;
	_ =	swait.ge [sflag:s14], $0x1F40  }
0x57: {  	s28 =	smov.u32 s11;
	s25 =	simm.s32 $0x7D0;
	[sflag:s14] =	ssyncset.done $0x0  }
.LBB2_2:
0x58: {  	[sflag:s14] =	ssyncadd.s32 $0xFFFFE0C0  }
0x59: {  	_ =	swait.ge [sflag:s19], $0x1F40  }
0x5a: {  	[sflag:s19] =	ssyncset.done $0x0  }
0x5b: {  	[sflag:s19] =	ssyncadd.s32 $0xFFFFE0C0  }
0x5c: {  	_ =	swait.ge [sflag:s20], $0x1F40  }
0x5d: {  	[sflag:s20] =	ssyncset.done $0x0  }
0x5e: {  	[sflag:s20] =	ssyncadd.s32 $0xFFFFE0C0  }
0x5f: {  	[tilespmem:s16], [sflag:$0x3] =	stream.linear.gather [hbm4b:s26+s2], $0x3E8, $0x38;
	[tilespmem:$0xEE48] =	vst v63  }
0x60: {  	_ =	swait.ge [sflag:s14], $0x3E8  }
0x61: {  	[sflag:s14] =	ssyncset.done $0x0  }
0x62: {  	s28 =	sadd.s32 $0xFA, s28;
	[sflag:s14] =	ssyncadd.s32 $0xFFFFFC18  }
0x63: {  	[tilespmem:s21], [sflag:$0x3] =	stream.linear.gather [hbm4b:s28+s2], $0x3E8, $0x38;
	[tilespmem:$0xEE48] =	vst v63  }
0x64: {  	_ =	swait.ge [sflag:s14], $0x3E8  }
0x65: {  	[sflag:s14] =	ssyncset.done $0x0  }
0x66: {  	[sflag:s14] =	ssyncadd.s32 $0xFFFFFC18  }
0x67: {  	[tilespmem:s22], [sflag:$0x1] =	stream.indirect.gather [hbm4b:s3+s16], $0x8, s16, s16, $0xb8;
	[tilespmem:$0xEE48] =	vst v63  }
0x68: {  	s30 =	smov.u32 s25;
	s29 =	rddreg [dreg:$0x4]  }
0x69: {  	[tilespmem:s23], [sflag:$0x2] =	stream.indirect.gather [spmem:s1], $0x8, s21, s16, $0xb8;
	[tilespmem:$0xEE48] =	vst v63  }
0x6a: {  	s29 =	sadd.s32 s30, s29  }
0x6b: {  	[hbm4b:s29+s2] =	stream.linear.scatter [tilespmem:s17], [sflag:$0x3], $0x1F40, $0x38;
	[tilespmem:$0xEE48] =	vst v63  }
0x6c: {  	_ =	swait.ge [sflag:s14], $0x1F40  }
0x6d: {  	s31 =	rddreg [dreg:$0x3];
	[sflag:s14] =	ssyncset.done $0x0  }
0x6e: {  	[sflag:s14] =	ssyncadd.s32 $0xFFFFE0C0;
	s31 =	sadd.s32 s30, s31  }
0x6f: {  	[hbm4b:s31+s2] =	stream.linear.scatter [tilespmem:s18], [sflag:$0x3], $0x1F40, $0x38;
	[tilespmem:$0xEE48] =	vst v63  }
0x70: {  	_ =	swait.ge [sflag:s14], $0x1F40  }
0x71: {  	[sflag:s14] =	ssyncset.done $0x0  }
0x72: {  	[sflag:s14] =	ssyncadd.s32 $0xFFFFE0C0  }
0x73: {  	_ =	swait.ge [sflag:s19], $0x1F40  }
0x74: {  	p2 =	seq.s32 s30, $0xBB80;
	[sflag:s19] =	ssyncset.done $0x0  }
0x75: {  	s30 =	sadd.s32 @!p2 s30, s7;
	[sflag:s19] =	ssyncadd.s32 $0xFFFFE0C0  }
0x76: {  	s30 =	sadd.s32 @!p2 $0x7D0, s30;
	_ =	swait.ge [sflag:s20], $0x1F40  }
0x77: {  	s0 =	simm.s32 @!p2 $0x3;
	s30 =	sshrl.u32 @!p2 s30, $0x3;
	[sflag:s20] =	ssyncset.done $0x0  }
0x78: {  	s8 =	simm.s32 @!p2 $0x0;
	s4 =	sadd.s32 @!p2 s5, s30;
	[sflag:s20] =	ssyncadd.s32 $0xFFFFE0C0  }
0x79: {  	[tilespmem:s8], [sflag:$0x3] =	stream.linear.gather @!p2 [hbm4b:s4+s8], $0x3E8, $0x38;
	[tilespmem:$0xEE48] =	vst v63  }
0x7a: {  	_ =	swait.ge @!p2 [sflag:s0], $0x3E8  }
0x7b: {  	[sflag:s0] =	ssyncset.done @!p2 $0x0  }
0x7c: {  	s4 =	sadd.s32 @!p2 s6, s30;
	s30 =	simm.s32 @!p2 $0x7D0;
	[sflag:s0] =	ssyncadd.s32 @!p2 $0xFFFFFC18  }
0x7d: {  	[tilespmem:s30], [sflag:$0x3] =	stream.linear.gather @!p2 [hbm4b:s4+s8], $0x3E8, $0x38;
	[tilespmem:$0xEE48] =	vst v63  }
0x7e: {  	_ =	swait.ge @!p2 [sflag:s0], $0x3E8  }
0x7f: {  	[sflag:s0] =	ssyncset.done @!p2 $0x0  }
0x80: {  	s4 =	simm.s32 @!p2 $0xFA0;
	[sflag:s0] =	ssyncadd.s32 @!p2 $0xFFFFFC18;
	s0 =	simm.s32 @!p2 $0x3E8  }
0x81: {  	[tilespmem:s4], [sflag:$0x1] =	stream.indirect.gather @!p2 [hbm4b:s3+s0], $0x8, s8, s0, $0xb8;
	[tilespmem:$0xEE48] =	vst v63  }
0x82: {  	s4 =	simm.s32 @!p2 $0x4E20  }
0x83: {  	[tilespmem:s4], [sflag:$0x2] =	stream.indirect.gather @!p2 [spmem:s1], $0x8, s30, s0, $0xb8;
	[tilespmem:$0xEE48] =	vst v63  }
0x84: {  	s25 =	sadd.s32 $0x7D0, s25;
	s30 =	sadd.s32 $0x3E8, s29  }
0x85: {  	[hbm4b:s30+s2] =	stream.linear.scatter [tilespmem:s22], [sflag:$0x3], $0x1F40, $0x38;
	[tilespmem:$0xEE48] =	vst v63  }
0x86: {  	p1 =	sne.s32 s25, $0xC350;
	_ =	swait.ge [sflag:s14], $0x1F40  }
.Ltmp0:
0x87: {  	[sflag:s14] =	ssyncset.done $0x0;
	(pc) =	sbr.rel @p1 .LBB2_2-.Ltmp0, $4  }
0x88: {  	s31 =	sadd.s32 $0x3E8, s31;
	[sflag:s14] =	ssyncadd.s32 $0xFFFFE0C0  }
0x89: {  	[hbm4b:s31+s2] =	stream.linear.scatter [tilespmem:s23], [sflag:$0x3], $0x1F40, $0x38;
	[tilespmem:$0xEE48] =	vst v63  }
0x8a: {  	_ =	swait.ge [sflag:s14], $0x1F40  }
0x8b: {  	s26 =	sadd.s32 $0xFA, s26;
	[sflag:s14] =	ssyncset.done $0x0  }
0x8c: {  	s24 =	sadd.s32 $0x1, s24  }
0x8d: {  	p1 =	sne.s32 s24, s10  }
.Ltmp1:
0x8e: {  	_ = 	snop;
	(pc) =	sbr.rel @p1 .LBB2_1-.Ltmp1, $2  }
0x8f: {  	_ =	sdelay $0x2  }
0x90: {  	[sflag:s14] =	ssyncadd.s32 $0xFFFFE0C0  }
0x91: {  	_ =	sfence.sel $0x180000  }
0x92: {  	[bflag:$0x0] =	sbarrier.arrive $0xFFFF  }
0x93: {  	_ =	strace $0x90000053  }
0x94: {  	[bflag:$0x2] =	sbarrier.arrive $0xFFFF  }
0x95: {  	s0 =	rddreg [dreg:$0x2]  }
0x96: {  	s0 =	sadd.s32 @!p0 $0x100000, s0  }
0x97: {  	[sflag:s0] =	ssyncadd.tile.s32 @!p0 $0x1;
	_ =	shalt  }
.Lfunc_end2:
_tile_overlayer_lowered:
.L_overlay_start_2:
0x98: {  	(tag) =	ssettag $0x2  }
0x99: {  	s0 =	rddreg [dreg:$0x0];
	s2 =	stileid.u32  }
0x9a: {  	s1 =	rddreg [dreg:$0x1];
	p0 =	sne.s32 s2, $0x0  }
0x9b: {  	s3 =	rddreg [dreg:$0x2];
	[bflag:$0x3] =	sbarrier.arrive $0xFFFF;
	s2 =	simm.s32 @!p0 $0x1C03  }
0x9c: {  	[timem:s3], [sflag:s2] =	dma.local @!p0 [hbm:s0], s1  }
0x9d: {  	s0 =	simm.s32 @!p0 $0x3  }
0x9e: {  	_ =	swait.ge @!p0 [sflag:s0], s1  }
0x9f: {  	s1 =	ssub.s32 @!p0 $0x0, s1;
	[sflag:s0] =	ssyncset.done @!p0 $0x0  }
0xa0: {  	[sflag:s0] =	ssyncadd.s32 @!p0 s1  }
0xa1: {  	[bflag:$0x3] =	sbarrier.arrive $0xFFFF  }
0xa2: {  	_ =	shalt  }

// kernel: kernel.31.cloned.1.call-start
scs
__scs_entry_jumppad:
0x0: {  	(pc) =	sbr.rel $0x88, $3  }
0x1: {  	(tag) =	ssettag $0x0;
	lr =	simm.s32 $0x1  }
0x2: {  	[smem:$0x3F78] =	sst lr;
	_ =	strace $0xD0000000  }
0x3: {  	_ = 	snop  }
0x4: {  	_ = 	snop  }
0x5: {  	_ = 	snop  }
0x6: {  	_ = 	snop  }
0x7: {  	_ = 	snop  }
__scs_overlays_trampoline_lowered:
0x8: {  	[smem:$0x3F87] =	sst s0  }
0x9: {  	[smem:$0x3F88] =	sst s1  }
0xa: {  	[smem:$0x3F89] =	sst s2  }
0xb: {  	[smem:$0x3F8A] =	sst s3  }
0xc: {  	[smem:$0x3F8B] =	sst s4  }
0xd: {  	[smem:$0x3F8C] =	sst s5  }
0xe: {  	[smem:$0x3F8D] =	sst s6  }
0xf: {  	[smem:$0x3F8E] =	sst s7  }
0x10: {  	[smem:$0x3F8F] =	sst s8  }
0x11: {  	[smem:$0x3F90] =	sst s9;
	s0 =	simm.s32 @!p0 $0x0  }
0x12: {  	s1 =	sld [smem:$0x3F76];
	s0 =	simm.s32 @p0 $0x1  }
0x13: {  	[smem:$0x3F91] =	sst s0;
	s0 =	simm.s32 @!p1 $0x0  }
0x14: {  	s2 =	sld [smem:$0x3F75];
	s0 =	simm.s32 @p1 $0x1  }
0x15: {  	[smem:$0x3F92] =	sst s0;
	s0 =	simm.s32 @!p2 $0x0  }
0x16: {  	s3 =	sld [smem:$0x3FDB];
	s0 =	simm.s32 @p2 $0x1  }
0x17: {  	s4 =	simm.s32 $0x1BF5;
	[smem:$0x3F94] =	sst s0  }
0x18: {  	s0 =	sld [smem:$0x3F77];
	_ =	swait.ge [sflag:s4], $0x0  }
0x19: {  	s7 =	sld [smem:$0x3F78]  }
0x1a: {  	s8 =	sadd.s32 $0xFFFFE003, lr  }
0x1b: {  	s9 =	sadd.s32 $0xFFFFFEF7, lr;
	s5 =	simm.s32 $0xFFFFFFFF;
	p2 =	slt.u32 s8, $0xFFFFF086  }
0x1c: {  	p1 =	slt.u32 s9, $0xF7A;
	s5 =	simm.s32 @!p2 $0x0  }
0x1d: {  	s5 =	simm.s32 @p1 $0x1;
	p0 =	seq.s32 s7, s2  }
0x1e: {  	s7 =	smul.u32 @!p0 $0xF7A, s2;
	p2 =	seq.s32 @!p0 s5, $0x0  }
0x1f: {  	s9 =	smul.u32 $0xF7A, s1;
	s8 =	simm.s32 @!p0 $0x1BF5;
	p2 =	por !p2, p0  }
0x20: {  	[sflag:s8] =	ssyncset.s32 @!p0 $0xFFFFF086;
	s6 =	sadd.s32 @!p0 s3, s7;
	s7 =	simm.s32 @!p0 $0x108  }
0x21: {  	s3 =	sadd.s32 s3, s9;
	s6 =	sadd.s32 @!p0 $0x88, s6;
	s7 =	simm.s32 @p2 $0x1082  }
0x22: {  	[simem:s7], [sflag:s8] =	dma.local @!p0 [hbm:s6], $0xF7A  }
0x23: {  	s9 =	sor.u32 $0xD0000000, s2;
	s6 =	simm.s32 $0x108;
	_ =	swait.ge @!p0 [sflag:s8], $0x0  }
0x24: {  	s3 =	sadd.s32 $0x88, s3;
	s6 =	simm.s32 @!p1 $0x1082;
	[sflag:s4] =	ssyncset.s32 $0xFFFFF086  }
0x25: {  	[simem:s6], [sflag:s4] =	dma.local [hbm:s3], $0xF7A  }
0x26: {  	[smem:$0x3F78] =	sst s1;
	(tag) =	ssettag s2;
	_ =	strace s9  }
0x27: {  	s1 =	sld [smem:$0x3F88]  }
0x28: {  	s2 =	sld [smem:$0x3F89]  }
0x29: {  	s4 =	sld [smem:$0x3F8B]  }
0x2a: {  	p0 =	seq.s32 s5, $0x0;
	s5 =	sld [smem:$0x3F8C]  }
0x2b: {  	s6 =	sld [smem:$0x3F8D]  }
0x2c: {  	s7 =	sld [smem:$0x3F8E]  }
0x2d: {  	s3 =	simm.s32 $0x108;
	s8 =	sld [smem:$0x3F8F]  }
0x2e: {  	s3 =	simm.s32 @!p0 $0x1082;
	s9 =	sld [smem:$0x3F90]  }
0x2f: {  	lr =	sadd.s32 s0, s3;
	s0 =	sld [smem:$0x3F87]  }
0x30: {  	s3 =	sld [smem:$0x3F8A]  }
0x31: {  	[smem:$0x3F93] =	sst s10  }
0x32: {  	s10 =	sld [smem:$0x3F91];
	_ =	sdelay $0x3  }
0x33: {  	p0 =	seq.s32 s10, $0x1;
	s10 =	sld [smem:$0x3F93];
	_ =	sdelay $0x3  }
0x34: {  	[smem:$0x3F93] =	sst s10  }
0x35: {  	s10 =	sld [smem:$0x3F92];
	_ =	sdelay $0x3  }
0x36: {  	p1 =	seq.s32 s10, $0x1;
	s10 =	sld [smem:$0x3F93];
	_ =	sdelay $0x3  }
0x37: {  	[smem:$0x3F93] =	sst s10  }
0x38: {  	s10 =	sld [smem:$0x3F94]  }
0x39: {  	_ = 	snop;
	(pc) =	sbr.ind lr, $3  }
0x3a: {  	_ = 	snop  }
0x3b: {  	_ = 	snop  }
0x3c: {  	p2 =	seq.s32 s10, $0x1;
	s10 =	sld [smem:$0x3F93]  }
0x3d: {  	_ =	shalt  }
0x3e: {  	_ =	shalt  }
0x3f: {  	_ =	shalt  }
0x40: {  	_ =	shalt  }
0x41: {  	_ =	shalt  }
0x42: {  	_ =	shalt  }
0x43: {  	_ =	shalt  }
0x44: {  	_ =	shalt  }
0x45: {  	_ =	shalt  }
0x46: {  	_ =	shalt  }
0x47: {  	_ =	shalt  }
0x48: {  	_ =	shalt  }
0x49: {  	_ =	shalt  }
0x4a: {  	_ =	shalt  }
0x4b: {  	_ =	shalt  }
0x4c: {  	_ =	shalt  }
0x4d: {  	_ =	shalt  }
0x4e: {  	_ =	shalt  }
0x4f: {  	_ =	shalt  }
0x50: {  	_ =	shalt  }
0x51: {  	_ =	shalt  }
0x52: {  	_ =	shalt  }
0x53: {  	_ =	shalt  }
0x54: {  	_ =	shalt  }
0x55: {  	_ =	shalt  }
0x56: {  	_ =	shalt  }
0x57: {  	_ =	shalt  }
0x58: {  	_ =	shalt  }
0x59: {  	_ =	shalt  }
0x5a: {  	_ =	shalt  }
0x5b: {  	_ =	shalt  }
0x5c: {  	_ =	shalt  }
0x5d: {  	_ =	shalt  }
0x5e: {  	_ =	shalt  }
0x5f: {  	_ =	shalt  }
0x60: {  	_ =	shalt  }
0x61: {  	_ =	shalt  }
0x62: {  	_ =	shalt  }
0x63: {  	_ =	shalt  }
0x64: {  	_ =	shalt  }
0x65: {  	_ =	shalt  }
0x66: {  	_ =	shalt  }
0x67: {  	_ =	shalt  }
0x68: {  	_ =	shalt  }
0x69: {  	_ =	shalt  }
0x6a: {  	_ =	shalt  }
0x6b: {  	_ =	shalt  }
0x6c: {  	_ =	shalt  }
0x6d: {  	_ =	shalt  }
0x6e: {  	_ =	shalt  }
0x6f: {  	_ =	shalt  }
0x70: {  	_ =	shalt  }
0x71: {  	_ =	shalt  }
0x72: {  	_ =	shalt  }
0x73: {  	_ =	shalt  }
0x74: {  	_ =	shalt  }
0x75: {  	_ =	shalt  }
0x76: {  	_ =	shalt  }
0x77: {  	_ =	shalt  }
0x78: {  	_ =	shalt  }
0x79: {  	_ =	shalt  }
0x7a: {  	_ =	shalt  }
0x7b: {  	_ =	shalt  }
0x7c: {  	_ =	shalt  }
0x7d: {  	_ =	shalt  }
0x7e: {  	_ =	shalt  }
0x7f: {  	_ =	shalt  }
0x80: {  	_ =	shalt  }
0x81: {  	_ =	shalt  }
0x82: {  	_ =	shalt  }
0x83: {  	_ =	shalt  }
0x84: {  	_ =	shalt  }
0x85: {  	_ =	shalt  }
0x86: {  	_ =	shalt  }
0x87: {  	_ =	shalt  }
.Lfunc_end0:
.L_simem_size_0:
called_computation.5_lowered:
.L_overlay_start_0:
0x88: {  	s2 =	sld [smem:$0x3FD9]  }
0x89: {  	s3 =	sld [smem:$0x3FFE];
	_ =	sdelay $0x1  }
0x8a: {  	s1 =	srdreg.scid  }
0x8b: {  	s0 =	sand.u32 $0x1, s1  }
0x8c: {  	s16 =	sshll.u32 s0, $0xA;
	s2 =	sadd.s32 s3, s2  }
0x8d: {  	s2 =	sadd.s32 s2, s16  }
0x8e: {  	[smem:$0x3F9F] =	sst s2  }
0x8f: {  	_ = 	snop  }
0x90: {  	(tm) =	ssettm $0x1  }
0x91: {  	s17 =	sld [smem:$0x3FFB];
	_ =	sdelay $0x3  }
0x92: {  	_ =	strace s17  }
0x93: {  	s2 =	sld [smem:$0x3FFC];
	_ =	sdelay $0x3  }
0x94: {  	_ =	strace s2  }
0x95: {  	s2 =	sld [smem:$0x3FFD];
	_ =	sdelay $0x3  }
0x96: {  	_ =	strace s2  }
0x97: {  	_ =	strace $0x8FFFFFFF  }
0x98: {  	s18 =	sld [smem:$0x3FDB];
	_ =	sdelay $0x1  }
0x99: {  	s19 =	simm.s32 $_scs_section_size  }
0x9a: {  	s4 =	simm.s32 $_size__tile_overlayer_lowered;
	s5 =	simm.s32 $_tile_overlayer_lowered  }
0x9b: {  	s22 =	simm.s32 $0x1BFF;
	s21 =	sshll.u32 s5, $0x1;
	s2 =	sadd.s32 s19, s18  }
0x9c: {  	s6 =	simm.s32 $0x0;
	s20 =	sshll.u32 s4, $0x1;
	s4 =	sadd.s32 s21, s2  }
0x9d: {  	[timem:s6], [sflag:s22] =	dma.local [hbm:s4], s20  }
0x9e: {  	_ =	swait.ge [sflag:s22], s20  }
0x9f: {  	s3 =	ssub.s32 $0x0, s20;
	[sflag:s22] =	ssyncset.done $0x0  }
0xa0: {  	[sflag:s22] =	ssyncadd.s32 s3;
	_ =	sdelay $0x1  }
0xa1: {  	s23 =	simm.s32 $0x1B8B  }
0xa2: {  	_ =	swait.ge [sflag:s23], $0x1  }
0xa3: {  	[sflag:s23] =	ssyncset.done $0x0  }
0xa4: {  	s25 =	simm.s32 $0x1B8E;
	s24 =	sld [smem:$0x3FFE];
	[sflag:s23] =	ssyncadd.s32 $0xFFFFFFFF  }
0xa5: {  	s26 =	simm.s32 $execute0_lowered;
	[smem:$0x3FD2] =	sst s25  }
0xa6: {  	s4 =	sshll.u32 s26, $0x1;
	_ =	strace $0x80000055;
	[dreg:$0x1] =	wrdreg $0xFFFFFFFF  }
0xa7: {  	s28 =	simm.s32 $_size_execute0_lowered;
	s2 =	sadd.s32 s2, s4;
	[dreg:$0x0] =	wrdreg $0x0  }
0xa8: {  	s4 =	sshll.u32 s28, $0x1;
	[dreg:$0x2] =	wrdreg s2  }
0xa9: {  	[dreg:$0x3] =	wrdreg s4  }
0xaa: {  	[dreg:$0x4] =	wrdreg $0xC0  }
0xab: {  	_ =	task [dreg:s6], $0x5FFFF  }
0xac: {  	[dreg:$0x1] =	wrdreg $0xFFFFFFFF  }
0xad: {  	[dreg:$0x0] =	wrdreg $0x60  }
0xae: {  	[dreg:$0x2] =	wrdreg s24  }
0xaf: {  	[dreg:$0x3] =	wrdreg $0x9  }
0xb0: {  	_ =	task.clear_ibuf [dreg:s6], $0x4FFFF;
	_ =	strace $0x90000055  }
0xb1: {  	s29 =	simm.s32 $0x9;
	_ =	strace $0x80000057  }
0xb2: {  	_ =	swait.ge [sflag:s29], $0x1  }
0xb3: {  	[sflag:s29] =	ssyncadd.s32 $0xFFFFFFFF  }
0xb4: {  	_ =	strace $0x90000057  }
0xb5: {  	_ =	sfence  }
0xb6: {  	s30 =	sld [smem:$0x0];
	_ =	sdelay $0x2  }
0xb7: {  	s31 =	sshll.u32 s1, $0xD;
	s1 =	sshrl.u32 s1, $0x2  }
0xb8: {  	s3 =	sand.u32 $0x4000, s31;
	s1 =	sadd.s32 s1, s30  }
0xb9: {  	s0 =	sor.u32 s3, s0;
	s1 =	sshll.u32 s1, $0x11  }
0xba: {  	s0 =	sor.u32 s1, s0  }
0xbb: {  	s0 =	sadd.s32 $0x8F2B, s0  }
0xbc: {  	[sflag:s0] =	ssyncadd.remote.s32 $0x1  }
0xbd: {  	_ =	sfence.sel $0xFFFF  }
0xbe: {  	[dreg:$0x0] =	wrdreg $0xFFFFFFFF;
	(pc) =	sbr.abs _section_cstart, $3  }
0xbf: {  	[dreg:$0x1] =	wrdreg $0xFFFFFFFF  }
0xc0: {  	_ =	task.clear_ibuf [dreg:s6], $0x2FFFF;
	_ =	strace $0x9FFFFFFF  }
0xc1: {  	(tm) =	ssettm $0x7FFFFFFF  }
tec
execute0_lowered:
.L_overlay_start_1:
0x0: {  	(tag) =	ssettag $0x1  }
0x1: {  	s1 =	srdreg.scid  }
0x2: {  	s0 =	stileid.u32;
	s7 =	rddreg [dreg:$0x0]  }
0x3: {  	s2 =	simm.s32 $0x0;
	s5 =	sand.u32 $0x1, s1;
	s28 =	sshll.u32 s0, $0x1  }
0x4: {  	s1 =	rddreg [dreg:$0x1];
	s9 =	smul.u32 $0x34, s0;
	s6 =	sor.u32 s5, s28  }
0x5: {  	[smem:$0x7FF] =	sst s2;
	s3 =	smul.u32 $0x1A, s6  }
0x6: {  	p0 =	seq.s32 s0, $0xF;
	_ =	strace $0x80000056;
	s5 =	ssub.s32 $0x2, s5  }
0x7: {  	s8 =	smul.u32 $0x186A, s6;
	s9 =	sshrl.u32 s9, $0x4;
	s4 =	sshrl.u32 s3, $0x8  }
0x8: {  	s29 =	sshrl.u32 s5, $0x1;
	s31 =	sand.u32 $0x30, s9;
	s10 =	smul.u32 $0xA, s4  }
.Ltmp0:
0x9: {  	s9 =	simm.s32 $0x1;
	s3 =	sadd.s32 $0x38A00, s7;
	(pc) =	sbr.rel .LBB2_1-.Ltmp0, $4  }
0xa: {  	s11 =	sor.u32 $0x640, s31;
	s4 =	sadd.s32 $0x446600, s7;
	s7 =	sadd.s32 s8, s7  }
0xb: {  	s8 =	ssub.s32 s5, s29;
	v1 =	vmov s11;
	s11 =	simm.s32 $0x0;
	s6 =	ssub.s32 s6, s10  }
0xc: {  	s10 =	simm.s32 $0x640;
	s30 =	sand.u32 $0xFF, s6;
	s6 =	sadd.s32 $0x7C00, s7  }
0xd: {  	v0 =	vimm.f32 $-Inf;
	s7 =	smax.u32 s8, $0x1;
	s8 =	simm.s32 $0x3840;
	s5 =	smul.u32 $0x27100, s30  }
.LBB2_12:
0xe: {  	s11 =	sadd.s32 $0x1, s11  }
0xf: {  	p1 =	sne.s32 s11, s7  }
.Ltmp1:
0x10: {  	_ = 	snop;
	(pc) =	sbr.rel @!p1 .LBB2_13-.Ltmp1, $4  }
0x11: {  	[hbm4b:s6+s2] =	stream.linear.scatter [tilespmem:s8], [sflag:$0x1], $0xC350, $0x38;
	[tilespmem:$0xFB90] =	vst v63  }
0x12: {  	_ =	swait.ge [sflag:s9], $0xC350  }
0x13: {  	[sflag:s9] =	ssyncset.done $0x0  }
0x14: {  	[sflag:s9] =	ssyncadd.s32 $0xFFFF3CB0  }
.LBB2_1:
0x15: {  	s12 =	simm.s32 $0x40;
	s13 =	simm.s32 $0x0  }
.LBB2_2:
0x16: {  	p1 =	sne.s32 s12, $0x30D00;
	[tilespmem:s13+$0x3840] =	vst v0;
	s13 =	smov.u32 s12;
	s12 =	sadd.s32 $0x40, s12  }
.Ltmp2:
0x17: {  	(pc) =	sbr.rel @p1 .LBB2_2-.Ltmp2, $2  }
0x18: {  	_ =	sdelay $0x2  }
0x19: {  	s13 =	sshra.s32 s13, $0x2  }
.Ltmp3:
0x1a: {  	(pc) =	sbr.rel @p0 .LBB2_12-.Ltmp3, $2  }
0x1b: {  	_ =	sdelay $0x2  }
0x1c: {  	[tilespmem:s13+$0x3840] =	vst v0  }
.Ltmp4:
0x1d: {  	(pc) =	sbr.rel .LBB2_5-.Ltmp4, $2  }
0x1e: {  	_ =	sdelay $0x2  }
0x1f: {  	s12 =	simm.s32 $0x0;
	s13 =	simm.s32 $0x0  }
.LBB2_11:
0x20: {  	s13 =	sadd.s32 $0x1, s13  }
0x21: {  	p1 =	sne.s32 s13, $0x64  }
.Ltmp5:
0x22: {  	_ = 	snop;
	(pc) =	sbr.rel @!p1 .LBB2_12-.Ltmp5, $1  }
0x23: {  	_ =	sdelay $0x3  }
.LBB2_5:
0x24: {  	s14 =	smul.u32 $0x640, s13;
	_ =	sdelay $0x1  }
0x25: {  	s14 =	sadd.s32 s5, s14  }
0x26: {  	s15 =	sshrl.u32 s14, $0x3  }
0x27: {  	s15 =	sadd.s32 s3, s15  }
0x28: {  	[tilespmem:s12], [sflag:$0x1] =	stream.linear.gather [hbm4b:s15+s12], $0x640, $0x38;
	[tilespmem:$0xFB90] =	vst v63  }
0x29: {  	_ =	swait.ge [sflag:s9], $0x640  }
0x2a: {  	[sflag:s9] =	ssyncset.done $0x0  }
.Ltmp6:
0x2b: {  	s14 =	sadd.s32 s4, s14;
	[sflag:s9] =	ssyncadd.s32 $0xFFFFF9C0;
	(pc) =	sbr.rel .LBB2_6-.Ltmp6, $4  }
0x2c: {  	[tilespmem:s10], [sflag:$0x1] =	stream.linear.gather [hbm4b:s14+s12], $0x3200, $0x38;
	[tilespmem:$0xFB90] =	vst v63  }
0x2d: {  	_ =	swait.ge [sflag:s9], $0x3200  }
0x2e: {  	[sflag:s9] =	ssyncset.done $0x0  }
0x2f: {  	s14 =	simm.s32 $0x0;
	[sflag:s9] =	ssyncadd.s32 $0xFFFFCE00  }
.LBB2_9:
0x30: {  	_ =	sdelay $0x4  }
0x31: {  	[tilespmem:v2+s8+$0x0] =	vst.idx.msk vm0, v5  }
.LBB2_10:
0x32: {  	s14 =	sadd.s32 $0x1, s14  }
0x33: {  	p1 =	sne.s32 s14, $0x64  }
.Ltmp7:
0x34: {  	_ = 	snop;
	(pc) =	sbr.rel @!p1 .LBB2_11-.Ltmp7, $1  }
0x35: {  	_ =	sdelay $0x3  }
.LBB2_6:
0x36: {  	s15 =	sshll.u32 s14, $0x4  }
0x37: {  	s15 =	sand.u32 $0x3FFFFFF0, s15  }
0x38: {  	v2 =	vld [tilespmem:s15+$0x0];
	_ =	sdelay $0x4  }
0x39: {  	(xrf1) =	vunique.msk.u32 $0xffff, v2;
	_ =	sdelay $0xd  }
0x3a: {  	_, v3, _ =	vpop (xrf1)  }
0x3b: {  	v4 =	vxor.u32 $0x80000000, v3  }
0x3c: {  	(xrf0) =	vmin.scan.msk.u32 $0xffff, v4  }
0x3d: {  	(xrf0) =	vmax.scan.msk.u32 $0xffff, v4;
	_ =	sdelay $0x4  }
0x3e: {  	v4, _, _ =	vpop (xrf0)  }
0x3f: {  	(v2sf) =	vpush v4, $0xF;
	v4, _, _ =	vpop (xrf0)  }
0x40: {  	(v2sf) =	vpush v4, $0xF;
	_ =	sdelay $0xd  }
0x41: {  	s16 =	spop (v2sf)  }
0x42: {  	s15 =	spop (v2sf)  }
0x43: {  	s18 =	sxor.u32 $0x80000000, s16;
	s19 =	sadd.s32 $0x80000001, s15  }
0x44: {  	p1 =	sge.s32 s18, s19  }
.Ltmp8:
0x45: {  	_ = 	snop;
	(pc) =	sbr.rel @p1 .LBB2_10-.Ltmp8, $4  }
0x46: {  	_ = 	snop  }
0x47: {  	s17 =	sshll.u32 s14, $0x7  }
0x48: {  	s17 =	sand.u32 $0x3FFFFF80, s17  }
0x49: {  	v4 =	vld.idx.msk [tilespmem:v1+s17+$0x0 ss:$0x1], $0xffff  }
0x4a: {  	_ =	sdelay $0x1  }
0x4b: {  	s17 =	sadd.s32 $0xFFFFFFFF, s16  }
0x4c: {  	s16 =	sadd.s32 $0x1, s17;
	s17 =	sadd.s32 $0x80000001, s17  }
0x4d: {  	v5 =	vld.idx.msk [tilespmem:v2+s8+$0x0], $0xffff;
	p1 =	sne.s32 s15, s16;
	vm0 =	veq.s32 v3, s17  }
.Ltmp9:
0x4e: {  	_ = 	snop;
	(pc) =	sbr.rel @!p1 .LBB2_9-.Ltmp9, $2  }
0x4f: {  	_ =	sdelay $0x2  }
0x50: {  	v5 =	vmax.f32 v5, v4  }
.LBB2_8:
0x51: {  	[tilespmem:v2+s8+$0x0] =	vst.idx.msk vm0, v5;
	s17 =	smov.u32 s16;
	s16 =	sadd.s32 $0x1, s16  }
0x52: {  	s17 =	sadd.s32 $0x80000001, s17;
	v5 =	vld.idx.msk [tilespmem:v2+s8+$0x0], $0xffff;
	p1 =	sne.s32 s15, s16  }
0x53: {  	vm0 =	veq.s32 v3, s17  }
.Ltmp10:
0x54: {  	(pc) =	sbr.rel @p1 .LBB2_8-.Ltmp10, $2  }
0x55: {  	_ =	sdelay $0x2  }
0x56: {  	v5 =	vmax.f32 v5, v4  }
.Ltmp11:
0x57: {  	_ = 	snop;
	(pc) =	sbr.rel .LBB2_9-.Ltmp11, $1  }
0x58: {  	_ =	sdelay $0x3  }
.LBB2_13:
0x59: {  	_ =	sfence.sel $0x180000  }
0x5a: {  	[bflag:$0x0] =	sbarrier.arrive $0xFFFF  }
0x5b: {  	p0 =	sne.s32 s0, $0x0;
	_ =	strace $0x90000056  }
0x5c: {  	s0 =	sadd.s32 @!p0 $0x100000, s1;
	[bflag:$0x2] =	sbarrier.arrive $0xFFFF  }
0x5d: {  	[sflag:s0] =	ssyncadd.tile.s32 @!p0 $0x1;
	_ =	shalt  }
.Lfunc_end2:
_tile_overlayer_lowered:
.L_overlay_start_2:
0x5e: {  	(tag) =	ssettag $0x2  }
0x5f: {  	s0 =	rddreg [dreg:$0x0];
	s2 =	stileid.u32  }
0x60: {  	s1 =	rddreg [dreg:$0x1];
	p0 =	sne.s32 s2, $0x0  }
0x61: {  	s3 =	rddreg [dreg:$0x2];
	[bflag:$0x3] =	sbarrier.arrive $0xFFFF;
	s2 =	simm.s32 @!p0 $0x1C01  }
0x62: {  	[timem:s3], [sflag:s2] =	dma.local @!p0 [hbm:s0], s1  }
0x63: {  	s0 =	simm.s32 @!p0 $0x1  }
0x64: {  	_ =	swait.ge @!p0 [sflag:s0], s1  }
0x65: {  	s1 =	ssub.s32 @!p0 $0x0, s1;
	[sflag:s0] =	ssyncset.done @!p0 $0x0  }
0x66: {  	[sflag:s0] =	ssyncadd.s32 @!p0 s1  }
0x67: {  	[bflag:$0x3] =	sbarrier.arrive $0xFFFF  }
0x68: {  	_ =	shalt  }

</sc_bundles>
